<compile_context>
chip_gen: v7x
topology: tpu7x:2x2x1
jax: 0.10.2.dev20260603
libtpu: 0.0.44.dev20260713+nightly
codegen_flags: <defaults>
</compile_context>

<pallas_src>
import functools

import jax
import jax.numpy as jnp
from jax import lax
from jax.experimental import pallas as pl
from jax.experimental.pallas import tpu as pltpu
from jax.experimental.pallas import tpu_sc as plsc

N = 100000
J = 16
L = 16
NC = 2
NS = 16
W = NC * NS
GROUPS = N // L
GP_BASE = GROUPS // W
GP_EXTRA = GROUPS - GP_BASE * W
MAXG = GP_BASE + 1
MAXN = MAXG * L
G = 1024
ROW = 32
ACC = G * ROW
ACC_PER_SUB = ACC // NS
NG_SLOT = 18

LOG1P_C = (-0.01720806112146555, 0.08172680837613401, -0.18878267362211323,
           0.31459053537160714, -0.4969779111678143, 0.9997924357286277,
           3.507552052950621e-06)


def _fin_kernel(acc_ref, o_ref):
    a = acc_ref[0] + acc_ref[1]
    s = a[:, 0:16]
    mx = jnp.max(s, axis=1, keepdims=True)
    f_sum = a[:, 16:17]
    cnt = a[:, 17:18]
    rows = lax.broadcasted_iota(jnp.int32, (G, 1), 0)
    ng_f = jnp.sum(a[0:1, NG_SLOT:NG_SLOT + 1])
    ng = ng_f.astype(jnp.int32)
    val = jnp.where((cnt > 0.0) & (rows < ng),
                    (f_sum - mx) / jnp.maximum(cnt, 1.0), 0.0)
    o_ref[...] = jnp.full((1, 1), jnp.sum(val) / ng_f)


def _bcast_lane(vec, j):
    idx = jnp.full((L,), j, jnp.int32)
    return vec.at[idx].get(mode="promise_in_bounds")


def _sc_body(x_hbm, b_hbm, y_hbm, out_hbm,
             x_v, g_v, y_v, stg_v, idx_v, zb_v, acc_sh, sem):
    cid = lax.axis_index("c")
    sid = lax.axis_index("s")
    wid = cid * NS + sid

    gs = GP_BASE * wid + jnp.minimum(wid, GP_EXTRA)
    ngroups = jnp.where(wid < GP_EXTRA, GP_BASE + 1, GP_BASE)
    off = jnp.minimum(gs * L, N - MAXN)
    lo = gs * L - off

    c1 = pltpu.async_copy(x_hbm.at[pl.ds(off, MAXN)], x_v, sem)
    c2 = pltpu.async_copy(b_hbm.at[pl.ds(off, MAXN)], g_v, sem)
    c3 = pltpu.async_copy(y_hbm.at[pl.ds(off * J, MAXN * J)], y_v, sem)

    li = lax.iota(jnp.int32, L)
    zf = jnp.zeros((L,), jnp.float32)

    def zero_zb(r, _):
        zb_v[pl.ds(r * L, L)] = zf
        return 0

    lax.fori_loop(0, ACC_PER_SUB // L, zero_zb, 0)

    pltpu.sync_copy(zb_v, acc_sh.at[pl.ds(sid * ACC_PER_SUB, ACC_PER_SUB)])
    c1.wait()
    c2.wait()
    c3.wait()
    plsc.subcore_barrier()

    lane0 = li == 0
    lane1 = li == 1
    zeros = jnp.zeros((L,), jnp.float32)

    prev_g0 = g_v[pl.ds(lo, L)][0]

    def do_flush(pg, acc_s, acc_fv, cnt):
        base = pg * ROW
        sf = jnp.sum(acc_fv)
        fc = jnp.where(lane0, jnp.full((L,), sf), zeros) \
           + jnp.where(lane1, jnp.full((L,), cnt.astype(jnp.float32)), zeros)
        stg_v[pl.ds(0, L)] = acc_s
        stg_v[pl.ds(L, L)] = fc
        idx_v[pl.ds(0, L)] = base + li
        idx_v[pl.ds(L, L)] = base + L + li
        pltpu.sync_copy(stg_v, acc_sh.at[idx_v], add=True)

    def body(i, carry):
        prev_g, acc_s, acc_fv, cnt = carry
        nb = lo + i * L
        gvi = g_v[pl.ds(nb, L)]
        xv = x_v[pl.ds(nb, L)]
        g_first = gvi[0]
        g_last = gvi[15]

        t = jnp.exp(-jnp.abs(xv))
        pf = jnp.full((L,), LOG1P_C[0])
        for coef in LOG1P_C[1:]:
            pf = pf * t + coef
        f_vec = jnp.maximum(xv, zeros) + pf

        def fast(args):
            prev_g, acc_s, acc_fv, cnt = args
            changed = g_first != prev_g

            @pl.when(changed)
            def _():
                do_flush(prev_g, acc_s, acc_fv, cnt)

            pvb = jnp.full((L,), changed)
            acc_s = jnp.where(pvb, zeros, acc_s)
            acc_fv = jnp.where(pvb, zeros, acc_fv)
            cnt = jnp.where(changed, 0, cnt)
            acc_b = zeros
            for j in range(0, L, 2):
                m = y_v[pl.ds((nb + j) * J, L)] != 0
                acc_s = jnp.where(m, acc_s + _bcast_lane(xv, j), acc_s)
                m2 = y_v[pl.ds((nb + j + 1) * J, L)] != 0
                acc_b = jnp.where(m2, acc_b + _bcast_lane(xv, j + 1), acc_b)
            acc_s = acc_s + acc_b
            acc_fv = acc_fv + f_vec
            cnt = cnt + L
            return g_first, acc_s, acc_fv, cnt

        def slow(args):
            prev_g, acc_s, acc_fv, cnt = args
            for j in range(L):
                gj = gvi[j]
                changed = gj != prev_g

                @pl.when(changed)
                def _(pgx=prev_g, asx=acc_s, afx=acc_fv, cnx=cnt):
                    do_flush(pgx, asx, afx, cnx)

                pvb = jnp.full((L,), changed)
                acc_s = jnp.where(pvb, zeros, acc_s)
                acc_fv = jnp.where(pvb, zeros, acc_fv)
                cnt = jnp.where(changed, 0, cnt)
                m = y_v[pl.ds((nb + j) * J, L)] != 0
                acc_s = jnp.where(m, acc_s + _bcast_lane(xv, j), acc_s)
                acc_fv = acc_fv + jnp.where(li == j, f_vec, zeros)
                cnt = cnt + 1
                prev_g = jnp.where(changed, gj, prev_g)
            return prev_g, acc_s, acc_fv, cnt

        return lax.cond(g_first == g_last, fast, slow,
                        (prev_g, acc_s, acc_fv, cnt))

    prev_g, acc_s, acc_fv, cnt = lax.fori_loop(
        0, ngroups, body, (prev_g0, zeros, zeros, jnp.int32(0)))
    do_flush(prev_g, acc_s, acc_fv, cnt)

    @pl.when(wid == W - 1)
    def _():
        ngf = (prev_g + 1).astype(jnp.float32)
        stg_v[pl.ds(0, L)] = jnp.where(lane0, jnp.full((L,), ngf), zeros)
        stg_v[pl.ds(L, L)] = zeros
        idx_v[pl.ds(0, L)] = NG_SLOT + li
        idx_v[pl.ds(L, L)] = NG_SLOT + L + li
        pltpu.sync_copy(stg_v, acc_sh.at[idx_v], add=True)

    plsc.subcore_barrier()

    pltpu.sync_copy(acc_sh.at[pl.ds(sid * ACC_PER_SUB, ACC_PER_SUB)],
                    out_hbm.at[cid, pl.ds(sid * ACC_PER_SUB, ACC_PER_SUB)])


@functools.partial(
    pl.kernel,
    out_type=jax.ShapeDtypeStruct((NC, ACC), jnp.float32),
    mesh=plsc.VectorSubcoreMesh(core_axis_name="c", subcore_axis_name="s"),
    compiler_params=pltpu.CompilerParams(needs_layout_passes=False),
    scratch_types=[
        pltpu.VMEM((MAXN,), jnp.float32),
        pltpu.VMEM((MAXN,), jnp.int32),
        pltpu.VMEM((MAXN * J,), jnp.int32),
        pltpu.VMEM((2 * L,), jnp.float32),
        pltpu.VMEM((2 * L,), jnp.int32),
        pltpu.VMEM((ACC_PER_SUB,), jnp.float32),
        pltpu.VMEM_SHARED((ACC,), jnp.float32),
        pltpu.SemaphoreType.DMA,
    ],
)
def _sc_call(x_hbm, b_hbm, y_hbm, out_hbm,
             x_v, g_v, y_v, stg_v, idx_v, zb_v, acc_sh, sem):
    _sc_body(x_hbm, b_hbm, y_hbm, out_hbm,
             x_v, g_v, y_v, stg_v, idx_v, zb_v, acc_sh, sem)


def kernel(logits, y, batch):
    x = lax.squeeze(logits.astype(jnp.float32), (1,))
    yi = y.astype(jnp.int32).reshape(N * J)
    bi = batch.astype(jnp.int32)

    acc = _sc_call(x, bi, yi).reshape(NC, G, ROW)

    res = pl.pallas_call(
        _fin_kernel,
        out_shape=jax.ShapeDtypeStruct((1, 1), jnp.float32),
    )(acc)
    return res[0, 0]

# --- scband reference (transcript-rebuilt; emitter-appended) ---
"""Pipeline reference for scband-min-bcewith-logits-loss-5171140625089 (READ-ONLY COPY).

The authoritative reference and input builder live on the scoring server;
editing this copy changes nothing except your own understanding.
"""

import jax, jax.numpy as jnp
import numpy as np


def setup_inputs(seed: int = 0) -> dict:
    key = jax.random.key(seed)
    k1, k2, k3 = jax.random.split(key, 3)
    logits = jax.random.normal(k1, (100000, 1), dtype=jnp.float32)
    y = jax.random.randint(k2, (100000, 16), 0, 2, dtype=jnp.int64)
    batch = jnp.sort(jax.random.randint(k3, (100000,), 0, 1024, dtype=jnp.int64))
    return {"logits": logits, "y": y, "batch": batch}


def reference(logits, y, batch):
    num_nodes, num_options = y.shape
    # expand logits [N,1] -> [N, num_options]
    x = jnp.broadcast_to(logits, (num_nodes, num_options))
    yf = y.astype(jnp.float32)
    # BCEWithLogitsLoss (reduction='none'), numerically stable form used by torch
    loss = jnp.maximum(x, 0.0) - x * yf + jnp.log1p(jnp.exp(-jnp.abs(x)))
    # padded targets (-1) masked to +inf
    loss = jnp.where(y == -1, jnp.inf, loss)
    max_num_graphs = 1024
    num_graphs = jnp.max(batch) + 1
    # scatter_reduce(reduce='mean', include_self=False): mean over scattered rows per graph;
    # graphs with no nodes keep the init value 0
    sums = jax.ops.segment_sum(loss, batch, num_segments=max_num_graphs)
    counts = jax.ops.segment_sum(jnp.ones((num_nodes,), dtype=jnp.float32), batch, num_segments=max_num_graphs)
    safe_counts = jnp.maximum(counts, 1.0)
    mean_loss_per_graph = jnp.where(counts[:, None] > 0, sums / safe_counts[:, None], 0.0)
    min_loss_per_graph = jnp.min(mean_loss_per_graph, axis=1)
    valid = jnp.arange(max_num_graphs) < num_graphs
    return jnp.sum(jnp.where(valid, min_loss_per_graph, 0.0)) / num_graphs.astype(jnp.float32)

if __name__ == "__main__":
    import jax
    _d = setup_inputs()
    print(jax.jit(kernel)(*tuple(_d.values())))

</pallas_src>

<mosaic_0001>
#map = affine_map<(d0, d1) -> (0)>
#map1 = affine_map<(d0, d1) -> (0, 0)>
module attributes {stable_mosaic.version = 14 : i64} {
  func.func @_sc_call(%arg0: i32, %arg1: i32, %arg2: memref<100000xf32, #tpu.memory_space<hbm>>, %arg3: memref<100000xi32, #tpu.memory_space<hbm>>, %arg4: memref<1600000xi32, #tpu.memory_space<hbm>>, %arg5: memref<2x32768xf32, #tpu.memory_space<hbm>>, %arg6: memref<3136xf32, #tpu.memory_space<vmem>>, %arg7: memref<3136xi32, #tpu.memory_space<vmem>>, %arg8: memref<50176xi32, #tpu.memory_space<vmem>>, %arg9: memref<32xf32, #tpu.memory_space<vmem>>, %arg10: memref<32xi32, #tpu.memory_space<vmem>>, %arg11: memref<2048xf32, #tpu.memory_space<vmem>>, %arg12: memref<32768xf32, #tpu.memory_space<vmem_shared>>, %arg13: memref<!tpu.dma_semaphore, #tpu.memory_space<semaphore_mem>>) attributes {dimension_semantics = [#tpu.dimension_semantics<core_parallel>, #tpu.dimension_semantics<subcore_parallel>], iteration_bounds = array<i64: 2, 16>, scalar_prefetch = 0 : i64, scratch_operands = 8 : i64, tpu.core_type = #tpu.core_type<sc_vector_subcore>, window_params = [{transform_indices = #map}, {transform_indices = #map}, {transform_indices = #map}, {transform_indices = #map1}]} {
    %mul3A = arith.constant 16 : i32
    %mul3A_0 = arith.muli %arg0, %mul3A : i32
    %add3A = arith.addi %mul3A_0, %arg1 : i32
    %mul3A_1 = arith.constant 195 : i32
    %mul3A_2 = arith.muli %mul3A_1, %add3A : i32
    %min3A = arith.constant 10 : i32
    %min3A_3 = arith.minsi %add3A, %min3A : i32
    %add3A_4 = arith.addi %mul3A_2, %min3A_3 : i32
    %lt3A = arith.constant 10 : i32
    %lt3A_5 = arith.cmpi slt, %add3A, %lt3A : i32
    %jit3A = arith.constant 196 : i32
    %jit3A_6 = arith.constant 195 : i32
    %select_n3A = arith.select %lt3A_5, %jit3A, %jit3A_6 : i32
    %mul3A_7 = arith.constant 16 : i32
    %mul3A_8 = arith.muli %add3A_4, %mul3A_7 : i32
    %min3A_9 = arith.constant 96864 : i32
    %min3A_10 = arith.minsi %mul3A_8, %min3A_9 : i32
    %mul3A_11 = arith.constant 16 : i32
    %mul3A_12 = arith.muli %add3A_4, %mul3A_11 : i32
    %sub3A = arith.subi %mul3A_12, %min3A_10 : i32
    %dma_start3A = tpu.memref_slice %arg2[%min3A_10] : memref<100000xf32, #tpu.memory_space<hbm>> -> memref<3136xf32, #tpu.memory_space<hbm>>
    %dma_start3A_13 = tpu.memref_slice %arg2[%min3A_10] : memref<100000xf32, #tpu.memory_space<hbm>> -> memref<3136xf32, #tpu.memory_space<hbm>>
    tpu.enqueue_dma source(%dma_start3A_13 : memref<3136xf32, #tpu.memory_space<hbm>>) target(%arg6 : memref<3136xf32, #tpu.memory_space<vmem>>) target_semaphore(%arg13 : memref<!tpu.dma_semaphore, #tpu.memory_space<semaphore_mem>>)
    %dma_start3A_14 = tpu.memref_slice %arg3[%min3A_10] : memref<100000xi32, #tpu.memory_space<hbm>> -> memref<3136xi32, #tpu.memory_space<hbm>>
    %dma_start3A_15 = tpu.memref_slice %arg3[%min3A_10] : memref<100000xi32, #tpu.memory_space<hbm>> -> memref<3136xi32, #tpu.memory_space<hbm>>
    tpu.enqueue_dma source(%dma_start3A_15 : memref<3136xi32, #tpu.memory_space<hbm>>) target(%arg7 : memref<3136xi32, #tpu.memory_space<vmem>>) target_semaphore(%arg13 : memref<!tpu.dma_semaphore, #tpu.memory_space<semaphore_mem>>)
    %mul3A_16 = arith.constant 16 : i32
    %mul3A_17 = arith.muli %min3A_10, %mul3A_16 : i32
    %dma_start3A_18 = tpu.memref_slice %arg4[%mul3A_17] : memref<1600000xi32, #tpu.memory_space<hbm>> -> memref<50176xi32, #tpu.memory_space<hbm>>
    %dma_start3A_19 = tpu.memref_slice %arg4[%mul3A_17] : memref<1600000xi32, #tpu.memory_space<hbm>> -> memref<50176xi32, #tpu.memory_space<hbm>>
    tpu.enqueue_dma source(%dma_start3A_19 : memref<50176xi32, #tpu.memory_space<hbm>>) target(%arg8 : memref<50176xi32, #tpu.memory_space<vmem>>) target_semaphore(%arg13 : memref<!tpu.dma_semaphore, #tpu.memory_space<semaphore_mem>>)
    %iota3A = tpu.iota {dimensions = array<i32: 0>} : vector<16xi32>
    %broadcast_in_dim3A = arith.constant 0.000000e+00 : f32
    %broadcast_in_dim3A_20 = vector.broadcast %broadcast_in_dim3A : f32 to vector<16xf32>
    %scan3A = arith.constant 0 : i32
    %scan3A_21 = arith.constant 0 : i32
    %scan3A_22 = arith.constant 128 : i32
    %scan3A_23 = arith.addi %scan3A_21, %scan3A_22 : i32
    %scan3A_24 = arith.constant 1 : i32
    %scan3A_25 = scf.for %scan3A_85 = %scan3A_21 to %scan3A_23 step %scan3A_24 iter_args(%scan3A_86 = %scan3A) -> (i32)  : i32 {
      %mul3A_87 = arith.constant 16 : i32
      %mul3A_88 = arith.muli %scan3A_85, %mul3A_87 : i32
      %swap3A_89 = arith.index_cast %mul3A_88 : i32 to index
      %swap3A_90 = tpu.vector_load %arg11[%swap3A_89] {strides = array<i32>} : memref<2048xf32, #tpu.memory_space<vmem>>, vector<16xf32>,
      tpu.vector_store %arg11[%swap3A_89], %broadcast_in_dim3A_20 {strides = array<i32>} : memref<2048xf32, #tpu.memory_space<vmem>>, vector<16xf32>,
      %scan3A_91 = arith.constant 0 : i32
      scf.yield %scan3A_91 : i32
    }
    %scan3A_26 = arith.constant 128 : i32
    %mul3A_27 = arith.constant 2048 : i32
    %mul3A_28 = arith.muli %arg1, %mul3A_27 : i32
    "tpu.region"() ({
      %run_scoped3A = tpu.sem_alloc : memref<!tpu.dma_semaphore, #tpu.memory_space<semaphore_mem>>
      %dma_start3A_85 = tpu.memref_slice %arg12[%mul3A_28] : memref<32768xf32, #tpu.memory_space<vmem_shared>> -> memref<2048xf32, #tpu.memory_space<vmem_shared>>
      %dma_start3A_86 = tpu.memref_slice %arg12[%mul3A_28] : memref<32768xf32, #tpu.memory_space<vmem_shared>> -> memref<2048xf32, #tpu.memory_space<vmem_shared>>
      tpu.enqueue_dma source(%arg11 : memref<2048xf32, #tpu.memory_space<vmem>>) target(%dma_start3A_86 : memref<2048xf32, #tpu.memory_space<vmem_shared>>) target_semaphore(%run_scoped3A : memref<!tpu.dma_semaphore, #tpu.memory_space<semaphore_mem>>)
      %dma_wait3A_87 = tpu.memref_slice %arg12[%mul3A_28] : memref<32768xf32, #tpu.memory_space<vmem_shared>> -> memref<2048xf32, #tpu.memory_space<vmem_shared>>
      %dma_wait3A_88 = tpu.memref_slice %arg12[%mul3A_28] : memref<32768xf32, #tpu.memory_space<vmem_shared>> -> memref<2048xf32, #tpu.memory_space<vmem_shared>>
      tpu.wait_dma2 semaphore(%run_scoped3A : memref<!tpu.dma_semaphore, #tpu.memory_space<semaphore_mem>>) src(%arg11 : memref<2048xf32, #tpu.memory_space<vmem>>) dst(%dma_wait3A_88 : memref<2048xf32, #tpu.memory_space<vmem_shared>>)
      tpu.yield
    }) : () -> ()
    %dma_wait3A = tpu.memref_slice %arg2[%min3A_10] : memref<100000xf32, #tpu.memory_space<hbm>> -> memref<3136xf32, #tpu.memory_space<hbm>>
    %dma_wait3A_29 = tpu.memref_slice %arg2[%min3A_10] : memref<100000xf32, #tpu.memory_space<hbm>> -> memref<3136xf32, #tpu.memory_space<hbm>>
    tpu.wait_dma2 semaphore(%arg13 : memref<!tpu.dma_semaphore, #tpu.memory_space<semaphore_mem>>) src(%dma_wait3A_29 : memref<3136xf32, #tpu.memory_space<hbm>>) dst(%arg6 : memref<3136xf32, #tpu.memory_space<vmem>>)
    %dma_wait3A_30 = tpu.memref_slice %arg3[%min3A_10] : memref<100000xi32, #tpu.memory_space<hbm>> -> memref<3136xi32, #tpu.memory_space<hbm>>
    %dma_wait3A_31 = tpu.memref_slice %arg3[%min3A_10] : memref<100000xi32, #tpu.memory_space<hbm>> -> memref<3136xi32, #tpu.memory_space<hbm>>
    tpu.wait_dma2 semaphore(%arg13 : memref<!tpu.dma_semaphore, #tpu.memory_space<semaphore_mem>>) src(%dma_wait3A_31 : memref<3136xi32, #tpu.memory_space<hbm>>) dst(%arg7 : memref<3136xi32, #tpu.memory_space<vmem>>)
    %dma_wait3A_32 = tpu.memref_slice %arg4[%mul3A_17] : memref<1600000xi32, #tpu.memory_space<hbm>> -> memref<50176xi32, #tpu.memory_space<hbm>>
    %dma_wait3A_33 = tpu.memref_slice %arg4[%mul3A_17] : memref<1600000xi32, #tpu.memory_space<hbm>> -> memref<50176xi32, #tpu.memory_space<hbm>>
    tpu.wait_dma2 semaphore(%arg13 : memref<!tpu.dma_semaphore, #tpu.memory_space<semaphore_mem>>) src(%dma_wait3A_33 : memref<50176xi32, #tpu.memory_space<hbm>>) dst(%arg8 : memref<50176xi32, #tpu.memory_space<vmem>>)
    %barrier3A = arith.constant 0 : index
    tpu.barrier barrier_id(%barrier3A)
    %eq3A = arith.constant 0 : i32
    %eq3A_34 = vector.broadcast %eq3A : i32 to vector<16xi32>
    %eq3A_35 = arith.cmpi eq, %iota3A, %eq3A_34 : vector<16xi32>
    %eq3A_36 = arith.constant 1 : i32
    %eq3A_37 = vector.broadcast %eq3A_36 : i32 to vector<16xi32>
    %eq3A_38 = arith.cmpi eq, %iota3A, %eq3A_37 : vector<16xi32>
    %broadcast_in_dim3A_39 = arith.constant 0.000000e+00 : f32
    %broadcast_in_dim3A_40 = vector.broadcast %broadcast_in_dim3A_39 : f32 to vector<16xf32>
    %get3A = arith.index_cast %sub3A : i32 to index
    %get3A_41 = tpu.vector_load %arg7[%get3A] {strides = array<i32>} : memref<3136xi32, #tpu.memory_space<vmem>>, vector<16xi32>,
    %slice3A = vector.extract_strided_slice %get3A_41 {offsets = [0], sizes = [1], strides = [1]} : vector<16xi32> to vector<1xi32>
    %squeeze3A = vector.extract %slice3A[0] : i32 from vector<1xi32>
    %while3A = arith.constant 0 : i32
    %while3A_42 = arith.constant 0 : i32
    %while3A_43 = arith.subi %select_n3A, %while3A : i32
    %while3A_44 = arith.addi %while3A, %while3A_43 : i32
    %while3A_45 = arith.constant 1 : i32
    %while3A_46 = arith.divsi %while3A_43, %while3A_45 : i32
    %while3A_47 = arith.muli %while3A_46, %while3A_45 : i32
    %while3A_48 = arith.addi %while3A, %while3A_47 : i32
    %while3A_49 = arith.constant 1 : i32
    %while3A_50:4 = scf.for %while3A_85 = %while3A to %while3A_48 step %while3A_49 iter_args(%while3A_86 = %squeeze3A, %while3A_87 = %broadcast_in_dim3A_40, %while3A_88 = %broadcast_in_dim3A_40, %while3A_89 = %while3A_42) -> (i32, vector<16xf32>, vector<16xf32>, i32)  : i32 {
      %mul3A_90 = arith.constant 16 : i32
      %mul3A_91 = arith.muli %while3A_85, %mul3A_90 : i32
      %add3A_92 = arith.addi %sub3A, %mul3A_91 : i32
      %get3A_93 = arith.index_cast %add3A_92 : i32 to index
      %get3A_94 = tpu.vector_load %arg7[%get3A_93] {strides = array<i32>} : memref<3136xi32, #tpu.memory_space<vmem>>, vector<16xi32>,
      %get3A_95 = arith.index_cast %add3A_92 : i32 to index
      %get3A_96 = tpu.vector_load %arg6[%get3A_95] {strides = array<i32>} : memref<3136xf32, #tpu.memory_space<vmem>>, vector<16xf32>,
      %slice3A_97 = vector.extract_strided_slice %get3A_94 {offsets = [0], sizes = [1], strides = [1]} : vector<16xi32> to vector<1xi32>
      %squeeze3A_98 = vector.extract %slice3A_97[0] : i32 from vector<1xi32>
      %slice3A_99 = vector.extract_strided_slice %get3A_94 {offsets = [15], sizes = [1], strides = [1]} : vector<16xi32> to vector<1xi32>
      %squeeze3A_100 = vector.extract %slice3A_99[0] : i32 from vector<1xi32>
      %abs3A = math.absf %get3A_96 : vector<16xf32>
      %neg3A = arith.constant 0.000000e+00 : f32
      %neg3A_101 = vector.broadcast %neg3A : f32 to vector<16xf32>
      %neg3A_102 = arith.subf %neg3A_101, %abs3A : vector<16xf32>
      %exp3A = math.exp %neg3A_102 : vector<16xf32>
      %broadcast_in_dim3A_103 = arith.constant -0.0172080602 : f32
      %broadcast_in_dim3A_104 = vector.broadcast %broadcast_in_dim3A_103 : f32 to vector<16xf32>
      %mul3A_105 = arith.mulf %broadcast_in_dim3A_104, %exp3A : vector<16xf32>
      %add3A_106 = arith.constant 0.0817268118 : f32
      %add3A_107 = vector.broadcast %add3A_106 : f32 to vector<16xf32>
      %add3A_108 = arith.addf %mul3A_105, %add3A_107 : vector<16xf32>
      %mul3A_109 = arith.mulf %add3A_108, %exp3A : vector<16xf32>
      %add3A_110 = arith.constant -0.188782677 : f32
      %add3A_111 = vector.broadcast %add3A_110 : f32 to vector<16xf32>
      %add3A_112 = arith.addf %mul3A_109, %add3A_111 : vector<16xf32>
      %mul3A_113 = arith.mulf %add3A_112, %exp3A : vector<16xf32>
      %add3A_114 = arith.constant 0.314590544 : f32
      %add3A_115 = vector.broadcast %add3A_114 : f32 to vector<16xf32>
      %add3A_116 = arith.addf %mul3A_113, %add3A_115 : vector<16xf32>
      %mul3A_117 = arith.mulf %add3A_116, %exp3A : vector<16xf32>
      %add3A_118 = arith.constant -0.496977925 : f32
      %add3A_119 = vector.broadcast %add3A_118 : f32 to vector<16xf32>
      %add3A_120 = arith.addf %mul3A_117, %add3A_119 : vector<16xf32>
      %mul3A_121 = arith.mulf %add3A_120, %exp3A : vector<16xf32>
      %add3A_122 = arith.constant 0.999792456 : f32
      %add3A_123 = vector.broadcast %add3A_122 : f32 to vector<16xf32>
      %add3A_124 = arith.addf %mul3A_121, %add3A_123 : vector<16xf32>
      %mul3A_125 = arith.mulf %add3A_124, %exp3A : vector<16xf32>
      %add3A_126 = arith.constant 3.50755204E-6 : f32
      %add3A_127 = vector.broadcast %add3A_126 : f32 to vector<16xf32>
      %add3A_128 = arith.addf %mul3A_125, %add3A_127 : vector<16xf32>
      %max3A = arith.maximumf %get3A_96, %broadcast_in_dim3A_40 : vector<16xf32>
      %add3A_129 = arith.addf %max3A, %add3A_128 : vector<16xf32>
      %eq3A_130 = arith.cmpi eq, %squeeze3A_98, %squeeze3A_100 : i32
      %convert_element_type3A_131 = arith.extui %eq3A_130 : i1 to i32
      %cond3A_132 = arith.constant 0 : i32
      %cond3A_133 = arith.cmpi ne, %convert_element_type3A_131, %cond3A_132 : i32
      %cond3A_134:4 = scf.if %cond3A_133 -> (i32, vector<16xf32>, vector<16xf32>, i32) {
        %ne3A = arith.cmpi ne, %squeeze3A_98, %while3A_86 : i32
        %convert_element_type3A_135 = arith.extui %ne3A : i1 to i32
        %cond3A_136 = arith.constant 0 : i32
        %cond3A_137 = arith.cmpi ne, %convert_element_type3A_135, %cond3A_136 : i32
        scf.if %cond3A_137 {
          %mul3A_530 = arith.constant 32 : i32
          %mul3A_531 = arith.muli %while3A_86, %mul3A_530 : i32
          %reduce_sum3A_532 = arith.constant true
          %reduce_sum3A_533 = vector.broadcast %reduce_sum3A_532 : i1 to vector<16xi1>
          %reduce_sum3A_534 = tpu.scan <sum>, %while3A_88 masked %reduce_sum3A_533 : vector<16xf32>, vector<16xi1> -> vector<16xf32>
          %reduce_sum3A_535 = vector.extract %reduce_sum3A_534[15] : f32 from vector<16xf32>
          %broadcast_in_dim3A_536 = vector.broadcast %reduce_sum3A_535 : f32 to vector<16xf32>
          %select_n3A_537 = arith.select %eq3A_35, %broadcast_in_dim3A_536, %broadcast_in_dim3A_40 : vector<16xi1>, vector<16xf32>
          %convert_element_type3A_538 = arith.sitofp %while3A_89 : i32 to f32
          %broadcast_in_dim3A_539 = vector.broadcast %convert_element_type3A_538 : f32 to vector<16xf32>
          %select_n3A_540 = arith.select %eq3A_38, %broadcast_in_dim3A_539, %broadcast_in_dim3A_40 : vector<16xi1>, vector<16xf32>
          %add3A_541 = arith.addf %select_n3A_537, %select_n3A_540 : vector<16xf32>
          %swap3A_542 = arith.constant 0 : index
          %swap3A_543 = tpu.vector_load %arg9[%swap3A_542] {strides = array<i32>} : memref<32xf32, #tpu.memory_space<vmem>>, vector<16xf32>,
          tpu.vector_store %arg9[%swap3A_542], %while3A_87 {strides = array<i32>} : memref<32xf32, #tpu.memory_space<vmem>>, vector<16xf32>,
          %swap3A_544 = arith.constant 16 : index
          %swap3A_545 = tpu.vector_load %arg9[%swap3A_544] {strides = array<i32>} : memref<32xf32, #tpu.memory_space<vmem>>, vector<16xf32>,
          tpu.vector_store %arg9[%swap3A_544], %add3A_541 {strides = array<i32>} : memref<32xf32, #tpu.memory_space<vmem>>, vector<16xf32>,
          %add3A_546 = vector.broadcast %mul3A_531 : i32 to vector<16xi32>
          %add3A_547 = arith.addi %add3A_546, %iota3A : vector<16xi32>
          %swap3A_548 = arith.constant 0 : index
          %swap3A_549 = tpu.vector_load %arg10[%swap3A_548] {strides = array<i32>} : memref<32xi32, #tpu.memory_space<vmem>>, vector<16xi32>,
          tpu.vector_store %arg10[%swap3A_548], %add3A_547 {strides = array<i32>} : memref<32xi32, #tpu.memory_space<vmem>>, vector<16xi32>,
          %add3A_550 = arith.constant 16 : i32
          %add3A_551 = arith.addi %mul3A_531, %add3A_550 : i32
          %add3A_552 = vector.broadcast %add3A_551 : i32 to vector<16xi32>
          %add3A_553 = arith.addi %add3A_552, %iota3A : vector<16xi32>
          %swap3A_554 = arith.constant 16 : index
          %swap3A_555 = tpu.vector_load %arg10[%swap3A_554] {strides = array<i32>} : memref<32xi32, #tpu.memory_space<vmem>>, vector<16xi32>,
          tpu.vector_store %arg10[%swap3A_554], %add3A_553 {strides = array<i32>} : memref<32xi32, #tpu.memory_space<vmem>>, vector<16xi32>,
          "tpu.region"() ({
            %run_scoped3A = tpu.sem_alloc : memref<!tpu.dma_semaphore, #tpu.memory_space<semaphore_mem>>
            %dma_start3A_556 = arith.constant 0 : i32
            %dma_start3A_557 = tpu.memref_slice %arg12[%dma_start3A_556] : memref<32768xf32, #tpu.memory_space<vmem_shared>> -> memref<32768xf32, #tpu.memory_space<vmem_shared>>
            tpu.enqueue_indirect_dma source(%arg9 : memref<32xf32, #tpu.memory_space<vmem>>) target(%dma_start3A_557 : memref<32768xf32, #tpu.memory_space<vmem_shared>>) offsets(%arg10 : memref<32xi32, #tpu.memory_space<vmem>>) semaphore(%run_scoped3A : memref<!tpu.dma_semaphore, #tpu.memory_space<semaphore_mem>>) {add = true}
            %dma_wait3A_558 = arith.constant 0 : i32
            %dma_wait3A_559 = tpu.memref_slice %arg12[%dma_wait3A_558] : memref<32768xf32, #tpu.memory_space<vmem_shared>> -> memref<32768xf32, #tpu.memory_space<vmem_shared>>
            tpu.wait_indirect_dma semaphore(%run_scoped3A : memref<!tpu.dma_semaphore, #tpu.memory_space<semaphore_mem>>) src(%arg9 : memref<32xf32, #tpu.memory_space<vmem>>) dst(%dma_wait3A_559 : memref<32768xf32, #tpu.memory_space<vmem_shared>>)
            tpu.yield
          }) : () -> ()
        } else {
        }
        %broadcast_in_dim3A_138 = vector.broadcast %ne3A : i1 to vector<16xi1>
        %select_n3A_139 = arith.select %broadcast_in_dim3A_138, %broadcast_in_dim3A_40, %while3A_87 : vector<16xi1>, vector<16xf32>
        %select_n3A_140 = arith.select %broadcast_in_dim3A_138, %broadcast_in_dim3A_40, %while3A_88 : vector<16xi1>, vector<16xf32>
        %jit3A_141 = arith.constant 0 : i32
        %select_n3A_142 = arith.select %ne3A, %jit3A_141, %while3A_89 : i32
        %add3A_143 = arith.constant 0 : i32
        %add3A_144 = arith.addi %add3A_92, %add3A_143 : i32
        %mul3A_145 = arith.constant 16 : i32
        %mul3A_146 = arith.muli %add3A_144, %mul3A_145 : i32
        %get3A_147 = arith.index_cast %mul3A_146 : i32 to index
        %get3A_148 = tpu.vector_load %arg8[%get3A_147] {strides = array<i32>} : memref<50176xi32, #tpu.memory_space<vmem>>, vector<16xi32>,
        %ne3A_149 = arith.constant 0 : i32
        %ne3A_150 = vector.broadcast %ne3A_149 : i32 to vector<16xi32>
        %ne3A_151 = arith.cmpi ne, %get3A_148, %ne3A_150 : vector<16xi32>
        %broadcast_in_dim3A_152 = arith.constant 0 : i32
        %broadcast_in_dim3A_153 = vector.broadcast %broadcast_in_dim3A_152 : i32 to vector<16xi32>
        %lt3A_154 = arith.constant 0 : i32
        %lt3A_155 = vector.broadcast %lt3A_154 : i32 to vector<16xi32>
        %lt3A_156 = arith.cmpi slt, %broadcast_in_dim3A_153, %lt3A_155 : vector<16xi32>
        %add3A_157 = arith.constant 16 : i32
        %add3A_158 = vector.broadcast %add3A_157 : i32 to vector<16xi32>
        %add3A_159 = arith.addi %broadcast_in_dim3A_153, %add3A_158 : vector<16xi32>
        %select_n3A_160 = arith.select %lt3A_156, %add3A_159, %broadcast_in_dim3A_153 : vector<16xi1>, vector<16xi32>
        %broadcast_in_dim3A_161 = vector.shape_cast %select_n3A_160 : vector<16xi32> to vector<16x1xi32>
        %gather3A = vector.shape_cast %broadcast_in_dim3A_161 : vector<16x1xi32> to vector<16xi32>
        %gather3A_162 = tpu.dynamic_gather %get3A_96[%gather3A] in [0] : vector<16xf32>, vector<16xi32> -> vector<16xf32>
        %add3A_163 = arith.addf %select_n3A_139, %gather3A_162 : vector<16xf32>
        %select_n3A_164 = arith.select %ne3A_151, %add3A_163, %select_n3A_139 : vector<16xi1>, vector<16xf32>
        %add3A_165 = arith.constant 0 : i32
        %add3A_166 = arith.addi %add3A_92, %add3A_165 : i32
        %add3A_167 = arith.constant 1 : i32
        %add3A_168 = arith.addi %add3A_166, %add3A_167 : i32
        %mul3A_169 = arith.constant 16 : i32
        %mul3A_170 = arith.muli %add3A_168, %mul3A_169 : i32
        %get3A_171 = arith.index_cast %mul3A_170 : i32 to index
        %get3A_172 = tpu.vector_load %arg8[%get3A_171] {strides = array<i32>} : memref<50176xi32, #tpu.memory_space<vmem>>, vector<16xi32>,
        %ne3A_173 = arith.constant 0 : i32
        %ne3A_174 = vector.broadcast %ne3A_173 : i32 to vector<16xi32>
        %ne3A_175 = arith.cmpi ne, %get3A_172, %ne3A_174 : vector<16xi32>
        %broadcast_in_dim3A_176 = arith.constant 1 : i32
        %broadcast_in_dim3A_177 = vector.broadcast %broadcast_in_dim3A_176 : i32 to vector<16xi32>
        %lt3A_178 = arith.constant 0 : i32
        %lt3A_179 = vector.broadcast %lt3A_178 : i32 to vector<16xi32>
        %lt3A_180 = arith.cmpi slt, %broadcast_in_dim3A_177, %lt3A_179 : vector<16xi32>
        %add3A_181 = arith.constant 16 : i32
        %add3A_182 = vector.broadcast %add3A_181 : i32 to vector<16xi32>
        %add3A_183 = arith.addi %broadcast_in_dim3A_177, %add3A_182 : vector<16xi32>
        %select_n3A_184 = arith.select %lt3A_180, %add3A_183, %broadcast_in_dim3A_177 : vector<16xi1>, vector<16xi32>
        %broadcast_in_dim3A_185 = vector.shape_cast %select_n3A_184 : vector<16xi32> to vector<16x1xi32>
        %gather3A_186 = vector.shape_cast %broadcast_in_dim3A_185 : vector<16x1xi32> to vector<16xi32>
        %gather3A_187 = tpu.dynamic_gather %get3A_96[%gather3A_186] in [0] : vector<16xf32>, vector<16xi32> -> vector<16xf32>
        %add3A_188 = arith.addf %broadcast_in_dim3A_40, %gather3A_187 : vector<16xf32>
        %select_n3A_189 = arith.select %ne3A_175, %add3A_188, %broadcast_in_dim3A_40 : vector<16xi1>, vector<16xf32>
        %add3A_190 = arith.constant 2 : i32
        %add3A_191 = arith.addi %add3A_92, %add3A_190 : i32
        %mul3A_192 = arith.constant 16 : i32
        %mul3A_193 = arith.muli %add3A_191, %mul3A_192 : i32
        %get3A_194 = arith.index_cast %mul3A_193 : i32 to index
        %get3A_195 = tpu.vector_load %arg8[%get3A_194] {strides = array<i32>} : memref<50176xi32, #tpu.memory_space<vmem>>, vector<16xi32>,
        %ne3A_196 = arith.constant 0 : i32
        %ne3A_197 = vector.broadcast %ne3A_196 : i32 to vector<16xi32>
        %ne3A_198 = arith.cmpi ne, %get3A_195, %ne3A_197 : vector<16xi32>
        %broadcast_in_dim3A_199 = arith.constant 2 : i32
        %broadcast_in_dim3A_200 = vector.broadcast %broadcast_in_dim3A_199 : i32 to vector<16xi32>
        %lt3A_201 = arith.constant 0 : i32
        %lt3A_202 = vector.broadcast %lt3A_201 : i32 to vector<16xi32>
        %lt3A_203 = arith.cmpi slt, %broadcast_in_dim3A_200, %lt3A_202 : vector<16xi32>
        %add3A_204 = arith.constant 16 : i32
        %add3A_205 = vector.broadcast %add3A_204 : i32 to vector<16xi32>
        %add3A_206 = arith.addi %broadcast_in_dim3A_200, %add3A_205 : vector<16xi32>
        %select_n3A_207 = arith.select %lt3A_203, %add3A_206, %broadcast_in_dim3A_200 : vector<16xi1>, vector<16xi32>
        %broadcast_in_dim3A_208 = vector.shape_cast %select_n3A_207 : vector<16xi32> to vector<16x1xi32>
        %gather3A_209 = vector.shape_cast %broadcast_in_dim3A_208 : vector<16x1xi32> to vector<16xi32>
        %gather3A_210 = tpu.dynamic_gather %get3A_96[%gather3A_209] in [0] : vector<16xf32>, vector<16xi32> -> vector<16xf32>
        %add3A_211 = arith.addf %select_n3A_164, %gather3A_210 : vector<16xf32>
        %select_n3A_212 = arith.select %ne3A_198, %add3A_211, %select_n3A_164 : vector<16xi1>, vector<16xf32>
        %add3A_213 = arith.constant 2 : i32
        %add3A_214 = arith.addi %add3A_92, %add3A_213 : i32
        %add3A_215 = arith.constant 1 : i32
        %add3A_216 = arith.addi %add3A_214, %add3A_215 : i32
        %mul3A_217 = arith.constant 16 : i32
        %mul3A_218 = arith.muli %add3A_216, %mul3A_217 : i32
        %get3A_219 = arith.index_cast %mul3A_218 : i32 to index
        %get3A_220 = tpu.vector_load %arg8[%get3A_219] {strides = array<i32>} : memref<50176xi32, #tpu.memory_space<vmem>>, vector<16xi32>,
        %ne3A_221 = arith.constant 0 : i32
        %ne3A_222 = vector.broadcast %ne3A_221 : i32 to vector<16xi32>
        %ne3A_223 = arith.cmpi ne, %get3A_220, %ne3A_222 : vector<16xi32>
        %broadcast_in_dim3A_224 = arith.constant 3 : i32
        %broadcast_in_dim3A_225 = vector.broadcast %broadcast_in_dim3A_224 : i32 to vector<16xi32>
        %lt3A_226 = arith.constant 0 : i32
        %lt3A_227 = vector.broadcast %lt3A_226 : i32 to vector<16xi32>
        %lt3A_228 = arith.cmpi slt, %broadcast_in_dim3A_225, %lt3A_227 : vector<16xi32>
        %add3A_229 = arith.constant 16 : i32
        %add3A_230 = vector.broadcast %add3A_229 : i32 to vector<16xi32>
        %add3A_231 = arith.addi %broadcast_in_dim3A_225, %add3A_230 : vector<16xi32>
        %select_n3A_232 = arith.select %lt3A_228, %add3A_231, %broadcast_in_dim3A_225 : vector<16xi1>, vector<16xi32>
        %broadcast_in_dim3A_233 = vector.shape_cast %select_n3A_232 : vector<16xi32> to vector<16x1xi32>
        %gather3A_234 = vector.shape_cast %broadcast_in_dim3A_233 : vector<16x1xi32> to vector<16xi32>
        %gather3A_235 = tpu.dynamic_gather %get3A_96[%gather3A_234] in [0] : vector<16xf32>, vector<16xi32> -> vector<16xf32>
        %add3A_236 = arith.addf %select_n3A_189, %gather3A_235 : vector<16xf32>
        %select_n3A_237 = arith.select %ne3A_223, %add3A_236, %select_n3A_189 : vector<16xi1>, vector<16xf32>
        %add3A_238 = arith.constant 4 : i32
        %add3A_239 = arith.addi %add3A_92, %add3A_238 : i32
        %mul3A_240 = arith.constant 16 : i32
        %mul3A_241 = arith.muli %add3A_239, %mul3A_240 : i32
        %get3A_242 = arith.index_cast %mul3A_241 : i32 to index
        %get3A_243 = tpu.vector_load %arg8[%get3A_242] {strides = array<i32>} : memref<50176xi32, #tpu.memory_space<vmem>>, vector<16xi32>,
        %ne3A_244 = arith.constant 0 : i32
        %ne3A_245 = vector.broadcast %ne3A_244 : i32 to vector<16xi32>
        %ne3A_246 = arith.cmpi ne, %get3A_243, %ne3A_245 : vector<16xi32>
        %broadcast_in_dim3A_247 = arith.constant 4 : i32
        %broadcast_in_dim3A_248 = vector.broadcast %broadcast_in_dim3A_247 : i32 to vector<16xi32>
        %lt3A_249 = arith.constant 0 : i32
        %lt3A_250 = vector.broadcast %lt3A_249 : i32 to vector<16xi32>
        %lt3A_251 = arith.cmpi slt, %broadcast_in_dim3A_248, %lt3A_250 : vector<16xi32>
        %add3A_252 = arith.constant 16 : i32
        %add3A_253 = vector.broadcast %add3A_252 : i32 to vector<16xi32>
        %add3A_254 = arith.addi %broadcast_in_dim3A_248, %add3A_253 : vector<16xi32>
        %select_n3A_255 = arith.select %lt3A_251, %add3A_254, %broadcast_in_dim3A_248 : vector<16xi1>, vector<16xi32>
        %broadcast_in_dim3A_256 = vector.shape_cast %select_n3A_255 : vector<16xi32> to vector<16x1xi32>
        %gather3A_257 = vector.shape_cast %broadcast_in_dim3A_256 : vector<16x1xi32> to vector<16xi32>
        %gather3A_258 = tpu.dynamic_gather %get3A_96[%gather3A_257] in [0] : vector<16xf32>, vector<16xi32> -> vector<16xf32>
        %add3A_259 = arith.addf %select_n3A_212, %gather3A_258 : vector<16xf32>
        %select_n3A_260 = arith.select %ne3A_246, %add3A_259, %select_n3A_212 : vector<16xi1>, vector<16xf32>
        %add3A_261 = arith.constant 4 : i32
        %add3A_262 = arith.addi %add3A_92, %add3A_261 : i32
        %add3A_263 = arith.constant 1 : i32
        %add3A_264 = arith.addi %add3A_262, %add3A_263 : i32
        %mul3A_265 = arith.constant 16 : i32
        %mul3A_266 = arith.muli %add3A_264, %mul3A_265 : i32
        %get3A_267 = arith.index_cast %mul3A_266 : i32 to index
        %get3A_268 = tpu.vector_load %arg8[%get3A_267] {strides = array<i32>} : memref<50176xi32, #tpu.memory_space<vmem>>, vector<16xi32>,
        %ne3A_269 = arith.constant 0 : i32
        %ne3A_270 = vector.broadcast %ne3A_269 : i32 to vector<16xi32>
        %ne3A_271 = arith.cmpi ne, %get3A_268, %ne3A_270 : vector<16xi32>
        %broadcast_in_dim3A_272 = arith.constant 5 : i32
        %broadcast_in_dim3A_273 = vector.broadcast %broadcast_in_dim3A_272 : i32 to vector<16xi32>
        %lt3A_274 = arith.constant 0 : i32
        %lt3A_275 = vector.broadcast %lt3A_274 : i32 to vector<16xi32>
        %lt3A_276 = arith.cmpi slt, %broadcast_in_dim3A_273, %lt3A_275 : vector<16xi32>
        %add3A_277 = arith.constant 16 : i32
        %add3A_278 = vector.broadcast %add3A_277 : i32 to vector<16xi32>
        %add3A_279 = arith.addi %broadcast_in_dim3A_273, %add3A_278 : vector<16xi32>
        %select_n3A_280 = arith.select %lt3A_276, %add3A_279, %broadcast_in_dim3A_273 : vector<16xi1>, vector<16xi32>
        %broadcast_in_dim3A_281 = vector.shape_cast %select_n3A_280 : vector<16xi32> to vector<16x1xi32>
        %gather3A_282 = vector.shape_cast %broadcast_in_dim3A_281 : vector<16x1xi32> to vector<16xi32>
        %gather3A_283 = tpu.dynamic_gather %get3A_96[%gather3A_282] in [0] : vector<16xf32>, vector<16xi32> -> vector<16xf32>
        %add3A_284 = arith.addf %select_n3A_237, %gather3A_283 : vector<16xf32>
        %select_n3A_285 = arith.select %ne3A_271, %add3A_284, %select_n3A_237 : vector<16xi1>, vector<16xf32>
        %add3A_286 = arith.constant 6 : i32
        %add3A_287 = arith.addi %add3A_92, %add3A_286 : i32
        %mul3A_288 = arith.constant 16 : i32
        %mul3A_289 = arith.muli %add3A_287, %mul3A_288 : i32
        %get3A_290 = arith.index_cast %mul3A_289 : i32 to index
        %get3A_291 = tpu.vector_load %arg8[%get3A_290] {strides = array<i32>} : memref<50176xi32, #tpu.memory_space<vmem>>, vector<16xi32>,
        %ne3A_292 = arith.constant 0 : i32
        %ne3A_293 = vector.broadcast %ne3A_292 : i32 to vector<16xi32>
        %ne3A_294 = arith.cmpi ne, %get3A_291, %ne3A_293 : vector<16xi32>
        %broadcast_in_dim3A_295 = arith.constant 6 : i32
        %broadcast_in_dim3A_296 = vector.broadcast %broadcast_in_dim3A_295 : i32 to vector<16xi32>
        %lt3A_297 = arith.constant 0 : i32
        %lt3A_298 = vector.broadcast %lt3A_297 : i32 to vector<16xi32>
        %lt3A_299 = arith.cmpi slt, %broadcast_in_dim3A_296, %lt3A_298 : vector<16xi32>
        %add3A_300 = arith.constant 16 : i32
        %add3A_301 = vector.broadcast %add3A_300 : i32 to vector<16xi32>
        %add3A_302 = arith.addi %broadcast_in_dim3A_296, %add3A_301 : vector<16xi32>
        %select_n3A_303 = arith.select %lt3A_299, %add3A_302, %broadcast_in_dim3A_296 : vector<16xi1>, vector<16xi32>
        %broadcast_in_dim3A_304 = vector.shape_cast %select_n3A_303 : vector<16xi32> to vector<16x1xi32>
        %gather3A_305 = vector.shape_cast %broadcast_in_dim3A_304 : vector<16x1xi32> to vector<16xi32>
        %gather3A_306 = tpu.dynamic_gather %get3A_96[%gather3A_305] in [0] : vector<16xf32>, vector<16xi32> -> vector<16xf32>
        %add3A_307 = arith.addf %select_n3A_260, %gather3A_306 : vector<16xf32>
        %select_n3A_308 = arith.select %ne3A_294, %add3A_307, %select_n3A_260 : vector<16xi1>, vector<16xf32>
        %add3A_309 = arith.constant 6 : i32
        %add3A_310 = arith.addi %add3A_92, %add3A_309 : i32
        %add3A_311 = arith.constant 1 : i32
        %add3A_312 = arith.addi %add3A_310, %add3A_311 : i32
        %mul3A_313 = arith.constant 16 : i32
        %mul3A_314 = arith.muli %add3A_312, %mul3A_313 : i32
        %get3A_315 = arith.index_cast %mul3A_314 : i32 to index
        %get3A_316 = tpu.vector_load %arg8[%get3A_315] {strides = array<i32>} : memref<50176xi32, #tpu.memory_space<vmem>>, vector<16xi32>,
        %ne3A_317 = arith.constant 0 : i32
        %ne3A_318 = vector.broadcast %ne3A_317 : i32 to vector<16xi32>
        %ne3A_319 = arith.cmpi ne, %get3A_316, %ne3A_318 : vector<16xi32>
        %broadcast_in_dim3A_320 = arith.constant 7 : i32
        %broadcast_in_dim3A_321 = vector.broadcast %broadcast_in_dim3A_320 : i32 to vector<16xi32>
        %lt3A_322 = arith.constant 0 : i32
        %lt3A_323 = vector.broadcast %lt3A_322 : i32 to vector<16xi32>
        %lt3A_324 = arith.cmpi slt, %broadcast_in_dim3A_321, %lt3A_323 : vector<16xi32>
        %add3A_325 = arith.constant 16 : i32
        %add3A_326 = vector.broadcast %add3A_325 : i32 to vector<16xi32>
        %add3A_327 = arith.addi %broadcast_in_dim3A_321, %add3A_326 : vector<16xi32>
        %select_n3A_328 = arith.select %lt3A_324, %add3A_327, %broadcast_in_dim3A_321 : vector<16xi1>, vector<16xi32>
        %broadcast_in_dim3A_329 = vector.shape_cast %select_n3A_328 : vector<16xi32> to vector<16x1xi32>
        %gather3A_330 = vector.shape_cast %broadcast_in_dim3A_329 : vector<16x1xi32> to vector<16xi32>
        %gather3A_331 = tpu.dynamic_gather %get3A_96[%gather3A_330] in [0] : vector<16xf32>, vector<16xi32> -> vector<16xf32>
        %add3A_332 = arith.addf %select_n3A_285, %gather3A_331 : vector<16xf32>
        %select_n3A_333 = arith.select %ne3A_319, %add3A_332, %select_n3A_285 : vector<16xi1>, vector<16xf32>
        %add3A_334 = arith.constant 8 : i32
        %add3A_335 = arith.addi %add3A_92, %add3A_334 : i32
        %mul3A_336 = arith.constant 16 : i32
        %mul3A_337 = arith.muli %add3A_335, %mul3A_336 : i32
        %get3A_338 = arith.index_cast %mul3A_337 : i32 to index
        %get3A_339 = tpu.vector_load %arg8[%get3A_338] {strides = array<i32>} : memref<50176xi32, #tpu.memory_space<vmem>>, vector<16xi32>,
        %ne3A_340 = arith.constant 0 : i32
        %ne3A_341 = vector.broadcast %ne3A_340 : i32 to vector<16xi32>
        %ne3A_342 = arith.cmpi ne, %get3A_339, %ne3A_341 : vector<16xi32>
        %broadcast_in_dim3A_343 = arith.constant 8 : i32
        %broadcast_in_dim3A_344 = vector.broadcast %broadcast_in_dim3A_343 : i32 to vector<16xi32>
        %lt3A_345 = arith.constant 0 : i32
        %lt3A_346 = vector.broadcast %lt3A_345 : i32 to vector<16xi32>
        %lt3A_347 = arith.cmpi slt, %broadcast_in_dim3A_344, %lt3A_346 : vector<16xi32>
        %add3A_348 = arith.constant 16 : i32
        %add3A_349 = vector.broadcast %add3A_348 : i32 to vector<16xi32>
        %add3A_350 = arith.addi %broadcast_in_dim3A_344, %add3A_349 : vector<16xi32>
        %select_n3A_351 = arith.select %lt3A_347, %add3A_350, %broadcast_in_dim3A_344 : vector<16xi1>, vector<16xi32>
        %broadcast_in_dim3A_352 = vector.shape_cast %select_n3A_351 : vector<16xi32> to vector<16x1xi32>
        %gather3A_353 = vector.shape_cast %broadcast_in_dim3A_352 : vector<16x1xi32> to vector<16xi32>
        %gather3A_354 = tpu.dynamic_gather %get3A_96[%gather3A_353] in [0] : vector<16xf32>, vector<16xi32> -> vector<16xf32>
        %add3A_355 = arith.addf %select_n3A_308, %gather3A_354 : vector<16xf32>
        %select_n3A_356 = arith.select %ne3A_342, %add3A_355, %select_n3A_308 : vector<16xi1>, vector<16xf32>
        %add3A_357 = arith.constant 8 : i32
        %add3A_358 = arith.addi %add3A_92, %add3A_357 : i32
        %add3A_359 = arith.constant 1 : i32
        %add3A_360 = arith.addi %add3A_358, %add3A_359 : i32
        %mul3A_361 = arith.constant 16 : i32
        %mul3A_362 = arith.muli %add3A_360, %mul3A_361 : i32
        %get3A_363 = arith.index_cast %mul3A_362 : i32 to index
        %get3A_364 = tpu.vector_load %arg8[%get3A_363] {strides = array<i32>} : memref<50176xi32, #tpu.memory_space<vmem>>, vector<16xi32>,
        %ne3A_365 = arith.constant 0 : i32
        %ne3A_366 = vector.broadcast %ne3A_365 : i32 to vector<16xi32>
        %ne3A_367 = arith.cmpi ne, %get3A_364, %ne3A_366 : vector<16xi32>
        %broadcast_in_dim3A_368 = arith.constant 9 : i32
        %broadcast_in_dim3A_369 = vector.broadcast %broadcast_in_dim3A_368 : i32 to vector<16xi32>
        %lt3A_370 = arith.constant 0 : i32
        %lt3A_371 = vector.broadcast %lt3A_370 : i32 to vector<16xi32>
        %lt3A_372 = arith.cmpi slt, %broadcast_in_dim3A_369, %lt3A_371 : vector<16xi32>
        %add3A_373 = arith.constant 16 : i32
        %add3A_374 = vector.broadcast %add3A_373 : i32 to vector<16xi32>
        %add3A_375 = arith.addi %broadcast_in_dim3A_369, %add3A_374 : vector<16xi32>
        %select_n3A_376 = arith.select %lt3A_372, %add3A_375, %broadcast_in_dim3A_369 : vector<16xi1>, vector<16xi32>
        %broadcast_in_dim3A_377 = vector.shape_cast %select_n3A_376 : vector<16xi32> to vector<16x1xi32>
        %gather3A_378 = vector.shape_cast %broadcast_in_dim3A_377 : vector<16x1xi32> to vector<16xi32>
        %gather3A_379 = tpu.dynamic_gather %get3A_96[%gather3A_378] in [0] : vector<16xf32>, vector<16xi32> -> vector<16xf32>
        %add3A_380 = arith.addf %select_n3A_333, %gather3A_379 : vector<16xf32>
        %select_n3A_381 = arith.select %ne3A_367, %add3A_380, %select_n3A_333 : vector<16xi1>, vector<16xf32>
        %add3A_382 = arith.constant 10 : i32
        %add3A_383 = arith.addi %add3A_92, %add3A_382 : i32
        %mul3A_384 = arith.constant 16 : i32
        %mul3A_385 = arith.muli %add3A_383, %mul3A_384 : i32
        %get3A_386 = arith.index_cast %mul3A_385 : i32 to index
        %get3A_387 = tpu.vector_load %arg8[%get3A_386] {strides = array<i32>} : memref<50176xi32, #tpu.memory_space<vmem>>, vector<16xi32>,
        %ne3A_388 = arith.constant 0 : i32
        %ne3A_389 = vector.broadcast %ne3A_388 : i32 to vector<16xi32>
        %ne3A_390 = arith.cmpi ne, %get3A_387, %ne3A_389 : vector<16xi32>
        %broadcast_in_dim3A_391 = arith.constant 10 : i32
        %broadcast_in_dim3A_392 = vector.broadcast %broadcast_in_dim3A_391 : i32 to vector<16xi32>
        %lt3A_393 = arith.constant 0 : i32
        %lt3A_394 = vector.broadcast %lt3A_393 : i32 to vector<16xi32>
        %lt3A_395 = arith.cmpi slt, %broadcast_in_dim3A_392, %lt3A_394 : vector<16xi32>
        %add3A_396 = arith.constant 16 : i32
        %add3A_397 = vector.broadcast %add3A_396 : i32 to vector<16xi32>
        %add3A_398 = arith.addi %broadcast_in_dim3A_392, %add3A_397 : vector<16xi32>
        %select_n3A_399 = arith.select %lt3A_395, %add3A_398, %broadcast_in_dim3A_392 : vector<16xi1>, vector<16xi32>
        %broadcast_in_dim3A_400 = vector.shape_cast %select_n3A_399 : vector<16xi32> to vector<16x1xi32>
        %gather3A_401 = vector.shape_cast %broadcast_in_dim3A_400 : vector<16x1xi32> to vector<16xi32>
        %gather3A_402 = tpu.dynamic_gather %get3A_96[%gather3A_401] in [0] : vector<16xf32>, vector<16xi32> -> vector<16xf32>
        %add3A_403 = arith.addf %select_n3A_356, %gather3A_402 : vector<16xf32>
        %select_n3A_404 = arith.select %ne3A_390, %add3A_403, %select_n3A_356 : vector<16xi1>, vector<16xf32>
        %add3A_405 = arith.constant 10 : i32
        %add3A_406 = arith.addi %add3A_92, %add3A_405 : i32
        %add3A_407 = arith.constant 1 : i32
        %add3A_408 = arith.addi %add3A_406, %add3A_407 : i32
        %mul3A_409 = arith.constant 16 : i32
        %mul3A_410 = arith.muli %add3A_408, %mul3A_409 : i32
        %get3A_411 = arith.index_cast %mul3A_410 : i32 to index
        %get3A_412 = tpu.vector_load %arg8[%get3A_411] {strides = array<i32>} : memref<50176xi32, #tpu.memory_space<vmem>>, vector<16xi32>,
        %ne3A_413 = arith.constant 0 : i32
        %ne3A_414 = vector.broadcast %ne3A_413 : i32 to vector<16xi32>
        %ne3A_415 = arith.cmpi ne, %get3A_412, %ne3A_414 : vector<16xi32>
        %broadcast_in_dim3A_416 = arith.constant 11 : i32
        %broadcast_in_dim3A_417 = vector.broadcast %broadcast_in_dim3A_416 : i32 to vector<16xi32>
        %lt3A_418 = arith.constant 0 : i32
        %lt3A_419 = vector.broadcast %lt3A_418 : i32 to vector<16xi32>
        %lt3A_420 = arith.cmpi slt, %broadcast_in_dim3A_417, %lt3A_419 : vector<16xi32>
        %add3A_421 = arith.constant 16 : i32
        %add3A_422 = vector.broadcast %add3A_421 : i32 to vector<16xi32>
        %add3A_423 = arith.addi %broadcast_in_dim3A_417, %add3A_422 : vector<16xi32>
        %select_n3A_424 = arith.select %lt3A_420, %add3A_423, %broadcast_in_dim3A_417 : vector<16xi1>, vector<16xi32>
        %broadcast_in_dim3A_425 = vector.shape_cast %select_n3A_424 : vector<16xi32> to vector<16x1xi32>
        %gather3A_426 = vector.shape_cast %broadcast_in_dim3A_425 : vector<16x1xi32> to vector<16xi32>
        %gather3A_427 = tpu.dynamic_gather %get3A_96[%gather3A_426] in [0] : vector<16xf32>, vector<16xi32> -> vector<16xf32>
        %add3A_428 = arith.addf %select_n3A_381, %gather3A_427 : vector<16xf32>
        %select_n3A_429 = arith.select %ne3A_415, %add3A_428, %select_n3A_381 : vector<16xi1>, vector<16xf32>
        %add3A_430 = arith.constant 12 : i32
        %add3A_431 = arith.addi %add3A_92, %add3A_430 : i32
        %mul3A_432 = arith.constant 16 : i32
        %mul3A_433 = arith.muli %add3A_431, %mul3A_432 : i32
        %get3A_434 = arith.index_cast %mul3A_433 : i32 to index
        %get3A_435 = tpu.vector_load %arg8[%get3A_434] {strides = array<i32>} : memref<50176xi32, #tpu.memory_space<vmem>>, vector<16xi32>,
        %ne3A_436 = arith.constant 0 : i32
        %ne3A_437 = vector.broadcast %ne3A_436 : i32 to vector<16xi32>
        %ne3A_438 = arith.cmpi ne, %get3A_435, %ne3A_437 : vector<16xi32>
        %broadcast_in_dim3A_439 = arith.constant 12 : i32
        %broadcast_in_dim3A_440 = vector.broadcast %broadcast_in_dim3A_439 : i32 to vector<16xi32>
        %lt3A_441 = arith.constant 0 : i32
        %lt3A_442 = vector.broadcast %lt3A_441 : i32 to vector<16xi32>
        %lt3A_443 = arith.cmpi slt, %broadcast_in_dim3A_440, %lt3A_442 : vector<16xi32>
        %add3A_444 = arith.constant 16 : i32
        %add3A_445 = vector.broadcast %add3A_444 : i32 to vector<16xi32>
        %add3A_446 = arith.addi %broadcast_in_dim3A_440, %add3A_445 : vector<16xi32>
        %select_n3A_447 = arith.select %lt3A_443, %add3A_446, %broadcast_in_dim3A_440 : vector<16xi1>, vector<16xi32>
        %broadcast_in_dim3A_448 = vector.shape_cast %select_n3A_447 : vector<16xi32> to vector<16x1xi32>
        %gather3A_449 = vector.shape_cast %broadcast_in_dim3A_448 : vector<16x1xi32> to vector<16xi32>
        %gather3A_450 = tpu.dynamic_gather %get3A_96[%gather3A_449] in [0] : vector<16xf32>, vector<16xi32> -> vector<16xf32>
        %add3A_451 = arith.addf %select_n3A_404, %gather3A_450 : vector<16xf32>
        %select_n3A_452 = arith.select %ne3A_438, %add3A_451, %select_n3A_404 : vector<16xi1>, vector<16xf32>
        %add3A_453 = arith.constant 12 : i32
        %add3A_454 = arith.addi %add3A_92, %add3A_453 : i32
        %add3A_455 = arith.constant 1 : i32
        %add3A_456 = arith.addi %add3A_454, %add3A_455 : i32
        %mul3A_457 = arith.constant 16 : i32
        %mul3A_458 = arith.muli %add3A_456, %mul3A_457 : i32
        %get3A_459 = arith.index_cast %mul3A_458 : i32 to index
        %get3A_460 = tpu.vector_load %arg8[%get3A_459] {strides = array<i32>} : memref<50176xi32, #tpu.memory_space<vmem>>, vector<16xi32>,
        %ne3A_461 = arith.constant 0 : i32
        %ne3A_462 = vector.broadcast %ne3A_461 : i32 to vector<16xi32>
        %ne3A_463 = arith.cmpi ne, %get3A_460, %ne3A_462 : vector<16xi32>
        %broadcast_in_dim3A_464 = arith.constant 13 : i32
        %broadcast_in_dim3A_465 = vector.broadcast %broadcast_in_dim3A_464 : i32 to vector<16xi32>
        %lt3A_466 = arith.constant 0 : i32
        %lt3A_467 = vector.broadcast %lt3A_466 : i32 to vector<16xi32>
        %lt3A_468 = arith.cmpi slt, %broadcast_in_dim3A_465, %lt3A_467 : vector<16xi32>
        %add3A_469 = arith.constant 16 : i32
        %add3A_470 = vector.broadcast %add3A_469 : i32 to vector<16xi32>
        %add3A_471 = arith.addi %broadcast_in_dim3A_465, %add3A_470 : vector<16xi32>
        %select_n3A_472 = arith.select %lt3A_468, %add3A_471, %broadcast_in_dim3A_465 : vector<16xi1>, vector<16xi32>
        %broadcast_in_dim3A_473 = vector.shape_cast %select_n3A_472 : vector<16xi32> to vector<16x1xi32>
        %gather3A_474 = vector.shape_cast %broadcast_in_dim3A_473 : vector<16x1xi32> to vector<16xi32>
        %gather3A_475 = tpu.dynamic_gather %get3A_96[%gather3A_474] in [0] : vector<16xf32>, vector<16xi32> -> vector<16xf32>
        %add3A_476 = arith.addf %select_n3A_429, %gather3A_475 : vector<16xf32>
        %select_n3A_477 = arith.select %ne3A_463, %add3A_476, %select_n3A_429 : vector<16xi1>, vector<16xf32>
        %add3A_478 = arith.constant 14 : i32
        %add3A_479 = arith.addi %add3A_92, %add3A_478 : i32
        %mul3A_480 = arith.constant 16 : i32
        %mul3A_481 = arith.muli %add3A_479, %mul3A_480 : i32
        %get3A_482 = arith.index_cast %mul3A_481 : i32 to index
        %get3A_483 = tpu.vector_load %arg8[%get3A_482] {strides = array<i32>} : memref<50176xi32, #tpu.memory_space<vmem>>, vector<16xi32>,
        %ne3A_484 = arith.constant 0 : i32
        %ne3A_485 = vector.broadcast %ne3A_484 : i32 to vector<16xi32>
        %ne3A_486 = arith.cmpi ne, %get3A_483, %ne3A_485 : vector<16xi32>
        %broadcast_in_dim3A_487 = arith.constant 14 : i32
        %broadcast_in_dim3A_488 = vector.broadcast %broadcast_in_dim3A_487 : i32 to vector<16xi32>
        %lt3A_489 = arith.constant 0 : i32
        %lt3A_490 = vector.broadcast %lt3A_489 : i32 to vector<16xi32>
        %lt3A_491 = arith.cmpi slt, %broadcast_in_dim3A_488, %lt3A_490 : vector<16xi32>
        %add3A_492 = arith.constant 16 : i32
        %add3A_493 = vector.broadcast %add3A_492 : i32 to vector<16xi32>
        %add3A_494 = arith.addi %broadcast_in_dim3A_488, %add3A_493 : vector<16xi32>
        %select_n3A_495 = arith.select %lt3A_491, %add3A_494, %broadcast_in_dim3A_488 : vector<16xi1>, vector<16xi32>
        %broadcast_in_dim3A_496 = vector.shape_cast %select_n3A_495 : vector<16xi32> to vector<16x1xi32>
        %gather3A_497 = vector.shape_cast %broadcast_in_dim3A_496 : vector<16x1xi32> to vector<16xi32>
        %gather3A_498 = tpu.dynamic_gather %get3A_96[%gather3A_497] in [0] : vector<16xf32>, vector<16xi32> -> vector<16xf32>
        %add3A_499 = arith.addf %select_n3A_452, %gather3A_498 : vector<16xf32>
        %select_n3A_500 = arith.select %ne3A_486, %add3A_499, %select_n3A_452 : vector<16xi1>, vector<16xf32>
        %add3A_501 = arith.constant 14 : i32
        %add3A_502 = arith.addi %add3A_92, %add3A_501 : i32
        %add3A_503 = arith.constant 1 : i32
        %add3A_504 = arith.addi %add3A_502, %add3A_503 : i32
        %mul3A_505 = arith.constant 16 : i32
        %mul3A_506 = arith.muli %add3A_504, %mul3A_505 : i32
        %get3A_507 = arith.index_cast %mul3A_506 : i32 to index
        %get3A_508 = tpu.vector_load %arg8[%get3A_507] {strides = array<i32>} : memref<50176xi32, #tpu.memory_space<vmem>>, vector<16xi32>,
        %ne3A_509 = arith.constant 0 : i32
        %ne3A_510 = vector.broadcast %ne3A_509 : i32 to vector<16xi32>
        %ne3A_511 = arith.cmpi ne, %get3A_508, %ne3A_510 : vector<16xi32>
        %broadcast_in_dim3A_512 = arith.constant 15 : i32
        %broadcast_in_dim3A_513 = vector.broadcast %broadcast_in_dim3A_512 : i32 to vector<16xi32>
        %lt3A_514 = arith.constant 0 : i32
        %lt3A_515 = vector.broadcast %lt3A_514 : i32 to vector<16xi32>
        %lt3A_516 = arith.cmpi slt, %broadcast_in_dim3A_513, %lt3A_515 : vector<16xi32>
        %add3A_517 = arith.constant 16 : i32
        %add3A_518 = vector.broadcast %add3A_517 : i32 to vector<16xi32>
        %add3A_519 = arith.addi %broadcast_in_dim3A_513, %add3A_518 : vector<16xi32>
        %select_n3A_520 = arith.select %lt3A_516, %add3A_519, %broadcast_in_dim3A_513 : vector<16xi1>, vector<16xi32>
        %broadcast_in_dim3A_521 = vector.shape_cast %select_n3A_520 : vector<16xi32> to vector<16x1xi32>
        %gather3A_522 = vector.shape_cast %broadcast_in_dim3A_521 : vector<16x1xi32> to vector<16xi32>
        %gather3A_523 = tpu.dynamic_gather %get3A_96[%gather3A_522] in [0] : vector<16xf32>, vector<16xi32> -> vector<16xf32>
        %add3A_524 = arith.addf %select_n3A_477, %gather3A_523 : vector<16xf32>
        %select_n3A_525 = arith.select %ne3A_511, %add3A_524, %select_n3A_477 : vector<16xi1>, vector<16xf32>
        %add3A_526 = arith.addf %select_n3A_500, %select_n3A_525 : vector<16xf32>
        %add3A_527 = arith.addf %select_n3A_140, %add3A_129 : vector<16xf32>
        %add3A_528 = arith.constant 16 : i32
        %add3A_529 = arith.addi %select_n3A_142, %add3A_528 : i32
        scf.yield %squeeze3A_98, %add3A_526, %add3A_527, %add3A_529 : i32, vector<16xf32>, vector<16xf32>, i32
      } else {
        %slice3A_135 = vector.extract_strided_slice %get3A_94 {offsets = [0], sizes = [1], strides = [1]} : vector<16xi32> to vector<1xi32>
        %squeeze3A_136 = vector.extract %slice3A_135[0] : i32 from vector<1xi32>
        %ne3A = arith.cmpi ne, %squeeze3A_136, %while3A_86 : i32
        %convert_element_type3A_137 = arith.extui %ne3A : i1 to i32
        %cond3A_138 = arith.constant 0 : i32
        %cond3A_139 = arith.cmpi ne, %convert_element_type3A_137, %cond3A_138 : i32
        scf.if %cond3A_139 {
          %mul3A_805 = arith.constant 32 : i32
          %mul3A_806 = arith.muli %while3A_86, %mul3A_805 : i32
          %reduce_sum3A_807 = arith.constant true
          %reduce_sum3A_808 = vector.broadcast %reduce_sum3A_807 : i1 to vector<16xi1>
          %reduce_sum3A_809 = tpu.scan <sum>, %while3A_88 masked %reduce_sum3A_808 : vector<16xf32>, vector<16xi1> -> vector<16xf32>
          %reduce_sum3A_810 = vector.extract %reduce_sum3A_809[15] : f32 from vector<16xf32>
          %broadcast_in_dim3A_811 = vector.broadcast %reduce_sum3A_810 : f32 to vector<16xf32>
          %select_n3A_812 = arith.select %eq3A_35, %broadcast_in_dim3A_811, %broadcast_in_dim3A_40 : vector<16xi1>, vector<16xf32>
          %convert_element_type3A_813 = arith.sitofp %while3A_89 : i32 to f32
          %broadcast_in_dim3A_814 = vector.broadcast %convert_element_type3A_813 : f32 to vector<16xf32>
          %select_n3A_815 = arith.select %eq3A_38, %broadcast_in_dim3A_814, %broadcast_in_dim3A_40 : vector<16xi1>, vector<16xf32>
          %add3A_816 = arith.addf %select_n3A_812, %select_n3A_815 : vector<16xf32>
          %swap3A_817 = arith.constant 0 : index
          %swap3A_818 = tpu.vector_load %arg9[%swap3A_817] {strides = array<i32>} : memref<32xf32, #tpu.memory_space<vmem>>, vector<16xf32>,
          tpu.vector_store %arg9[%swap3A_817], %while3A_87 {strides = array<i32>} : memref<32xf32, #tpu.memory_space<vmem>>, vector<16xf32>,
          %swap3A_819 = arith.constant 16 : index
          %swap3A_820 = tpu.vector_load %arg9[%swap3A_819] {strides = array<i32>} : memref<32xf32, #tpu.memory_space<vmem>>, vector<16xf32>,
          tpu.vector_store %arg9[%swap3A_819], %add3A_816 {strides = array<i32>} : memref<32xf32, #tpu.memory_space<vmem>>, vector<16xf32>,
          %add3A_821 = vector.broadcast %mul3A_806 : i32 to vector<16xi32>
          %add3A_822 = arith.addi %add3A_821, %iota3A : vector<16xi32>
          %swap3A_823 = arith.constant 0 : index
          %swap3A_824 = tpu.vector_load %arg10[%swap3A_823] {strides = array<i32>} : memref<32xi32, #tpu.memory_space<vmem>>, vector<16xi32>,
          tpu.vector_store %arg10[%swap3A_823], %add3A_822 {strides = array<i32>} : memref<32xi32, #tpu.memory_space<vmem>>, vector<16xi32>,
          %add3A_825 = arith.constant 16 : i32
          %add3A_826 = arith.addi %mul3A_806, %add3A_825 : i32
          %add3A_827 = vector.broadcast %add3A_826 : i32 to vector<16xi32>
          %add3A_828 = arith.addi %add3A_827, %iota3A : vector<16xi32>
          %swap3A_829 = arith.constant 16 : index
          %swap3A_830 = tpu.vector_load %arg10[%swap3A_829] {strides = array<i32>} : memref<32xi32, #tpu.memory_space<vmem>>, vector<16xi32>,
          tpu.vector_store %arg10[%swap3A_829], %add3A_828 {strides = array<i32>} : memref<32xi32, #tpu.memory_space<vmem>>, vector<16xi32>,
          "tpu.region"() ({
            %run_scoped3A = tpu.sem_alloc : memref<!tpu.dma_semaphore, #tpu.memory_space<semaphore_mem>>
            %dma_start3A_831 = arith.constant 0 : i32
            %dma_start3A_832 = tpu.memref_slice %arg12[%dma_start3A_831] : memref<32768xf32, #tpu.memory_space<vmem_shared>> -> memref<32768xf32, #tpu.memory_space<vmem_shared>>
            tpu.enqueue_indirect_dma source(%arg9 : memref<32xf32, #tpu.memory_space<vmem>>) target(%dma_start3A_832 : memref<32768xf32, #tpu.memory_space<vmem_shared>>) offsets(%arg10 : memref<32xi32, #tpu.memory_space<vmem>>) semaphore(%run_scoped3A : memref<!tpu.dma_semaphore, #tpu.memory_space<semaphore_mem>>) {add = true}
            %dma_wait3A_833 = arith.constant 0 : i32
            %dma_wait3A_834 = tpu.memref_slice %arg12[%dma_wait3A_833] : memref<32768xf32, #tpu.memory_space<vmem_shared>> -> memref<32768xf32, #tpu.memory_space<vmem_shared>>
            tpu.wait_indirect_dma semaphore(%run_scoped3A : memref<!tpu.dma_semaphore, #tpu.memory_space<semaphore_mem>>) src(%arg9 : memref<32xf32, #tpu.memory_space<vmem>>) dst(%dma_wait3A_834 : memref<32768xf32, #tpu.memory_space<vmem_shared>>)
            tpu.yield
          }) : () -> ()
        } else {
        }
        %broadcast_in_dim3A_140 = vector.broadcast %ne3A : i1 to vector<16xi1>
        %select_n3A_141 = arith.select %broadcast_in_dim3A_140, %broadcast_in_dim3A_40, %while3A_87 : vector<16xi1>, vector<16xf32>
        %select_n3A_142 = arith.select %broadcast_in_dim3A_140, %broadcast_in_dim3A_40, %while3A_88 : vector<16xi1>, vector<16xf32>
        %jit3A_143 = arith.constant 0 : i32
        %select_n3A_144 = arith.select %ne3A, %jit3A_143, %while3A_89 : i32
        %add3A_145 = arith.constant 0 : i32
        %add3A_146 = arith.addi %add3A_92, %add3A_145 : i32
        %mul3A_147 = arith.constant 16 : i32
        %mul3A_148 = arith.muli %add3A_146, %mul3A_147 : i32
        %get3A_149 = arith.index_cast %mul3A_148 : i32 to index
        %get3A_150 = tpu.vector_load %arg8[%get3A_149] {strides = array<i32>} : memref<50176xi32, #tpu.memory_space<vmem>>, vector<16xi32>,
        %ne3A_151 = arith.constant 0 : i32
        %ne3A_152 = vector.broadcast %ne3A_151 : i32 to vector<16xi32>
        %ne3A_153 = arith.cmpi ne, %get3A_150, %ne3A_152 : vector<16xi32>
        %broadcast_in_dim3A_154 = arith.constant 0 : i32
        %broadcast_in_dim3A_155 = vector.broadcast %broadcast_in_dim3A_154 : i32 to vector<16xi32>
        %lt3A_156 = arith.constant 0 : i32
        %lt3A_157 = vector.broadcast %lt3A_156 : i32 to vector<16xi32>
        %lt3A_158 = arith.cmpi slt, %broadcast_in_dim3A_155, %lt3A_157 : vector<16xi32>
        %add3A_159 = arith.constant 16 : i32
        %add3A_160 = vector.broadcast %add3A_159 : i32 to vector<16xi32>
        %add3A_161 = arith.addi %broadcast_in_dim3A_155, %add3A_160 : vector<16xi32>
        %select_n3A_162 = arith.select %lt3A_158, %add3A_161, %broadcast_in_dim3A_155 : vector<16xi1>, vector<16xi32>
        %broadcast_in_dim3A_163 = vector.shape_cast %select_n3A_162 : vector<16xi32> to vector<16x1xi32>
        %gather3A = vector.shape_cast %broadcast_in_dim3A_163 : vector<16x1xi32> to vector<16xi32>
        %gather3A_164 = tpu.dynamic_gather %get3A_96[%gather3A] in [0] : vector<16xf32>, vector<16xi32> -> vector<16xf32>
        %add3A_165 = arith.addf %select_n3A_141, %gather3A_164 : vector<16xf32>
        %select_n3A_166 = arith.select %ne3A_153, %add3A_165, %select_n3A_141 : vector<16xi1>, vector<16xf32>
        %eq3A_167 = arith.constant 0 : i32
        %eq3A_168 = vector.broadcast %eq3A_167 : i32 to vector<16xi32>
        %eq3A_169 = arith.cmpi eq, %iota3A, %eq3A_168 : vector<16xi32>
        %select_n3A_170 = arith.select %eq3A_169, %add3A_129, %broadcast_in_dim3A_40 : vector<16xi1>, vector<16xf32>
        %add3A_171 = arith.addf %select_n3A_142, %select_n3A_170 : vector<16xf32>
        %add3A_172 = arith.constant 1 : i32
        %add3A_173 = arith.addi %select_n3A_144, %add3A_172 : i32
        %select_n3A_174 = arith.select %ne3A, %squeeze3A_136, %while3A_86 : i32
        %slice3A_175 = vector.extract_strided_slice %get3A_94 {offsets = [1], sizes = [1], strides = [1]} : vector<16xi32> to vector<1xi32>
        %squeeze3A_176 = vector.extract %slice3A_175[0] : i32 from vector<1xi32>
        %ne3A_177 = arith.cmpi ne, %squeeze3A_176, %select_n3A_174 : i32
        %convert_element_type3A_178 = arith.extui %ne3A_177 : i1 to i32
        %cond3A_179 = arith.constant 0 : i32
        %cond3A_180 = arith.cmpi ne, %convert_element_type3A_178, %cond3A_179 : i32
        scf.if %cond3A_180 {
          %mul3A_805 = arith.constant 32 : i32
          %mul3A_806 = arith.muli %select_n3A_174, %mul3A_805 : i32
          %reduce_sum3A_807 = arith.constant true
          %reduce_sum3A_808 = vector.broadcast %reduce_sum3A_807 : i1 to vector<16xi1>
          %reduce_sum3A_809 = tpu.scan <sum>, %add3A_171 masked %reduce_sum3A_808 : vector<16xf32>, vector<16xi1> -> vector<16xf32>
          %reduce_sum3A_810 = vector.extract %reduce_sum3A_809[15] : f32 from vector<16xf32>
          %broadcast_in_dim3A_811 = vector.broadcast %reduce_sum3A_810 : f32 to vector<16xf32>
          %select_n3A_812 = arith.select %eq3A_35, %broadcast_in_dim3A_811, %broadcast_in_dim3A_40 : vector<16xi1>, vector<16xf32>
          %convert_element_type3A_813 = arith.sitofp %add3A_173 : i32 to f32
          %broadcast_in_dim3A_814 = vector.broadcast %convert_element_type3A_813 : f32 to vector<16xf32>
          %select_n3A_815 = arith.select %eq3A_38, %broadcast_in_dim3A_814, %broadcast_in_dim3A_40 : vector<16xi1>, vector<16xf32>
          %add3A_816 = arith.addf %select_n3A_812, %select_n3A_815 : vector<16xf32>
          %swap3A_817 = arith.constant 0 : index
          %swap3A_818 = tpu.vector_load %arg9[%swap3A_817] {strides = array<i32>} : memref<32xf32, #tpu.memory_space<vmem>>, vector<16xf32>,
          tpu.vector_store %arg9[%swap3A_817], %select_n3A_166 {strides = array<i32>} : memref<32xf32, #tpu.memory_space<vmem>>, vector<16xf32>,
          %swap3A_819 = arith.constant 16 : index
          %swap3A_820 = tpu.vector_load %arg9[%swap3A_819] {strides = array<i32>} : memref<32xf32, #tpu.memory_space<vmem>>, vector<16xf32>,
          tpu.vector_store %arg9[%swap3A_819], %add3A_816 {strides = array<i32>} : memref<32xf32, #tpu.memory_space<vmem>>, vector<16xf32>,
          %add3A_821 = vector.broadcast %mul3A_806 : i32 to vector<16xi32>
          %add3A_822 = arith.addi %add3A_821, %iota3A : vector<16xi32>
          %swap3A_823 = arith.constant 0 : index
          %swap3A_824 = tpu.vector_load %arg10[%swap3A_823] {strides = array<i32>} : memref<32xi32, #tpu.memory_space<vmem>>, vector<16xi32>,
          tpu.vector_store %arg10[%swap3A_823], %add3A_822 {strides = array<i32>} : memref<32xi32, #tpu.memory_space<vmem>>, vector<16xi32>,
          %add3A_825 = arith.constant 16 : i32
          %add3A_826 = arith.addi %mul3A_806, %add3A_825 : i32
          %add3A_827 = vector.broadcast %add3A_826 : i32 to vector<16xi32>
          %add3A_828 = arith.addi %add3A_827, %iota3A : vector<16xi32>
          %swap3A_829 = arith.constant 16 : index
          %swap3A_830 = tpu.vector_load %arg10[%swap3A_829] {strides = array<i32>} : memref<32xi32, #tpu.memory_space<vmem>>, vector<16xi32>,
          tpu.vector_store %arg10[%swap3A_829], %add3A_828 {strides = array<i32>} : memref<32xi32, #tpu.memory_space<vmem>>, vector<16xi32>,
          "tpu.region"() ({
            %run_scoped3A = tpu.sem_alloc : memref<!tpu.dma_semaphore, #tpu.memory_space<semaphore_mem>>
            %dma_start3A_831 = arith.constant 0 : i32
            %dma_start3A_832 = tpu.memref_slice %arg12[%dma_start3A_831] : memref<32768xf32, #tpu.memory_space<vmem_shared>> -> memref<32768xf32, #tpu.memory_space<vmem_shared>>
            tpu.enqueue_indirect_dma source(%arg9 : memref<32xf32, #tpu.memory_space<vmem>>) target(%dma_start3A_832 : memref<32768xf32, #tpu.memory_space<vmem_shared>>) offsets(%arg10 : memref<32xi32, #tpu.memory_space<vmem>>) semaphore(%run_scoped3A : memref<!tpu.dma_semaphore, #tpu.memory_space<semaphore_mem>>) {add = true}
            %dma_wait3A_833 = arith.constant 0 : i32
            %dma_wait3A_834 = tpu.memref_slice %arg12[%dma_wait3A_833] : memref<32768xf32, #tpu.memory_space<vmem_shared>> -> memref<32768xf32, #tpu.memory_space<vmem_shared>>
            tpu.wait_indirect_dma semaphore(%run_scoped3A : memref<!tpu.dma_semaphore, #tpu.memory_space<semaphore_mem>>) src(%arg9 : memref<32xf32, #tpu.memory_space<vmem>>) dst(%dma_wait3A_834 : memref<32768xf32, #tpu.memory_space<vmem_shared>>)
            tpu.yield
          }) : () -> ()
        } else {
        }
        %broadcast_in_dim3A_181 = vector.broadcast %ne3A_177 : i1 to vector<16xi1>
        %select_n3A_182 = arith.select %broadcast_in_dim3A_181, %broadcast_in_dim3A_40, %select_n3A_166 : vector<16xi1>, vector<16xf32>
        %select_n3A_183 = arith.select %broadcast_in_dim3A_181, %broadcast_in_dim3A_40, %add3A_171 : vector<16xi1>, vector<16xf32>
        %jit3A_184 = arith.constant 0 : i32
        %select_n3A_185 = arith.select %ne3A_177, %jit3A_184, %add3A_173 : i32
        %add3A_186 = arith.constant 1 : i32
        %add3A_187 = arith.addi %add3A_92, %add3A_186 : i32
        %mul3A_188 = arith.constant 16 : i32
        %mul3A_189 = arith.muli %add3A_187, %mul3A_188 : i32
        %get3A_190 = arith.index_cast %mul3A_189 : i32 to index
        %get3A_191 = tpu.vector_load %arg8[%get3A_190] {strides = array<i32>} : memref<50176xi32, #tpu.memory_space<vmem>>, vector<16xi32>,
        %ne3A_192 = arith.constant 0 : i32
        %ne3A_193 = vector.broadcast %ne3A_192 : i32 to vector<16xi32>
        %ne3A_194 = arith.cmpi ne, %get3A_191, %ne3A_193 : vector<16xi32>
        %broadcast_in_dim3A_195 = arith.constant 1 : i32
        %broadcast_in_dim3A_196 = vector.broadcast %broadcast_in_dim3A_195 : i32 to vector<16xi32>
        %lt3A_197 = arith.constant 0 : i32
        %lt3A_198 = vector.broadcast %lt3A_197 : i32 to vector<16xi32>
        %lt3A_199 = arith.cmpi slt, %broadcast_in_dim3A_196, %lt3A_198 : vector<16xi32>
        %add3A_200 = arith.constant 16 : i32
        %add3A_201 = vector.broadcast %add3A_200 : i32 to vector<16xi32>
        %add3A_202 = arith.addi %broadcast_in_dim3A_196, %add3A_201 : vector<16xi32>
        %select_n3A_203 = arith.select %lt3A_199, %add3A_202, %broadcast_in_dim3A_196 : vector<16xi1>, vector<16xi32>
        %broadcast_in_dim3A_204 = vector.shape_cast %select_n3A_203 : vector<16xi32> to vector<16x1xi32>
        %gather3A_205 = vector.shape_cast %broadcast_in_dim3A_204 : vector<16x1xi32> to vector<16xi32>
        %gather3A_206 = tpu.dynamic_gather %get3A_96[%gather3A_205] in [0] : vector<16xf32>, vector<16xi32> -> vector<16xf32>
        %add3A_207 = arith.addf %select_n3A_182, %gather3A_206 : vector<16xf32>
        %select_n3A_208 = arith.select %ne3A_194, %add3A_207, %select_n3A_182 : vector<16xi1>, vector<16xf32>
        %eq3A_209 = arith.constant 1 : i32
        %eq3A_210 = vector.broadcast %eq3A_209 : i32 to vector<16xi32>
        %eq3A_211 = arith.cmpi eq, %iota3A, %eq3A_210 : vector<16xi32>
        %select_n3A_212 = arith.select %eq3A_211, %add3A_129, %broadcast_in_dim3A_40 : vector<16xi1>, vector<16xf32>
        %add3A_213 = arith.addf %select_n3A_183, %select_n3A_212 : vector<16xf32>
        %add3A_214 = arith.constant 1 : i32
        %add3A_215 = arith.addi %select_n3A_185, %add3A_214 : i32
        %select_n3A_216 = arith.select %ne3A_177, %squeeze3A_176, %select_n3A_174 : i32
        %slice3A_217 = vector.extract_strided_slice %get3A_94 {offsets = [2], sizes = [1], strides = [1]} : vector<16xi32> to vector<1xi32>
        %squeeze3A_218 = vector.extract %slice3A_217[0] : i32 from vector<1xi32>
        %ne3A_219 = arith.cmpi ne, %squeeze3A_218, %select_n3A_216 : i32
        %convert_element_type3A_220 = arith.extui %ne3A_219 : i1 to i32
        %cond3A_221 = arith.constant 0 : i32
        %cond3A_222 = arith.cmpi ne, %convert_element_type3A_220, %cond3A_221 : i32
        scf.if %cond3A_222 {
          %mul3A_805 = arith.constant 32 : i32
          %mul3A_806 = arith.muli %select_n3A_216, %mul3A_805 : i32
          %reduce_sum3A_807 = arith.constant true
          %reduce_sum3A_808 = vector.broadcast %reduce_sum3A_807 : i1 to vector<16xi1>
          %reduce_sum3A_809 = tpu.scan <sum>, %add3A_213 masked %reduce_sum3A_808 : vector<16xf32>, vector<16xi1> -> vector<16xf32>
          %reduce_sum3A_810 = vector.extract %reduce_sum3A_809[15] : f32 from vector<16xf32>
          %broadcast_in_dim3A_811 = vector.broadcast %reduce_sum3A_810 : f32 to vector<16xf32>
          %select_n3A_812 = arith.select %eq3A_35, %broadcast_in_dim3A_811, %broadcast_in_dim3A_40 : vector<16xi1>, vector<16xf32>
          %convert_element_type3A_813 = arith.sitofp %add3A_215 : i32 to f32
          %broadcast_in_dim3A_814 = vector.broadcast %convert_element_type3A_813 : f32 to vector<16xf32>
          %select_n3A_815 = arith.select %eq3A_38, %broadcast_in_dim3A_814, %broadcast_in_dim3A_40 : vector<16xi1>, vector<16xf32>
          %add3A_816 = arith.addf %select_n3A_812, %select_n3A_815 : vector<16xf32>
          %swap3A_817 = arith.constant 0 : index
          %swap3A_818 = tpu.vector_load %arg9[%swap3A_817] {strides = array<i32>} : memref<32xf32, #tpu.memory_space<vmem>>, vector<16xf32>,
          tpu.vector_store %arg9[%swap3A_817], %select_n3A_208 {strides = array<i32>} : memref<32xf32, #tpu.memory_space<vmem>>, vector<16xf32>,
          %swap3A_819 = arith.constant 16 : index
          %swap3A_820 = tpu.vector_load %arg9[%swap3A_819] {strides = array<i32>} : memref<32xf32, #tpu.memory_space<vmem>>, vector<16xf32>,
          tpu.vector_store %arg9[%swap3A_819], %add3A_816 {strides = array<i32>} : memref<32xf32, #tpu.memory_space<vmem>>, vector<16xf32>,
          %add3A_821 = vector.broadcast %mul3A_806 : i32 to vector<16xi32>
          %add3A_822 = arith.addi %add3A_821, %iota3A : vector<16xi32>
          %swap3A_823 = arith.constant 0 : index
          %swap3A_824 = tpu.vector_load %arg10[%swap3A_823] {strides = array<i32>} : memref<32xi32, #tpu.memory_space<vmem>>, vector<16xi32>,
          tpu.vector_store %arg10[%swap3A_823], %add3A_822 {strides = array<i32>} : memref<32xi32, #tpu.memory_space<vmem>>, vector<16xi32>,
          %add3A_825 = arith.constant 16 : i32
          %add3A_826 = arith.addi %mul3A_806, %add3A_825 : i32
          %add3A_827 = vector.broadcast %add3A_826 : i32 to vector<16xi32>
          %add3A_828 = arith.addi %add3A_827, %iota3A : vector<16xi32>
          %swap3A_829 = arith.constant 16 : index
          %swap3A_830 = tpu.vector_load %arg10[%swap3A_829] {strides = array<i32>} : memref<32xi32, #tpu.memory_space<vmem>>, vector<16xi32>,
          tpu.vector_store %arg10[%swap3A_829], %add3A_828 {strides = array<i32>} : memref<32xi32, #tpu.memory_space<vmem>>, vector<16xi32>,
          "tpu.region"() ({
            %run_scoped3A = tpu.sem_alloc : memref<!tpu.dma_semaphore, #tpu.memory_space<semaphore_mem>>
            %dma_start3A_831 = arith.constant 0 : i32
            %dma_start3A_832 = tpu.memref_slice %arg12[%dma_start3A_831] : memref<32768xf32, #tpu.memory_space<vmem_shared>> -> memref<32768xf32, #tpu.memory_space<vmem_shared>>
            tpu.enqueue_indirect_dma source(%arg9 : memref<32xf32, #tpu.memory_space<vmem>>) target(%dma_start3A_832 : memref<32768xf32, #tpu.memory_space<vmem_shared>>) offsets(%arg10 : memref<32xi32, #tpu.memory_space<vmem>>) semaphore(%run_scoped3A : memref<!tpu.dma_semaphore, #tpu.memory_space<semaphore_mem>>) {add = true}
            %dma_wait3A_833 = arith.constant 0 : i32
            %dma_wait3A_834 = tpu.memref_slice %arg12[%dma_wait3A_833] : memref<32768xf32, #tpu.memory_space<vmem_shared>> -> memref<32768xf32, #tpu.memory_space<vmem_shared>>
            tpu.wait_indirect_dma semaphore(%run_scoped3A : memref<!tpu.dma_semaphore, #tpu.memory_space<semaphore_mem>>) src(%arg9 : memref<32xf32, #tpu.memory_space<vmem>>) dst(%dma_wait3A_834 : memref<32768xf32, #tpu.memory_space<vmem_shared>>)
            tpu.yield
          }) : () -> ()
        } else {
        }
        %broadcast_in_dim3A_223 = vector.broadcast %ne3A_219 : i1 to vector<16xi1>
        %select_n3A_224 = arith.select %broadcast_in_dim3A_223, %broadcast_in_dim3A_40, %select_n3A_208 : vector<16xi1>, vector<16xf32>
        %select_n3A_225 = arith.select %broadcast_in_dim3A_223, %broadcast_in_dim3A_40, %add3A_213 : vector<16xi1>, vector<16xf32>
        %jit3A_226 = arith.constant 0 : i32
        %select_n3A_227 = arith.select %ne3A_219, %jit3A_226, %add3A_215 : i32
        %add3A_228 = arith.constant 2 : i32
        %add3A_229 = arith.addi %add3A_92, %add3A_228 : i32
        %mul3A_230 = arith.constant 16 : i32
        %mul3A_231 = arith.muli %add3A_229, %mul3A_230 : i32
        %get3A_232 = arith.index_cast %mul3A_231 : i32 to index
        %get3A_233 = tpu.vector_load %arg8[%get3A_232] {strides = array<i32>} : memref<50176xi32, #tpu.memory_space<vmem>>, vector<16xi32>,
        %ne3A_234 = arith.constant 0 : i32
        %ne3A_235 = vector.broadcast %ne3A_234 : i32 to vector<16xi32>
        %ne3A_236 = arith.cmpi ne, %get3A_233, %ne3A_235 : vector<16xi32>
        %broadcast_in_dim3A_237 = arith.constant 2 : i32
        %broadcast_in_dim3A_238 = vector.broadcast %broadcast_in_dim3A_237 : i32 to vector<16xi32>
        %lt3A_239 = arith.constant 0 : i32
        %lt3A_240 = vector.broadcast %lt3A_239 : i32 to vector<16xi32>
        %lt3A_241 = arith.cmpi slt, %broadcast_in_dim3A_238, %lt3A_240 : vector<16xi32>
        %add3A_242 = arith.constant 16 : i32
        %add3A_243 = vector.broadcast %add3A_242 : i32 to vector<16xi32>
        %add3A_244 = arith.addi %broadcast_in_dim3A_238, %add3A_243 : vector<16xi32>
        %select_n3A_245 = arith.select %lt3A_241, %add3A_244, %broadcast_in_dim3A_238 : vector<16xi1>, vector<16xi32>
        %broadcast_in_dim3A_246 = vector.shape_cast %select_n3A_245 : vector<16xi32> to vector<16x1xi32>
        %gather3A_247 = vector.shape_cast %broadcast_in_dim3A_246 : vector<16x1xi32> to vector<16xi32>
        %gather3A_248 = tpu.dynamic_gather %get3A_96[%gather3A_247] in [0] : vector<16xf32>, vector<16xi32> -> vector<16xf32>
        %add3A_249 = arith.addf %select_n3A_224, %gather3A_248 : vector<16xf32>
        %select_n3A_250 = arith.select %ne3A_236, %add3A_249, %select_n3A_224 : vector<16xi1>, vector<16xf32>
        %eq3A_251 = arith.constant 2 : i32
        %eq3A_252 = vector.broadcast %eq3A_251 : i32 to vector<16xi32>
        %eq3A_253 = arith.cmpi eq, %iota3A, %eq3A_252 : vector<16xi32>
        %select_n3A_254 = arith.select %eq3A_253, %add3A_129, %broadcast_in_dim3A_40 : vector<16xi1>, vector<16xf32>
        %add3A_255 = arith.addf %select_n3A_225, %select_n3A_254 : vector<16xf32>
        %add3A_256 = arith.constant 1 : i32
        %add3A_257 = arith.addi %select_n3A_227, %add3A_256 : i32
        %select_n3A_258 = arith.select %ne3A_219, %squeeze3A_218, %select_n3A_216 : i32
        %slice3A_259 = vector.extract_strided_slice %get3A_94 {offsets = [3], sizes = [1], strides = [1]} : vector<16xi32> to vector<1xi32>
        %squeeze3A_260 = vector.extract %slice3A_259[0] : i32 from vector<1xi32>
        %ne3A_261 = arith.cmpi ne, %squeeze3A_260, %select_n3A_258 : i32
        %convert_element_type3A_262 = arith.extui %ne3A_261 : i1 to i32
        %cond3A_263 = arith.constant 0 : i32
        %cond3A_264 = arith.cmpi ne, %convert_element_type3A_262, %cond3A_263 : i32
        scf.if %cond3A_264 {
          %mul3A_805 = arith.constant 32 : i32
          %mul3A_806 = arith.muli %select_n3A_258, %mul3A_805 : i32
          %reduce_sum3A_807 = arith.constant true
          %reduce_sum3A_808 = vector.broadcast %reduce_sum3A_807 : i1 to vector<16xi1>
          %reduce_sum3A_809 = tpu.scan <sum>, %add3A_255 masked %reduce_sum3A_808 : vector<16xf32>, vector<16xi1> -> vector<16xf32>
          %reduce_sum3A_810 = vector.extract %reduce_sum3A_809[15] : f32 from vector<16xf32>
          %broadcast_in_dim3A_811 = vector.broadcast %reduce_sum3A_810 : f32 to vector<16xf32>
          %select_n3A_812 = arith.select %eq3A_35, %broadcast_in_dim3A_811, %broadcast_in_dim3A_40 : vector<16xi1>, vector<16xf32>
          %convert_element_type3A_813 = arith.sitofp %add3A_257 : i32 to f32
          %broadcast_in_dim3A_814 = vector.broadcast %convert_element_type3A_813 : f32 to vector<16xf32>
          %select_n3A_815 = arith.select %eq3A_38, %broadcast_in_dim3A_814, %broadcast_in_dim3A_40 : vector<16xi1>, vector<16xf32>
          %add3A_816 = arith.addf %select_n3A_812, %select_n3A_815 : vector<16xf32>
          %swap3A_817 = arith.constant 0 : index
          %swap3A_818 = tpu.vector_load %arg9[%swap3A_817] {strides = array<i32>} : memref<32xf32, #tpu.memory_space<vmem>>, vector<16xf32>,
          tpu.vector_store %arg9[%swap3A_817], %select_n3A_250 {strides = array<i32>} : memref<32xf32, #tpu.memory_space<vmem>>, vector<16xf32>,
          %swap3A_819 = arith.constant 16 : index
          %swap3A_820 = tpu.vector_load %arg9[%swap3A_819] {strides = array<i32>} : memref<32xf32, #tpu.memory_space<vmem>>, vector<16xf32>,
          tpu.vector_store %arg9[%swap3A_819], %add3A_816 {strides = array<i32>} : memref<32xf32, #tpu.memory_space<vmem>>, vector<16xf32>,
          %add3A_821 = vector.broadcast %mul3A_806 : i32 to vector<16xi32>
          %add3A_822 = arith.addi %add3A_821, %iota3A : vector<16xi32>
          %swap3A_823 = arith.constant 0 : index
          %swap3A_824 = tpu.vector_load %arg10[%swap3A_823] {strides = array<i32>} : memref<32xi32, #tpu.memory_space<vmem>>, vector<16xi32>,
          tpu.vector_store %arg10[%swap3A_823], %add3A_822 {strides = array<i32>} : memref<32xi32, #tpu.memory_space<vmem>>, vector<16xi32>,
          %add3A_825 = arith.constant 16 : i32
          %add3A_826 = arith.addi %mul3A_806, %add3A_825 : i32
          %add3A_827 = vector.broadcast %add3A_826 : i32 to vector<16xi32>
          %add3A_828 = arith.addi %add3A_827, %iota3A : vector<16xi32>
          %swap3A_829 = arith.constant 16 : index
          %swap3A_830 = tpu.vector_load %arg10[%swap3A_829] {strides = array<i32>} : memref<32xi32, #tpu.memory_space<vmem>>, vector<16xi32>,
          tpu.vector_store %arg10[%swap3A_829], %add3A_828 {strides = array<i32>} : memref<32xi32, #tpu.memory_space<vmem>>, vector<16xi32>,
          "tpu.region"() ({
            %run_scoped3A = tpu.sem_alloc : memref<!tpu.dma_semaphore, #tpu.memory_space<semaphore_mem>>
            %dma_start3A_831 = arith.constant 0 : i32
            %dma_start3A_832 = tpu.memref_slice %arg12[%dma_start3A_831] : memref<32768xf32, #tpu.memory_space<vmem_shared>> -> memref<32768xf32, #tpu.memory_space<vmem_shared>>
            tpu.enqueue_indirect_dma source(%arg9 : memref<32xf32, #tpu.memory_space<vmem>>) target(%dma_start3A_832 : memref<32768xf32, #tpu.memory_space<vmem_shared>>) offsets(%arg10 : memref<32xi32, #tpu.memory_space<vmem>>) semaphore(%run_scoped3A : memref<!tpu.dma_semaphore, #tpu.memory_space<semaphore_mem>>) {add = true}
            %dma_wait3A_833 = arith.constant 0 : i32
            %dma_wait3A_834 = tpu.memref_slice %arg12[%dma_wait3A_833] : memref<32768xf32, #tpu.memory_space<vmem_shared>> -> memref<32768xf32, #tpu.memory_space<vmem_shared>>
            tpu.wait_indirect_dma semaphore(%run_scoped3A : memref<!tpu.dma_semaphore, #tpu.memory_space<semaphore_mem>>) src(%arg9 : memref<32xf32, #tpu.memory_space<vmem>>) dst(%dma_wait3A_834 : memref<32768xf32, #tpu.memory_space<vmem_shared>>)
            tpu.yield
          }) : () -> ()
        } else {
        }
        %broadcast_in_dim3A_265 = vector.broadcast %ne3A_261 : i1 to vector<16xi1>
        %select_n3A_266 = arith.select %broadcast_in_dim3A_265, %broadcast_in_dim3A_40, %select_n3A_250 : vector<16xi1>, vector<16xf32>
        %select_n3A_267 = arith.select %broadcast_in_dim3A_265, %broadcast_in_dim3A_40, %add3A_255 : vector<16xi1>, vector<16xf32>
        %jit3A_268 = arith.constant 0 : i32
        %select_n3A_269 = arith.select %ne3A_261, %jit3A_268, %add3A_257 : i32
        %add3A_270 = arith.constant 3 : i32
        %add3A_271 = arith.addi %add3A_92, %add3A_270 : i32
        %mul3A_272 = arith.constant 16 : i32
        %mul3A_273 = arith.muli %add3A_271, %mul3A_272 : i32
        %get3A_274 = arith.index_cast %mul3A_273 : i32 to index
        %get3A_275 = tpu.vector_load %arg8[%get3A_274] {strides = array<i32>} : memref<50176xi32, #tpu.memory_space<vmem>>, vector<16xi32>,
        %ne3A_276 = arith.constant 0 : i32
        %ne3A_277 = vector.broadcast %ne3A_276 : i32 to vector<16xi32>
        %ne3A_278 = arith.cmpi ne, %get3A_275, %ne3A_277 : vector<16xi32>
        %broadcast_in_dim3A_279 = arith.constant 3 : i32
        %broadcast_in_dim3A_280 = vector.broadcast %broadcast_in_dim3A_279 : i32 to vector<16xi32>
        %lt3A_281 = arith.constant 0 : i32
        %lt3A_282 = vector.broadcast %lt3A_281 : i32 to vector<16xi32>
        %lt3A_283 = arith.cmpi slt, %broadcast_in_dim3A_280, %lt3A_282 : vector<16xi32>
        %add3A_284 = arith.constant 16 : i32
        %add3A_285 = vector.broadcast %add3A_284 : i32 to vector<16xi32>
        %add3A_286 = arith.addi %broadcast_in_dim3A_280, %add3A_285 : vector<16xi32>
        %select_n3A_287 = arith.select %lt3A_283, %add3A_286, %broadcast_in_dim3A_280 : vector<16xi1>, vector<16xi32>
        %broadcast_in_dim3A_288 = vector.shape_cast %select_n3A_287 : vector<16xi32> to vector<16x1xi32>
        %gather3A_289 = vector.shape_cast %broadcast_in_dim3A_288 : vector<16x1xi32> to vector<16xi32>
        %gather3A_290 = tpu.dynamic_gather %get3A_96[%gather3A_289] in [0] : vector<16xf32>, vector<16xi32> -> vector<16xf32>
        %add3A_291 = arith.addf %select_n3A_266, %gather3A_290 : vector<16xf32>
        %select_n3A_292 = arith.select %ne3A_278, %add3A_291, %select_n3A_266 : vector<16xi1>, vector<16xf32>
        %eq3A_293 = arith.constant 3 : i32
        %eq3A_294 = vector.broadcast %eq3A_293 : i32 to vector<16xi32>
        %eq3A_295 = arith.cmpi eq, %iota3A, %eq3A_294 : vector<16xi32>
        %select_n3A_296 = arith.select %eq3A_295, %add3A_129, %broadcast_in_dim3A_40 : vector<16xi1>, vector<16xf32>
        %add3A_297 = arith.addf %select_n3A_267, %select_n3A_296 : vector<16xf32>
        %add3A_298 = arith.constant 1 : i32
        %add3A_299 = arith.addi %select_n3A_269, %add3A_298 : i32
        %select_n3A_300 = arith.select %ne3A_261, %squeeze3A_260, %select_n3A_258 : i32
        %slice3A_301 = vector.extract_strided_slice %get3A_94 {offsets = [4], sizes = [1], strides = [1]} : vector<16xi32> to vector<1xi32>
        %squeeze3A_302 = vector.extract %slice3A_301[0] : i32 from vector<1xi32>
        %ne3A_303 = arith.cmpi ne, %squeeze3A_302, %select_n3A_300 : i32
        %convert_element_type3A_304 = arith.extui %ne3A_303 : i1 to i32
        %cond3A_305 = arith.constant 0 : i32
        %cond3A_306 = arith.cmpi ne, %convert_element_type3A_304, %cond3A_305 : i32
        scf.if %cond3A_306 {
          %mul3A_805 = arith.constant 32 : i32
          %mul3A_806 = arith.muli %select_n3A_300, %mul3A_805 : i32
          %reduce_sum3A_807 = arith.constant true
          %reduce_sum3A_808 = vector.broadcast %reduce_sum3A_807 : i1 to vector<16xi1>
          %reduce_sum3A_809 = tpu.scan <sum>, %add3A_297 masked %reduce_sum3A_808 : vector<16xf32>, vector<16xi1> -> vector<16xf32>
          %reduce_sum3A_810 = vector.extract %reduce_sum3A_809[15] : f32 from vector<16xf32>
          %broadcast_in_dim3A_811 = vector.broadcast %reduce_sum3A_810 : f32 to vector<16xf32>
          %select_n3A_812 = arith.select %eq3A_35, %broadcast_in_dim3A_811, %broadcast_in_dim3A_40 : vector<16xi1>, vector<16xf32>
          %convert_element_type3A_813 = arith.sitofp %add3A_299 : i32 to f32
          %broadcast_in_dim3A_814 = vector.broadcast %convert_element_type3A_813 : f32 to vector<16xf32>
          %select_n3A_815 = arith.select %eq3A_38, %broadcast_in_dim3A_814, %broadcast_in_dim3A_40 : vector<16xi1>, vector<16xf32>
          %add3A_816 = arith.addf %select_n3A_812, %select_n3A_815 : vector<16xf32>
          %swap3A_817 = arith.constant 0 : index
          %swap3A_818 = tpu.vector_load %arg9[%swap3A_817] {strides = array<i32>} : memref<32xf32, #tpu.memory_space<vmem>>, vector<16xf32>,
          tpu.vector_store %arg9[%swap3A_817], %select_n3A_292 {strides = array<i32>} : memref<32xf32, #tpu.memory_space<vmem>>, vector<16xf32>,
          %swap3A_819 = arith.constant 16 : index
          %swap3A_820 = tpu.vector_load %arg9[%swap3A_819] {strides = array<i32>} : memref<32xf32, #tpu.memory_space<vmem>>, vector<16xf32>,
          tpu.vector_store %arg9[%swap3A_819], %add3A_816 {strides = array<i32>} : memref<32xf32, #tpu.memory_space<vmem>>, vector<16xf32>,
          %add3A_821 = vector.broadcast %mul3A_806 : i32 to vector<16xi32>
          %add3A_822 = arith.addi %add3A_821, %iota3A : vector<16xi32>
          %swap3A_823 = arith.constant 0 : index
          %swap3A_824 = tpu.vector_load %arg10[%swap3A_823] {strides = array<i32>} : memref<32xi32, #tpu.memory_space<vmem>>, vector<16xi32>,
          tpu.vector_store %arg10[%swap3A_823], %add3A_822 {strides = array<i32>} : memref<32xi32, #tpu.memory_space<vmem>>, vector<16xi32>,
          %add3A_825 = arith.constant 16 : i32
          %add3A_826 = arith.addi %mul3A_806, %add3A_825 : i32
          %add3A_827 = vector.broadcast %add3A_826 : i32 to vector<16xi32>
          %add3A_828 = arith.addi %add3A_827, %iota3A : vector<16xi32>
          %swap3A_829 = arith.constant 16 : index
          %swap3A_830 = tpu.vector_load %arg10[%swap3A_829] {strides = array<i32>} : memref<32xi32, #tpu.memory_space<vmem>>, vector<16xi32>,
          tpu.vector_store %arg10[%swap3A_829], %add3A_828 {strides = array<i32>} : memref<32xi32, #tpu.memory_space<vmem>>, vector<16xi32>,
          "tpu.region"() ({
            %run_scoped3A = tpu.sem_alloc : memref<!tpu.dma_semaphore, #tpu.memory_space<semaphore_mem>>
            %dma_start3A_831 = arith.constant 0 : i32
            %dma_start3A_832 = tpu.memref_slice %arg12[%dma_start3A_831] : memref<32768xf32, #tpu.memory_space<vmem_shared>> -> memref<32768xf32, #tpu.memory_space<vmem_shared>>
            tpu.enqueue_indirect_dma source(%arg9 : memref<32xf32, #tpu.memory_space<vmem>>) target(%dma_start3A_832 : memref<32768xf32, #tpu.memory_space<vmem_shared>>) offsets(%arg10 : memref<32xi32, #tpu.memory_space<vmem>>) semaphore(%run_scoped3A : memref<!tpu.dma_semaphore, #tpu.memory_space<semaphore_mem>>) {add = true}
            %dma_wait3A_833 = arith.constant 0 : i32
            %dma_wait3A_834 = tpu.memref_slice %arg12[%dma_wait3A_833] : memref<32768xf32, #tpu.memory_space<vmem_shared>> -> memref<32768xf32, #tpu.memory_space<vmem_shared>>
            tpu.wait_indirect_dma semaphore(%run_scoped3A : memref<!tpu.dma_semaphore, #tpu.memory_space<semaphore_mem>>) src(%arg9 : memref<32xf32, #tpu.memory_space<vmem>>) dst(%dma_wait3A_834 : memref<32768xf32, #tpu.memory_space<vmem_shared>>)
            tpu.yield
          }) : () -> ()
        } else {
        }
        %broadcast_in_dim3A_307 = vector.broadcast %ne3A_303 : i1 to vector<16xi1>
        %select_n3A_308 = arith.select %broadcast_in_dim3A_307, %broadcast_in_dim3A_40, %select_n3A_292 : vector<16xi1>, vector<16xf32>
        %select_n3A_309 = arith.select %broadcast_in_dim3A_307, %broadcast_in_dim3A_40, %add3A_297 : vector<16xi1>, vector<16xf32>
        %jit3A_310 = arith.constant 0 : i32
        %select_n3A_311 = arith.select %ne3A_303, %jit3A_310, %add3A_299 : i32
        %add3A_312 = arith.constant 4 : i32
        %add3A_313 = arith.addi %add3A_92, %add3A_312 : i32
        %mul3A_314 = arith.constant 16 : i32
        %mul3A_315 = arith.muli %add3A_313, %mul3A_314 : i32
        %get3A_316 = arith.index_cast %mul3A_315 : i32 to index
        %get3A_317 = tpu.vector_load %arg8[%get3A_316] {strides = array<i32>} : memref<50176xi32, #tpu.memory_space<vmem>>, vector<16xi32>,
        %ne3A_318 = arith.constant 0 : i32
        %ne3A_319 = vector.broadcast %ne3A_318 : i32 to vector<16xi32>
        %ne3A_320 = arith.cmpi ne, %get3A_317, %ne3A_319 : vector<16xi32>
        %broadcast_in_dim3A_321 = arith.constant 4 : i32
        %broadcast_in_dim3A_322 = vector.broadcast %broadcast_in_dim3A_321 : i32 to vector<16xi32>
        %lt3A_323 = arith.constant 0 : i32
        %lt3A_324 = vector.broadcast %lt3A_323 : i32 to vector<16xi32>
        %lt3A_325 = arith.cmpi slt, %broadcast_in_dim3A_322, %lt3A_324 : vector<16xi32>
        %add3A_326 = arith.constant 16 : i32
        %add3A_327 = vector.broadcast %add3A_326 : i32 to vector<16xi32>
        %add3A_328 = arith.addi %broadcast_in_dim3A_322, %add3A_327 : vector<16xi32>
        %select_n3A_329 = arith.select %lt3A_325, %add3A_328, %broadcast_in_dim3A_322 : vector<16xi1>, vector<16xi32>
        %broadcast_in_dim3A_330 = vector.shape_cast %select_n3A_329 : vector<16xi32> to vector<16x1xi32>
        %gather3A_331 = vector.shape_cast %broadcast_in_dim3A_330 : vector<16x1xi32> to vector<16xi32>
        %gather3A_332 = tpu.dynamic_gather %get3A_96[%gather3A_331] in [0] : vector<16xf32>, vector<16xi32> -> vector<16xf32>
        %add3A_333 = arith.addf %select_n3A_308, %gather3A_332 : vector<16xf32>
        %select_n3A_334 = arith.select %ne3A_320, %add3A_333, %select_n3A_308 : vector<16xi1>, vector<16xf32>
        %eq3A_335 = arith.constant 4 : i32
        %eq3A_336 = vector.broadcast %eq3A_335 : i32 to vector<16xi32>
        %eq3A_337 = arith.cmpi eq, %iota3A, %eq3A_336 : vector<16xi32>
        %select_n3A_338 = arith.select %eq3A_337, %add3A_129, %broadcast_in_dim3A_40 : vector<16xi1>, vector<16xf32>
        %add3A_339 = arith.addf %select_n3A_309, %select_n3A_338 : vector<16xf32>
        %add3A_340 = arith.constant 1 : i32
        %add3A_341 = arith.addi %select_n3A_311, %add3A_340 : i32
        %select_n3A_342 = arith.select %ne3A_303, %squeeze3A_302, %select_n3A_300 : i32
        %slice3A_343 = vector.extract_strided_slice %get3A_94 {offsets = [5], sizes = [1], strides = [1]} : vector<16xi32> to vector<1xi32>
        %squeeze3A_344 = vector.extract %slice3A_343[0] : i32 from vector<1xi32>
        %ne3A_345 = arith.cmpi ne, %squeeze3A_344, %select_n3A_342 : i32
        %convert_element_type3A_346 = arith.extui %ne3A_345 : i1 to i32
        %cond3A_347 = arith.constant 0 : i32
        %cond3A_348 = arith.cmpi ne, %convert_element_type3A_346, %cond3A_347 : i32
        scf.if %cond3A_348 {
          %mul3A_805 = arith.constant 32 : i32
          %mul3A_806 = arith.muli %select_n3A_342, %mul3A_805 : i32
          %reduce_sum3A_807 = arith.constant true
          %reduce_sum3A_808 = vector.broadcast %reduce_sum3A_807 : i1 to vector<16xi1>
          %reduce_sum3A_809 = tpu.scan <sum>, %add3A_339 masked %reduce_sum3A_808 : vector<16xf32>, vector<16xi1> -> vector<16xf32>
          %reduce_sum3A_810 = vector.extract %reduce_sum3A_809[15] : f32 from vector<16xf32>
          %broadcast_in_dim3A_811 = vector.broadcast %reduce_sum3A_810 : f32 to vector<16xf32>
          %select_n3A_812 = arith.select %eq3A_35, %broadcast_in_dim3A_811, %broadcast_in_dim3A_40 : vector<16xi1>, vector<16xf32>
          %convert_element_type3A_813 = arith.sitofp %add3A_341 : i32 to f32
          %broadcast_in_dim3A_814 = vector.broadcast %convert_element_type3A_813 : f32 to vector<16xf32>
          %select_n3A_815 = arith.select %eq3A_38, %broadcast_in_dim3A_814, %broadcast_in_dim3A_40 : vector<16xi1>, vector<16xf32>
          %add3A_816 = arith.addf %select_n3A_812, %select_n3A_815 : vector<16xf32>
          %swap3A_817 = arith.constant 0 : index
          %swap3A_818 = tpu.vector_load %arg9[%swap3A_817] {strides = array<i32>} : memref<32xf32, #tpu.memory_space<vmem>>, vector<16xf32>,
          tpu.vector_store %arg9[%swap3A_817], %select_n3A_334 {strides = array<i32>} : memref<32xf32, #tpu.memory_space<vmem>>, vector<16xf32>,
          %swap3A_819 = arith.constant 16 : index
          %swap3A_820 = tpu.vector_load %arg9[%swap3A_819] {strides = array<i32>} : memref<32xf32, #tpu.memory_space<vmem>>, vector<16xf32>,
          tpu.vector_store %arg9[%swap3A_819], %add3A_816 {strides = array<i32>} : memref<32xf32, #tpu.memory_space<vmem>>, vector<16xf32>,
          %add3A_821 = vector.broadcast %mul3A_806 : i32 to vector<16xi32>
          %add3A_822 = arith.addi %add3A_821, %iota3A : vector<16xi32>
          %swap3A_823 = arith.constant 0 : index
          %swap3A_824 = tpu.vector_load %arg10[%swap3A_823] {strides = array<i32>} : memref<32xi32, #tpu.memory_space<vmem>>, vector<16xi32>,
          tpu.vector_store %arg10[%swap3A_823], %add3A_822 {strides = array<i32>} : memref<32xi32, #tpu.memory_space<vmem>>, vector<16xi32>,
          %add3A_825 = arith.constant 16 : i32
          %add3A_826 = arith.addi %mul3A_806, %add3A_825 : i32
          %add3A_827 = vector.broadcast %add3A_826 : i32 to vector<16xi32>
          %add3A_828 = arith.addi %add3A_827, %iota3A : vector<16xi32>
          %swap3A_829 = arith.constant 16 : index
          %swap3A_830 = tpu.vector_load %arg10[%swap3A_829] {strides = array<i32>} : memref<32xi32, #tpu.memory_space<vmem>>, vector<16xi32>,
          tpu.vector_store %arg10[%swap3A_829], %add3A_828 {strides = array<i32>} : memref<32xi32, #tpu.memory_space<vmem>>, vector<16xi32>,
          "tpu.region"() ({
            %run_scoped3A = tpu.sem_alloc : memref<!tpu.dma_semaphore, #tpu.memory_space<semaphore_mem>>
            %dma_start3A_831 = arith.constant 0 : i32
            %dma_start3A_832 = tpu.memref_slice %arg12[%dma_start3A_831] : memref<32768xf32, #tpu.memory_space<vmem_shared>> -> memref<32768xf32, #tpu.memory_space<vmem_shared>>
            tpu.enqueue_indirect_dma source(%arg9 : memref<32xf32, #tpu.memory_space<vmem>>) target(%dma_start3A_832 : memref<32768xf32, #tpu.memory_space<vmem_shared>>) offsets(%arg10 : memref<32xi32, #tpu.memory_space<vmem>>) semaphore(%run_scoped3A : memref<!tpu.dma_semaphore, #tpu.memory_space<semaphore_mem>>) {add = true}
            %dma_wait3A_833 = arith.constant 0 : i32
            %dma_wait3A_834 = tpu.memref_slice %arg12[%dma_wait3A_833] : memref<32768xf32, #tpu.memory_space<vmem_shared>> -> memref<32768xf32, #tpu.memory_space<vmem_shared>>
            tpu.wait_indirect_dma semaphore(%run_scoped3A : memref<!tpu.dma_semaphore, #tpu.memory_space<semaphore_mem>>) src(%arg9 : memref<32xf32, #tpu.memory_space<vmem>>) dst(%dma_wait3A_834 : memref<32768xf32, #tpu.memory_space<vmem_shared>>)
            tpu.yield
          }) : () -> ()
        } else {
        }
        %broadcast_in_dim3A_349 = vector.broadcast %ne3A_345 : i1 to vector<16xi1>
        %select_n3A_350 = arith.select %broadcast_in_dim3A_349, %broadcast_in_dim3A_40, %select_n3A_334 : vector<16xi1>, vector<16xf32>
        %select_n3A_351 = arith.select %broadcast_in_dim3A_349, %broadcast_in_dim3A_40, %add3A_339 : vector<16xi1>, vector<16xf32>
        %jit3A_352 = arith.constant 0 : i32
        %select_n3A_353 = arith.select %ne3A_345, %jit3A_352, %add3A_341 : i32
        %add3A_354 = arith.constant 5 : i32
        %add3A_355 = arith.addi %add3A_92, %add3A_354 : i32
        %mul3A_356 = arith.constant 16 : i32
        %mul3A_357 = arith.muli %add3A_355, %mul3A_356 : i32
        %get3A_358 = arith.index_cast %mul3A_357 : i32 to index
        %get3A_359 = tpu.vector_load %arg8[%get3A_358] {strides = array<i32>} : memref<50176xi32, #tpu.memory_space<vmem>>, vector<16xi32>,
        %ne3A_360 = arith.constant 0 : i32
        %ne3A_361 = vector.broadcast %ne3A_360 : i32 to vector<16xi32>
        %ne3A_362 = arith.cmpi ne, %get3A_359, %ne3A_361 : vector<16xi32>
        %broadcast_in_dim3A_363 = arith.constant 5 : i32
        %broadcast_in_dim3A_364 = vector.broadcast %broadcast_in_dim3A_363 : i32 to vector<16xi32>
        %lt3A_365 = arith.constant 0 : i32
        %lt3A_366 = vector.broadcast %lt3A_365 : i32 to vector<16xi32>
        %lt3A_367 = arith.cmpi slt, %broadcast_in_dim3A_364, %lt3A_366 : vector<16xi32>
        %add3A_368 = arith.constant 16 : i32
        %add3A_369 = vector.broadcast %add3A_368 : i32 to vector<16xi32>
        %add3A_370 = arith.addi %broadcast_in_dim3A_364, %add3A_369 : vector<16xi32>
        %select_n3A_371 = arith.select %lt3A_367, %add3A_370, %broadcast_in_dim3A_364 : vector<16xi1>, vector<16xi32>
        %broadcast_in_dim3A_372 = vector.shape_cast %select_n3A_371 : vector<16xi32> to vector<16x1xi32>
        %gather3A_373 = vector.shape_cast %broadcast_in_dim3A_372 : vector<16x1xi32> to vector<16xi32>
        %gather3A_374 = tpu.dynamic_gather %get3A_96[%gather3A_373] in [0] : vector<16xf32>, vector<16xi32> -> vector<16xf32>
        %add3A_375 = arith.addf %select_n3A_350, %gather3A_374 : vector<16xf32>
        %select_n3A_376 = arith.select %ne3A_362, %add3A_375, %select_n3A_350 : vector<16xi1>, vector<16xf32>
        %eq3A_377 = arith.constant 5 : i32
        %eq3A_378 = vector.broadcast %eq3A_377 : i32 to vector<16xi32>
        %eq3A_379 = arith.cmpi eq, %iota3A, %eq3A_378 : vector<16xi32>
        %select_n3A_380 = arith.select %eq3A_379, %add3A_129, %broadcast_in_dim3A_40 : vector<16xi1>, vector<16xf32>
        %add3A_381 = arith.addf %select_n3A_351, %select_n3A_380 : vector<16xf32>
        %add3A_382 = arith.constant 1 : i32
        %add3A_383 = arith.addi %select_n3A_353, %add3A_382 : i32
        %select_n3A_384 = arith.select %ne3A_345, %squeeze3A_344, %select_n3A_342 : i32
        %slice3A_385 = vector.extract_strided_slice %get3A_94 {offsets = [6], sizes = [1], strides = [1]} : vector<16xi32> to vector<1xi32>
        %squeeze3A_386 = vector.extract %slice3A_385[0] : i32 from vector<1xi32>
        %ne3A_387 = arith.cmpi ne, %squeeze3A_386, %select_n3A_384 : i32
        %convert_element_type3A_388 = arith.extui %ne3A_387 : i1 to i32
        %cond3A_389 = arith.constant 0 : i32
        %cond3A_390 = arith.cmpi ne, %convert_element_type3A_388, %cond3A_389 : i32
        scf.if %cond3A_390 {
          %mul3A_805 = arith.constant 32 : i32
          %mul3A_806 = arith.muli %select_n3A_384, %mul3A_805 : i32
          %reduce_sum3A_807 = arith.constant true
          %reduce_sum3A_808 = vector.broadcast %reduce_sum3A_807 : i1 to vector<16xi1>
          %reduce_sum3A_809 = tpu.scan <sum>, %add3A_381 masked %reduce_sum3A_808 : vector<16xf32>, vector<16xi1> -> vector<16xf32>
          %reduce_sum3A_810 = vector.extract %reduce_sum3A_809[15] : f32 from vector<16xf32>
          %broadcast_in_dim3A_811 = vector.broadcast %reduce_sum3A_810 : f32 to vector<16xf32>
          %select_n3A_812 = arith.select %eq3A_35, %broadcast_in_dim3A_811, %broadcast_in_dim3A_40 : vector<16xi1>, vector<16xf32>
          %convert_element_type3A_813 = arith.sitofp %add3A_383 : i32 to f32
          %broadcast_in_dim3A_814 = vector.broadcast %convert_element_type3A_813 : f32 to vector<16xf32>
          %select_n3A_815 = arith.select %eq3A_38, %broadcast_in_dim3A_814, %broadcast_in_dim3A_40 : vector<16xi1>, vector<16xf32>
          %add3A_816 = arith.addf %select_n3A_812, %select_n3A_815 : vector<16xf32>
          %swap3A_817 = arith.constant 0 : index
          %swap3A_818 = tpu.vector_load %arg9[%swap3A_817] {strides = array<i32>} : memref<32xf32, #tpu.memory_space<vmem>>, vector<16xf32>,
          tpu.vector_store %arg9[%swap3A_817], %select_n3A_376 {strides = array<i32>} : memref<32xf32, #tpu.memory_space<vmem>>, vector<16xf32>,
          %swap3A_819 = arith.constant 16 : index
          %swap3A_820 = tpu.vector_load %arg9[%swap3A_819] {strides = array<i32>} : memref<32xf32, #tpu.memory_space<vmem>>, vector<16xf32>,
          tpu.vector_store %arg9[%swap3A_819], %add3A_816 {strides = array<i32>} : memref<32xf32, #tpu.memory_space<vmem>>, vector<16xf32>,
          %add3A_821 = vector.broadcast %mul3A_806 : i32 to vector<16xi32>
          %add3A_822 = arith.addi %add3A_821, %iota3A : vector<16xi32>
          %swap3A_823 = arith.constant 0 : index
          %swap3A_824 = tpu.vector_load %arg10[%swap3A_823] {strides = array<i32>} : memref<32xi32, #tpu.memory_space<vmem>>, vector<16xi32>,
          tpu.vector_store %arg10[%swap3A_823], %add3A_822 {strides = array<i32>} : memref<32xi32, #tpu.memory_space<vmem>>, vector<16xi32>,
          %add3A_825 = arith.constant 16 : i32
          %add3A_826 = arith.addi %mul3A_806, %add3A_825 : i32
          %add3A_827 = vector.broadcast %add3A_826 : i32 to vector<16xi32>
          %add3A_828 = arith.addi %add3A_827, %iota3A : vector<16xi32>
          %swap3A_829 = arith.constant 16 : index
          %swap3A_830 = tpu.vector_load %arg10[%swap3A_829] {strides = array<i32>} : memref<32xi32, #tpu.memory_space<vmem>>, vector<16xi32>,
          tpu.vector_store %arg10[%swap3A_829], %add3A_828 {strides = array<i32>} : memref<32xi32, #tpu.memory_space<vmem>>, vector<16xi32>,
          "tpu.region"() ({
            %run_scoped3A = tpu.sem_alloc : memref<!tpu.dma_semaphore, #tpu.memory_space<semaphore_mem>>
            %dma_start3A_831 = arith.constant 0 : i32
            %dma_start3A_832 = tpu.memref_slice %arg12[%dma_start3A_831] : memref<32768xf32, #tpu.memory_space<vmem_shared>> -> memref<32768xf32, #tpu.memory_space<vmem_shared>>
            tpu.enqueue_indirect_dma source(%arg9 : memref<32xf32, #tpu.memory_space<vmem>>) target(%dma_start3A_832 : memref<32768xf32, #tpu.memory_space<vmem_shared>>) offsets(%arg10 : memref<32xi32, #tpu.memory_space<vmem>>) semaphore(%run_scoped3A : memref<!tpu.dma_semaphore, #tpu.memory_space<semaphore_mem>>) {add = true}
            %dma_wait3A_833 = arith.constant 0 : i32
            %dma_wait3A_834 = tpu.memref_slice %arg12[%dma_wait3A_833] : memref<32768xf32, #tpu.memory_space<vmem_shared>> -> memref<32768xf32, #tpu.memory_space<vmem_shared>>
            tpu.wait_indirect_dma semaphore(%run_scoped3A : memref<!tpu.dma_semaphore, #tpu.memory_space<semaphore_mem>>) src(%arg9 : memref<32xf32, #tpu.memory_space<vmem>>) dst(%dma_wait3A_834 : memref<32768xf32, #tpu.memory_space<vmem_shared>>)
            tpu.yield
          }) : () -> ()
        } else {
        }
        %broadcast_in_dim3A_391 = vector.broadcast %ne3A_387 : i1 to vector<16xi1>
        %select_n3A_392 = arith.select %broadcast_in_dim3A_391, %broadcast_in_dim3A_40, %select_n3A_376 : vector<16xi1>, vector<16xf32>
        %select_n3A_393 = arith.select %broadcast_in_dim3A_391, %broadcast_in_dim3A_40, %add3A_381 : vector<16xi1>, vector<16xf32>
        %jit3A_394 = arith.constant 0 : i32
        %select_n3A_395 = arith.select %ne3A_387, %jit3A_394, %add3A_383 : i32
        %add3A_396 = arith.constant 6 : i32
        %add3A_397 = arith.addi %add3A_92, %add3A_396 : i32
        %mul3A_398 = arith.constant 16 : i32
        %mul3A_399 = arith.muli %add3A_397, %mul3A_398 : i32
        %get3A_400 = arith.index_cast %mul3A_399 : i32 to index
        %get3A_401 = tpu.vector_load %arg8[%get3A_400] {strides = array<i32>} : memref<50176xi32, #tpu.memory_space<vmem>>, vector<16xi32>,
        %ne3A_402 = arith.constant 0 : i32
        %ne3A_403 = vector.broadcast %ne3A_402 : i32 to vector<16xi32>
        %ne3A_404 = arith.cmpi ne, %get3A_401, %ne3A_403 : vector<16xi32>
        %broadcast_in_dim3A_405 = arith.constant 6 : i32
        %broadcast_in_dim3A_406 = vector.broadcast %broadcast_in_dim3A_405 : i32 to vector<16xi32>
        %lt3A_407 = arith.constant 0 : i32
        %lt3A_408 = vector.broadcast %lt3A_407 : i32 to vector<16xi32>
        %lt3A_409 = arith.cmpi slt, %broadcast_in_dim3A_406, %lt3A_408 : vector<16xi32>
        %add3A_410 = arith.constant 16 : i32
        %add3A_411 = vector.broadcast %add3A_410 : i32 to vector<16xi32>
        %add3A_412 = arith.addi %broadcast_in_dim3A_406, %add3A_411 : vector<16xi32>
        %select_n3A_413 = arith.select %lt3A_409, %add3A_412, %broadcast_in_dim3A_406 : vector<16xi1>, vector<16xi32>
        %broadcast_in_dim3A_414 = vector.shape_cast %select_n3A_413 : vector<16xi32> to vector<16x1xi32>
        %gather3A_415 = vector.shape_cast %broadcast_in_dim3A_414 : vector<16x1xi32> to vector<16xi32>
        %gather3A_416 = tpu.dynamic_gather %get3A_96[%gather3A_415] in [0] : vector<16xf32>, vector<16xi32> -> vector<16xf32>
        %add3A_417 = arith.addf %select_n3A_392, %gather3A_416 : vector<16xf32>
        %select_n3A_418 = arith.select %ne3A_404, %add3A_417, %select_n3A_392 : vector<16xi1>, vector<16xf32>
        %eq3A_419 = arith.constant 6 : i32
        %eq3A_420 = vector.broadcast %eq3A_419 : i32 to vector<16xi32>
        %eq3A_421 = arith.cmpi eq, %iota3A, %eq3A_420 : vector<16xi32>
        %select_n3A_422 = arith.select %eq3A_421, %add3A_129, %broadcast_in_dim3A_40 : vector<16xi1>, vector<16xf32>
        %add3A_423 = arith.addf %select_n3A_393, %select_n3A_422 : vector<16xf32>
        %add3A_424 = arith.constant 1 : i32
        %add3A_425 = arith.addi %select_n3A_395, %add3A_424 : i32
        %select_n3A_426 = arith.select %ne3A_387, %squeeze3A_386, %select_n3A_384 : i32
        %slice3A_427 = vector.extract_strided_slice %get3A_94 {offsets = [7], sizes = [1], strides = [1]} : vector<16xi32> to vector<1xi32>
        %squeeze3A_428 = vector.extract %slice3A_427[0] : i32 from vector<1xi32>
        %ne3A_429 = arith.cmpi ne, %squeeze3A_428, %select_n3A_426 : i32
        %convert_element_type3A_430 = arith.extui %ne3A_429 : i1 to i32
        %cond3A_431 = arith.constant 0 : i32
        %cond3A_432 = arith.cmpi ne, %convert_element_type3A_430, %cond3A_431 : i32
        scf.if %cond3A_432 {
          %mul3A_805 = arith.constant 32 : i32
          %mul3A_806 = arith.muli %select_n3A_426, %mul3A_805 : i32
          %reduce_sum3A_807 = arith.constant true
          %reduce_sum3A_808 = vector.broadcast %reduce_sum3A_807 : i1 to vector<16xi1>
          %reduce_sum3A_809 = tpu.scan <sum>, %add3A_423 masked %reduce_sum3A_808 : vector<16xf32>, vector<16xi1> -> vector<16xf32>
          %reduce_sum3A_810 = vector.extract %reduce_sum3A_809[15] : f32 from vector<16xf32>
          %broadcast_in_dim3A_811 = vector.broadcast %reduce_sum3A_810 : f32 to vector<16xf32>
          %select_n3A_812 = arith.select %eq3A_35, %broadcast_in_dim3A_811, %broadcast_in_dim3A_40 : vector<16xi1>, vector<16xf32>
          %convert_element_type3A_813 = arith.sitofp %add3A_425 : i32 to f32
          %broadcast_in_dim3A_814 = vector.broadcast %convert_element_type3A_813 : f32 to vector<16xf32>
          %select_n3A_815 = arith.select %eq3A_38, %broadcast_in_dim3A_814, %broadcast_in_dim3A_40 : vector<16xi1>, vector<16xf32>
          %add3A_816 = arith.addf %select_n3A_812, %select_n3A_815 : vector<16xf32>
          %swap3A_817 = arith.constant 0 : index
          %swap3A_818 = tpu.vector_load %arg9[%swap3A_817] {strides = array<i32>} : memref<32xf32, #tpu.memory_space<vmem>>, vector<16xf32>,
          tpu.vector_store %arg9[%swap3A_817], %select_n3A_418 {strides = array<i32>} : memref<32xf32, #tpu.memory_space<vmem>>, vector<16xf32>,
          %swap3A_819 = arith.constant 16 : index
          %swap3A_820 = tpu.vector_load %arg9[%swap3A_819] {strides = array<i32>} : memref<32xf32, #tpu.memory_space<vmem>>, vector<16xf32>,
          tpu.vector_store %arg9[%swap3A_819], %add3A_816 {strides = array<i32>} : memref<32xf32, #tpu.memory_space<vmem>>, vector<16xf32>,
          %add3A_821 = vector.broadcast %mul3A_806 : i32 to vector<16xi32>
          %add3A_822 = arith.addi %add3A_821, %iota3A : vector<16xi32>
          %swap3A_823 = arith.constant 0 : index
          %swap3A_824 = tpu.vector_load %arg10[%swap3A_823] {strides = array<i32>} : memref<32xi32, #tpu.memory_space<vmem>>, vector<16xi32>,
          tpu.vector_store %arg10[%swap3A_823], %add3A_822 {strides = array<i32>} : memref<32xi32, #tpu.memory_space<vmem>>, vector<16xi32>,
          %add3A_825 = arith.constant 16 : i32
          %add3A_826 = arith.addi %mul3A_806, %add3A_825 : i32
          %add3A_827 = vector.broadcast %add3A_826 : i32 to vector<16xi32>
          %add3A_828 = arith.addi %add3A_827, %iota3A : vector<16xi32>
          %swap3A_829 = arith.constant 16 : index
          %swap3A_830 = tpu.vector_load %arg10[%swap3A_829] {strides = array<i32>} : memref<32xi32, #tpu.memory_space<vmem>>, vector<16xi32>,
          tpu.vector_store %arg10[%swap3A_829], %add3A_828 {strides = array<i32>} : memref<32xi32, #tpu.memory_space<vmem>>, vector<16xi32>,
          "tpu.region"() ({
            %run_scoped3A = tpu.sem_alloc : memref<!tpu.dma_semaphore, #tpu.memory_space<semaphore_mem>>
            %dma_start3A_831 = arith.constant 0 : i32
            %dma_start3A_832 = tpu.memref_slice %arg12[%dma_start3A_831] : memref<32768xf32, #tpu.memory_space<vmem_shared>> -> memref<32768xf32, #tpu.memory_space<vmem_shared>>
            tpu.enqueue_indirect_dma source(%arg9 : memref<32xf32, #tpu.memory_space<vmem>>) target(%dma_start3A_832 : memref<32768xf32, #tpu.memory_space<vmem_shared>>) offsets(%arg10 : memref<32xi32, #tpu.memory_space<vmem>>) semaphore(%run_scoped3A : memref<!tpu.dma_semaphore, #tpu.memory_space<semaphore_mem>>) {add = true}
            %dma_wait3A_833 = arith.constant 0 : i32
            %dma_wait3A_834 = tpu.memref_slice %arg12[%dma_wait3A_833] : memref<32768xf32, #tpu.memory_space<vmem_shared>> -> memref<32768xf32, #tpu.memory_space<vmem_shared>>
            tpu.wait_indirect_dma semaphore(%run_scoped3A : memref<!tpu.dma_semaphore, #tpu.memory_space<semaphore_mem>>) src(%arg9 : memref<32xf32, #tpu.memory_space<vmem>>) dst(%dma_wait3A_834 : memref<32768xf32, #tpu.memory_space<vmem_shared>>)
            tpu.yield
          }) : () -> ()
        } else {
        }
        %broadcast_in_dim3A_433 = vector.broadcast %ne3A_429 : i1 to vector<16xi1>
        %select_n3A_434 = arith.select %broadcast_in_dim3A_433, %broadcast_in_dim3A_40, %select_n3A_418 : vector<16xi1>, vector<16xf32>
        %select_n3A_435 = arith.select %broadcast_in_dim3A_433, %broadcast_in_dim3A_40, %add3A_423 : vector<16xi1>, vector<16xf32>
        %jit3A_436 = arith.constant 0 : i32
        %select_n3A_437 = arith.select %ne3A_429, %jit3A_436, %add3A_425 : i32
        %add3A_438 = arith.constant 7 : i32
        %add3A_439 = arith.addi %add3A_92, %add3A_438 : i32
        %mul3A_440 = arith.constant 16 : i32
        %mul3A_441 = arith.muli %add3A_439, %mul3A_440 : i32
        %get3A_442 = arith.index_cast %mul3A_441 : i32 to index
        %get3A_443 = tpu.vector_load %arg8[%get3A_442] {strides = array<i32>} : memref<50176xi32, #tpu.memory_space<vmem>>, vector<16xi32>,
        %ne3A_444 = arith.constant 0 : i32
        %ne3A_445 = vector.broadcast %ne3A_444 : i32 to vector<16xi32>
        %ne3A_446 = arith.cmpi ne, %get3A_443, %ne3A_445 : vector<16xi32>
        %broadcast_in_dim3A_447 = arith.constant 7 : i32
        %broadcast_in_dim3A_448 = vector.broadcast %broadcast_in_dim3A_447 : i32 to vector<16xi32>
        %lt3A_449 = arith.constant 0 : i32
        %lt3A_450 = vector.broadcast %lt3A_449 : i32 to vector<16xi32>
        %lt3A_451 = arith.cmpi slt, %broadcast_in_dim3A_448, %lt3A_450 : vector<16xi32>
        %add3A_452 = arith.constant 16 : i32
        %add3A_453 = vector.broadcast %add3A_452 : i32 to vector<16xi32>
        %add3A_454 = arith.addi %broadcast_in_dim3A_448, %add3A_453 : vector<16xi32>
        %select_n3A_455 = arith.select %lt3A_451, %add3A_454, %broadcast_in_dim3A_448 : vector<16xi1>, vector<16xi32>
        %broadcast_in_dim3A_456 = vector.shape_cast %select_n3A_455 : vector<16xi32> to vector<16x1xi32>
        %gather3A_457 = vector.shape_cast %broadcast_in_dim3A_456 : vector<16x1xi32> to vector<16xi32>
        %gather3A_458 = tpu.dynamic_gather %get3A_96[%gather3A_457] in [0] : vector<16xf32>, vector<16xi32> -> vector<16xf32>
        %add3A_459 = arith.addf %select_n3A_434, %gather3A_458 : vector<16xf32>
        %select_n3A_460 = arith.select %ne3A_446, %add3A_459, %select_n3A_434 : vector<16xi1>, vector<16xf32>
        %eq3A_461 = arith.constant 7 : i32
        %eq3A_462 = vector.broadcast %eq3A_461 : i32 to vector<16xi32>
        %eq3A_463 = arith.cmpi eq, %iota3A, %eq3A_462 : vector<16xi32>
        %select_n3A_464 = arith.select %eq3A_463, %add3A_129, %broadcast_in_dim3A_40 : vector<16xi1>, vector<16xf32>
        %add3A_465 = arith.addf %select_n3A_435, %select_n3A_464 : vector<16xf32>
        %add3A_466 = arith.constant 1 : i32
        %add3A_467 = arith.addi %select_n3A_437, %add3A_466 : i32
        %select_n3A_468 = arith.select %ne3A_429, %squeeze3A_428, %select_n3A_426 : i32
        %slice3A_469 = vector.extract_strided_slice %get3A_94 {offsets = [8], sizes = [1], strides = [1]} : vector<16xi32> to vector<1xi32>
        %squeeze3A_470 = vector.extract %slice3A_469[0] : i32 from vector<1xi32>
        %ne3A_471 = arith.cmpi ne, %squeeze3A_470, %select_n3A_468 : i32
        %convert_element_type3A_472 = arith.extui %ne3A_471 : i1 to i32
        %cond3A_473 = arith.constant 0 : i32
        %cond3A_474 = arith.cmpi ne, %convert_element_type3A_472, %cond3A_473 : i32
        scf.if %cond3A_474 {
          %mul3A_805 = arith.constant 32 : i32
          %mul3A_806 = arith.muli %select_n3A_468, %mul3A_805 : i32
          %reduce_sum3A_807 = arith.constant true
          %reduce_sum3A_808 = vector.broadcast %reduce_sum3A_807 : i1 to vector<16xi1>
          %reduce_sum3A_809 = tpu.scan <sum>, %add3A_465 masked %reduce_sum3A_808 : vector<16xf32>, vector<16xi1> -> vector<16xf32>
          %reduce_sum3A_810 = vector.extract %reduce_sum3A_809[15] : f32 from vector<16xf32>
          %broadcast_in_dim3A_811 = vector.broadcast %reduce_sum3A_810 : f32 to vector<16xf32>
          %select_n3A_812 = arith.select %eq3A_35, %broadcast_in_dim3A_811, %broadcast_in_dim3A_40 : vector<16xi1>, vector<16xf32>
          %convert_element_type3A_813 = arith.sitofp %add3A_467 : i32 to f32
          %broadcast_in_dim3A_814 = vector.broadcast %convert_element_type3A_813 : f32 to vector<16xf32>
          %select_n3A_815 = arith.select %eq3A_38, %broadcast_in_dim3A_814, %broadcast_in_dim3A_40 : vector<16xi1>, vector<16xf32>
          %add3A_816 = arith.addf %select_n3A_812, %select_n3A_815 : vector<16xf32>
          %swap3A_817 = arith.constant 0 : index
          %swap3A_818 = tpu.vector_load %arg9[%swap3A_817] {strides = array<i32>} : memref<32xf32, #tpu.memory_space<vmem>>, vector<16xf32>,
          tpu.vector_store %arg9[%swap3A_817], %select_n3A_460 {strides = array<i32>} : memref<32xf32, #tpu.memory_space<vmem>>, vector<16xf32>,
          %swap3A_819 = arith.constant 16 : index
          %swap3A_820 = tpu.vector_load %arg9[%swap3A_819] {strides = array<i32>} : memref<32xf32, #tpu.memory_space<vmem>>, vector<16xf32>,
          tpu.vector_store %arg9[%swap3A_819], %add3A_816 {strides = array<i32>} : memref<32xf32, #tpu.memory_space<vmem>>, vector<16xf32>,
          %add3A_821 = vector.broadcast %mul3A_806 : i32 to vector<16xi32>
          %add3A_822 = arith.addi %add3A_821, %iota3A : vector<16xi32>
          %swap3A_823 = arith.constant 0 : index
          %swap3A_824 = tpu.vector_load %arg10[%swap3A_823] {strides = array<i32>} : memref<32xi32, #tpu.memory_space<vmem>>, vector<16xi32>,
          tpu.vector_store %arg10[%swap3A_823], %add3A_822 {strides = array<i32>} : memref<32xi32, #tpu.memory_space<vmem>>, vector<16xi32>,
          %add3A_825 = arith.constant 16 : i32
          %add3A_826 = arith.addi %mul3A_806, %add3A_825 : i32
          %add3A_827 = vector.broadcast %add3A_826 : i32 to vector<16xi32>
          %add3A_828 = arith.addi %add3A_827, %iota3A : vector<16xi32>
          %swap3A_829 = arith.constant 16 : index
          %swap3A_830 = tpu.vector_load %arg10[%swap3A_829] {strides = array<i32>} : memref<32xi32, #tpu.memory_space<vmem>>, vector<16xi32>,
          tpu.vector_store %arg10[%swap3A_829], %add3A_828 {strides = array<i32>} : memref<32xi32, #tpu.memory_space<vmem>>, vector<16xi32>,
          "tpu.region"() ({
            %run_scoped3A = tpu.sem_alloc : memref<!tpu.dma_semaphore, #tpu.memory_space<semaphore_mem>>
            %dma_start3A_831 = arith.constant 0 : i32
            %dma_start3A_832 = tpu.memref_slice %arg12[%dma_start3A_831] : memref<32768xf32, #tpu.memory_space<vmem_shared>> -> memref<32768xf32, #tpu.memory_space<vmem_shared>>
            tpu.enqueue_indirect_dma source(%arg9 : memref<32xf32, #tpu.memory_space<vmem>>) target(%dma_start3A_832 : memref<32768xf32, #tpu.memory_space<vmem_shared>>) offsets(%arg10 : memref<32xi32, #tpu.memory_space<vmem>>) semaphore(%run_scoped3A : memref<!tpu.dma_semaphore, #tpu.memory_space<semaphore_mem>>) {add = true}
            %dma_wait3A_833 = arith.constant 0 : i32
            %dma_wait3A_834 = tpu.memref_slice %arg12[%dma_wait3A_833] : memref<32768xf32, #tpu.memory_space<vmem_shared>> -> memref<32768xf32, #tpu.memory_space<vmem_shared>>
            tpu.wait_indirect_dma semaphore(%run_scoped3A : memref<!tpu.dma_semaphore, #tpu.memory_space<semaphore_mem>>) src(%arg9 : memref<32xf32, #tpu.memory_space<vmem>>) dst(%dma_wait3A_834 : memref<32768xf32, #tpu.memory_space<vmem_shared>>)
            tpu.yield
          }) : () -> ()
        } else {
        }
        %broadcast_in_dim3A_475 = vector.broadcast %ne3A_471 : i1 to vector<16xi1>
        %select_n3A_476 = arith.select %broadcast_in_dim3A_475, %broadcast_in_dim3A_40, %select_n3A_460 : vector<16xi1>, vector<16xf32>
        %select_n3A_477 = arith.select %broadcast_in_dim3A_475, %broadcast_in_dim3A_40, %add3A_465 : vector<16xi1>, vector<16xf32>
        %jit3A_478 = arith.constant 0 : i32
        %select_n3A_479 = arith.select %ne3A_471, %jit3A_478, %add3A_467 : i32
        %add3A_480 = arith.constant 8 : i32
        %add3A_481 = arith.addi %add3A_92, %add3A_480 : i32
        %mul3A_482 = arith.constant 16 : i32
        %mul3A_483 = arith.muli %add3A_481, %mul3A_482 : i32
        %get3A_484 = arith.index_cast %mul3A_483 : i32 to index
        %get3A_485 = tpu.vector_load %arg8[%get3A_484] {strides = array<i32>} : memref<50176xi32, #tpu.memory_space<vmem>>, vector<16xi32>,
        %ne3A_486 = arith.constant 0 : i32
        %ne3A_487 = vector.broadcast %ne3A_486 : i32 to vector<16xi32>
        %ne3A_488 = arith.cmpi ne, %get3A_485, %ne3A_487 : vector<16xi32>
        %broadcast_in_dim3A_489 = arith.constant 8 : i32
        %broadcast_in_dim3A_490 = vector.broadcast %broadcast_in_dim3A_489 : i32 to vector<16xi32>
        %lt3A_491 = arith.constant 0 : i32
        %lt3A_492 = vector.broadcast %lt3A_491 : i32 to vector<16xi32>
        %lt3A_493 = arith.cmpi slt, %broadcast_in_dim3A_490, %lt3A_492 : vector<16xi32>
        %add3A_494 = arith.constant 16 : i32
        %add3A_495 = vector.broadcast %add3A_494 : i32 to vector<16xi32>
        %add3A_496 = arith.addi %broadcast_in_dim3A_490, %add3A_495 : vector<16xi32>
        %select_n3A_497 = arith.select %lt3A_493, %add3A_496, %broadcast_in_dim3A_490 : vector<16xi1>, vector<16xi32>
        %broadcast_in_dim3A_498 = vector.shape_cast %select_n3A_497 : vector<16xi32> to vector<16x1xi32>
        %gather3A_499 = vector.shape_cast %broadcast_in_dim3A_498 : vector<16x1xi32> to vector<16xi32>
        %gather3A_500 = tpu.dynamic_gather %get3A_96[%gather3A_499] in [0] : vector<16xf32>, vector<16xi32> -> vector<16xf32>
        %add3A_501 = arith.addf %select_n3A_476, %gather3A_500 : vector<16xf32>
        %select_n3A_502 = arith.select %ne3A_488, %add3A_501, %select_n3A_476 : vector<16xi1>, vector<16xf32>
        %eq3A_503 = arith.constant 8 : i32
        %eq3A_504 = vector.broadcast %eq3A_503 : i32 to vector<16xi32>
        %eq3A_505 = arith.cmpi eq, %iota3A, %eq3A_504 : vector<16xi32>
        %select_n3A_506 = arith.select %eq3A_505, %add3A_129, %broadcast_in_dim3A_40 : vector<16xi1>, vector<16xf32>
        %add3A_507 = arith.addf %select_n3A_477, %select_n3A_506 : vector<16xf32>
        %add3A_508 = arith.constant 1 : i32
        %add3A_509 = arith.addi %select_n3A_479, %add3A_508 : i32
        %select_n3A_510 = arith.select %ne3A_471, %squeeze3A_470, %select_n3A_468 : i32
        %slice3A_511 = vector.extract_strided_slice %get3A_94 {offsets = [9], sizes = [1], strides = [1]} : vector<16xi32> to vector<1xi32>
        %squeeze3A_512 = vector.extract %slice3A_511[0] : i32 from vector<1xi32>
        %ne3A_513 = arith.cmpi ne, %squeeze3A_512, %select_n3A_510 : i32
        %convert_element_type3A_514 = arith.extui %ne3A_513 : i1 to i32
        %cond3A_515 = arith.constant 0 : i32
        %cond3A_516 = arith.cmpi ne, %convert_element_type3A_514, %cond3A_515 : i32
        scf.if %cond3A_516 {
          %mul3A_805 = arith.constant 32 : i32
          %mul3A_806 = arith.muli %select_n3A_510, %mul3A_805 : i32
          %reduce_sum3A_807 = arith.constant true
          %reduce_sum3A_808 = vector.broadcast %reduce_sum3A_807 : i1 to vector<16xi1>
          %reduce_sum3A_809 = tpu.scan <sum>, %add3A_507 masked %reduce_sum3A_808 : vector<16xf32>, vector<16xi1> -> vector<16xf32>
          %reduce_sum3A_810 = vector.extract %reduce_sum3A_809[15] : f32 from vector<16xf32>
          %broadcast_in_dim3A_811 = vector.broadcast %reduce_sum3A_810 : f32 to vector<16xf32>
          %select_n3A_812 = arith.select %eq3A_35, %broadcast_in_dim3A_811, %broadcast_in_dim3A_40 : vector<16xi1>, vector<16xf32>
          %convert_element_type3A_813 = arith.sitofp %add3A_509 : i32 to f32
          %broadcast_in_dim3A_814 = vector.broadcast %convert_element_type3A_813 : f32 to vector<16xf32>
          %select_n3A_815 = arith.select %eq3A_38, %broadcast_in_dim3A_814, %broadcast_in_dim3A_40 : vector<16xi1>, vector<16xf32>
          %add3A_816 = arith.addf %select_n3A_812, %select_n3A_815 : vector<16xf32>
          %swap3A_817 = arith.constant 0 : index
          %swap3A_818 = tpu.vector_load %arg9[%swap3A_817] {strides = array<i32>} : memref<32xf32, #tpu.memory_space<vmem>>, vector<16xf32>,
          tpu.vector_store %arg9[%swap3A_817], %select_n3A_502 {strides = array<i32>} : memref<32xf32, #tpu.memory_space<vmem>>, vector<16xf32>,
          %swap3A_819 = arith.constant 16 : index
          %swap3A_820 = tpu.vector_load %arg9[%swap3A_819] {strides = array<i32>} : memref<32xf32, #tpu.memory_space<vmem>>, vector<16xf32>,
          tpu.vector_store %arg9[%swap3A_819], %add3A_816 {strides = array<i32>} : memref<32xf32, #tpu.memory_space<vmem>>, vector<16xf32>,
          %add3A_821 = vector.broadcast %mul3A_806 : i32 to vector<16xi32>
          %add3A_822 = arith.addi %add3A_821, %iota3A : vector<16xi32>
          %swap3A_823 = arith.constant 0 : index
          %swap3A_824 = tpu.vector_load %arg10[%swap3A_823] {strides = array<i32>} : memref<32xi32, #tpu.memory_space<vmem>>, vector<16xi32>,
          tpu.vector_store %arg10[%swap3A_823], %add3A_822 {strides = array<i32>} : memref<32xi32, #tpu.memory_space<vmem>>, vector<16xi32>,
          %add3A_825 = arith.constant 16 : i32
          %add3A_826 = arith.addi %mul3A_806, %add3A_825 : i32
          %add3A_827 = vector.broadcast %add3A_826 : i32 to vector<16xi32>
          %add3A_828 = arith.addi %add3A_827, %iota3A : vector<16xi32>
          %swap3A_829 = arith.constant 16 : index
          %swap3A_830 = tpu.vector_load %arg10[%swap3A_829] {strides = array<i32>} : memref<32xi32, #tpu.memory_space<vmem>>, vector<16xi32>,
          tpu.vector_store %arg10[%swap3A_829], %add3A_828 {strides = array<i32>} : memref<32xi32, #tpu.memory_space<vmem>>, vector<16xi32>,
          "tpu.region"() ({
            %run_scoped3A = tpu.sem_alloc : memref<!tpu.dma_semaphore, #tpu.memory_space<semaphore_mem>>
            %dma_start3A_831 = arith.constant 0 : i32
            %dma_start3A_832 = tpu.memref_slice %arg12[%dma_start3A_831] : memref<32768xf32, #tpu.memory_space<vmem_shared>> -> memref<32768xf32, #tpu.memory_space<vmem_shared>>
            tpu.enqueue_indirect_dma source(%arg9 : memref<32xf32, #tpu.memory_space<vmem>>) target(%dma_start3A_832 : memref<32768xf32, #tpu.memory_space<vmem_shared>>) offsets(%arg10 : memref<32xi32, #tpu.memory_space<vmem>>) semaphore(%run_scoped3A : memref<!tpu.dma_semaphore, #tpu.memory_space<semaphore_mem>>) {add = true}
            %dma_wait3A_833 = arith.constant 0 : i32
            %dma_wait3A_834 = tpu.memref_slice %arg12[%dma_wait3A_833] : memref<32768xf32, #tpu.memory_space<vmem_shared>> -> memref<32768xf32, #tpu.memory_space<vmem_shared>>
            tpu.wait_indirect_dma semaphore(%run_scoped3A : memref<!tpu.dma_semaphore, #tpu.memory_space<semaphore_mem>>) src(%arg9 : memref<32xf32, #tpu.memory_space<vmem>>) dst(%dma_wait3A_834 : memref<32768xf32, #tpu.memory_space<vmem_shared>>)
            tpu.yield
          }) : () -> ()
        } else {
        }
        %broadcast_in_dim3A_517 = vector.broadcast %ne3A_513 : i1 to vector<16xi1>
        %select_n3A_518 = arith.select %broadcast_in_dim3A_517, %broadcast_in_dim3A_40, %select_n3A_502 : vector<16xi1>, vector<16xf32>
        %select_n3A_519 = arith.select %broadcast_in_dim3A_517, %broadcast_in_dim3A_40, %add3A_507 : vector<16xi1>, vector<16xf32>
        %jit3A_520 = arith.constant 0 : i32
        %select_n3A_521 = arith.select %ne3A_513, %jit3A_520, %add3A_509 : i32
        %add3A_522 = arith.constant 9 : i32
        %add3A_523 = arith.addi %add3A_92, %add3A_522 : i32
        %mul3A_524 = arith.constant 16 : i32
        %mul3A_525 = arith.muli %add3A_523, %mul3A_524 : i32
        %get3A_526 = arith.index_cast %mul3A_525 : i32 to index
        %get3A_527 = tpu.vector_load %arg8[%get3A_526] {strides = array<i32>} : memref<50176xi32, #tpu.memory_space<vmem>>, vector<16xi32>,
        %ne3A_528 = arith.constant 0 : i32
        %ne3A_529 = vector.broadcast %ne3A_528 : i32 to vector<16xi32>
        %ne3A_530 = arith.cmpi ne, %get3A_527, %ne3A_529 : vector<16xi32>
        %broadcast_in_dim3A_531 = arith.constant 9 : i32
        %broadcast_in_dim3A_532 = vector.broadcast %broadcast_in_dim3A_531 : i32 to vector<16xi32>
        %lt3A_533 = arith.constant 0 : i32
        %lt3A_534 = vector.broadcast %lt3A_533 : i32 to vector<16xi32>
        %lt3A_535 = arith.cmpi slt, %broadcast_in_dim3A_532, %lt3A_534 : vector<16xi32>
        %add3A_536 = arith.constant 16 : i32
        %add3A_537 = vector.broadcast %add3A_536 : i32 to vector<16xi32>
        %add3A_538 = arith.addi %broadcast_in_dim3A_532, %add3A_537 : vector<16xi32>
        %select_n3A_539 = arith.select %lt3A_535, %add3A_538, %broadcast_in_dim3A_532 : vector<16xi1>, vector<16xi32>
        %broadcast_in_dim3A_540 = vector.shape_cast %select_n3A_539 : vector<16xi32> to vector<16x1xi32>
        %gather3A_541 = vector.shape_cast %broadcast_in_dim3A_540 : vector<16x1xi32> to vector<16xi32>
        %gather3A_542 = tpu.dynamic_gather %get3A_96[%gather3A_541] in [0] : vector<16xf32>, vector<16xi32> -> vector<16xf32>
        %add3A_543 = arith.addf %select_n3A_518, %gather3A_542 : vector<16xf32>
        %select_n3A_544 = arith.select %ne3A_530, %add3A_543, %select_n3A_518 : vector<16xi1>, vector<16xf32>
        %eq3A_545 = arith.constant 9 : i32
        %eq3A_546 = vector.broadcast %eq3A_545 : i32 to vector<16xi32>
        %eq3A_547 = arith.cmpi eq, %iota3A, %eq3A_546 : vector<16xi32>
        %select_n3A_548 = arith.select %eq3A_547, %add3A_129, %broadcast_in_dim3A_40 : vector<16xi1>, vector<16xf32>
        %add3A_549 = arith.addf %select_n3A_519, %select_n3A_548 : vector<16xf32>
        %add3A_550 = arith.constant 1 : i32
        %add3A_551 = arith.addi %select_n3A_521, %add3A_550 : i32
        %select_n3A_552 = arith.select %ne3A_513, %squeeze3A_512, %select_n3A_510 : i32
        %slice3A_553 = vector.extract_strided_slice %get3A_94 {offsets = [10], sizes = [1], strides = [1]} : vector<16xi32> to vector<1xi32>
        %squeeze3A_554 = vector.extract %slice3A_553[0] : i32 from vector<1xi32>
        %ne3A_555 = arith.cmpi ne, %squeeze3A_554, %select_n3A_552 : i32
        %convert_element_type3A_556 = arith.extui %ne3A_555 : i1 to i32
        %cond3A_557 = arith.constant 0 : i32
        %cond3A_558 = arith.cmpi ne, %convert_element_type3A_556, %cond3A_557 : i32
        scf.if %cond3A_558 {
          %mul3A_805 = arith.constant 32 : i32
          %mul3A_806 = arith.muli %select_n3A_552, %mul3A_805 : i32
          %reduce_sum3A_807 = arith.constant true
          %reduce_sum3A_808 = vector.broadcast %reduce_sum3A_807 : i1 to vector<16xi1>
          %reduce_sum3A_809 = tpu.scan <sum>, %add3A_549 masked %reduce_sum3A_808 : vector<16xf32>, vector<16xi1> -> vector<16xf32>
          %reduce_sum3A_810 = vector.extract %reduce_sum3A_809[15] : f32 from vector<16xf32>
          %broadcast_in_dim3A_811 = vector.broadcast %reduce_sum3A_810 : f32 to vector<16xf32>
          %select_n3A_812 = arith.select %eq3A_35, %broadcast_in_dim3A_811, %broadcast_in_dim3A_40 : vector<16xi1>, vector<16xf32>
          %convert_element_type3A_813 = arith.sitofp %add3A_551 : i32 to f32
          %broadcast_in_dim3A_814 = vector.broadcast %convert_element_type3A_813 : f32 to vector<16xf32>
          %select_n3A_815 = arith.select %eq3A_38, %broadcast_in_dim3A_814, %broadcast_in_dim3A_40 : vector<16xi1>, vector<16xf32>
          %add3A_816 = arith.addf %select_n3A_812, %select_n3A_815 : vector<16xf32>
          %swap3A_817 = arith.constant 0 : index
          %swap3A_818 = tpu.vector_load %arg9[%swap3A_817] {strides = array<i32>} : memref<32xf32, #tpu.memory_space<vmem>>, vector<16xf32>,
          tpu.vector_store %arg9[%swap3A_817], %select_n3A_544 {strides = array<i32>} : memref<32xf32, #tpu.memory_space<vmem>>, vector<16xf32>,
          %swap3A_819 = arith.constant 16 : index
          %swap3A_820 = tpu.vector_load %arg9[%swap3A_819] {strides = array<i32>} : memref<32xf32, #tpu.memory_space<vmem>>, vector<16xf32>,
          tpu.vector_store %arg9[%swap3A_819], %add3A_816 {strides = array<i32>} : memref<32xf32, #tpu.memory_space<vmem>>, vector<16xf32>,
          %add3A_821 = vector.broadcast %mul3A_806 : i32 to vector<16xi32>
          %add3A_822 = arith.addi %add3A_821, %iota3A : vector<16xi32>
          %swap3A_823 = arith.constant 0 : index
          %swap3A_824 = tpu.vector_load %arg10[%swap3A_823] {strides = array<i32>} : memref<32xi32, #tpu.memory_space<vmem>>, vector<16xi32>,
          tpu.vector_store %arg10[%swap3A_823], %add3A_822 {strides = array<i32>} : memref<32xi32, #tpu.memory_space<vmem>>, vector<16xi32>,
          %add3A_825 = arith.constant 16 : i32
          %add3A_826 = arith.addi %mul3A_806, %add3A_825 : i32
          %add3A_827 = vector.broadcast %add3A_826 : i32 to vector<16xi32>
          %add3A_828 = arith.addi %add3A_827, %iota3A : vector<16xi32>
          %swap3A_829 = arith.constant 16 : index
          %swap3A_830 = tpu.vector_load %arg10[%swap3A_829] {strides = array<i32>} : memref<32xi32, #tpu.memory_space<vmem>>, vector<16xi32>,
          tpu.vector_store %arg10[%swap3A_829], %add3A_828 {strides = array<i32>} : memref<32xi32, #tpu.memory_space<vmem>>, vector<16xi32>,
          "tpu.region"() ({
            %run_scoped3A = tpu.sem_alloc : memref<!tpu.dma_semaphore, #tpu.memory_space<semaphore_mem>>
            %dma_start3A_831 = arith.constant 0 : i32
            %dma_start3A_832 = tpu.memref_slice %arg12[%dma_start3A_831] : memref<32768xf32, #tpu.memory_space<vmem_shared>> -> memref<32768xf32, #tpu.memory_space<vmem_shared>>
            tpu.enqueue_indirect_dma source(%arg9 : memref<32xf32, #tpu.memory_space<vmem>>) target(%dma_start3A_832 : memref<32768xf32, #tpu.memory_space<vmem_shared>>) offsets(%arg10 : memref<32xi32, #tpu.memory_space<vmem>>) semaphore(%run_scoped3A : memref<!tpu.dma_semaphore, #tpu.memory_space<semaphore_mem>>) {add = true}
            %dma_wait3A_833 = arith.constant 0 : i32
            %dma_wait3A_834 = tpu.memref_slice %arg12[%dma_wait3A_833] : memref<32768xf32, #tpu.memory_space<vmem_shared>> -> memref<32768xf32, #tpu.memory_space<vmem_shared>>
            tpu.wait_indirect_dma semaphore(%run_scoped3A : memref<!tpu.dma_semaphore, #tpu.memory_space<semaphore_mem>>) src(%arg9 : memref<32xf32, #tpu.memory_space<vmem>>) dst(%dma_wait3A_834 : memref<32768xf32, #tpu.memory_space<vmem_shared>>)
            tpu.yield
          }) : () -> ()
        } else {
        }
        %broadcast_in_dim3A_559 = vector.broadcast %ne3A_555 : i1 to vector<16xi1>
        %select_n3A_560 = arith.select %broadcast_in_dim3A_559, %broadcast_in_dim3A_40, %select_n3A_544 : vector<16xi1>, vector<16xf32>
        %select_n3A_561 = arith.select %broadcast_in_dim3A_559, %broadcast_in_dim3A_40, %add3A_549 : vector<16xi1>, vector<16xf32>
        %jit3A_562 = arith.constant 0 : i32
        %select_n3A_563 = arith.select %ne3A_555, %jit3A_562, %add3A_551 : i32
        %add3A_564 = arith.constant 10 : i32
        %add3A_565 = arith.addi %add3A_92, %add3A_564 : i32
        %mul3A_566 = arith.constant 16 : i32
        %mul3A_567 = arith.muli %add3A_565, %mul3A_566 : i32
        %get3A_568 = arith.index_cast %mul3A_567 : i32 to index
        %get3A_569 = tpu.vector_load %arg8[%get3A_568] {strides = array<i32>} : memref<50176xi32, #tpu.memory_space<vmem>>, vector<16xi32>,
        %ne3A_570 = arith.constant 0 : i32
        %ne3A_571 = vector.broadcast %ne3A_570 : i32 to vector<16xi32>
        %ne3A_572 = arith.cmpi ne, %get3A_569, %ne3A_571 : vector<16xi32>
        %broadcast_in_dim3A_573 = arith.constant 10 : i32
        %broadcast_in_dim3A_574 = vector.broadcast %broadcast_in_dim3A_573 : i32 to vector<16xi32>
        %lt3A_575 = arith.constant 0 : i32
        %lt3A_576 = vector.broadcast %lt3A_575 : i32 to vector<16xi32>
        %lt3A_577 = arith.cmpi slt, %broadcast_in_dim3A_574, %lt3A_576 : vector<16xi32>
        %add3A_578 = arith.constant 16 : i32
        %add3A_579 = vector.broadcast %add3A_578 : i32 to vector<16xi32>
        %add3A_580 = arith.addi %broadcast_in_dim3A_574, %add3A_579 : vector<16xi32>
        %select_n3A_581 = arith.select %lt3A_577, %add3A_580, %broadcast_in_dim3A_574 : vector<16xi1>, vector<16xi32>
        %broadcast_in_dim3A_582 = vector.shape_cast %select_n3A_581 : vector<16xi32> to vector<16x1xi32>
        %gather3A_583 = vector.shape_cast %broadcast_in_dim3A_582 : vector<16x1xi32> to vector<16xi32>
        %gather3A_584 = tpu.dynamic_gather %get3A_96[%gather3A_583] in [0] : vector<16xf32>, vector<16xi32> -> vector<16xf32>
        %add3A_585 = arith.addf %select_n3A_560, %gather3A_584 : vector<16xf32>
        %select_n3A_586 = arith.select %ne3A_572, %add3A_585, %select_n3A_560 : vector<16xi1>, vector<16xf32>
        %eq3A_587 = arith.constant 10 : i32
        %eq3A_588 = vector.broadcast %eq3A_587 : i32 to vector<16xi32>
        %eq3A_589 = arith.cmpi eq, %iota3A, %eq3A_588 : vector<16xi32>
        %select_n3A_590 = arith.select %eq3A_589, %add3A_129, %broadcast_in_dim3A_40 : vector<16xi1>, vector<16xf32>
        %add3A_591 = arith.addf %select_n3A_561, %select_n3A_590 : vector<16xf32>
        %add3A_592 = arith.constant 1 : i32
        %add3A_593 = arith.addi %select_n3A_563, %add3A_592 : i32
        %select_n3A_594 = arith.select %ne3A_555, %squeeze3A_554, %select_n3A_552 : i32
        %slice3A_595 = vector.extract_strided_slice %get3A_94 {offsets = [11], sizes = [1], strides = [1]} : vector<16xi32> to vector<1xi32>
        %squeeze3A_596 = vector.extract %slice3A_595[0] : i32 from vector<1xi32>
        %ne3A_597 = arith.cmpi ne, %squeeze3A_596, %select_n3A_594 : i32
        %convert_element_type3A_598 = arith.extui %ne3A_597 : i1 to i32
        %cond3A_599 = arith.constant 0 : i32
        %cond3A_600 = arith.cmpi ne, %convert_element_type3A_598, %cond3A_599 : i32
        scf.if %cond3A_600 {
          %mul3A_805 = arith.constant 32 : i32
          %mul3A_806 = arith.muli %select_n3A_594, %mul3A_805 : i32
          %reduce_sum3A_807 = arith.constant true
          %reduce_sum3A_808 = vector.broadcast %reduce_sum3A_807 : i1 to vector<16xi1>
          %reduce_sum3A_809 = tpu.scan <sum>, %add3A_591 masked %reduce_sum3A_808 : vector<16xf32>, vector<16xi1> -> vector<16xf32>
          %reduce_sum3A_810 = vector.extract %reduce_sum3A_809[15] : f32 from vector<16xf32>
          %broadcast_in_dim3A_811 = vector.broadcast %reduce_sum3A_810 : f32 to vector<16xf32>
          %select_n3A_812 = arith.select %eq3A_35, %broadcast_in_dim3A_811, %broadcast_in_dim3A_40 : vector<16xi1>, vector<16xf32>
          %convert_element_type3A_813 = arith.sitofp %add3A_593 : i32 to f32
          %broadcast_in_dim3A_814 = vector.broadcast %convert_element_type3A_813 : f32 to vector<16xf32>
          %select_n3A_815 = arith.select %eq3A_38, %broadcast_in_dim3A_814, %broadcast_in_dim3A_40 : vector<16xi1>, vector<16xf32>
          %add3A_816 = arith.addf %select_n3A_812, %select_n3A_815 : vector<16xf32>
          %swap3A_817 = arith.constant 0 : index
          %swap3A_818 = tpu.vector_load %arg9[%swap3A_817] {strides = array<i32>} : memref<32xf32, #tpu.memory_space<vmem>>, vector<16xf32>,
          tpu.vector_store %arg9[%swap3A_817], %select_n3A_586 {strides = array<i32>} : memref<32xf32, #tpu.memory_space<vmem>>, vector<16xf32>,
          %swap3A_819 = arith.constant 16 : index
          %swap3A_820 = tpu.vector_load %arg9[%swap3A_819] {strides = array<i32>} : memref<32xf32, #tpu.memory_space<vmem>>, vector<16xf32>,
          tpu.vector_store %arg9[%swap3A_819], %add3A_816 {strides = array<i32>} : memref<32xf32, #tpu.memory_space<vmem>>, vector<16xf32>,
          %add3A_821 = vector.broadcast %mul3A_806 : i32 to vector<16xi32>
          %add3A_822 = arith.addi %add3A_821, %iota3A : vector<16xi32>
          %swap3A_823 = arith.constant 0 : index
          %swap3A_824 = tpu.vector_load %arg10[%swap3A_823] {strides = array<i32>} : memref<32xi32, #tpu.memory_space<vmem>>, vector<16xi32>,
          tpu.vector_store %arg10[%swap3A_823], %add3A_822 {strides = array<i32>} : memref<32xi32, #tpu.memory_space<vmem>>, vector<16xi32>,
          %add3A_825 = arith.constant 16 : i32
          %add3A_826 = arith.addi %mul3A_806, %add3A_825 : i32
          %add3A_827 = vector.broadcast %add3A_826 : i32 to vector<16xi32>
          %add3A_828 = arith.addi %add3A_827, %iota3A : vector<16xi32>
          %swap3A_829 = arith.constant 16 : index
          %swap3A_830 = tpu.vector_load %arg10[%swap3A_829] {strides = array<i32>} : memref<32xi32, #tpu.memory_space<vmem>>, vector<16xi32>,
          tpu.vector_store %arg10[%swap3A_829], %add3A_828 {strides = array<i32>} : memref<32xi32, #tpu.memory_space<vmem>>, vector<16xi32>,
          "tpu.region"() ({
            %run_scoped3A = tpu.sem_alloc : memref<!tpu.dma_semaphore, #tpu.memory_space<semaphore_mem>>
            %dma_start3A_831 = arith.constant 0 : i32
            %dma_start3A_832 = tpu.memref_slice %arg12[%dma_start3A_831] : memref<32768xf32, #tpu.memory_space<vmem_shared>> -> memref<32768xf32, #tpu.memory_space<vmem_shared>>
            tpu.enqueue_indirect_dma source(%arg9 : memref<32xf32, #tpu.memory_space<vmem>>) target(%dma_start3A_832 : memref<32768xf32, #tpu.memory_space<vmem_shared>>) offsets(%arg10 : memref<32xi32, #tpu.memory_space<vmem>>) semaphore(%run_scoped3A : memref<!tpu.dma_semaphore, #tpu.memory_space<semaphore_mem>>) {add = true}
            %dma_wait3A_833 = arith.constant 0 : i32
            %dma_wait3A_834 = tpu.memref_slice %arg12[%dma_wait3A_833] : memref<32768xf32, #tpu.memory_space<vmem_shared>> -> memref<32768xf32, #tpu.memory_space<vmem_shared>>
            tpu.wait_indirect_dma semaphore(%run_scoped3A : memref<!tpu.dma_semaphore, #tpu.memory_space<semaphore_mem>>) src(%arg9 : memref<32xf32, #tpu.memory_space<vmem>>) dst(%dma_wait3A_834 : memref<32768xf32, #tpu.memory_space<vmem_shared>>)
            tpu.yield
          }) : () -> ()
        } else {
        }
        %broadcast_in_dim3A_601 = vector.broadcast %ne3A_597 : i1 to vector<16xi1>
        %select_n3A_602 = arith.select %broadcast_in_dim3A_601, %broadcast_in_dim3A_40, %select_n3A_586 : vector<16xi1>, vector<16xf32>
        %select_n3A_603 = arith.select %broadcast_in_dim3A_601, %broadcast_in_dim3A_40, %add3A_591 : vector<16xi1>, vector<16xf32>
        %jit3A_604 = arith.constant 0 : i32
        %select_n3A_605 = arith.select %ne3A_597, %jit3A_604, %add3A_593 : i32
        %add3A_606 = arith.constant 11 : i32
        %add3A_607 = arith.addi %add3A_92, %add3A_606 : i32
        %mul3A_608 = arith.constant 16 : i32
        %mul3A_609 = arith.muli %add3A_607, %mul3A_608 : i32
        %get3A_610 = arith.index_cast %mul3A_609 : i32 to index
        %get3A_611 = tpu.vector_load %arg8[%get3A_610] {strides = array<i32>} : memref<50176xi32, #tpu.memory_space<vmem>>, vector<16xi32>,
        %ne3A_612 = arith.constant 0 : i32
        %ne3A_613 = vector.broadcast %ne3A_612 : i32 to vector<16xi32>
        %ne3A_614 = arith.cmpi ne, %get3A_611, %ne3A_613 : vector<16xi32>
        %broadcast_in_dim3A_615 = arith.constant 11 : i32
        %broadcast_in_dim3A_616 = vector.broadcast %broadcast_in_dim3A_615 : i32 to vector<16xi32>
        %lt3A_617 = arith.constant 0 : i32
        %lt3A_618 = vector.broadcast %lt3A_617 : i32 to vector<16xi32>
        %lt3A_619 = arith.cmpi slt, %broadcast_in_dim3A_616, %lt3A_618 : vector<16xi32>
        %add3A_620 = arith.constant 16 : i32
        %add3A_621 = vector.broadcast %add3A_620 : i32 to vector<16xi32>
        %add3A_622 = arith.addi %broadcast_in_dim3A_616, %add3A_621 : vector<16xi32>
        %select_n3A_623 = arith.select %lt3A_619, %add3A_622, %broadcast_in_dim3A_616 : vector<16xi1>, vector<16xi32>
        %broadcast_in_dim3A_624 = vector.shape_cast %select_n3A_623 : vector<16xi32> to vector<16x1xi32>
        %gather3A_625 = vector.shape_cast %broadcast_in_dim3A_624 : vector<16x1xi32> to vector<16xi32>
        %gather3A_626 = tpu.dynamic_gather %get3A_96[%gather3A_625] in [0] : vector<16xf32>, vector<16xi32> -> vector<16xf32>
        %add3A_627 = arith.addf %select_n3A_602, %gather3A_626 : vector<16xf32>
        %select_n3A_628 = arith.select %ne3A_614, %add3A_627, %select_n3A_602 : vector<16xi1>, vector<16xf32>
        %eq3A_629 = arith.constant 11 : i32
        %eq3A_630 = vector.broadcast %eq3A_629 : i32 to vector<16xi32>
        %eq3A_631 = arith.cmpi eq, %iota3A, %eq3A_630 : vector<16xi32>
        %select_n3A_632 = arith.select %eq3A_631, %add3A_129, %broadcast_in_dim3A_40 : vector<16xi1>, vector<16xf32>
        %add3A_633 = arith.addf %select_n3A_603, %select_n3A_632 : vector<16xf32>
        %add3A_634 = arith.constant 1 : i32
        %add3A_635 = arith.addi %select_n3A_605, %add3A_634 : i32
        %select_n3A_636 = arith.select %ne3A_597, %squeeze3A_596, %select_n3A_594 : i32
        %slice3A_637 = vector.extract_strided_slice %get3A_94 {offsets = [12], sizes = [1], strides = [1]} : vector<16xi32> to vector<1xi32>
        %squeeze3A_638 = vector.extract %slice3A_637[0] : i32 from vector<1xi32>
        %ne3A_639 = arith.cmpi ne, %squeeze3A_638, %select_n3A_636 : i32
        %convert_element_type3A_640 = arith.extui %ne3A_639 : i1 to i32
        %cond3A_641 = arith.constant 0 : i32
        %cond3A_642 = arith.cmpi ne, %convert_element_type3A_640, %cond3A_641 : i32
        scf.if %cond3A_642 {
          %mul3A_805 = arith.constant 32 : i32
          %mul3A_806 = arith.muli %select_n3A_636, %mul3A_805 : i32
          %reduce_sum3A_807 = arith.constant true
          %reduce_sum3A_808 = vector.broadcast %reduce_sum3A_807 : i1 to vector<16xi1>
          %reduce_sum3A_809 = tpu.scan <sum>, %add3A_633 masked %reduce_sum3A_808 : vector<16xf32>, vector<16xi1> -> vector<16xf32>
          %reduce_sum3A_810 = vector.extract %reduce_sum3A_809[15] : f32 from vector<16xf32>
          %broadcast_in_dim3A_811 = vector.broadcast %reduce_sum3A_810 : f32 to vector<16xf32>
          %select_n3A_812 = arith.select %eq3A_35, %broadcast_in_dim3A_811, %broadcast_in_dim3A_40 : vector<16xi1>, vector<16xf32>
          %convert_element_type3A_813 = arith.sitofp %add3A_635 : i32 to f32
          %broadcast_in_dim3A_814 = vector.broadcast %convert_element_type3A_813 : f32 to vector<16xf32>
          %select_n3A_815 = arith.select %eq3A_38, %broadcast_in_dim3A_814, %broadcast_in_dim3A_40 : vector<16xi1>, vector<16xf32>
          %add3A_816 = arith.addf %select_n3A_812, %select_n3A_815 : vector<16xf32>
          %swap3A_817 = arith.constant 0 : index
          %swap3A_818 = tpu.vector_load %arg9[%swap3A_817] {strides = array<i32>} : memref<32xf32, #tpu.memory_space<vmem>>, vector<16xf32>,
          tpu.vector_store %arg9[%swap3A_817], %select_n3A_628 {strides = array<i32>} : memref<32xf32, #tpu.memory_space<vmem>>, vector<16xf32>,
          %swap3A_819 = arith.constant 16 : index
          %swap3A_820 = tpu.vector_load %arg9[%swap3A_819] {strides = array<i32>} : memref<32xf32, #tpu.memory_space<vmem>>, vector<16xf32>,
          tpu.vector_store %arg9[%swap3A_819], %add3A_816 {strides = array<i32>} : memref<32xf32, #tpu.memory_space<vmem>>, vector<16xf32>,
          %add3A_821 = vector.broadcast %mul3A_806 : i32 to vector<16xi32>
          %add3A_822 = arith.addi %add3A_821, %iota3A : vector<16xi32>
          %swap3A_823 = arith.constant 0 : index
          %swap3A_824 = tpu.vector_load %arg10[%swap3A_823] {strides = array<i32>} : memref<32xi32, #tpu.memory_space<vmem>>, vector<16xi32>,
          tpu.vector_store %arg10[%swap3A_823], %add3A_822 {strides = array<i32>} : memref<32xi32, #tpu.memory_space<vmem>>, vector<16xi32>,
          %add3A_825 = arith.constant 16 : i32
          %add3A_826 = arith.addi %mul3A_806, %add3A_825 : i32
          %add3A_827 = vector.broadcast %add3A_826 : i32 to vector<16xi32>
          %add3A_828 = arith.addi %add3A_827, %iota3A : vector<16xi32>
          %swap3A_829 = arith.constant 16 : index
          %swap3A_830 = tpu.vector_load %arg10[%swap3A_829] {strides = array<i32>} : memref<32xi32, #tpu.memory_space<vmem>>, vector<16xi32>,
          tpu.vector_store %arg10[%swap3A_829], %add3A_828 {strides = array<i32>} : memref<32xi32, #tpu.memory_space<vmem>>, vector<16xi32>,
          "tpu.region"() ({
            %run_scoped3A = tpu.sem_alloc : memref<!tpu.dma_semaphore, #tpu.memory_space<semaphore_mem>>
            %dma_start3A_831 = arith.constant 0 : i32
            %dma_start3A_832 = tpu.memref_slice %arg12[%dma_start3A_831] : memref<32768xf32, #tpu.memory_space<vmem_shared>> -> memref<32768xf32, #tpu.memory_space<vmem_shared>>
            tpu.enqueue_indirect_dma source(%arg9 : memref<32xf32, #tpu.memory_space<vmem>>) target(%dma_start3A_832 : memref<32768xf32, #tpu.memory_space<vmem_shared>>) offsets(%arg10 : memref<32xi32, #tpu.memory_space<vmem>>) semaphore(%run_scoped3A : memref<!tpu.dma_semaphore, #tpu.memory_space<semaphore_mem>>) {add = true}
            %dma_wait3A_833 = arith.constant 0 : i32
            %dma_wait3A_834 = tpu.memref_slice %arg12[%dma_wait3A_833] : memref<32768xf32, #tpu.memory_space<vmem_shared>> -> memref<32768xf32, #tpu.memory_space<vmem_shared>>
            tpu.wait_indirect_dma semaphore(%run_scoped3A : memref<!tpu.dma_semaphore, #tpu.memory_space<semaphore_mem>>) src(%arg9 : memref<32xf32, #tpu.memory_space<vmem>>) dst(%dma_wait3A_834 : memref<32768xf32, #tpu.memory_space<vmem_shared>>)
            tpu.yield
          }) : () -> ()
        } else {
        }
        %broadcast_in_dim3A_643 = vector.broadcast %ne3A_639 : i1 to vector<16xi1>
        %select_n3A_644 = arith.select %broadcast_in_dim3A_643, %broadcast_in_dim3A_40, %select_n3A_628 : vector<16xi1>, vector<16xf32>
        %select_n3A_645 = arith.select %broadcast_in_dim3A_643, %broadcast_in_dim3A_40, %add3A_633 : vector<16xi1>, vector<16xf32>
        %jit3A_646 = arith.constant 0 : i32
        %select_n3A_647 = arith.select %ne3A_639, %jit3A_646, %add3A_635 : i32
        %add3A_648 = arith.constant 12 : i32
        %add3A_649 = arith.addi %add3A_92, %add3A_648 : i32
        %mul3A_650 = arith.constant 16 : i32
        %mul3A_651 = arith.muli %add3A_649, %mul3A_650 : i32
        %get3A_652 = arith.index_cast %mul3A_651 : i32 to index
        %get3A_653 = tpu.vector_load %arg8[%get3A_652] {strides = array<i32>} : memref<50176xi32, #tpu.memory_space<vmem>>, vector<16xi32>,
        %ne3A_654 = arith.constant 0 : i32
        %ne3A_655 = vector.broadcast %ne3A_654 : i32 to vector<16xi32>
        %ne3A_656 = arith.cmpi ne, %get3A_653, %ne3A_655 : vector<16xi32>
        %broadcast_in_dim3A_657 = arith.constant 12 : i32
        %broadcast_in_dim3A_658 = vector.broadcast %broadcast_in_dim3A_657 : i32 to vector<16xi32>
        %lt3A_659 = arith.constant 0 : i32
        %lt3A_660 = vector.broadcast %lt3A_659 : i32 to vector<16xi32>
        %lt3A_661 = arith.cmpi slt, %broadcast_in_dim3A_658, %lt3A_660 : vector<16xi32>
        %add3A_662 = arith.constant 16 : i32
        %add3A_663 = vector.broadcast %add3A_662 : i32 to vector<16xi32>
        %add3A_664 = arith.addi %broadcast_in_dim3A_658, %add3A_663 : vector<16xi32>
        %select_n3A_665 = arith.select %lt3A_661, %add3A_664, %broadcast_in_dim3A_658 : vector<16xi1>, vector<16xi32>
        %broadcast_in_dim3A_666 = vector.shape_cast %select_n3A_665 : vector<16xi32> to vector<16x1xi32>
        %gather3A_667 = vector.shape_cast %broadcast_in_dim3A_666 : vector<16x1xi32> to vector<16xi32>
        %gather3A_668 = tpu.dynamic_gather %get3A_96[%gather3A_667] in [0] : vector<16xf32>, vector<16xi32> -> vector<16xf32>
        %add3A_669 = arith.addf %select_n3A_644, %gather3A_668 : vector<16xf32>
        %select_n3A_670 = arith.select %ne3A_656, %add3A_669, %select_n3A_644 : vector<16xi1>, vector<16xf32>
        %eq3A_671 = arith.constant 12 : i32
        %eq3A_672 = vector.broadcast %eq3A_671 : i32 to vector<16xi32>
        %eq3A_673 = arith.cmpi eq, %iota3A, %eq3A_672 : vector<16xi32>
        %select_n3A_674 = arith.select %eq3A_673, %add3A_129, %broadcast_in_dim3A_40 : vector<16xi1>, vector<16xf32>
        %add3A_675 = arith.addf %select_n3A_645, %select_n3A_674 : vector<16xf32>
        %add3A_676 = arith.constant 1 : i32
        %add3A_677 = arith.addi %select_n3A_647, %add3A_676 : i32
        %select_n3A_678 = arith.select %ne3A_639, %squeeze3A_638, %select_n3A_636 : i32
        %slice3A_679 = vector.extract_strided_slice %get3A_94 {offsets = [13], sizes = [1], strides = [1]} : vector<16xi32> to vector<1xi32>
        %squeeze3A_680 = vector.extract %slice3A_679[0] : i32 from vector<1xi32>
        %ne3A_681 = arith.cmpi ne, %squeeze3A_680, %select_n3A_678 : i32
        %convert_element_type3A_682 = arith.extui %ne3A_681 : i1 to i32
        %cond3A_683 = arith.constant 0 : i32
        %cond3A_684 = arith.cmpi ne, %convert_element_type3A_682, %cond3A_683 : i32
        scf.if %cond3A_684 {
          %mul3A_805 = arith.constant 32 : i32
          %mul3A_806 = arith.muli %select_n3A_678, %mul3A_805 : i32
          %reduce_sum3A_807 = arith.constant true
          %reduce_sum3A_808 = vector.broadcast %reduce_sum3A_807 : i1 to vector<16xi1>
          %reduce_sum3A_809 = tpu.scan <sum>, %add3A_675 masked %reduce_sum3A_808 : vector<16xf32>, vector<16xi1> -> vector<16xf32>
          %reduce_sum3A_810 = vector.extract %reduce_sum3A_809[15] : f32 from vector<16xf32>
          %broadcast_in_dim3A_811 = vector.broadcast %reduce_sum3A_810 : f32 to vector<16xf32>
          %select_n3A_812 = arith.select %eq3A_35, %broadcast_in_dim3A_811, %broadcast_in_dim3A_40 : vector<16xi1>, vector<16xf32>
          %convert_element_type3A_813 = arith.sitofp %add3A_677 : i32 to f32
          %broadcast_in_dim3A_814 = vector.broadcast %convert_element_type3A_813 : f32 to vector<16xf32>
          %select_n3A_815 = arith.select %eq3A_38, %broadcast_in_dim3A_814, %broadcast_in_dim3A_40 : vector<16xi1>, vector<16xf32>
          %add3A_816 = arith.addf %select_n3A_812, %select_n3A_815 : vector<16xf32>
          %swap3A_817 = arith.constant 0 : index
          %swap3A_818 = tpu.vector_load %arg9[%swap3A_817] {strides = array<i32>} : memref<32xf32, #tpu.memory_space<vmem>>, vector<16xf32>,
          tpu.vector_store %arg9[%swap3A_817], %select_n3A_670 {strides = array<i32>} : memref<32xf32, #tpu.memory_space<vmem>>, vector<16xf32>,
          %swap3A_819 = arith.constant 16 : index
          %swap3A_820 = tpu.vector_load %arg9[%swap3A_819] {strides = array<i32>} : memref<32xf32, #tpu.memory_space<vmem>>, vector<16xf32>,
          tpu.vector_store %arg9[%swap3A_819], %add3A_816 {strides = array<i32>} : memref<32xf32, #tpu.memory_space<vmem>>, vector<16xf32>,
          %add3A_821 = vector.broadcast %mul3A_806 : i32 to vector<16xi32>
          %add3A_822 = arith.addi %add3A_821, %iota3A : vector<16xi32>
          %swap3A_823 = arith.constant 0 : index
          %swap3A_824 = tpu.vector_load %arg10[%swap3A_823] {strides = array<i32>} : memref<32xi32, #tpu.memory_space<vmem>>, vector<16xi32>,
          tpu.vector_store %arg10[%swap3A_823], %add3A_822 {strides = array<i32>} : memref<32xi32, #tpu.memory_space<vmem>>, vector<16xi32>,
          %add3A_825 = arith.constant 16 : i32
          %add3A_826 = arith.addi %mul3A_806, %add3A_825 : i32
          %add3A_827 = vector.broadcast %add3A_826 : i32 to vector<16xi32>
          %add3A_828 = arith.addi %add3A_827, %iota3A : vector<16xi32>
          %swap3A_829 = arith.constant 16 : index
          %swap3A_830 = tpu.vector_load %arg10[%swap3A_829] {strides = array<i32>} : memref<32xi32, #tpu.memory_space<vmem>>, vector<16xi32>,
          tpu.vector_store %arg10[%swap3A_829], %add3A_828 {strides = array<i32>} : memref<32xi32, #tpu.memory_space<vmem>>, vector<16xi32>,
          "tpu.region"() ({
            %run_scoped3A = tpu.sem_alloc : memref<!tpu.dma_semaphore, #tpu.memory_space<semaphore_mem>>
            %dma_start3A_831 = arith.constant 0 : i32
            %dma_start3A_832 = tpu.memref_slice %arg12[%dma_start3A_831] : memref<32768xf32, #tpu.memory_space<vmem_shared>> -> memref<32768xf32, #tpu.memory_space<vmem_shared>>
            tpu.enqueue_indirect_dma source(%arg9 : memref<32xf32, #tpu.memory_space<vmem>>) target(%dma_start3A_832 : memref<32768xf32, #tpu.memory_space<vmem_shared>>) offsets(%arg10 : memref<32xi32, #tpu.memory_space<vmem>>) semaphore(%run_scoped3A : memref<!tpu.dma_semaphore, #tpu.memory_space<semaphore_mem>>) {add = true}
            %dma_wait3A_833 = arith.constant 0 : i32
            %dma_wait3A_834 = tpu.memref_slice %arg12[%dma_wait3A_833] : memref<32768xf32, #tpu.memory_space<vmem_shared>> -> memref<32768xf32, #tpu.memory_space<vmem_shared>>
            tpu.wait_indirect_dma semaphore(%run_scoped3A : memref<!tpu.dma_semaphore, #tpu.memory_space<semaphore_mem>>) src(%arg9 : memref<32xf32, #tpu.memory_space<vmem>>) dst(%dma_wait3A_834 : memref<32768xf32, #tpu.memory_space<vmem_shared>>)
            tpu.yield
          }) : () -> ()
        } else {
        }
        %broadcast_in_dim3A_685 = vector.broadcast %ne3A_681 : i1 to vector<16xi1>
        %select_n3A_686 = arith.select %broadcast_in_dim3A_685, %broadcast_in_dim3A_40, %select_n3A_670 : vector<16xi1>, vector<16xf32>
        %select_n3A_687 = arith.select %broadcast_in_dim3A_685, %broadcast_in_dim3A_40, %add3A_675 : vector<16xi1>, vector<16xf32>
        %jit3A_688 = arith.constant 0 : i32
        %select_n3A_689 = arith.select %ne3A_681, %jit3A_688, %add3A_677 : i32
        %add3A_690 = arith.constant 13 : i32
        %add3A_691 = arith.addi %add3A_92, %add3A_690 : i32
        %mul3A_692 = arith.constant 16 : i32
        %mul3A_693 = arith.muli %add3A_691, %mul3A_692 : i32
        %get3A_694 = arith.index_cast %mul3A_693 : i32 to index
        %get3A_695 = tpu.vector_load %arg8[%get3A_694] {strides = array<i32>} : memref<50176xi32, #tpu.memory_space<vmem>>, vector<16xi32>,
        %ne3A_696 = arith.constant 0 : i32
        %ne3A_697 = vector.broadcast %ne3A_696 : i32 to vector<16xi32>
        %ne3A_698 = arith.cmpi ne, %get3A_695, %ne3A_697 : vector<16xi32>
        %broadcast_in_dim3A_699 = arith.constant 13 : i32
        %broadcast_in_dim3A_700 = vector.broadcast %broadcast_in_dim3A_699 : i32 to vector<16xi32>
        %lt3A_701 = arith.constant 0 : i32
        %lt3A_702 = vector.broadcast %lt3A_701 : i32 to vector<16xi32>
        %lt3A_703 = arith.cmpi slt, %broadcast_in_dim3A_700, %lt3A_702 : vector<16xi32>
        %add3A_704 = arith.constant 16 : i32
        %add3A_705 = vector.broadcast %add3A_704 : i32 to vector<16xi32>
        %add3A_706 = arith.addi %broadcast_in_dim3A_700, %add3A_705 : vector<16xi32>
        %select_n3A_707 = arith.select %lt3A_703, %add3A_706, %broadcast_in_dim3A_700 : vector<16xi1>, vector<16xi32>
        %broadcast_in_dim3A_708 = vector.shape_cast %select_n3A_707 : vector<16xi32> to vector<16x1xi32>
        %gather3A_709 = vector.shape_cast %broadcast_in_dim3A_708 : vector<16x1xi32> to vector<16xi32>
        %gather3A_710 = tpu.dynamic_gather %get3A_96[%gather3A_709] in [0] : vector<16xf32>, vector<16xi32> -> vector<16xf32>
        %add3A_711 = arith.addf %select_n3A_686, %gather3A_710 : vector<16xf32>
        %select_n3A_712 = arith.select %ne3A_698, %add3A_711, %select_n3A_686 : vector<16xi1>, vector<16xf32>
        %eq3A_713 = arith.constant 13 : i32
        %eq3A_714 = vector.broadcast %eq3A_713 : i32 to vector<16xi32>
        %eq3A_715 = arith.cmpi eq, %iota3A, %eq3A_714 : vector<16xi32>
        %select_n3A_716 = arith.select %eq3A_715, %add3A_129, %broadcast_in_dim3A_40 : vector<16xi1>, vector<16xf32>
        %add3A_717 = arith.addf %select_n3A_687, %select_n3A_716 : vector<16xf32>
        %add3A_718 = arith.constant 1 : i32
        %add3A_719 = arith.addi %select_n3A_689, %add3A_718 : i32
        %select_n3A_720 = arith.select %ne3A_681, %squeeze3A_680, %select_n3A_678 : i32
        %slice3A_721 = vector.extract_strided_slice %get3A_94 {offsets = [14], sizes = [1], strides = [1]} : vector<16xi32> to vector<1xi32>
        %squeeze3A_722 = vector.extract %slice3A_721[0] : i32 from vector<1xi32>
        %ne3A_723 = arith.cmpi ne, %squeeze3A_722, %select_n3A_720 : i32
        %convert_element_type3A_724 = arith.extui %ne3A_723 : i1 to i32
        %cond3A_725 = arith.constant 0 : i32
        %cond3A_726 = arith.cmpi ne, %convert_element_type3A_724, %cond3A_725 : i32
        scf.if %cond3A_726 {
          %mul3A_805 = arith.constant 32 : i32
          %mul3A_806 = arith.muli %select_n3A_720, %mul3A_805 : i32
          %reduce_sum3A_807 = arith.constant true
          %reduce_sum3A_808 = vector.broadcast %reduce_sum3A_807 : i1 to vector<16xi1>
          %reduce_sum3A_809 = tpu.scan <sum>, %add3A_717 masked %reduce_sum3A_808 : vector<16xf32>, vector<16xi1> -> vector<16xf32>
          %reduce_sum3A_810 = vector.extract %reduce_sum3A_809[15] : f32 from vector<16xf32>
          %broadcast_in_dim3A_811 = vector.broadcast %reduce_sum3A_810 : f32 to vector<16xf32>
          %select_n3A_812 = arith.select %eq3A_35, %broadcast_in_dim3A_811, %broadcast_in_dim3A_40 : vector<16xi1>, vector<16xf32>
          %convert_element_type3A_813 = arith.sitofp %add3A_719 : i32 to f32
          %broadcast_in_dim3A_814 = vector.broadcast %convert_element_type3A_813 : f32 to vector<16xf32>
          %select_n3A_815 = arith.select %eq3A_38, %broadcast_in_dim3A_814, %broadcast_in_dim3A_40 : vector<16xi1>, vector<16xf32>
          %add3A_816 = arith.addf %select_n3A_812, %select_n3A_815 : vector<16xf32>
          %swap3A_817 = arith.constant 0 : index
          %swap3A_818 = tpu.vector_load %arg9[%swap3A_817] {strides = array<i32>} : memref<32xf32, #tpu.memory_space<vmem>>, vector<16xf32>,
          tpu.vector_store %arg9[%swap3A_817], %select_n3A_712 {strides = array<i32>} : memref<32xf32, #tpu.memory_space<vmem>>, vector<16xf32>,
          %swap3A_819 = arith.constant 16 : index
          %swap3A_820 = tpu.vector_load %arg9[%swap3A_819] {strides = array<i32>} : memref<32xf32, #tpu.memory_space<vmem>>, vector<16xf32>,
          tpu.vector_store %arg9[%swap3A_819], %add3A_816 {strides = array<i32>} : memref<32xf32, #tpu.memory_space<vmem>>, vector<16xf32>,
          %add3A_821 = vector.broadcast %mul3A_806 : i32 to vector<16xi32>
          %add3A_822 = arith.addi %add3A_821, %iota3A : vector<16xi32>
          %swap3A_823 = arith.constant 0 : index
          %swap3A_824 = tpu.vector_load %arg10[%swap3A_823] {strides = array<i32>} : memref<32xi32, #tpu.memory_space<vmem>>, vector<16xi32>,
          tpu.vector_store %arg10[%swap3A_823], %add3A_822 {strides = array<i32>} : memref<32xi32, #tpu.memory_space<vmem>>, vector<16xi32>,
          %add3A_825 = arith.constant 16 : i32
          %add3A_826 = arith.addi %mul3A_806, %add3A_825 : i32
          %add3A_827 = vector.broadcast %add3A_826 : i32 to vector<16xi32>
          %add3A_828 = arith.addi %add3A_827, %iota3A : vector<16xi32>
          %swap3A_829 = arith.constant 16 : index
          %swap3A_830 = tpu.vector_load %arg10[%swap3A_829] {strides = array<i32>} : memref<32xi32, #tpu.memory_space<vmem>>, vector<16xi32>,
          tpu.vector_store %arg10[%swap3A_829], %add3A_828 {strides = array<i32>} : memref<32xi32, #tpu.memory_space<vmem>>, vector<16xi32>,
          "tpu.region"() ({
            %run_scoped3A = tpu.sem_alloc : memref<!tpu.dma_semaphore, #tpu.memory_space<semaphore_mem>>
            %dma_start3A_831 = arith.constant 0 : i32
            %dma_start3A_832 = tpu.memref_slice %arg12[%dma_start3A_831] : memref<32768xf32, #tpu.memory_space<vmem_shared>> -> memref<32768xf32, #tpu.memory_space<vmem_shared>>
            tpu.enqueue_indirect_dma source(%arg9 : memref<32xf32, #tpu.memory_space<vmem>>) target(%dma_start3A_832 : memref<32768xf32, #tpu.memory_space<vmem_shared>>) offsets(%arg10 : memref<32xi32, #tpu.memory_space<vmem>>) semaphore(%run_scoped3A : memref<!tpu.dma_semaphore, #tpu.memory_space<semaphore_mem>>) {add = true}
            %dma_wait3A_833 = arith.constant 0 : i32
            %dma_wait3A_834 = tpu.memref_slice %arg12[%dma_wait3A_833] : memref<32768xf32, #tpu.memory_space<vmem_shared>> -> memref<32768xf32, #tpu.memory_space<vmem_shared>>
            tpu.wait_indirect_dma semaphore(%run_scoped3A : memref<!tpu.dma_semaphore, #tpu.memory_space<semaphore_mem>>) src(%arg9 : memref<32xf32, #tpu.memory_space<vmem>>) dst(%dma_wait3A_834 : memref<32768xf32, #tpu.memory_space<vmem_shared>>)
            tpu.yield
          }) : () -> ()
        } else {
        }
        %broadcast_in_dim3A_727 = vector.broadcast %ne3A_723 : i1 to vector<16xi1>
        %select_n3A_728 = arith.select %broadcast_in_dim3A_727, %broadcast_in_dim3A_40, %select_n3A_712 : vector<16xi1>, vector<16xf32>
        %select_n3A_729 = arith.select %broadcast_in_dim3A_727, %broadcast_in_dim3A_40, %add3A_717 : vector<16xi1>, vector<16xf32>
        %jit3A_730 = arith.constant 0 : i32
        %select_n3A_731 = arith.select %ne3A_723, %jit3A_730, %add3A_719 : i32
        %add3A_732 = arith.constant 14 : i32
        %add3A_733 = arith.addi %add3A_92, %add3A_732 : i32
        %mul3A_734 = arith.constant 16 : i32
        %mul3A_735 = arith.muli %add3A_733, %mul3A_734 : i32
        %get3A_736 = arith.index_cast %mul3A_735 : i32 to index
        %get3A_737 = tpu.vector_load %arg8[%get3A_736] {strides = array<i32>} : memref<50176xi32, #tpu.memory_space<vmem>>, vector<16xi32>,
        %ne3A_738 = arith.constant 0 : i32
        %ne3A_739 = vector.broadcast %ne3A_738 : i32 to vector<16xi32>
        %ne3A_740 = arith.cmpi ne, %get3A_737, %ne3A_739 : vector<16xi32>
        %broadcast_in_dim3A_741 = arith.constant 14 : i32
        %broadcast_in_dim3A_742 = vector.broadcast %broadcast_in_dim3A_741 : i32 to vector<16xi32>
        %lt3A_743 = arith.constant 0 : i32
        %lt3A_744 = vector.broadcast %lt3A_743 : i32 to vector<16xi32>
        %lt3A_745 = arith.cmpi slt, %broadcast_in_dim3A_742, %lt3A_744 : vector<16xi32>
        %add3A_746 = arith.constant 16 : i32
        %add3A_747 = vector.broadcast %add3A_746 : i32 to vector<16xi32>
        %add3A_748 = arith.addi %broadcast_in_dim3A_742, %add3A_747 : vector<16xi32>
        %select_n3A_749 = arith.select %lt3A_745, %add3A_748, %broadcast_in_dim3A_742 : vector<16xi1>, vector<16xi32>
        %broadcast_in_dim3A_750 = vector.shape_cast %select_n3A_749 : vector<16xi32> to vector<16x1xi32>
        %gather3A_751 = vector.shape_cast %broadcast_in_dim3A_750 : vector<16x1xi32> to vector<16xi32>
        %gather3A_752 = tpu.dynamic_gather %get3A_96[%gather3A_751] in [0] : vector<16xf32>, vector<16xi32> -> vector<16xf32>
        %add3A_753 = arith.addf %select_n3A_728, %gather3A_752 : vector<16xf32>
        %select_n3A_754 = arith.select %ne3A_740, %add3A_753, %select_n3A_728 : vector<16xi1>, vector<16xf32>
        %eq3A_755 = arith.constant 14 : i32
        %eq3A_756 = vector.broadcast %eq3A_755 : i32 to vector<16xi32>
        %eq3A_757 = arith.cmpi eq, %iota3A, %eq3A_756 : vector<16xi32>
        %select_n3A_758 = arith.select %eq3A_757, %add3A_129, %broadcast_in_dim3A_40 : vector<16xi1>, vector<16xf32>
        %add3A_759 = arith.addf %select_n3A_729, %select_n3A_758 : vector<16xf32>
        %add3A_760 = arith.constant 1 : i32
        %add3A_761 = arith.addi %select_n3A_731, %add3A_760 : i32
        %select_n3A_762 = arith.select %ne3A_723, %squeeze3A_722, %select_n3A_720 : i32
        %slice3A_763 = vector.extract_strided_slice %get3A_94 {offsets = [15], sizes = [1], strides = [1]} : vector<16xi32> to vector<1xi32>
        %squeeze3A_764 = vector.extract %slice3A_763[0] : i32 from vector<1xi32>
        %ne3A_765 = arith.cmpi ne, %squeeze3A_764, %select_n3A_762 : i32
        %convert_element_type3A_766 = arith.extui %ne3A_765 : i1 to i32
        %cond3A_767 = arith.constant 0 : i32
        %cond3A_768 = arith.cmpi ne, %convert_element_type3A_766, %cond3A_767 : i32
        scf.if %cond3A_768 {
          %mul3A_805 = arith.constant 32 : i32
          %mul3A_806 = arith.muli %select_n3A_762, %mul3A_805 : i32
          %reduce_sum3A_807 = arith.constant true
          %reduce_sum3A_808 = vector.broadcast %reduce_sum3A_807 : i1 to vector<16xi1>
          %reduce_sum3A_809 = tpu.scan <sum>, %add3A_759 masked %reduce_sum3A_808 : vector<16xf32>, vector<16xi1> -> vector<16xf32>
          %reduce_sum3A_810 = vector.extract %reduce_sum3A_809[15] : f32 from vector<16xf32>
          %broadcast_in_dim3A_811 = vector.broadcast %reduce_sum3A_810 : f32 to vector<16xf32>
          %select_n3A_812 = arith.select %eq3A_35, %broadcast_in_dim3A_811, %broadcast_in_dim3A_40 : vector<16xi1>, vector<16xf32>
          %convert_element_type3A_813 = arith.sitofp %add3A_761 : i32 to f32
          %broadcast_in_dim3A_814 = vector.broadcast %convert_element_type3A_813 : f32 to vector<16xf32>
          %select_n3A_815 = arith.select %eq3A_38, %broadcast_in_dim3A_814, %broadcast_in_dim3A_40 : vector<16xi1>, vector<16xf32>
          %add3A_816 = arith.addf %select_n3A_812, %select_n3A_815 : vector<16xf32>
          %swap3A_817 = arith.constant 0 : index
          %swap3A_818 = tpu.vector_load %arg9[%swap3A_817] {strides = array<i32>} : memref<32xf32, #tpu.memory_space<vmem>>, vector<16xf32>,
          tpu.vector_store %arg9[%swap3A_817], %select_n3A_754 {strides = array<i32>} : memref<32xf32, #tpu.memory_space<vmem>>, vector<16xf32>,
          %swap3A_819 = arith.constant 16 : index
          %swap3A_820 = tpu.vector_load %arg9[%swap3A_819] {strides = array<i32>} : memref<32xf32, #tpu.memory_space<vmem>>, vector<16xf32>,
          tpu.vector_store %arg9[%swap3A_819], %add3A_816 {strides = array<i32>} : memref<32xf32, #tpu.memory_space<vmem>>, vector<16xf32>,
          %add3A_821 = vector.broadcast %mul3A_806 : i32 to vector<16xi32>
          %add3A_822 = arith.addi %add3A_821, %iota3A : vector<16xi32>
          %swap3A_823 = arith.constant 0 : index
          %swap3A_824 = tpu.vector_load %arg10[%swap3A_823] {strides = array<i32>} : memref<32xi32, #tpu.memory_space<vmem>>, vector<16xi32>,
          tpu.vector_store %arg10[%swap3A_823], %add3A_822 {strides = array<i32>} : memref<32xi32, #tpu.memory_space<vmem>>, vector<16xi32>,
          %add3A_825 = arith.constant 16 : i32
          %add3A_826 = arith.addi %mul3A_806, %add3A_825 : i32
          %add3A_827 = vector.broadcast %add3A_826 : i32 to vector<16xi32>
          %add3A_828 = arith.addi %add3A_827, %iota3A : vector<16xi32>
          %swap3A_829 = arith.constant 16 : index
          %swap3A_830 = tpu.vector_load %arg10[%swap3A_829] {strides = array<i32>} : memref<32xi32, #tpu.memory_space<vmem>>, vector<16xi32>,
          tpu.vector_store %arg10[%swap3A_829], %add3A_828 {strides = array<i32>} : memref<32xi32, #tpu.memory_space<vmem>>, vector<16xi32>,
          "tpu.region"() ({
            %run_scoped3A = tpu.sem_alloc : memref<!tpu.dma_semaphore, #tpu.memory_space<semaphore_mem>>
            %dma_start3A_831 = arith.constant 0 : i32
            %dma_start3A_832 = tpu.memref_slice %arg12[%dma_start3A_831] : memref<32768xf32, #tpu.memory_space<vmem_shared>> -> memref<32768xf32, #tpu.memory_space<vmem_shared>>
            tpu.enqueue_indirect_dma source(%arg9 : memref<32xf32, #tpu.memory_space<vmem>>) target(%dma_start3A_832 : memref<32768xf32, #tpu.memory_space<vmem_shared>>) offsets(%arg10 : memref<32xi32, #tpu.memory_space<vmem>>) semaphore(%run_scoped3A : memref<!tpu.dma_semaphore, #tpu.memory_space<semaphore_mem>>) {add = true}
            %dma_wait3A_833 = arith.constant 0 : i32
            %dma_wait3A_834 = tpu.memref_slice %arg12[%dma_wait3A_833] : memref<32768xf32, #tpu.memory_space<vmem_shared>> -> memref<32768xf32, #tpu.memory_space<vmem_shared>>
            tpu.wait_indirect_dma semaphore(%run_scoped3A : memref<!tpu.dma_semaphore, #tpu.memory_space<semaphore_mem>>) src(%arg9 : memref<32xf32, #tpu.memory_space<vmem>>) dst(%dma_wait3A_834 : memref<32768xf32, #tpu.memory_space<vmem_shared>>)
            tpu.yield
          }) : () -> ()
        } else {
        }
        %broadcast_in_dim3A_769 = vector.broadcast %ne3A_765 : i1 to vector<16xi1>
        %select_n3A_770 = arith.select %broadcast_in_dim3A_769, %broadcast_in_dim3A_40, %select_n3A_754 : vector<16xi1>, vector<16xf32>
        %select_n3A_771 = arith.select %broadcast_in_dim3A_769, %broadcast_in_dim3A_40, %add3A_759 : vector<16xi1>, vector<16xf32>
        %jit3A_772 = arith.constant 0 : i32
        %select_n3A_773 = arith.select %ne3A_765, %jit3A_772, %add3A_761 : i32
        %add3A_774 = arith.constant 15 : i32
        %add3A_775 = arith.addi %add3A_92, %add3A_774 : i32
        %mul3A_776 = arith.constant 16 : i32
        %mul3A_777 = arith.muli %add3A_775, %mul3A_776 : i32
        %get3A_778 = arith.index_cast %mul3A_777 : i32 to index
        %get3A_779 = tpu.vector_load %arg8[%get3A_778] {strides = array<i32>} : memref<50176xi32, #tpu.memory_space<vmem>>, vector<16xi32>,
        %ne3A_780 = arith.constant 0 : i32
        %ne3A_781 = vector.broadcast %ne3A_780 : i32 to vector<16xi32>
        %ne3A_782 = arith.cmpi ne, %get3A_779, %ne3A_781 : vector<16xi32>
        %broadcast_in_dim3A_783 = arith.constant 15 : i32
        %broadcast_in_dim3A_784 = vector.broadcast %broadcast_in_dim3A_783 : i32 to vector<16xi32>
        %lt3A_785 = arith.constant 0 : i32
        %lt3A_786 = vector.broadcast %lt3A_785 : i32 to vector<16xi32>
        %lt3A_787 = arith.cmpi slt, %broadcast_in_dim3A_784, %lt3A_786 : vector<16xi32>
        %add3A_788 = arith.constant 16 : i32
        %add3A_789 = vector.broadcast %add3A_788 : i32 to vector<16xi32>
        %add3A_790 = arith.addi %broadcast_in_dim3A_784, %add3A_789 : vector<16xi32>
        %select_n3A_791 = arith.select %lt3A_787, %add3A_790, %broadcast_in_dim3A_784 : vector<16xi1>, vector<16xi32>
        %broadcast_in_dim3A_792 = vector.shape_cast %select_n3A_791 : vector<16xi32> to vector<16x1xi32>
        %gather3A_793 = vector.shape_cast %broadcast_in_dim3A_792 : vector<16x1xi32> to vector<16xi32>
        %gather3A_794 = tpu.dynamic_gather %get3A_96[%gather3A_793] in [0] : vector<16xf32>, vector<16xi32> -> vector<16xf32>
        %add3A_795 = arith.addf %select_n3A_770, %gather3A_794 : vector<16xf32>
        %select_n3A_796 = arith.select %ne3A_782, %add3A_795, %select_n3A_770 : vector<16xi1>, vector<16xf32>
        %eq3A_797 = arith.constant 15 : i32
        %eq3A_798 = vector.broadcast %eq3A_797 : i32 to vector<16xi32>
        %eq3A_799 = arith.cmpi eq, %iota3A, %eq3A_798 : vector<16xi32>
        %select_n3A_800 = arith.select %eq3A_799, %add3A_129, %broadcast_in_dim3A_40 : vector<16xi1>, vector<16xf32>
        %add3A_801 = arith.addf %select_n3A_771, %select_n3A_800 : vector<16xf32>
        %add3A_802 = arith.constant 1 : i32
        %add3A_803 = arith.addi %select_n3A_773, %add3A_802 : i32
        %select_n3A_804 = arith.select %ne3A_765, %squeeze3A_764, %select_n3A_762 : i32
        scf.yield %select_n3A_804, %select_n3A_796, %add3A_801, %add3A_803 : i32, vector<16xf32>, vector<16xf32>, i32
      }
      scf.yield %cond3A_134#0, %cond3A_134#1, %cond3A_134#2, %cond3A_134#3 : i32, vector<16xf32>, vector<16xf32>, i32
    }
    %while3A_51 = arith.constant 1 : i32
    %while3A_52:4 = scf.for %while3A_85 = %while3A_48 to %while3A_44 step %while3A_51 iter_args(%while3A_86 = %while3A_50#0, %while3A_87 = %while3A_50#1, %while3A_88 = %while3A_50#2, %while3A_89 = %while3A_50#3) -> (i32, vector<16xf32>, vector<16xf32>, i32)  : i32 {
      %mul3A_90 = arith.constant 16 : i32
      %mul3A_91 = arith.muli %while3A_85, %mul3A_90 : i32
      %add3A_92 = arith.addi %sub3A, %mul3A_91 : i32
      %get3A_93 = arith.index_cast %add3A_92 : i32 to index
      %get3A_94 = tpu.vector_load %arg7[%get3A_93] {strides = array<i32>} : memref<3136xi32, #tpu.memory_space<vmem>>, vector<16xi32>,
      %get3A_95 = arith.index_cast %add3A_92 : i32 to index
      %get3A_96 = tpu.vector_load %arg6[%get3A_95] {strides = array<i32>} : memref<3136xf32, #tpu.memory_space<vmem>>, vector<16xf32>,
      %slice3A_97 = vector.extract_strided_slice %get3A_94 {offsets = [0], sizes = [1], strides = [1]} : vector<16xi32> to vector<1xi32>
      %squeeze3A_98 = vector.extract %slice3A_97[0] : i32 from vector<1xi32>
      %slice3A_99 = vector.extract_strided_slice %get3A_94 {offsets = [15], sizes = [1], strides = [1]} : vector<16xi32> to vector<1xi32>
      %squeeze3A_100 = vector.extract %slice3A_99[0] : i32 from vector<1xi32>
      %abs3A = math.absf %get3A_96 : vector<16xf32>
      %neg3A = arith.constant 0.000000e+00 : f32
      %neg3A_101 = vector.broadcast %neg3A : f32 to vector<16xf32>
      %neg3A_102 = arith.subf %neg3A_101, %abs3A : vector<16xf32>
      %exp3A = math.exp %neg3A_102 : vector<16xf32>
      %broadcast_in_dim3A_103 = arith.constant -0.0172080602 : f32
      %broadcast_in_dim3A_104 = vector.broadcast %broadcast_in_dim3A_103 : f32 to vector<16xf32>
      %mul3A_105 = arith.mulf %broadcast_in_dim3A_104, %exp3A : vector<16xf32>
      %add3A_106 = arith.constant 0.0817268118 : f32
      %add3A_107 = vector.broadcast %add3A_106 : f32 to vector<16xf32>
      %add3A_108 = arith.addf %mul3A_105, %add3A_107 : vector<16xf32>
      %mul3A_109 = arith.mulf %add3A_108, %exp3A : vector<16xf32>
      %add3A_110 = arith.constant -0.188782677 : f32
      %add3A_111 = vector.broadcast %add3A_110 : f32 to vector<16xf32>
      %add3A_112 = arith.addf %mul3A_109, %add3A_111 : vector<16xf32>
      %mul3A_113 = arith.mulf %add3A_112, %exp3A : vector<16xf32>
      %add3A_114 = arith.constant 0.314590544 : f32
      %add3A_115 = vector.broadcast %add3A_114 : f32 to vector<16xf32>
      %add3A_116 = arith.addf %mul3A_113, %add3A_115 : vector<16xf32>
      %mul3A_117 = arith.mulf %add3A_116, %exp3A : vector<16xf32>
      %add3A_118 = arith.constant -0.496977925 : f32
      %add3A_119 = vector.broadcast %add3A_118 : f32 to vector<16xf32>
      %add3A_120 = arith.addf %mul3A_117, %add3A_119 : vector<16xf32>
      %mul3A_121 = arith.mulf %add3A_120, %exp3A : vector<16xf32>
      %add3A_122 = arith.constant 0.999792456 : f32
      %add3A_123 = vector.broadcast %add3A_122 : f32 to vector<16xf32>
      %add3A_124 = arith.addf %mul3A_121, %add3A_123 : vector<16xf32>
      %mul3A_125 = arith.mulf %add3A_124, %exp3A : vector<16xf32>
      %add3A_126 = arith.constant 3.50755204E-6 : f32
      %add3A_127 = vector.broadcast %add3A_126 : f32 to vector<16xf32>
      %add3A_128 = arith.addf %mul3A_125, %add3A_127 : vector<16xf32>
      %max3A = arith.maximumf %get3A_96, %broadcast_in_dim3A_40 : vector<16xf32>
      %add3A_129 = arith.addf %max3A, %add3A_128 : vector<16xf32>
      %eq3A_130 = arith.cmpi eq, %squeeze3A_98, %squeeze3A_100 : i32
      %convert_element_type3A_131 = arith.extui %eq3A_130 : i1 to i32
      %cond3A_132 = arith.constant 0 : i32
      %cond3A_133 = arith.cmpi ne, %convert_element_type3A_131, %cond3A_132 : i32
      %cond3A_134:4 = scf.if %cond3A_133 -> (i32, vector<16xf32>, vector<16xf32>, i32) {
        %ne3A = arith.cmpi ne, %squeeze3A_98, %while3A_86 : i32
        %convert_element_type3A_135 = arith.extui %ne3A : i1 to i32
        %cond3A_136 = arith.constant 0 : i32
        %cond3A_137 = arith.cmpi ne, %convert_element_type3A_135, %cond3A_136 : i32
        scf.if %cond3A_137 {
          %mul3A_530 = arith.constant 32 : i32
          %mul3A_531 = arith.muli %while3A_86, %mul3A_530 : i32
          %reduce_sum3A_532 = arith.constant true
          %reduce_sum3A_533 = vector.broadcast %reduce_sum3A_532 : i1 to vector<16xi1>
          %reduce_sum3A_534 = tpu.scan <sum>, %while3A_88 masked %reduce_sum3A_533 : vector<16xf32>, vector<16xi1> -> vector<16xf32>
          %reduce_sum3A_535 = vector.extract %reduce_sum3A_534[15] : f32 from vector<16xf32>
          %broadcast_in_dim3A_536 = vector.broadcast %reduce_sum3A_535 : f32 to vector<16xf32>
          %select_n3A_537 = arith.select %eq3A_35, %broadcast_in_dim3A_536, %broadcast_in_dim3A_40 : vector<16xi1>, vector<16xf32>
          %convert_element_type3A_538 = arith.sitofp %while3A_89 : i32 to f32
          %broadcast_in_dim3A_539 = vector.broadcast %convert_element_type3A_538 : f32 to vector<16xf32>
          %select_n3A_540 = arith.select %eq3A_38, %broadcast_in_dim3A_539, %broadcast_in_dim3A_40 : vector<16xi1>, vector<16xf32>
          %add3A_541 = arith.addf %select_n3A_537, %select_n3A_540 : vector<16xf32>
          %swap3A_542 = arith.constant 0 : index
          %swap3A_543 = tpu.vector_load %arg9[%swap3A_542] {strides = array<i32>} : memref<32xf32, #tpu.memory_space<vmem>>, vector<16xf32>,
          tpu.vector_store %arg9[%swap3A_542], %while3A_87 {strides = array<i32>} : memref<32xf32, #tpu.memory_space<vmem>>, vector<16xf32>,
          %swap3A_544 = arith.constant 16 : index
          %swap3A_545 = tpu.vector_load %arg9[%swap3A_544] {strides = array<i32>} : memref<32xf32, #tpu.memory_space<vmem>>, vector<16xf32>,
          tpu.vector_store %arg9[%swap3A_544], %add3A_541 {strides = array<i32>} : memref<32xf32, #tpu.memory_space<vmem>>, vector<16xf32>,
          %add3A_546 = vector.broadcast %mul3A_531 : i32 to vector<16xi32>
          %add3A_547 = arith.addi %add3A_546, %iota3A : vector<16xi32>
          %swap3A_548 = arith.constant 0 : index
          %swap3A_549 = tpu.vector_load %arg10[%swap3A_548] {strides = array<i32>} : memref<32xi32, #tpu.memory_space<vmem>>, vector<16xi32>,
          tpu.vector_store %arg10[%swap3A_548], %add3A_547 {strides = array<i32>} : memref<32xi32, #tpu.memory_space<vmem>>, vector<16xi32>,
          %add3A_550 = arith.constant 16 : i32
          %add3A_551 = arith.addi %mul3A_531, %add3A_550 : i32
          %add3A_552 = vector.broadcast %add3A_551 : i32 to vector<16xi32>
          %add3A_553 = arith.addi %add3A_552, %iota3A : vector<16xi32>
          %swap3A_554 = arith.constant 16 : index
          %swap3A_555 = tpu.vector_load %arg10[%swap3A_554] {strides = array<i32>} : memref<32xi32, #tpu.memory_space<vmem>>, vector<16xi32>,
          tpu.vector_store %arg10[%swap3A_554], %add3A_553 {strides = array<i32>} : memref<32xi32, #tpu.memory_space<vmem>>, vector<16xi32>,
          "tpu.region"() ({
            %run_scoped3A = tpu.sem_alloc : memref<!tpu.dma_semaphore, #tpu.memory_space<semaphore_mem>>
            %dma_start3A_556 = arith.constant 0 : i32
            %dma_start3A_557 = tpu.memref_slice %arg12[%dma_start3A_556] : memref<32768xf32, #tpu.memory_space<vmem_shared>> -> memref<32768xf32, #tpu.memory_space<vmem_shared>>
            tpu.enqueue_indirect_dma source(%arg9 : memref<32xf32, #tpu.memory_space<vmem>>) target(%dma_start3A_557 : memref<32768xf32, #tpu.memory_space<vmem_shared>>) offsets(%arg10 : memref<32xi32, #tpu.memory_space<vmem>>) semaphore(%run_scoped3A : memref<!tpu.dma_semaphore, #tpu.memory_space<semaphore_mem>>) {add = true}
            %dma_wait3A_558 = arith.constant 0 : i32
            %dma_wait3A_559 = tpu.memref_slice %arg12[%dma_wait3A_558] : memref<32768xf32, #tpu.memory_space<vmem_shared>> -> memref<32768xf32, #tpu.memory_space<vmem_shared>>
            tpu.wait_indirect_dma semaphore(%run_scoped3A : memref<!tpu.dma_semaphore, #tpu.memory_space<semaphore_mem>>) src(%arg9 : memref<32xf32, #tpu.memory_space<vmem>>) dst(%dma_wait3A_559 : memref<32768xf32, #tpu.memory_space<vmem_shared>>)
            tpu.yield
          }) : () -> ()
        } else {
        }
        %broadcast_in_dim3A_138 = vector.broadcast %ne3A : i1 to vector<16xi1>
        %select_n3A_139 = arith.select %broadcast_in_dim3A_138, %broadcast_in_dim3A_40, %while3A_87 : vector<16xi1>, vector<16xf32>
        %select_n3A_140 = arith.select %broadcast_in_dim3A_138, %broadcast_in_dim3A_40, %while3A_88 : vector<16xi1>, vector<16xf32>
        %jit3A_141 = arith.constant 0 : i32
        %select_n3A_142 = arith.select %ne3A, %jit3A_141, %while3A_89 : i32
        %add3A_143 = arith.constant 0 : i32
        %add3A_144 = arith.addi %add3A_92, %add3A_143 : i32
        %mul3A_145 = arith.constant 16 : i32
        %mul3A_146 = arith.muli %add3A_144, %mul3A_145 : i32
        %get3A_147 = arith.index_cast %mul3A_146 : i32 to index
        %get3A_148 = tpu.vector_load %arg8[%get3A_147] {strides = array<i32>} : memref<50176xi32, #tpu.memory_space<vmem>>, vector<16xi32>,
        %ne3A_149 = arith.constant 0 : i32
        %ne3A_150 = vector.broadcast %ne3A_149 : i32 to vector<16xi32>
        %ne3A_151 = arith.cmpi ne, %get3A_148, %ne3A_150 : vector<16xi32>
        %broadcast_in_dim3A_152 = arith.constant 0 : i32
        %broadcast_in_dim3A_153 = vector.broadcast %broadcast_in_dim3A_152 : i32 to vector<16xi32>
        %lt3A_154 = arith.constant 0 : i32
        %lt3A_155 = vector.broadcast %lt3A_154 : i32 to vector<16xi32>
        %lt3A_156 = arith.cmpi slt, %broadcast_in_dim3A_153, %lt3A_155 : vector<16xi32>
        %add3A_157 = arith.constant 16 : i32
        %add3A_158 = vector.broadcast %add3A_157 : i32 to vector<16xi32>
        %add3A_159 = arith.addi %broadcast_in_dim3A_153, %add3A_158 : vector<16xi32>
        %select_n3A_160 = arith.select %lt3A_156, %add3A_159, %broadcast_in_dim3A_153 : vector<16xi1>, vector<16xi32>
        %broadcast_in_dim3A_161 = vector.shape_cast %select_n3A_160 : vector<16xi32> to vector<16x1xi32>
        %gather3A = vector.shape_cast %broadcast_in_dim3A_161 : vector<16x1xi32> to vector<16xi32>
        %gather3A_162 = tpu.dynamic_gather %get3A_96[%gather3A] in [0] : vector<16xf32>, vector<16xi32> -> vector<16xf32>
        %add3A_163 = arith.addf %select_n3A_139, %gather3A_162 : vector<16xf32>
        %select_n3A_164 = arith.select %ne3A_151, %add3A_163, %select_n3A_139 : vector<16xi1>, vector<16xf32>
        %add3A_165 = arith.constant 0 : i32
        %add3A_166 = arith.addi %add3A_92, %add3A_165 : i32
        %add3A_167 = arith.constant 1 : i32
        %add3A_168 = arith.addi %add3A_166, %add3A_167 : i32
        %mul3A_169 = arith.constant 16 : i32
        %mul3A_170 = arith.muli %add3A_168, %mul3A_169 : i32
        %get3A_171 = arith.index_cast %mul3A_170 : i32 to index
        %get3A_172 = tpu.vector_load %arg8[%get3A_171] {strides = array<i32>} : memref<50176xi32, #tpu.memory_space<vmem>>, vector<16xi32>,
        %ne3A_173 = arith.constant 0 : i32
        %ne3A_174 = vector.broadcast %ne3A_173 : i32 to vector<16xi32>
        %ne3A_175 = arith.cmpi ne, %get3A_172, %ne3A_174 : vector<16xi32>
        %broadcast_in_dim3A_176 = arith.constant 1 : i32
        %broadcast_in_dim3A_177 = vector.broadcast %broadcast_in_dim3A_176 : i32 to vector<16xi32>
        %lt3A_178 = arith.constant 0 : i32
        %lt3A_179 = vector.broadcast %lt3A_178 : i32 to vector<16xi32>
        %lt3A_180 = arith.cmpi slt, %broadcast_in_dim3A_177, %lt3A_179 : vector<16xi32>
        %add3A_181 = arith.constant 16 : i32
        %add3A_182 = vector.broadcast %add3A_181 : i32 to vector<16xi32>
        %add3A_183 = arith.addi %broadcast_in_dim3A_177, %add3A_182 : vector<16xi32>
        %select_n3A_184 = arith.select %lt3A_180, %add3A_183, %broadcast_in_dim3A_177 : vector<16xi1>, vector<16xi32>
        %broadcast_in_dim3A_185 = vector.shape_cast %select_n3A_184 : vector<16xi32> to vector<16x1xi32>
        %gather3A_186 = vector.shape_cast %broadcast_in_dim3A_185 : vector<16x1xi32> to vector<16xi32>
        %gather3A_187 = tpu.dynamic_gather %get3A_96[%gather3A_186] in [0] : vector<16xf32>, vector<16xi32> -> vector<16xf32>
        %add3A_188 = arith.addf %broadcast_in_dim3A_40, %gather3A_187 : vector<16xf32>
        %select_n3A_189 = arith.select %ne3A_175, %add3A_188, %broadcast_in_dim3A_40 : vector<16xi1>, vector<16xf32>
        %add3A_190 = arith.constant 2 : i32
        %add3A_191 = arith.addi %add3A_92, %add3A_190 : i32
        %mul3A_192 = arith.constant 16 : i32
        %mul3A_193 = arith.muli %add3A_191, %mul3A_192 : i32
        %get3A_194 = arith.index_cast %mul3A_193 : i32 to index
        %get3A_195 = tpu.vector_load %arg8[%get3A_194] {strides = array<i32>} : memref<50176xi32, #tpu.memory_space<vmem>>, vector<16xi32>,
        %ne3A_196 = arith.constant 0 : i32
        %ne3A_197 = vector.broadcast %ne3A_196 : i32 to vector<16xi32>
        %ne3A_198 = arith.cmpi ne, %get3A_195, %ne3A_197 : vector<16xi32>
        %broadcast_in_dim3A_199 = arith.constant 2 : i32
        %broadcast_in_dim3A_200 = vector.broadcast %broadcast_in_dim3A_199 : i32 to vector<16xi32>
        %lt3A_201 = arith.constant 0 : i32
        %lt3A_202 = vector.broadcast %lt3A_201 : i32 to vector<16xi32>
        %lt3A_203 = arith.cmpi slt, %broadcast_in_dim3A_200, %lt3A_202 : vector<16xi32>
        %add3A_204 = arith.constant 16 : i32
        %add3A_205 = vector.broadcast %add3A_204 : i32 to vector<16xi32>
        %add3A_206 = arith.addi %broadcast_in_dim3A_200, %add3A_205 : vector<16xi32>
        %select_n3A_207 = arith.select %lt3A_203, %add3A_206, %broadcast_in_dim3A_200 : vector<16xi1>, vector<16xi32>
        %broadcast_in_dim3A_208 = vector.shape_cast %select_n3A_207 : vector<16xi32> to vector<16x1xi32>
        %gather3A_209 = vector.shape_cast %broadcast_in_dim3A_208 : vector<16x1xi32> to vector<16xi32>
        %gather3A_210 = tpu.dynamic_gather %get3A_96[%gather3A_209] in [0] : vector<16xf32>, vector<16xi32> -> vector<16xf32>
        %add3A_211 = arith.addf %select_n3A_164, %gather3A_210 : vector<16xf32>
        %select_n3A_212 = arith.select %ne3A_198, %add3A_211, %select_n3A_164 : vector<16xi1>, vector<16xf32>
        %add3A_213 = arith.constant 2 : i32
        %add3A_214 = arith.addi %add3A_92, %add3A_213 : i32
        %add3A_215 = arith.constant 1 : i32
        %add3A_216 = arith.addi %add3A_214, %add3A_215 : i32
        %mul3A_217 = arith.constant 16 : i32
        %mul3A_218 = arith.muli %add3A_216, %mul3A_217 : i32
        %get3A_219 = arith.index_cast %mul3A_218 : i32 to index
        %get3A_220 = tpu.vector_load %arg8[%get3A_219] {strides = array<i32>} : memref<50176xi32, #tpu.memory_space<vmem>>, vector<16xi32>,
        %ne3A_221 = arith.constant 0 : i32
        %ne3A_222 = vector.broadcast %ne3A_221 : i32 to vector<16xi32>
        %ne3A_223 = arith.cmpi ne, %get3A_220, %ne3A_222 : vector<16xi32>
        %broadcast_in_dim3A_224 = arith.constant 3 : i32
        %broadcast_in_dim3A_225 = vector.broadcast %broadcast_in_dim3A_224 : i32 to vector<16xi32>
        %lt3A_226 = arith.constant 0 : i32
        %lt3A_227 = vector.broadcast %lt3A_226 : i32 to vector<16xi32>
        %lt3A_228 = arith.cmpi slt, %broadcast_in_dim3A_225, %lt3A_227 : vector<16xi32>
        %add3A_229 = arith.constant 16 : i32
        %add3A_230 = vector.broadcast %add3A_229 : i32 to vector<16xi32>
        %add3A_231 = arith.addi %broadcast_in_dim3A_225, %add3A_230 : vector<16xi32>
        %select_n3A_232 = arith.select %lt3A_228, %add3A_231, %broadcast_in_dim3A_225 : vector<16xi1>, vector<16xi32>
        %broadcast_in_dim3A_233 = vector.shape_cast %select_n3A_232 : vector<16xi32> to vector<16x1xi32>
        %gather3A_234 = vector.shape_cast %broadcast_in_dim3A_233 : vector<16x1xi32> to vector<16xi32>
        %gather3A_235 = tpu.dynamic_gather %get3A_96[%gather3A_234] in [0] : vector<16xf32>, vector<16xi32> -> vector<16xf32>
        %add3A_236 = arith.addf %select_n3A_189, %gather3A_235 : vector<16xf32>
        %select_n3A_237 = arith.select %ne3A_223, %add3A_236, %select_n3A_189 : vector<16xi1>, vector<16xf32>
        %add3A_238 = arith.constant 4 : i32
        %add3A_239 = arith.addi %add3A_92, %add3A_238 : i32
        %mul3A_240 = arith.constant 16 : i32
        %mul3A_241 = arith.muli %add3A_239, %mul3A_240 : i32
        %get3A_242 = arith.index_cast %mul3A_241 : i32 to index
        %get3A_243 = tpu.vector_load %arg8[%get3A_242] {strides = array<i32>} : memref<50176xi32, #tpu.memory_space<vmem>>, vector<16xi32>,
        %ne3A_244 = arith.constant 0 : i32
        %ne3A_245 = vector.broadcast %ne3A_244 : i32 to vector<16xi32>
        %ne3A_246 = arith.cmpi ne, %get3A_243, %ne3A_245 : vector<16xi32>
        %broadcast_in_dim3A_247 = arith.constant 4 : i32
        %broadcast_in_dim3A_248 = vector.broadcast %broadcast_in_dim3A_247 : i32 to vector<16xi32>
        %lt3A_249 = arith.constant 0 : i32
        %lt3A_250 = vector.broadcast %lt3A_249 : i32 to vector<16xi32>
        %lt3A_251 = arith.cmpi slt, %broadcast_in_dim3A_248, %lt3A_250 : vector<16xi32>
        %add3A_252 = arith.constant 16 : i32
        %add3A_253 = vector.broadcast %add3A_252 : i32 to vector<16xi32>
        %add3A_254 = arith.addi %broadcast_in_dim3A_248, %add3A_253 : vector<16xi32>
        %select_n3A_255 = arith.select %lt3A_251, %add3A_254, %broadcast_in_dim3A_248 : vector<16xi1>, vector<16xi32>
        %broadcast_in_dim3A_256 = vector.shape_cast %select_n3A_255 : vector<16xi32> to vector<16x1xi32>
        %gather3A_257 = vector.shape_cast %broadcast_in_dim3A_256 : vector<16x1xi32> to vector<16xi32>
        %gather3A_258 = tpu.dynamic_gather %get3A_96[%gather3A_257] in [0] : vector<16xf32>, vector<16xi32> -> vector<16xf32>
        %add3A_259 = arith.addf %select_n3A_212, %gather3A_258 : vector<16xf32>
        %select_n3A_260 = arith.select %ne3A_246, %add3A_259, %select_n3A_212 : vector<16xi1>, vector<16xf32>
        %add3A_261 = arith.constant 4 : i32
        %add3A_262 = arith.addi %add3A_92, %add3A_261 : i32
        %add3A_263 = arith.constant 1 : i32
        %add3A_264 = arith.addi %add3A_262, %add3A_263 : i32
        %mul3A_265 = arith.constant 16 : i32
        %mul3A_266 = arith.muli %add3A_264, %mul3A_265 : i32
        %get3A_267 = arith.index_cast %mul3A_266 : i32 to index
        %get3A_268 = tpu.vector_load %arg8[%get3A_267] {strides = array<i32>} : memref<50176xi32, #tpu.memory_space<vmem>>, vector<16xi32>,
        %ne3A_269 = arith.constant 0 : i32
        %ne3A_270 = vector.broadcast %ne3A_269 : i32 to vector<16xi32>
        %ne3A_271 = arith.cmpi ne, %get3A_268, %ne3A_270 : vector<16xi32>
        %broadcast_in_dim3A_272 = arith.constant 5 : i32
        %broadcast_in_dim3A_273 = vector.broadcast %broadcast_in_dim3A_272 : i32 to vector<16xi32>
        %lt3A_274 = arith.constant 0 : i32
        %lt3A_275 = vector.broadcast %lt3A_274 : i32 to vector<16xi32>
        %lt3A_276 = arith.cmpi slt, %broadcast_in_dim3A_273, %lt3A_275 : vector<16xi32>
        %add3A_277 = arith.constant 16 : i32
        %add3A_278 = vector.broadcast %add3A_277 : i32 to vector<16xi32>
        %add3A_279 = arith.addi %broadcast_in_dim3A_273, %add3A_278 : vector<16xi32>
        %select_n3A_280 = arith.select %lt3A_276, %add3A_279, %broadcast_in_dim3A_273 : vector<16xi1>, vector<16xi32>
        %broadcast_in_dim3A_281 = vector.shape_cast %select_n3A_280 : vector<16xi32> to vector<16x1xi32>
        %gather3A_282 = vector.shape_cast %broadcast_in_dim3A_281 : vector<16x1xi32> to vector<16xi32>
        %gather3A_283 = tpu.dynamic_gather %get3A_96[%gather3A_282] in [0] : vector<16xf32>, vector<16xi32> -> vector<16xf32>
        %add3A_284 = arith.addf %select_n3A_237, %gather3A_283 : vector<16xf32>
        %select_n3A_285 = arith.select %ne3A_271, %add3A_284, %select_n3A_237 : vector<16xi1>, vector<16xf32>
        %add3A_286 = arith.constant 6 : i32
        %add3A_287 = arith.addi %add3A_92, %add3A_286 : i32
        %mul3A_288 = arith.constant 16 : i32
        %mul3A_289 = arith.muli %add3A_287, %mul3A_288 : i32
        %get3A_290 = arith.index_cast %mul3A_289 : i32 to index
        %get3A_291 = tpu.vector_load %arg8[%get3A_290] {strides = array<i32>} : memref<50176xi32, #tpu.memory_space<vmem>>, vector<16xi32>,
        %ne3A_292 = arith.constant 0 : i32
        %ne3A_293 = vector.broadcast %ne3A_292 : i32 to vector<16xi32>
        %ne3A_294 = arith.cmpi ne, %get3A_291, %ne3A_293 : vector<16xi32>
        %broadcast_in_dim3A_295 = arith.constant 6 : i32
        %broadcast_in_dim3A_296 = vector.broadcast %broadcast_in_dim3A_295 : i32 to vector<16xi32>
        %lt3A_297 = arith.constant 0 : i32
        %lt3A_298 = vector.broadcast %lt3A_297 : i32 to vector<16xi32>
        %lt3A_299 = arith.cmpi slt, %broadcast_in_dim3A_296, %lt3A_298 : vector<16xi32>
        %add3A_300 = arith.constant 16 : i32
        %add3A_301 = vector.broadcast %add3A_300 : i32 to vector<16xi32>
        %add3A_302 = arith.addi %broadcast_in_dim3A_296, %add3A_301 : vector<16xi32>
        %select_n3A_303 = arith.select %lt3A_299, %add3A_302, %broadcast_in_dim3A_296 : vector<16xi1>, vector<16xi32>
        %broadcast_in_dim3A_304 = vector.shape_cast %select_n3A_303 : vector<16xi32> to vector<16x1xi32>
        %gather3A_305 = vector.shape_cast %broadcast_in_dim3A_304 : vector<16x1xi32> to vector<16xi32>
        %gather3A_306 = tpu.dynamic_gather %get3A_96[%gather3A_305] in [0] : vector<16xf32>, vector<16xi32> -> vector<16xf32>
        %add3A_307 = arith.addf %select_n3A_260, %gather3A_306 : vector<16xf32>
        %select_n3A_308 = arith.select %ne3A_294, %add3A_307, %select_n3A_260 : vector<16xi1>, vector<16xf32>
        %add3A_309 = arith.constant 6 : i32
        %add3A_310 = arith.addi %add3A_92, %add3A_309 : i32
        %add3A_311 = arith.constant 1 : i32
        %add3A_312 = arith.addi %add3A_310, %add3A_311 : i32
        %mul3A_313 = arith.constant 16 : i32
        %mul3A_314 = arith.muli %add3A_312, %mul3A_313 : i32
        %get3A_315 = arith.index_cast %mul3A_314 : i32 to index
        %get3A_316 = tpu.vector_load %arg8[%get3A_315] {strides = array<i32>} : memref<50176xi32, #tpu.memory_space<vmem>>, vector<16xi32>,
        %ne3A_317 = arith.constant 0 : i32
        %ne3A_318 = vector.broadcast %ne3A_317 : i32 to vector<16xi32>
        %ne3A_319 = arith.cmpi ne, %get3A_316, %ne3A_318 : vector<16xi32>
        %broadcast_in_dim3A_320 = arith.constant 7 : i32
        %broadcast_in_dim3A_321 = vector.broadcast %broadcast_in_dim3A_320 : i32 to vector<16xi32>
        %lt3A_322 = arith.constant 0 : i32
        %lt3A_323 = vector.broadcast %lt3A_322 : i32 to vector<16xi32>
        %lt3A_324 = arith.cmpi slt, %broadcast_in_dim3A_321, %lt3A_323 : vector<16xi32>
        %add3A_325 = arith.constant 16 : i32
        %add3A_326 = vector.broadcast %add3A_325 : i32 to vector<16xi32>
        %add3A_327 = arith.addi %broadcast_in_dim3A_321, %add3A_326 : vector<16xi32>
        %select_n3A_328 = arith.select %lt3A_324, %add3A_327, %broadcast_in_dim3A_321 : vector<16xi1>, vector<16xi32>
        %broadcast_in_dim3A_329 = vector.shape_cast %select_n3A_328 : vector<16xi32> to vector<16x1xi32>
        %gather3A_330 = vector.shape_cast %broadcast_in_dim3A_329 : vector<16x1xi32> to vector<16xi32>
        %gather3A_331 = tpu.dynamic_gather %get3A_96[%gather3A_330] in [0] : vector<16xf32>, vector<16xi32> -> vector<16xf32>
        %add3A_332 = arith.addf %select_n3A_285, %gather3A_331 : vector<16xf32>
        %select_n3A_333 = arith.select %ne3A_319, %add3A_332, %select_n3A_285 : vector<16xi1>, vector<16xf32>
        %add3A_334 = arith.constant 8 : i32
        %add3A_335 = arith.addi %add3A_92, %add3A_334 : i32
        %mul3A_336 = arith.constant 16 : i32
        %mul3A_337 = arith.muli %add3A_335, %mul3A_336 : i32
        %get3A_338 = arith.index_cast %mul3A_337 : i32 to index
        %get3A_339 = tpu.vector_load %arg8[%get3A_338] {strides = array<i32>} : memref<50176xi32, #tpu.memory_space<vmem>>, vector<16xi32>,
        %ne3A_340 = arith.constant 0 : i32
        %ne3A_341 = vector.broadcast %ne3A_340 : i32 to vector<16xi32>
        %ne3A_342 = arith.cmpi ne, %get3A_339, %ne3A_341 : vector<16xi32>
        %broadcast_in_dim3A_343 = arith.constant 8 : i32
        %broadcast_in_dim3A_344 = vector.broadcast %broadcast_in_dim3A_343 : i32 to vector<16xi32>
        %lt3A_345 = arith.constant 0 : i32
        %lt3A_346 = vector.broadcast %lt3A_345 : i32 to vector<16xi32>
        %lt3A_347 = arith.cmpi slt, %broadcast_in_dim3A_344, %lt3A_346 : vector<16xi32>
        %add3A_348 = arith.constant 16 : i32
        %add3A_349 = vector.broadcast %add3A_348 : i32 to vector<16xi32>
        %add3A_350 = arith.addi %broadcast_in_dim3A_344, %add3A_349 : vector<16xi32>
        %select_n3A_351 = arith.select %lt3A_347, %add3A_350, %broadcast_in_dim3A_344 : vector<16xi1>, vector<16xi32>
        %broadcast_in_dim3A_352 = vector.shape_cast %select_n3A_351 : vector<16xi32> to vector<16x1xi32>
        %gather3A_353 = vector.shape_cast %broadcast_in_dim3A_352 : vector<16x1xi32> to vector<16xi32>
        %gather3A_354 = tpu.dynamic_gather %get3A_96[%gather3A_353] in [0] : vector<16xf32>, vector<16xi32> -> vector<16xf32>
        %add3A_355 = arith.addf %select_n3A_308, %gather3A_354 : vector<16xf32>
        %select_n3A_356 = arith.select %ne3A_342, %add3A_355, %select_n3A_308 : vector<16xi1>, vector<16xf32>
        %add3A_357 = arith.constant 8 : i32
        %add3A_358 = arith.addi %add3A_92, %add3A_357 : i32
        %add3A_359 = arith.constant 1 : i32
        %add3A_360 = arith.addi %add3A_358, %add3A_359 : i32
        %mul3A_361 = arith.constant 16 : i32
        %mul3A_362 = arith.muli %add3A_360, %mul3A_361 : i32
        %get3A_363 = arith.index_cast %mul3A_362 : i32 to index
        %get3A_364 = tpu.vector_load %arg8[%get3A_363] {strides = array<i32>} : memref<50176xi32, #tpu.memory_space<vmem>>, vector<16xi32>,
        %ne3A_365 = arith.constant 0 : i32
        %ne3A_366 = vector.broadcast %ne3A_365 : i32 to vector<16xi32>
        %ne3A_367 = arith.cmpi ne, %get3A_364, %ne3A_366 : vector<16xi32>
        %broadcast_in_dim3A_368 = arith.constant 9 : i32
        %broadcast_in_dim3A_369 = vector.broadcast %broadcast_in_dim3A_368 : i32 to vector<16xi32>
        %lt3A_370 = arith.constant 0 : i32
        %lt3A_371 = vector.broadcast %lt3A_370 : i32 to vector<16xi32>
        %lt3A_372 = arith.cmpi slt, %broadcast_in_dim3A_369, %lt3A_371 : vector<16xi32>
        %add3A_373 = arith.constant 16 : i32
        %add3A_374 = vector.broadcast %add3A_373 : i32 to vector<16xi32>
        %add3A_375 = arith.addi %broadcast_in_dim3A_369, %add3A_374 : vector<16xi32>
        %select_n3A_376 = arith.select %lt3A_372, %add3A_375, %broadcast_in_dim3A_369 : vector<16xi1>, vector<16xi32>
        %broadcast_in_dim3A_377 = vector.shape_cast %select_n3A_376 : vector<16xi32> to vector<16x1xi32>
        %gather3A_378 = vector.shape_cast %broadcast_in_dim3A_377 : vector<16x1xi32> to vector<16xi32>
        %gather3A_379 = tpu.dynamic_gather %get3A_96[%gather3A_378] in [0] : vector<16xf32>, vector<16xi32> -> vector<16xf32>
        %add3A_380 = arith.addf %select_n3A_333, %gather3A_379 : vector<16xf32>
        %select_n3A_381 = arith.select %ne3A_367, %add3A_380, %select_n3A_333 : vector<16xi1>, vector<16xf32>
        %add3A_382 = arith.constant 10 : i32
        %add3A_383 = arith.addi %add3A_92, %add3A_382 : i32
        %mul3A_384 = arith.constant 16 : i32
        %mul3A_385 = arith.muli %add3A_383, %mul3A_384 : i32
        %get3A_386 = arith.index_cast %mul3A_385 : i32 to index
        %get3A_387 = tpu.vector_load %arg8[%get3A_386] {strides = array<i32>} : memref<50176xi32, #tpu.memory_space<vmem>>, vector<16xi32>,
        %ne3A_388 = arith.constant 0 : i32
        %ne3A_389 = vector.broadcast %ne3A_388 : i32 to vector<16xi32>
        %ne3A_390 = arith.cmpi ne, %get3A_387, %ne3A_389 : vector<16xi32>
        %broadcast_in_dim3A_391 = arith.constant 10 : i32
        %broadcast_in_dim3A_392 = vector.broadcast %broadcast_in_dim3A_391 : i32 to vector<16xi32>
        %lt3A_393 = arith.constant 0 : i32
        %lt3A_394 = vector.broadcast %lt3A_393 : i32 to vector<16xi32>
        %lt3A_395 = arith.cmpi slt, %broadcast_in_dim3A_392, %lt3A_394 : vector<16xi32>
        %add3A_396 = arith.constant 16 : i32
        %add3A_397 = vector.broadcast %add3A_396 : i32 to vector<16xi32>
        %add3A_398 = arith.addi %broadcast_in_dim3A_392, %add3A_397 : vector<16xi32>
        %select_n3A_399 = arith.select %lt3A_395, %add3A_398, %broadcast_in_dim3A_392 : vector<16xi1>, vector<16xi32>
        %broadcast_in_dim3A_400 = vector.shape_cast %select_n3A_399 : vector<16xi32> to vector<16x1xi32>
        %gather3A_401 = vector.shape_cast %broadcast_in_dim3A_400 : vector<16x1xi32> to vector<16xi32>
        %gather3A_402 = tpu.dynamic_gather %get3A_96[%gather3A_401] in [0] : vector<16xf32>, vector<16xi32> -> vector<16xf32>
        %add3A_403 = arith.addf %select_n3A_356, %gather3A_402 : vector<16xf32>
        %select_n3A_404 = arith.select %ne3A_390, %add3A_403, %select_n3A_356 : vector<16xi1>, vector<16xf32>
        %add3A_405 = arith.constant 10 : i32
        %add3A_406 = arith.addi %add3A_92, %add3A_405 : i32
        %add3A_407 = arith.constant 1 : i32
        %add3A_408 = arith.addi %add3A_406, %add3A_407 : i32
        %mul3A_409 = arith.constant 16 : i32
        %mul3A_410 = arith.muli %add3A_408, %mul3A_409 : i32
        %get3A_411 = arith.index_cast %mul3A_410 : i32 to index
        %get3A_412 = tpu.vector_load %arg8[%get3A_411] {strides = array<i32>} : memref<50176xi32, #tpu.memory_space<vmem>>, vector<16xi32>,
        %ne3A_413 = arith.constant 0 : i32
        %ne3A_414 = vector.broadcast %ne3A_413 : i32 to vector<16xi32>
        %ne3A_415 = arith.cmpi ne, %get3A_412, %ne3A_414 : vector<16xi32>
        %broadcast_in_dim3A_416 = arith.constant 11 : i32
        %broadcast_in_dim3A_417 = vector.broadcast %broadcast_in_dim3A_416 : i32 to vector<16xi32>
        %lt3A_418 = arith.constant 0 : i32
        %lt3A_419 = vector.broadcast %lt3A_418 : i32 to vector<16xi32>
        %lt3A_420 = arith.cmpi slt, %broadcast_in_dim3A_417, %lt3A_419 : vector<16xi32>
        %add3A_421 = arith.constant 16 : i32
        %add3A_422 = vector.broadcast %add3A_421 : i32 to vector<16xi32>
        %add3A_423 = arith.addi %broadcast_in_dim3A_417, %add3A_422 : vector<16xi32>
        %select_n3A_424 = arith.select %lt3A_420, %add3A_423, %broadcast_in_dim3A_417 : vector<16xi1>, vector<16xi32>
        %broadcast_in_dim3A_425 = vector.shape_cast %select_n3A_424 : vector<16xi32> to vector<16x1xi32>
        %gather3A_426 = vector.shape_cast %broadcast_in_dim3A_425 : vector<16x1xi32> to vector<16xi32>
        %gather3A_427 = tpu.dynamic_gather %get3A_96[%gather3A_426] in [0] : vector<16xf32>, vector<16xi32> -> vector<16xf32>
        %add3A_428 = arith.addf %select_n3A_381, %gather3A_427 : vector<16xf32>
        %select_n3A_429 = arith.select %ne3A_415, %add3A_428, %select_n3A_381 : vector<16xi1>, vector<16xf32>
        %add3A_430 = arith.constant 12 : i32
        %add3A_431 = arith.addi %add3A_92, %add3A_430 : i32
        %mul3A_432 = arith.constant 16 : i32
        %mul3A_433 = arith.muli %add3A_431, %mul3A_432 : i32
        %get3A_434 = arith.index_cast %mul3A_433 : i32 to index
        %get3A_435 = tpu.vector_load %arg8[%get3A_434] {strides = array<i32>} : memref<50176xi32, #tpu.memory_space<vmem>>, vector<16xi32>,
        %ne3A_436 = arith.constant 0 : i32
        %ne3A_437 = vector.broadcast %ne3A_436 : i32 to vector<16xi32>
        %ne3A_438 = arith.cmpi ne, %get3A_435, %ne3A_437 : vector<16xi32>
        %broadcast_in_dim3A_439 = arith.constant 12 : i32
        %broadcast_in_dim3A_440 = vector.broadcast %broadcast_in_dim3A_439 : i32 to vector<16xi32>
        %lt3A_441 = arith.constant 0 : i32
        %lt3A_442 = vector.broadcast %lt3A_441 : i32 to vector<16xi32>
        %lt3A_443 = arith.cmpi slt, %broadcast_in_dim3A_440, %lt3A_442 : vector<16xi32>
        %add3A_444 = arith.constant 16 : i32
        %add3A_445 = vector.broadcast %add3A_444 : i32 to vector<16xi32>
        %add3A_446 = arith.addi %broadcast_in_dim3A_440, %add3A_445 : vector<16xi32>
        %select_n3A_447 = arith.select %lt3A_443, %add3A_446, %broadcast_in_dim3A_440 : vector<16xi1>, vector<16xi32>
        %broadcast_in_dim3A_448 = vector.shape_cast %select_n3A_447 : vector<16xi32> to vector<16x1xi32>
        %gather3A_449 = vector.shape_cast %broadcast_in_dim3A_448 : vector<16x1xi32> to vector<16xi32>
        %gather3A_450 = tpu.dynamic_gather %get3A_96[%gather3A_449] in [0] : vector<16xf32>, vector<16xi32> -> vector<16xf32>
        %add3A_451 = arith.addf %select_n3A_404, %gather3A_450 : vector<16xf32>
        %select_n3A_452 = arith.select %ne3A_438, %add3A_451, %select_n3A_404 : vector<16xi1>, vector<16xf32>
        %add3A_453 = arith.constant 12 : i32
        %add3A_454 = arith.addi %add3A_92, %add3A_453 : i32
        %add3A_455 = arith.constant 1 : i32
        %add3A_456 = arith.addi %add3A_454, %add3A_455 : i32
        %mul3A_457 = arith.constant 16 : i32
        %mul3A_458 = arith.muli %add3A_456, %mul3A_457 : i32
        %get3A_459 = arith.index_cast %mul3A_458 : i32 to index
        %get3A_460 = tpu.vector_load %arg8[%get3A_459] {strides = array<i32>} : memref<50176xi32, #tpu.memory_space<vmem>>, vector<16xi32>,
        %ne3A_461 = arith.constant 0 : i32
        %ne3A_462 = vector.broadcast %ne3A_461 : i32 to vector<16xi32>
        %ne3A_463 = arith.cmpi ne, %get3A_460, %ne3A_462 : vector<16xi32>
        %broadcast_in_dim3A_464 = arith.constant 13 : i32
        %broadcast_in_dim3A_465 = vector.broadcast %broadcast_in_dim3A_464 : i32 to vector<16xi32>
        %lt3A_466 = arith.constant 0 : i32
        %lt3A_467 = vector.broadcast %lt3A_466 : i32 to vector<16xi32>
        %lt3A_468 = arith.cmpi slt, %broadcast_in_dim3A_465, %lt3A_467 : vector<16xi32>
        %add3A_469 = arith.constant 16 : i32
        %add3A_470 = vector.broadcast %add3A_469 : i32 to vector<16xi32>
        %add3A_471 = arith.addi %broadcast_in_dim3A_465, %add3A_470 : vector<16xi32>
        %select_n3A_472 = arith.select %lt3A_468, %add3A_471, %broadcast_in_dim3A_465 : vector<16xi1>, vector<16xi32>
        %broadcast_in_dim3A_473 = vector.shape_cast %select_n3A_472 : vector<16xi32> to vector<16x1xi32>
        %gather3A_474 = vector.shape_cast %broadcast_in_dim3A_473 : vector<16x1xi32> to vector<16xi32>
        %gather3A_475 = tpu.dynamic_gather %get3A_96[%gather3A_474] in [0] : vector<16xf32>, vector<16xi32> -> vector<16xf32>
        %add3A_476 = arith.addf %select_n3A_429, %gather3A_475 : vector<16xf32>
        %select_n3A_477 = arith.select %ne3A_463, %add3A_476, %select_n3A_429 : vector<16xi1>, vector<16xf32>
        %add3A_478 = arith.constant 14 : i32
        %add3A_479 = arith.addi %add3A_92, %add3A_478 : i32
        %mul3A_480 = arith.constant 16 : i32
        %mul3A_481 = arith.muli %add3A_479, %mul3A_480 : i32
        %get3A_482 = arith.index_cast %mul3A_481 : i32 to index
        %get3A_483 = tpu.vector_load %arg8[%get3A_482] {strides = array<i32>} : memref<50176xi32, #tpu.memory_space<vmem>>, vector<16xi32>,
        %ne3A_484 = arith.constant 0 : i32
        %ne3A_485 = vector.broadcast %ne3A_484 : i32 to vector<16xi32>
        %ne3A_486 = arith.cmpi ne, %get3A_483, %ne3A_485 : vector<16xi32>
        %broadcast_in_dim3A_487 = arith.constant 14 : i32
        %broadcast_in_dim3A_488 = vector.broadcast %broadcast_in_dim3A_487 : i32 to vector<16xi32>
        %lt3A_489 = arith.constant 0 : i32
        %lt3A_490 = vector.broadcast %lt3A_489 : i32 to vector<16xi32>
        %lt3A_491 = arith.cmpi slt, %broadcast_in_dim3A_488, %lt3A_490 : vector<16xi32>
        %add3A_492 = arith.constant 16 : i32
        %add3A_493 = vector.broadcast %add3A_492 : i32 to vector<16xi32>
        %add3A_494 = arith.addi %broadcast_in_dim3A_488, %add3A_493 : vector<16xi32>
        %select_n3A_495 = arith.select %lt3A_491, %add3A_494, %broadcast_in_dim3A_488 : vector<16xi1>, vector<16xi32>
        %broadcast_in_dim3A_496 = vector.shape_cast %select_n3A_495 : vector<16xi32> to vector<16x1xi32>
        %gather3A_497 = vector.shape_cast %broadcast_in_dim3A_496 : vector<16x1xi32> to vector<16xi32>
        %gather3A_498 = tpu.dynamic_gather %get3A_96[%gather3A_497] in [0] : vector<16xf32>, vector<16xi32> -> vector<16xf32>
        %add3A_499 = arith.addf %select_n3A_452, %gather3A_498 : vector<16xf32>
        %select_n3A_500 = arith.select %ne3A_486, %add3A_499, %select_n3A_452 : vector<16xi1>, vector<16xf32>
        %add3A_501 = arith.constant 14 : i32
        %add3A_502 = arith.addi %add3A_92, %add3A_501 : i32
        %add3A_503 = arith.constant 1 : i32
        %add3A_504 = arith.addi %add3A_502, %add3A_503 : i32
        %mul3A_505 = arith.constant 16 : i32
        %mul3A_506 = arith.muli %add3A_504, %mul3A_505 : i32
        %get3A_507 = arith.index_cast %mul3A_506 : i32 to index
        %get3A_508 = tpu.vector_load %arg8[%get3A_507] {strides = array<i32>} : memref<50176xi32, #tpu.memory_space<vmem>>, vector<16xi32>,
        %ne3A_509 = arith.constant 0 : i32
        %ne3A_510 = vector.broadcast %ne3A_509 : i32 to vector<16xi32>
        %ne3A_511 = arith.cmpi ne, %get3A_508, %ne3A_510 : vector<16xi32>
        %broadcast_in_dim3A_512 = arith.constant 15 : i32
        %broadcast_in_dim3A_513 = vector.broadcast %broadcast_in_dim3A_512 : i32 to vector<16xi32>
        %lt3A_514 = arith.constant 0 : i32
        %lt3A_515 = vector.broadcast %lt3A_514 : i32 to vector<16xi32>
        %lt3A_516 = arith.cmpi slt, %broadcast_in_dim3A_513, %lt3A_515 : vector<16xi32>
        %add3A_517 = arith.constant 16 : i32
        %add3A_518 = vector.broadcast %add3A_517 : i32 to vector<16xi32>
        %add3A_519 = arith.addi %broadcast_in_dim3A_513, %add3A_518 : vector<16xi32>
        %select_n3A_520 = arith.select %lt3A_516, %add3A_519, %broadcast_in_dim3A_513 : vector<16xi1>, vector<16xi32>
        %broadcast_in_dim3A_521 = vector.shape_cast %select_n3A_520 : vector<16xi32> to vector<16x1xi32>
        %gather3A_522 = vector.shape_cast %broadcast_in_dim3A_521 : vector<16x1xi32> to vector<16xi32>
        %gather3A_523 = tpu.dynamic_gather %get3A_96[%gather3A_522] in [0] : vector<16xf32>, vector<16xi32> -> vector<16xf32>
        %add3A_524 = arith.addf %select_n3A_477, %gather3A_523 : vector<16xf32>
        %select_n3A_525 = arith.select %ne3A_511, %add3A_524, %select_n3A_477 : vector<16xi1>, vector<16xf32>
        %add3A_526 = arith.addf %select_n3A_500, %select_n3A_525 : vector<16xf32>
        %add3A_527 = arith.addf %select_n3A_140, %add3A_129 : vector<16xf32>
        %add3A_528 = arith.constant 16 : i32
        %add3A_529 = arith.addi %select_n3A_142, %add3A_528 : i32
        scf.yield %squeeze3A_98, %add3A_526, %add3A_527, %add3A_529 : i32, vector<16xf32>, vector<16xf32>, i32
      } else {
        %slice3A_135 = vector.extract_strided_slice %get3A_94 {offsets = [0], sizes = [1], strides = [1]} : vector<16xi32> to vector<1xi32>
        %squeeze3A_136 = vector.extract %slice3A_135[0] : i32 from vector<1xi32>
        %ne3A = arith.cmpi ne, %squeeze3A_136, %while3A_86 : i32
        %convert_element_type3A_137 = arith.extui %ne3A : i1 to i32
        %cond3A_138 = arith.constant 0 : i32
        %cond3A_139 = arith.cmpi ne, %convert_element_type3A_137, %cond3A_138 : i32
        scf.if %cond3A_139 {
          %mul3A_805 = arith.constant 32 : i32
          %mul3A_806 = arith.muli %while3A_86, %mul3A_805 : i32
          %reduce_sum3A_807 = arith.constant true
          %reduce_sum3A_808 = vector.broadcast %reduce_sum3A_807 : i1 to vector<16xi1>
          %reduce_sum3A_809 = tpu.scan <sum>, %while3A_88 masked %reduce_sum3A_808 : vector<16xf32>, vector<16xi1> -> vector<16xf32>
          %reduce_sum3A_810 = vector.extract %reduce_sum3A_809[15] : f32 from vector<16xf32>
          %broadcast_in_dim3A_811 = vector.broadcast %reduce_sum3A_810 : f32 to vector<16xf32>
          %select_n3A_812 = arith.select %eq3A_35, %broadcast_in_dim3A_811, %broadcast_in_dim3A_40 : vector<16xi1>, vector<16xf32>
          %convert_element_type3A_813 = arith.sitofp %while3A_89 : i32 to f32
          %broadcast_in_dim3A_814 = vector.broadcast %convert_element_type3A_813 : f32 to vector<16xf32>
          %select_n3A_815 = arith.select %eq3A_38, %broadcast_in_dim3A_814, %broadcast_in_dim3A_40 : vector<16xi1>, vector<16xf32>
          %add3A_816 = arith.addf %select_n3A_812, %select_n3A_815 : vector<16xf32>
          %swap3A_817 = arith.constant 0 : index
          %swap3A_818 = tpu.vector_load %arg9[%swap3A_817] {strides = array<i32>} : memref<32xf32, #tpu.memory_space<vmem>>, vector<16xf32>,
          tpu.vector_store %arg9[%swap3A_817], %while3A_87 {strides = array<i32>} : memref<32xf32, #tpu.memory_space<vmem>>, vector<16xf32>,
          %swap3A_819 = arith.constant 16 : index
          %swap3A_820 = tpu.vector_load %arg9[%swap3A_819] {strides = array<i32>} : memref<32xf32, #tpu.memory_space<vmem>>, vector<16xf32>,
          tpu.vector_store %arg9[%swap3A_819], %add3A_816 {strides = array<i32>} : memref<32xf32, #tpu.memory_space<vmem>>, vector<16xf32>,
          %add3A_821 = vector.broadcast %mul3A_806 : i32 to vector<16xi32>
          %add3A_822 = arith.addi %add3A_821, %iota3A : vector<16xi32>
          %swap3A_823 = arith.constant 0 : index
          %swap3A_824 = tpu.vector_load %arg10[%swap3A_823] {strides = array<i32>} : memref<32xi32, #tpu.memory_space<vmem>>, vector<16xi32>,
          tpu.vector_store %arg10[%swap3A_823], %add3A_822 {strides = array<i32>} : memref<32xi32, #tpu.memory_space<vmem>>, vector<16xi32>,
          %add3A_825 = arith.constant 16 : i32
          %add3A_826 = arith.addi %mul3A_806, %add3A_825 : i32
          %add3A_827 = vector.broadcast %add3A_826 : i32 to vector<16xi32>
          %add3A_828 = arith.addi %add3A_827, %iota3A : vector<16xi32>
          %swap3A_829 = arith.constant 16 : index
          %swap3A_830 = tpu.vector_load %arg10[%swap3A_829] {strides = array<i32>} : memref<32xi32, #tpu.memory_space<vmem>>, vector<16xi32>,
          tpu.vector_store %arg10[%swap3A_829], %add3A_828 {strides = array<i32>} : memref<32xi32, #tpu.memory_space<vmem>>, vector<16xi32>,
          "tpu.region"() ({
            %run_scoped3A = tpu.sem_alloc : memref<!tpu.dma_semaphore, #tpu.memory_space<semaphore_mem>>
            %dma_start3A_831 = arith.constant 0 : i32
            %dma_start3A_832 = tpu.memref_slice %arg12[%dma_start3A_831] : memref<32768xf32, #tpu.memory_space<vmem_shared>> -> memref<32768xf32, #tpu.memory_space<vmem_shared>>
            tpu.enqueue_indirect_dma source(%arg9 : memref<32xf32, #tpu.memory_space<vmem>>) target(%dma_start3A_832 : memref<32768xf32, #tpu.memory_space<vmem_shared>>) offsets(%arg10 : memref<32xi32, #tpu.memory_space<vmem>>) semaphore(%run_scoped3A : memref<!tpu.dma_semaphore, #tpu.memory_space<semaphore_mem>>) {add = true}
            %dma_wait3A_833 = arith.constant 0 : i32
            %dma_wait3A_834 = tpu.memref_slice %arg12[%dma_wait3A_833] : memref<32768xf32, #tpu.memory_space<vmem_shared>> -> memref<32768xf32, #tpu.memory_space<vmem_shared>>
            tpu.wait_indirect_dma semaphore(%run_scoped3A : memref<!tpu.dma_semaphore, #tpu.memory_space<semaphore_mem>>) src(%arg9 : memref<32xf32, #tpu.memory_space<vmem>>) dst(%dma_wait3A_834 : memref<32768xf32, #tpu.memory_space<vmem_shared>>)
            tpu.yield
          }) : () -> ()
        } else {
        }
        %broadcast_in_dim3A_140 = vector.broadcast %ne3A : i1 to vector<16xi1>
        %select_n3A_141 = arith.select %broadcast_in_dim3A_140, %broadcast_in_dim3A_40, %while3A_87 : vector<16xi1>, vector<16xf32>
        %select_n3A_142 = arith.select %broadcast_in_dim3A_140, %broadcast_in_dim3A_40, %while3A_88 : vector<16xi1>, vector<16xf32>
        %jit3A_143 = arith.constant 0 : i32
        %select_n3A_144 = arith.select %ne3A, %jit3A_143, %while3A_89 : i32
        %add3A_145 = arith.constant 0 : i32
        %add3A_146 = arith.addi %add3A_92, %add3A_145 : i32
        %mul3A_147 = arith.constant 16 : i32
        %mul3A_148 = arith.muli %add3A_146, %mul3A_147 : i32
        %get3A_149 = arith.index_cast %mul3A_148 : i32 to index
        %get3A_150 = tpu.vector_load %arg8[%get3A_149] {strides = array<i32>} : memref<50176xi32, #tpu.memory_space<vmem>>, vector<16xi32>,
        %ne3A_151 = arith.constant 0 : i32
        %ne3A_152 = vector.broadcast %ne3A_151 : i32 to vector<16xi32>
        %ne3A_153 = arith.cmpi ne, %get3A_150, %ne3A_152 : vector<16xi32>
        %broadcast_in_dim3A_154 = arith.constant 0 : i32
        %broadcast_in_dim3A_155 = vector.broadcast %broadcast_in_dim3A_154 : i32 to vector<16xi32>
        %lt3A_156 = arith.constant 0 : i32
        %lt3A_157 = vector.broadcast %lt3A_156 : i32 to vector<16xi32>
        %lt3A_158 = arith.cmpi slt, %broadcast_in_dim3A_155, %lt3A_157 : vector<16xi32>
        %add3A_159 = arith.constant 16 : i32
        %add3A_160 = vector.broadcast %add3A_159 : i32 to vector<16xi32>
        %add3A_161 = arith.addi %broadcast_in_dim3A_155, %add3A_160 : vector<16xi32>
        %select_n3A_162 = arith.select %lt3A_158, %add3A_161, %broadcast_in_dim3A_155 : vector<16xi1>, vector<16xi32>
        %broadcast_in_dim3A_163 = vector.shape_cast %select_n3A_162 : vector<16xi32> to vector<16x1xi32>
        %gather3A = vector.shape_cast %broadcast_in_dim3A_163 : vector<16x1xi32> to vector<16xi32>
        %gather3A_164 = tpu.dynamic_gather %get3A_96[%gather3A] in [0] : vector<16xf32>, vector<16xi32> -> vector<16xf32>
        %add3A_165 = arith.addf %select_n3A_141, %gather3A_164 : vector<16xf32>
        %select_n3A_166 = arith.select %ne3A_153, %add3A_165, %select_n3A_141 : vector<16xi1>, vector<16xf32>
        %eq3A_167 = arith.constant 0 : i32
        %eq3A_168 = vector.broadcast %eq3A_167 : i32 to vector<16xi32>
        %eq3A_169 = arith.cmpi eq, %iota3A, %eq3A_168 : vector<16xi32>
        %select_n3A_170 = arith.select %eq3A_169, %add3A_129, %broadcast_in_dim3A_40 : vector<16xi1>, vector<16xf32>
        %add3A_171 = arith.addf %select_n3A_142, %select_n3A_170 : vector<16xf32>
        %add3A_172 = arith.constant 1 : i32
        %add3A_173 = arith.addi %select_n3A_144, %add3A_172 : i32
        %select_n3A_174 = arith.select %ne3A, %squeeze3A_136, %while3A_86 : i32
        %slice3A_175 = vector.extract_strided_slice %get3A_94 {offsets = [1], sizes = [1], strides = [1]} : vector<16xi32> to vector<1xi32>
        %squeeze3A_176 = vector.extract %slice3A_175[0] : i32 from vector<1xi32>
        %ne3A_177 = arith.cmpi ne, %squeeze3A_176, %select_n3A_174 : i32
        %convert_element_type3A_178 = arith.extui %ne3A_177 : i1 to i32
        %cond3A_179 = arith.constant 0 : i32
        %cond3A_180 = arith.cmpi ne, %convert_element_type3A_178, %cond3A_179 : i32
        scf.if %cond3A_180 {
          %mul3A_805 = arith.constant 32 : i32
          %mul3A_806 = arith.muli %select_n3A_174, %mul3A_805 : i32
          %reduce_sum3A_807 = arith.constant true
          %reduce_sum3A_808 = vector.broadcast %reduce_sum3A_807 : i1 to vector<16xi1>
          %reduce_sum3A_809 = tpu.scan <sum>, %add3A_171 masked %reduce_sum3A_808 : vector<16xf32>, vector<16xi1> -> vector<16xf32>
          %reduce_sum3A_810 = vector.extract %reduce_sum3A_809[15] : f32 from vector<16xf32>
          %broadcast_in_dim3A_811 = vector.broadcast %reduce_sum3A_810 : f32 to vector<16xf32>
          %select_n3A_812 = arith.select %eq3A_35, %broadcast_in_dim3A_811, %broadcast_in_dim3A_40 : vector<16xi1>, vector<16xf32>
          %convert_element_type3A_813 = arith.sitofp %add3A_173 : i32 to f32
          %broadcast_in_dim3A_814 = vector.broadcast %convert_element_type3A_813 : f32 to vector<16xf32>
          %select_n3A_815 = arith.select %eq3A_38, %broadcast_in_dim3A_814, %broadcast_in_dim3A_40 : vector<16xi1>, vector<16xf32>
          %add3A_816 = arith.addf %select_n3A_812, %select_n3A_815 : vector<16xf32>
          %swap3A_817 = arith.constant 0 : index
          %swap3A_818 = tpu.vector_load %arg9[%swap3A_817] {strides = array<i32>} : memref<32xf32, #tpu.memory_space<vmem>>, vector<16xf32>,
          tpu.vector_store %arg9[%swap3A_817], %select_n3A_166 {strides = array<i32>} : memref<32xf32, #tpu.memory_space<vmem>>, vector<16xf32>,
          %swap3A_819 = arith.constant 16 : index
          %swap3A_820 = tpu.vector_load %arg9[%swap3A_819] {strides = array<i32>} : memref<32xf32, #tpu.memory_space<vmem>>, vector<16xf32>,
          tpu.vector_store %arg9[%swap3A_819], %add3A_816 {strides = array<i32>} : memref<32xf32, #tpu.memory_space<vmem>>, vector<16xf32>,
          %add3A_821 = vector.broadcast %mul3A_806 : i32 to vector<16xi32>
          %add3A_822 = arith.addi %add3A_821, %iota3A : vector<16xi32>
          %swap3A_823 = arith.constant 0 : index
          %swap3A_824 = tpu.vector_load %arg10[%swap3A_823] {strides = array<i32>} : memref<32xi32, #tpu.memory_space<vmem>>, vector<16xi32>,
          tpu.vector_store %arg10[%swap3A_823], %add3A_822 {strides = array<i32>} : memref<32xi32, #tpu.memory_space<vmem>>, vector<16xi32>,
          %add3A_825 = arith.constant 16 : i32
          %add3A_826 = arith.addi %mul3A_806, %add3A_825 : i32
          %add3A_827 = vector.broadcast %add3A_826 : i32 to vector<16xi32>
          %add3A_828 = arith.addi %add3A_827, %iota3A : vector<16xi32>
          %swap3A_829 = arith.constant 16 : index
          %swap3A_830 = tpu.vector_load %arg10[%swap3A_829] {strides = array<i32>} : memref<32xi32, #tpu.memory_space<vmem>>, vector<16xi32>,
          tpu.vector_store %arg10[%swap3A_829], %add3A_828 {strides = array<i32>} : memref<32xi32, #tpu.memory_space<vmem>>, vector<16xi32>,
          "tpu.region"() ({
            %run_scoped3A = tpu.sem_alloc : memref<!tpu.dma_semaphore, #tpu.memory_space<semaphore_mem>>
            %dma_start3A_831 = arith.constant 0 : i32
            %dma_start3A_832 = tpu.memref_slice %arg12[%dma_start3A_831] : memref<32768xf32, #tpu.memory_space<vmem_shared>> -> memref<32768xf32, #tpu.memory_space<vmem_shared>>
            tpu.enqueue_indirect_dma source(%arg9 : memref<32xf32, #tpu.memory_space<vmem>>) target(%dma_start3A_832 : memref<32768xf32, #tpu.memory_space<vmem_shared>>) offsets(%arg10 : memref<32xi32, #tpu.memory_space<vmem>>) semaphore(%run_scoped3A : memref<!tpu.dma_semaphore, #tpu.memory_space<semaphore_mem>>) {add = true}
            %dma_wait3A_833 = arith.constant 0 : i32
            %dma_wait3A_834 = tpu.memref_slice %arg12[%dma_wait3A_833] : memref<32768xf32, #tpu.memory_space<vmem_shared>> -> memref<32768xf32, #tpu.memory_space<vmem_shared>>
            tpu.wait_indirect_dma semaphore(%run_scoped3A : memref<!tpu.dma_semaphore, #tpu.memory_space<semaphore_mem>>) src(%arg9 : memref<32xf32, #tpu.memory_space<vmem>>) dst(%dma_wait3A_834 : memref<32768xf32, #tpu.memory_space<vmem_shared>>)
            tpu.yield
          }) : () -> ()
        } else {
        }
        %broadcast_in_dim3A_181 = vector.broadcast %ne3A_177 : i1 to vector<16xi1>
        %select_n3A_182 = arith.select %broadcast_in_dim3A_181, %broadcast_in_dim3A_40, %select_n3A_166 : vector<16xi1>, vector<16xf32>
        %select_n3A_183 = arith.select %broadcast_in_dim3A_181, %broadcast_in_dim3A_40, %add3A_171 : vector<16xi1>, vector<16xf32>
        %jit3A_184 = arith.constant 0 : i32
        %select_n3A_185 = arith.select %ne3A_177, %jit3A_184, %add3A_173 : i32
        %add3A_186 = arith.constant 1 : i32
        %add3A_187 = arith.addi %add3A_92, %add3A_186 : i32
        %mul3A_188 = arith.constant 16 : i32
        %mul3A_189 = arith.muli %add3A_187, %mul3A_188 : i32
        %get3A_190 = arith.index_cast %mul3A_189 : i32 to index
        %get3A_191 = tpu.vector_load %arg8[%get3A_190] {strides = array<i32>} : memref<50176xi32, #tpu.memory_space<vmem>>, vector<16xi32>,
        %ne3A_192 = arith.constant 0 : i32
        %ne3A_193 = vector.broadcast %ne3A_192 : i32 to vector<16xi32>
        %ne3A_194 = arith.cmpi ne, %get3A_191, %ne3A_193 : vector<16xi32>
        %broadcast_in_dim3A_195 = arith.constant 1 : i32
        %broadcast_in_dim3A_196 = vector.broadcast %broadcast_in_dim3A_195 : i32 to vector<16xi32>
        %lt3A_197 = arith.constant 0 : i32
        %lt3A_198 = vector.broadcast %lt3A_197 : i32 to vector<16xi32>
        %lt3A_199 = arith.cmpi slt, %broadcast_in_dim3A_196, %lt3A_198 : vector<16xi32>
        %add3A_200 = arith.constant 16 : i32
        %add3A_201 = vector.broadcast %add3A_200 : i32 to vector<16xi32>
        %add3A_202 = arith.addi %broadcast_in_dim3A_196, %add3A_201 : vector<16xi32>
        %select_n3A_203 = arith.select %lt3A_199, %add3A_202, %broadcast_in_dim3A_196 : vector<16xi1>, vector<16xi32>
        %broadcast_in_dim3A_204 = vector.shape_cast %select_n3A_203 : vector<16xi32> to vector<16x1xi32>
        %gather3A_205 = vector.shape_cast %broadcast_in_dim3A_204 : vector<16x1xi32> to vector<16xi32>
        %gather3A_206 = tpu.dynamic_gather %get3A_96[%gather3A_205] in [0] : vector<16xf32>, vector<16xi32> -> vector<16xf32>
        %add3A_207 = arith.addf %select_n3A_182, %gather3A_206 : vector<16xf32>
        %select_n3A_208 = arith.select %ne3A_194, %add3A_207, %select_n3A_182 : vector<16xi1>, vector<16xf32>
        %eq3A_209 = arith.constant 1 : i32
        %eq3A_210 = vector.broadcast %eq3A_209 : i32 to vector<16xi32>
        %eq3A_211 = arith.cmpi eq, %iota3A, %eq3A_210 : vector<16xi32>
        %select_n3A_212 = arith.select %eq3A_211, %add3A_129, %broadcast_in_dim3A_40 : vector<16xi1>, vector<16xf32>
        %add3A_213 = arith.addf %select_n3A_183, %select_n3A_212 : vector<16xf32>
        %add3A_214 = arith.constant 1 : i32
        %add3A_215 = arith.addi %select_n3A_185, %add3A_214 : i32
        %select_n3A_216 = arith.select %ne3A_177, %squeeze3A_176, %select_n3A_174 : i32
        %slice3A_217 = vector.extract_strided_slice %get3A_94 {offsets = [2], sizes = [1], strides = [1]} : vector<16xi32> to vector<1xi32>
        %squeeze3A_218 = vector.extract %slice3A_217[0] : i32 from vector<1xi32>
        %ne3A_219 = arith.cmpi ne, %squeeze3A_218, %select_n3A_216 : i32
        %convert_element_type3A_220 = arith.extui %ne3A_219 : i1 to i32
        %cond3A_221 = arith.constant 0 : i32
        %cond3A_222 = arith.cmpi ne, %convert_element_type3A_220, %cond3A_221 : i32
        scf.if %cond3A_222 {
          %mul3A_805 = arith.constant 32 : i32
          %mul3A_806 = arith.muli %select_n3A_216, %mul3A_805 : i32
          %reduce_sum3A_807 = arith.constant true
          %reduce_sum3A_808 = vector.broadcast %reduce_sum3A_807 : i1 to vector<16xi1>
          %reduce_sum3A_809 = tpu.scan <sum>, %add3A_213 masked %reduce_sum3A_808 : vector<16xf32>, vector<16xi1> -> vector<16xf32>
          %reduce_sum3A_810 = vector.extract %reduce_sum3A_809[15] : f32 from vector<16xf32>
          %broadcast_in_dim3A_811 = vector.broadcast %reduce_sum3A_810 : f32 to vector<16xf32>
          %select_n3A_812 = arith.select %eq3A_35, %broadcast_in_dim3A_811, %broadcast_in_dim3A_40 : vector<16xi1>, vector<16xf32>
          %convert_element_type3A_813 = arith.sitofp %add3A_215 : i32 to f32
          %broadcast_in_dim3A_814 = vector.broadcast %convert_element_type3A_813 : f32 to vector<16xf32>
          %select_n3A_815 = arith.select %eq3A_38, %broadcast_in_dim3A_814, %broadcast_in_dim3A_40 : vector<16xi1>, vector<16xf32>
          %add3A_816 = arith.addf %select_n3A_812, %select_n3A_815 : vector<16xf32>
          %swap3A_817 = arith.constant 0 : index
          %swap3A_818 = tpu.vector_load %arg9[%swap3A_817] {strides = array<i32>} : memref<32xf32, #tpu.memory_space<vmem>>, vector<16xf32>,
          tpu.vector_store %arg9[%swap3A_817], %select_n3A_208 {strides = array<i32>} : memref<32xf32, #tpu.memory_space<vmem>>, vector<16xf32>,
          %swap3A_819 = arith.constant 16 : index
          %swap3A_820 = tpu.vector_load %arg9[%swap3A_819] {strides = array<i32>} : memref<32xf32, #tpu.memory_space<vmem>>, vector<16xf32>,
          tpu.vector_store %arg9[%swap3A_819], %add3A_816 {strides = array<i32>} : memref<32xf32, #tpu.memory_space<vmem>>, vector<16xf32>,
          %add3A_821 = vector.broadcast %mul3A_806 : i32 to vector<16xi32>
          %add3A_822 = arith.addi %add3A_821, %iota3A : vector<16xi32>
          %swap3A_823 = arith.constant 0 : index
          %swap3A_824 = tpu.vector_load %arg10[%swap3A_823] {strides = array<i32>} : memref<32xi32, #tpu.memory_space<vmem>>, vector<16xi32>,
          tpu.vector_store %arg10[%swap3A_823], %add3A_822 {strides = array<i32>} : memref<32xi32, #tpu.memory_space<vmem>>, vector<16xi32>,
          %add3A_825 = arith.constant 16 : i32
          %add3A_826 = arith.addi %mul3A_806, %add3A_825 : i32
          %add3A_827 = vector.broadcast %add3A_826 : i32 to vector<16xi32>
          %add3A_828 = arith.addi %add3A_827, %iota3A : vector<16xi32>
          %swap3A_829 = arith.constant 16 : index
          %swap3A_830 = tpu.vector_load %arg10[%swap3A_829] {strides = array<i32>} : memref<32xi32, #tpu.memory_space<vmem>>, vector<16xi32>,
          tpu.vector_store %arg10[%swap3A_829], %add3A_828 {strides = array<i32>} : memref<32xi32, #tpu.memory_space<vmem>>, vector<16xi32>,
          "tpu.region"() ({
            %run_scoped3A = tpu.sem_alloc : memref<!tpu.dma_semaphore, #tpu.memory_space<semaphore_mem>>
            %dma_start3A_831 = arith.constant 0 : i32
            %dma_start3A_832 = tpu.memref_slice %arg12[%dma_start3A_831] : memref<32768xf32, #tpu.memory_space<vmem_shared>> -> memref<32768xf32, #tpu.memory_space<vmem_shared>>
            tpu.enqueue_indirect_dma source(%arg9 : memref<32xf32, #tpu.memory_space<vmem>>) target(%dma_start3A_832 : memref<32768xf32, #tpu.memory_space<vmem_shared>>) offsets(%arg10 : memref<32xi32, #tpu.memory_space<vmem>>) semaphore(%run_scoped3A : memref<!tpu.dma_semaphore, #tpu.memory_space<semaphore_mem>>) {add = true}
            %dma_wait3A_833 = arith.constant 0 : i32
            %dma_wait3A_834 = tpu.memref_slice %arg12[%dma_wait3A_833] : memref<32768xf32, #tpu.memory_space<vmem_shared>> -> memref<32768xf32, #tpu.memory_space<vmem_shared>>
            tpu.wait_indirect_dma semaphore(%run_scoped3A : memref<!tpu.dma_semaphore, #tpu.memory_space<semaphore_mem>>) src(%arg9 : memref<32xf32, #tpu.memory_space<vmem>>) dst(%dma_wait3A_834 : memref<32768xf32, #tpu.memory_space<vmem_shared>>)
            tpu.yield
          }) : () -> ()
        } else {
        }
        %broadcast_in_dim3A_223 = vector.broadcast %ne3A_219 : i1 to vector<16xi1>
        %select_n3A_224 = arith.select %broadcast_in_dim3A_223, %broadcast_in_dim3A_40, %select_n3A_208 : vector<16xi1>, vector<16xf32>
        %select_n3A_225 = arith.select %broadcast_in_dim3A_223, %broadcast_in_dim3A_40, %add3A_213 : vector<16xi1>, vector<16xf32>
        %jit3A_226 = arith.constant 0 : i32
        %select_n3A_227 = arith.select %ne3A_219, %jit3A_226, %add3A_215 : i32
        %add3A_228 = arith.constant 2 : i32
        %add3A_229 = arith.addi %add3A_92, %add3A_228 : i32
        %mul3A_230 = arith.constant 16 : i32
        %mul3A_231 = arith.muli %add3A_229, %mul3A_230 : i32
        %get3A_232 = arith.index_cast %mul3A_231 : i32 to index
        %get3A_233 = tpu.vector_load %arg8[%get3A_232] {strides = array<i32>} : memref<50176xi32, #tpu.memory_space<vmem>>, vector<16xi32>,
        %ne3A_234 = arith.constant 0 : i32
        %ne3A_235 = vector.broadcast %ne3A_234 : i32 to vector<16xi32>
        %ne3A_236 = arith.cmpi ne, %get3A_233, %ne3A_235 : vector<16xi32>
        %broadcast_in_dim3A_237 = arith.constant 2 : i32
        %broadcast_in_dim3A_238 = vector.broadcast %broadcast_in_dim3A_237 : i32 to vector<16xi32>
        %lt3A_239 = arith.constant 0 : i32
        %lt3A_240 = vector.broadcast %lt3A_239 : i32 to vector<16xi32>
        %lt3A_241 = arith.cmpi slt, %broadcast_in_dim3A_238, %lt3A_240 : vector<16xi32>
        %add3A_242 = arith.constant 16 : i32
        %add3A_243 = vector.broadcast %add3A_242 : i32 to vector<16xi32>
        %add3A_244 = arith.addi %broadcast_in_dim3A_238, %add3A_243 : vector<16xi32>
        %select_n3A_245 = arith.select %lt3A_241, %add3A_244, %broadcast_in_dim3A_238 : vector<16xi1>, vector<16xi32>
        %broadcast_in_dim3A_246 = vector.shape_cast %select_n3A_245 : vector<16xi32> to vector<16x1xi32>
        %gather3A_247 = vector.shape_cast %broadcast_in_dim3A_246 : vector<16x1xi32> to vector<16xi32>
        %gather3A_248 = tpu.dynamic_gather %get3A_96[%gather3A_247] in [0] : vector<16xf32>, vector<16xi32> -> vector<16xf32>
        %add3A_249 = arith.addf %select_n3A_224, %gather3A_248 : vector<16xf32>
        %select_n3A_250 = arith.select %ne3A_236, %add3A_249, %select_n3A_224 : vector<16xi1>, vector<16xf32>
        %eq3A_251 = arith.constant 2 : i32
        %eq3A_252 = vector.broadcast %eq3A_251 : i32 to vector<16xi32>
        %eq3A_253 = arith.cmpi eq, %iota3A, %eq3A_252 : vector<16xi32>
        %select_n3A_254 = arith.select %eq3A_253, %add3A_129, %broadcast_in_dim3A_40 : vector<16xi1>, vector<16xf32>
        %add3A_255 = arith.addf %select_n3A_225, %select_n3A_254 : vector<16xf32>
        %add3A_256 = arith.constant 1 : i32
        %add3A_257 = arith.addi %select_n3A_227, %add3A_256 : i32
        %select_n3A_258 = arith.select %ne3A_219, %squeeze3A_218, %select_n3A_216 : i32
        %slice3A_259 = vector.extract_strided_slice %get3A_94 {offsets = [3], sizes = [1], strides = [1]} : vector<16xi32> to vector<1xi32>
        %squeeze3A_260 = vector.extract %slice3A_259[0] : i32 from vector<1xi32>
        %ne3A_261 = arith.cmpi ne, %squeeze3A_260, %select_n3A_258 : i32
        %convert_element_type3A_262 = arith.extui %ne3A_261 : i1 to i32
        %cond3A_263 = arith.constant 0 : i32
        %cond3A_264 = arith.cmpi ne, %convert_element_type3A_262, %cond3A_263 : i32
        scf.if %cond3A_264 {
          %mul3A_805 = arith.constant 32 : i32
          %mul3A_806 = arith.muli %select_n3A_258, %mul3A_805 : i32
          %reduce_sum3A_807 = arith.constant true
          %reduce_sum3A_808 = vector.broadcast %reduce_sum3A_807 : i1 to vector<16xi1>
          %reduce_sum3A_809 = tpu.scan <sum>, %add3A_255 masked %reduce_sum3A_808 : vector<16xf32>, vector<16xi1> -> vector<16xf32>
          %reduce_sum3A_810 = vector.extract %reduce_sum3A_809[15] : f32 from vector<16xf32>
          %broadcast_in_dim3A_811 = vector.broadcast %reduce_sum3A_810 : f32 to vector<16xf32>
          %select_n3A_812 = arith.select %eq3A_35, %broadcast_in_dim3A_811, %broadcast_in_dim3A_40 : vector<16xi1>, vector<16xf32>
          %convert_element_type3A_813 = arith.sitofp %add3A_257 : i32 to f32
          %broadcast_in_dim3A_814 = vector.broadcast %convert_element_type3A_813 : f32 to vector<16xf32>
          %select_n3A_815 = arith.select %eq3A_38, %broadcast_in_dim3A_814, %broadcast_in_dim3A_40 : vector<16xi1>, vector<16xf32>
          %add3A_816 = arith.addf %select_n3A_812, %select_n3A_815 : vector<16xf32>
          %swap3A_817 = arith.constant 0 : index
          %swap3A_818 = tpu.vector_load %arg9[%swap3A_817] {strides = array<i32>} : memref<32xf32, #tpu.memory_space<vmem>>, vector<16xf32>,
          tpu.vector_store %arg9[%swap3A_817], %select_n3A_250 {strides = array<i32>} : memref<32xf32, #tpu.memory_space<vmem>>, vector<16xf32>,
          %swap3A_819 = arith.constant 16 : index
          %swap3A_820 = tpu.vector_load %arg9[%swap3A_819] {strides = array<i32>} : memref<32xf32, #tpu.memory_space<vmem>>, vector<16xf32>,
          tpu.vector_store %arg9[%swap3A_819], %add3A_816 {strides = array<i32>} : memref<32xf32, #tpu.memory_space<vmem>>, vector<16xf32>,
          %add3A_821 = vector.broadcast %mul3A_806 : i32 to vector<16xi32>
          %add3A_822 = arith.addi %add3A_821, %iota3A : vector<16xi32>
          %swap3A_823 = arith.constant 0 : index
          %swap3A_824 = tpu.vector_load %arg10[%swap3A_823] {strides = array<i32>} : memref<32xi32, #tpu.memory_space<vmem>>, vector<16xi32>,
          tpu.vector_store %arg10[%swap3A_823], %add3A_822 {strides = array<i32>} : memref<32xi32, #tpu.memory_space<vmem>>, vector<16xi32>,
          %add3A_825 = arith.constant 16 : i32
          %add3A_826 = arith.addi %mul3A_806, %add3A_825 : i32
          %add3A_827 = vector.broadcast %add3A_826 : i32 to vector<16xi32>
          %add3A_828 = arith.addi %add3A_827, %iota3A : vector<16xi32>
          %swap3A_829 = arith.constant 16 : index
          %swap3A_830 = tpu.vector_load %arg10[%swap3A_829] {strides = array<i32>} : memref<32xi32, #tpu.memory_space<vmem>>, vector<16xi32>,
          tpu.vector_store %arg10[%swap3A_829], %add3A_828 {strides = array<i32>} : memref<32xi32, #tpu.memory_space<vmem>>, vector<16xi32>,
          "tpu.region"() ({
            %run_scoped3A = tpu.sem_alloc : memref<!tpu.dma_semaphore, #tpu.memory_space<semaphore_mem>>
            %dma_start3A_831 = arith.constant 0 : i32
            %dma_start3A_832 = tpu.memref_slice %arg12[%dma_start3A_831] : memref<32768xf32, #tpu.memory_space<vmem_shared>> -> memref<32768xf32, #tpu.memory_space<vmem_shared>>
            tpu.enqueue_indirect_dma source(%arg9 : memref<32xf32, #tpu.memory_space<vmem>>) target(%dma_start3A_832 : memref<32768xf32, #tpu.memory_space<vmem_shared>>) offsets(%arg10 : memref<32xi32, #tpu.memory_space<vmem>>) semaphore(%run_scoped3A : memref<!tpu.dma_semaphore, #tpu.memory_space<semaphore_mem>>) {add = true}
            %dma_wait3A_833 = arith.constant 0 : i32
            %dma_wait3A_834 = tpu.memref_slice %arg12[%dma_wait3A_833] : memref<32768xf32, #tpu.memory_space<vmem_shared>> -> memref<32768xf32, #tpu.memory_space<vmem_shared>>
            tpu.wait_indirect_dma semaphore(%run_scoped3A : memref<!tpu.dma_semaphore, #tpu.memory_space<semaphore_mem>>) src(%arg9 : memref<32xf32, #tpu.memory_space<vmem>>) dst(%dma_wait3A_834 : memref<32768xf32, #tpu.memory_space<vmem_shared>>)
            tpu.yield
          }) : () -> ()
        } else {
        }
        %broadcast_in_dim3A_265 = vector.broadcast %ne3A_261 : i1 to vector<16xi1>
        %select_n3A_266 = arith.select %broadcast_in_dim3A_265, %broadcast_in_dim3A_40, %select_n3A_250 : vector<16xi1>, vector<16xf32>
        %select_n3A_267 = arith.select %broadcast_in_dim3A_265, %broadcast_in_dim3A_40, %add3A_255 : vector<16xi1>, vector<16xf32>
        %jit3A_268 = arith.constant 0 : i32
        %select_n3A_269 = arith.select %ne3A_261, %jit3A_268, %add3A_257 : i32
        %add3A_270 = arith.constant 3 : i32
        %add3A_271 = arith.addi %add3A_92, %add3A_270 : i32
        %mul3A_272 = arith.constant 16 : i32
        %mul3A_273 = arith.muli %add3A_271, %mul3A_272 : i32
        %get3A_274 = arith.index_cast %mul3A_273 : i32 to index
        %get3A_275 = tpu.vector_load %arg8[%get3A_274] {strides = array<i32>} : memref<50176xi32, #tpu.memory_space<vmem>>, vector<16xi32>,
        %ne3A_276 = arith.constant 0 : i32
        %ne3A_277 = vector.broadcast %ne3A_276 : i32 to vector<16xi32>
        %ne3A_278 = arith.cmpi ne, %get3A_275, %ne3A_277 : vector<16xi32>
        %broadcast_in_dim3A_279 = arith.constant 3 : i32
        %broadcast_in_dim3A_280 = vector.broadcast %broadcast_in_dim3A_279 : i32 to vector<16xi32>
        %lt3A_281 = arith.constant 0 : i32
        %lt3A_282 = vector.broadcast %lt3A_281 : i32 to vector<16xi32>
        %lt3A_283 = arith.cmpi slt, %broadcast_in_dim3A_280, %lt3A_282 : vector<16xi32>
        %add3A_284 = arith.constant 16 : i32
        %add3A_285 = vector.broadcast %add3A_284 : i32 to vector<16xi32>
        %add3A_286 = arith.addi %broadcast_in_dim3A_280, %add3A_285 : vector<16xi32>
        %select_n3A_287 = arith.select %lt3A_283, %add3A_286, %broadcast_in_dim3A_280 : vector<16xi1>, vector<16xi32>
        %broadcast_in_dim3A_288 = vector.shape_cast %select_n3A_287 : vector<16xi32> to vector<16x1xi32>
        %gather3A_289 = vector.shape_cast %broadcast_in_dim3A_288 : vector<16x1xi32> to vector<16xi32>
        %gather3A_290 = tpu.dynamic_gather %get3A_96[%gather3A_289] in [0] : vector<16xf32>, vector<16xi32> -> vector<16xf32>
        %add3A_291 = arith.addf %select_n3A_266, %gather3A_290 : vector<16xf32>
        %select_n3A_292 = arith.select %ne3A_278, %add3A_291, %select_n3A_266 : vector<16xi1>, vector<16xf32>
        %eq3A_293 = arith.constant 3 : i32
        %eq3A_294 = vector.broadcast %eq3A_293 : i32 to vector<16xi32>
        %eq3A_295 = arith.cmpi eq, %iota3A, %eq3A_294 : vector<16xi32>
        %select_n3A_296 = arith.select %eq3A_295, %add3A_129, %broadcast_in_dim3A_40 : vector<16xi1>, vector<16xf32>
        %add3A_297 = arith.addf %select_n3A_267, %select_n3A_296 : vector<16xf32>
        %add3A_298 = arith.constant 1 : i32
        %add3A_299 = arith.addi %select_n3A_269, %add3A_298 : i32
        %select_n3A_300 = arith.select %ne3A_261, %squeeze3A_260, %select_n3A_258 : i32
        %slice3A_301 = vector.extract_strided_slice %get3A_94 {offsets = [4], sizes = [1], strides = [1]} : vector<16xi32> to vector<1xi32>
        %squeeze3A_302 = vector.extract %slice3A_301[0] : i32 from vector<1xi32>
        %ne3A_303 = arith.cmpi ne, %squeeze3A_302, %select_n3A_300 : i32
        %convert_element_type3A_304 = arith.extui %ne3A_303 : i1 to i32
        %cond3A_305 = arith.constant 0 : i32
        %cond3A_306 = arith.cmpi ne, %convert_element_type3A_304, %cond3A_305 : i32
        scf.if %cond3A_306 {
          %mul3A_805 = arith.constant 32 : i32
          %mul3A_806 = arith.muli %select_n3A_300, %mul3A_805 : i32
          %reduce_sum3A_807 = arith.constant true
          %reduce_sum3A_808 = vector.broadcast %reduce_sum3A_807 : i1 to vector<16xi1>
          %reduce_sum3A_809 = tpu.scan <sum>, %add3A_297 masked %reduce_sum3A_808 : vector<16xf32>, vector<16xi1> -> vector<16xf32>
          %reduce_sum3A_810 = vector.extract %reduce_sum3A_809[15] : f32 from vector<16xf32>
          %broadcast_in_dim3A_811 = vector.broadcast %reduce_sum3A_810 : f32 to vector<16xf32>
          %select_n3A_812 = arith.select %eq3A_35, %broadcast_in_dim3A_811, %broadcast_in_dim3A_40 : vector<16xi1>, vector<16xf32>
          %convert_element_type3A_813 = arith.sitofp %add3A_299 : i32 to f32
          %broadcast_in_dim3A_814 = vector.broadcast %convert_element_type3A_813 : f32 to vector<16xf32>
          %select_n3A_815 = arith.select %eq3A_38, %broadcast_in_dim3A_814, %broadcast_in_dim3A_40 : vector<16xi1>, vector<16xf32>
          %add3A_816 = arith.addf %select_n3A_812, %select_n3A_815 : vector<16xf32>
          %swap3A_817 = arith.constant 0 : index
          %swap3A_818 = tpu.vector_load %arg9[%swap3A_817] {strides = array<i32>} : memref<32xf32, #tpu.memory_space<vmem>>, vector<16xf32>,
          tpu.vector_store %arg9[%swap3A_817], %select_n3A_292 {strides = array<i32>} : memref<32xf32, #tpu.memory_space<vmem>>, vector<16xf32>,
          %swap3A_819 = arith.constant 16 : index
          %swap3A_820 = tpu.vector_load %arg9[%swap3A_819] {strides = array<i32>} : memref<32xf32, #tpu.memory_space<vmem>>, vector<16xf32>,
          tpu.vector_store %arg9[%swap3A_819], %add3A_816 {strides = array<i32>} : memref<32xf32, #tpu.memory_space<vmem>>, vector<16xf32>,
          %add3A_821 = vector.broadcast %mul3A_806 : i32 to vector<16xi32>
          %add3A_822 = arith.addi %add3A_821, %iota3A : vector<16xi32>
          %swap3A_823 = arith.constant 0 : index
          %swap3A_824 = tpu.vector_load %arg10[%swap3A_823] {strides = array<i32>} : memref<32xi32, #tpu.memory_space<vmem>>, vector<16xi32>,
          tpu.vector_store %arg10[%swap3A_823], %add3A_822 {strides = array<i32>} : memref<32xi32, #tpu.memory_space<vmem>>, vector<16xi32>,
          %add3A_825 = arith.constant 16 : i32
          %add3A_826 = arith.addi %mul3A_806, %add3A_825 : i32
          %add3A_827 = vector.broadcast %add3A_826 : i32 to vector<16xi32>
          %add3A_828 = arith.addi %add3A_827, %iota3A : vector<16xi32>
          %swap3A_829 = arith.constant 16 : index
          %swap3A_830 = tpu.vector_load %arg10[%swap3A_829] {strides = array<i32>} : memref<32xi32, #tpu.memory_space<vmem>>, vector<16xi32>,
          tpu.vector_store %arg10[%swap3A_829], %add3A_828 {strides = array<i32>} : memref<32xi32, #tpu.memory_space<vmem>>, vector<16xi32>,
          "tpu.region"() ({
            %run_scoped3A = tpu.sem_alloc : memref<!tpu.dma_semaphore, #tpu.memory_space<semaphore_mem>>
            %dma_start3A_831 = arith.constant 0 : i32
            %dma_start3A_832 = tpu.memref_slice %arg12[%dma_start3A_831] : memref<32768xf32, #tpu.memory_space<vmem_shared>> -> memref<32768xf32, #tpu.memory_space<vmem_shared>>
            tpu.enqueue_indirect_dma source(%arg9 : memref<32xf32, #tpu.memory_space<vmem>>) target(%dma_start3A_832 : memref<32768xf32, #tpu.memory_space<vmem_shared>>) offsets(%arg10 : memref<32xi32, #tpu.memory_space<vmem>>) semaphore(%run_scoped3A : memref<!tpu.dma_semaphore, #tpu.memory_space<semaphore_mem>>) {add = true}
            %dma_wait3A_833 = arith.constant 0 : i32
            %dma_wait3A_834 = tpu.memref_slice %arg12[%dma_wait3A_833] : memref<32768xf32, #tpu.memory_space<vmem_shared>> -> memref<32768xf32, #tpu.memory_space<vmem_shared>>
            tpu.wait_indirect_dma semaphore(%run_scoped3A : memref<!tpu.dma_semaphore, #tpu.memory_space<semaphore_mem>>) src(%arg9 : memref<32xf32, #tpu.memory_space<vmem>>) dst(%dma_wait3A_834 : memref<32768xf32, #tpu.memory_space<vmem_shared>>)
            tpu.yield
          }) : () -> ()
        } else {
        }
        %broadcast_in_dim3A_307 = vector.broadcast %ne3A_303 : i1 to vector<16xi1>
        %select_n3A_308 = arith.select %broadcast_in_dim3A_307, %broadcast_in_dim3A_40, %select_n3A_292 : vector<16xi1>, vector<16xf32>
        %select_n3A_309 = arith.select %broadcast_in_dim3A_307, %broadcast_in_dim3A_40, %add3A_297 : vector<16xi1>, vector<16xf32>
        %jit3A_310 = arith.constant 0 : i32
        %select_n3A_311 = arith.select %ne3A_303, %jit3A_310, %add3A_299 : i32
        %add3A_312 = arith.constant 4 : i32
        %add3A_313 = arith.addi %add3A_92, %add3A_312 : i32
        %mul3A_314 = arith.constant 16 : i32
        %mul3A_315 = arith.muli %add3A_313, %mul3A_314 : i32
        %get3A_316 = arith.index_cast %mul3A_315 : i32 to index
        %get3A_317 = tpu.vector_load %arg8[%get3A_316] {strides = array<i32>} : memref<50176xi32, #tpu.memory_space<vmem>>, vector<16xi32>,
        %ne3A_318 = arith.constant 0 : i32
        %ne3A_319 = vector.broadcast %ne3A_318 : i32 to vector<16xi32>
        %ne3A_320 = arith.cmpi ne, %get3A_317, %ne3A_319 : vector<16xi32>
        %broadcast_in_dim3A_321 = arith.constant 4 : i32
        %broadcast_in_dim3A_322 = vector.broadcast %broadcast_in_dim3A_321 : i32 to vector<16xi32>
        %lt3A_323 = arith.constant 0 : i32
        %lt3A_324 = vector.broadcast %lt3A_323 : i32 to vector<16xi32>
        %lt3A_325 = arith.cmpi slt, %broadcast_in_dim3A_322, %lt3A_324 : vector<16xi32>
        %add3A_326 = arith.constant 16 : i32
        %add3A_327 = vector.broadcast %add3A_326 : i32 to vector<16xi32>
        %add3A_328 = arith.addi %broadcast_in_dim3A_322, %add3A_327 : vector<16xi32>
        %select_n3A_329 = arith.select %lt3A_325, %add3A_328, %broadcast_in_dim3A_322 : vector<16xi1>, vector<16xi32>
        %broadcast_in_dim3A_330 = vector.shape_cast %select_n3A_329 : vector<16xi32> to vector<16x1xi32>
        %gather3A_331 = vector.shape_cast %broadcast_in_dim3A_330 : vector<16x1xi32> to vector<16xi32>
        %gather3A_332 = tpu.dynamic_gather %get3A_96[%gather3A_331] in [0] : vector<16xf32>, vector<16xi32> -> vector<16xf32>
        %add3A_333 = arith.addf %select_n3A_308, %gather3A_332 : vector<16xf32>
        %select_n3A_334 = arith.select %ne3A_320, %add3A_333, %select_n3A_308 : vector<16xi1>, vector<16xf32>
        %eq3A_335 = arith.constant 4 : i32
        %eq3A_336 = vector.broadcast %eq3A_335 : i32 to vector<16xi32>
        %eq3A_337 = arith.cmpi eq, %iota3A, %eq3A_336 : vector<16xi32>
        %select_n3A_338 = arith.select %eq3A_337, %add3A_129, %broadcast_in_dim3A_40 : vector<16xi1>, vector<16xf32>
        %add3A_339 = arith.addf %select_n3A_309, %select_n3A_338 : vector<16xf32>
        %add3A_340 = arith.constant 1 : i32
        %add3A_341 = arith.addi %select_n3A_311, %add3A_340 : i32
        %select_n3A_342 = arith.select %ne3A_303, %squeeze3A_302, %select_n3A_300 : i32
        %slice3A_343 = vector.extract_strided_slice %get3A_94 {offsets = [5], sizes = [1], strides = [1]} : vector<16xi32> to vector<1xi32>
        %squeeze3A_344 = vector.extract %slice3A_343[0] : i32 from vector<1xi32>
        %ne3A_345 = arith.cmpi ne, %squeeze3A_344, %select_n3A_342 : i32
        %convert_element_type3A_346 = arith.extui %ne3A_345 : i1 to i32
        %cond3A_347 = arith.constant 0 : i32
        %cond3A_348 = arith.cmpi ne, %convert_element_type3A_346, %cond3A_347 : i32
        scf.if %cond3A_348 {
          %mul3A_805 = arith.constant 32 : i32
          %mul3A_806 = arith.muli %select_n3A_342, %mul3A_805 : i32
          %reduce_sum3A_807 = arith.constant true
          %reduce_sum3A_808 = vector.broadcast %reduce_sum3A_807 : i1 to vector<16xi1>
          %reduce_sum3A_809 = tpu.scan <sum>, %add3A_339 masked %reduce_sum3A_808 : vector<16xf32>, vector<16xi1> -> vector<16xf32>
          %reduce_sum3A_810 = vector.extract %reduce_sum3A_809[15] : f32 from vector<16xf32>
          %broadcast_in_dim3A_811 = vector.broadcast %reduce_sum3A_810 : f32 to vector<16xf32>
          %select_n3A_812 = arith.select %eq3A_35, %broadcast_in_dim3A_811, %broadcast_in_dim3A_40 : vector<16xi1>, vector<16xf32>
          %convert_element_type3A_813 = arith.sitofp %add3A_341 : i32 to f32
          %broadcast_in_dim3A_814 = vector.broadcast %convert_element_type3A_813 : f32 to vector<16xf32>
          %select_n3A_815 = arith.select %eq3A_38, %broadcast_in_dim3A_814, %broadcast_in_dim3A_40 : vector<16xi1>, vector<16xf32>
          %add3A_816 = arith.addf %select_n3A_812, %select_n3A_815 : vector<16xf32>
          %swap3A_817 = arith.constant 0 : index
          %swap3A_818 = tpu.vector_load %arg9[%swap3A_817] {strides = array<i32>} : memref<32xf32, #tpu.memory_space<vmem>>, vector<16xf32>,
          tpu.vector_store %arg9[%swap3A_817], %select_n3A_334 {strides = array<i32>} : memref<32xf32, #tpu.memory_space<vmem>>, vector<16xf32>,
          %swap3A_819 = arith.constant 16 : index
          %swap3A_820 = tpu.vector_load %arg9[%swap3A_819] {strides = array<i32>} : memref<32xf32, #tpu.memory_space<vmem>>, vector<16xf32>,
          tpu.vector_store %arg9[%swap3A_819], %add3A_816 {strides = array<i32>} : memref<32xf32, #tpu.memory_space<vmem>>, vector<16xf32>,
          %add3A_821 = vector.broadcast %mul3A_806 : i32 to vector<16xi32>
          %add3A_822 = arith.addi %add3A_821, %iota3A : vector<16xi32>
          %swap3A_823 = arith.constant 0 : index
          %swap3A_824 = tpu.vector_load %arg10[%swap3A_823] {strides = array<i32>} : memref<32xi32, #tpu.memory_space<vmem>>, vector<16xi32>,
          tpu.vector_store %arg10[%swap3A_823], %add3A_822 {strides = array<i32>} : memref<32xi32, #tpu.memory_space<vmem>>, vector<16xi32>,
          %add3A_825 = arith.constant 16 : i32
          %add3A_826 = arith.addi %mul3A_806, %add3A_825 : i32
          %add3A_827 = vector.broadcast %add3A_826 : i32 to vector<16xi32>
          %add3A_828 = arith.addi %add3A_827, %iota3A : vector<16xi32>
          %swap3A_829 = arith.constant 16 : index
          %swap3A_830 = tpu.vector_load %arg10[%swap3A_829] {strides = array<i32>} : memref<32xi32, #tpu.memory_space<vmem>>, vector<16xi32>,
          tpu.vector_store %arg10[%swap3A_829], %add3A_828 {strides = array<i32>} : memref<32xi32, #tpu.memory_space<vmem>>, vector<16xi32>,
          "tpu.region"() ({
            %run_scoped3A = tpu.sem_alloc : memref<!tpu.dma_semaphore, #tpu.memory_space<semaphore_mem>>
            %dma_start3A_831 = arith.constant 0 : i32
            %dma_start3A_832 = tpu.memref_slice %arg12[%dma_start3A_831] : memref<32768xf32, #tpu.memory_space<vmem_shared>> -> memref<32768xf32, #tpu.memory_space<vmem_shared>>
            tpu.enqueue_indirect_dma source(%arg9 : memref<32xf32, #tpu.memory_space<vmem>>) target(%dma_start3A_832 : memref<32768xf32, #tpu.memory_space<vmem_shared>>) offsets(%arg10 : memref<32xi32, #tpu.memory_space<vmem>>) semaphore(%run_scoped3A : memref<!tpu.dma_semaphore, #tpu.memory_space<semaphore_mem>>) {add = true}
            %dma_wait3A_833 = arith.constant 0 : i32
            %dma_wait3A_834 = tpu.memref_slice %arg12[%dma_wait3A_833] : memref<32768xf32, #tpu.memory_space<vmem_shared>> -> memref<32768xf32, #tpu.memory_space<vmem_shared>>
            tpu.wait_indirect_dma semaphore(%run_scoped3A : memref<!tpu.dma_semaphore, #tpu.memory_space<semaphore_mem>>) src(%arg9 : memref<32xf32, #tpu.memory_space<vmem>>) dst(%dma_wait3A_834 : memref<32768xf32, #tpu.memory_space<vmem_shared>>)
            tpu.yield
          }) : () -> ()
        } else {
        }
        %broadcast_in_dim3A_349 = vector.broadcast %ne3A_345 : i1 to vector<16xi1>
        %select_n3A_350 = arith.select %broadcast_in_dim3A_349, %broadcast_in_dim3A_40, %select_n3A_334 : vector<16xi1>, vector<16xf32>
        %select_n3A_351 = arith.select %broadcast_in_dim3A_349, %broadcast_in_dim3A_40, %add3A_339 : vector<16xi1>, vector<16xf32>
        %jit3A_352 = arith.constant 0 : i32
        %select_n3A_353 = arith.select %ne3A_345, %jit3A_352, %add3A_341 : i32
        %add3A_354 = arith.constant 5 : i32
        %add3A_355 = arith.addi %add3A_92, %add3A_354 : i32
        %mul3A_356 = arith.constant 16 : i32
        %mul3A_357 = arith.muli %add3A_355, %mul3A_356 : i32
        %get3A_358 = arith.index_cast %mul3A_357 : i32 to index
        %get3A_359 = tpu.vector_load %arg8[%get3A_358] {strides = array<i32>} : memref<50176xi32, #tpu.memory_space<vmem>>, vector<16xi32>,
        %ne3A_360 = arith.constant 0 : i32
        %ne3A_361 = vector.broadcast %ne3A_360 : i32 to vector<16xi32>
        %ne3A_362 = arith.cmpi ne, %get3A_359, %ne3A_361 : vector<16xi32>
        %broadcast_in_dim3A_363 = arith.constant 5 : i32
        %broadcast_in_dim3A_364 = vector.broadcast %broadcast_in_dim3A_363 : i32 to vector<16xi32>
        %lt3A_365 = arith.constant 0 : i32
        %lt3A_366 = vector.broadcast %lt3A_365 : i32 to vector<16xi32>
        %lt3A_367 = arith.cmpi slt, %broadcast_in_dim3A_364, %lt3A_366 : vector<16xi32>
        %add3A_368 = arith.constant 16 : i32
        %add3A_369 = vector.broadcast %add3A_368 : i32 to vector<16xi32>
        %add3A_370 = arith.addi %broadcast_in_dim3A_364, %add3A_369 : vector<16xi32>
        %select_n3A_371 = arith.select %lt3A_367, %add3A_370, %broadcast_in_dim3A_364 : vector<16xi1>, vector<16xi32>
        %broadcast_in_dim3A_372 = vector.shape_cast %select_n3A_371 : vector<16xi32> to vector<16x1xi32>
        %gather3A_373 = vector.shape_cast %broadcast_in_dim3A_372 : vector<16x1xi32> to vector<16xi32>
        %gather3A_374 = tpu.dynamic_gather %get3A_96[%gather3A_373] in [0] : vector<16xf32>, vector<16xi32> -> vector<16xf32>
        %add3A_375 = arith.addf %select_n3A_350, %gather3A_374 : vector<16xf32>
        %select_n3A_376 = arith.select %ne3A_362, %add3A_375, %select_n3A_350 : vector<16xi1>, vector<16xf32>
        %eq3A_377 = arith.constant 5 : i32
        %eq3A_378 = vector.broadcast %eq3A_377 : i32 to vector<16xi32>
        %eq3A_379 = arith.cmpi eq, %iota3A, %eq3A_378 : vector<16xi32>
        %select_n3A_380 = arith.select %eq3A_379, %add3A_129, %broadcast_in_dim3A_40 : vector<16xi1>, vector<16xf32>
        %add3A_381 = arith.addf %select_n3A_351, %select_n3A_380 : vector<16xf32>
        %add3A_382 = arith.constant 1 : i32
        %add3A_383 = arith.addi %select_n3A_353, %add3A_382 : i32
        %select_n3A_384 = arith.select %ne3A_345, %squeeze3A_344, %select_n3A_342 : i32
        %slice3A_385 = vector.extract_strided_slice %get3A_94 {offsets = [6], sizes = [1], strides = [1]} : vector<16xi32> to vector<1xi32>
        %squeeze3A_386 = vector.extract %slice3A_385[0] : i32 from vector<1xi32>
        %ne3A_387 = arith.cmpi ne, %squeeze3A_386, %select_n3A_384 : i32
        %convert_element_type3A_388 = arith.extui %ne3A_387 : i1 to i32
        %cond3A_389 = arith.constant 0 : i32
        %cond3A_390 = arith.cmpi ne, %convert_element_type3A_388, %cond3A_389 : i32
        scf.if %cond3A_390 {
          %mul3A_805 = arith.constant 32 : i32
          %mul3A_806 = arith.muli %select_n3A_384, %mul3A_805 : i32
          %reduce_sum3A_807 = arith.constant true
          %reduce_sum3A_808 = vector.broadcast %reduce_sum3A_807 : i1 to vector<16xi1>
          %reduce_sum3A_809 = tpu.scan <sum>, %add3A_381 masked %reduce_sum3A_808 : vector<16xf32>, vector<16xi1> -> vector<16xf32>
          %reduce_sum3A_810 = vector.extract %reduce_sum3A_809[15] : f32 from vector<16xf32>
          %broadcast_in_dim3A_811 = vector.broadcast %reduce_sum3A_810 : f32 to vector<16xf32>
          %select_n3A_812 = arith.select %eq3A_35, %broadcast_in_dim3A_811, %broadcast_in_dim3A_40 : vector<16xi1>, vector<16xf32>
          %convert_element_type3A_813 = arith.sitofp %add3A_383 : i32 to f32
          %broadcast_in_dim3A_814 = vector.broadcast %convert_element_type3A_813 : f32 to vector<16xf32>
          %select_n3A_815 = arith.select %eq3A_38, %broadcast_in_dim3A_814, %broadcast_in_dim3A_40 : vector<16xi1>, vector<16xf32>
          %add3A_816 = arith.addf %select_n3A_812, %select_n3A_815 : vector<16xf32>
          %swap3A_817 = arith.constant 0 : index
          %swap3A_818 = tpu.vector_load %arg9[%swap3A_817] {strides = array<i32>} : memref<32xf32, #tpu.memory_space<vmem>>, vector<16xf32>,
          tpu.vector_store %arg9[%swap3A_817], %select_n3A_376 {strides = array<i32>} : memref<32xf32, #tpu.memory_space<vmem>>, vector<16xf32>,
          %swap3A_819 = arith.constant 16 : index
          %swap3A_820 = tpu.vector_load %arg9[%swap3A_819] {strides = array<i32>} : memref<32xf32, #tpu.memory_space<vmem>>, vector<16xf32>,
          tpu.vector_store %arg9[%swap3A_819], %add3A_816 {strides = array<i32>} : memref<32xf32, #tpu.memory_space<vmem>>, vector<16xf32>,
          %add3A_821 = vector.broadcast %mul3A_806 : i32 to vector<16xi32>
          %add3A_822 = arith.addi %add3A_821, %iota3A : vector<16xi32>
          %swap3A_823 = arith.constant 0 : index
          %swap3A_824 = tpu.vector_load %arg10[%swap3A_823] {strides = array<i32>} : memref<32xi32, #tpu.memory_space<vmem>>, vector<16xi32>,
          tpu.vector_store %arg10[%swap3A_823], %add3A_822 {strides = array<i32>} : memref<32xi32, #tpu.memory_space<vmem>>, vector<16xi32>,
          %add3A_825 = arith.constant 16 : i32
          %add3A_826 = arith.addi %mul3A_806, %add3A_825 : i32
          %add3A_827 = vector.broadcast %add3A_826 : i32 to vector<16xi32>
          %add3A_828 = arith.addi %add3A_827, %iota3A : vector<16xi32>
          %swap3A_829 = arith.constant 16 : index
          %swap3A_830 = tpu.vector_load %arg10[%swap3A_829] {strides = array<i32>} : memref<32xi32, #tpu.memory_space<vmem>>, vector<16xi32>,
          tpu.vector_store %arg10[%swap3A_829], %add3A_828 {strides = array<i32>} : memref<32xi32, #tpu.memory_space<vmem>>, vector<16xi32>,
          "tpu.region"() ({
            %run_scoped3A = tpu.sem_alloc : memref<!tpu.dma_semaphore, #tpu.memory_space<semaphore_mem>>
            %dma_start3A_831 = arith.constant 0 : i32
            %dma_start3A_832 = tpu.memref_slice %arg12[%dma_start3A_831] : memref<32768xf32, #tpu.memory_space<vmem_shared>> -> memref<32768xf32, #tpu.memory_space<vmem_shared>>
            tpu.enqueue_indirect_dma source(%arg9 : memref<32xf32, #tpu.memory_space<vmem>>) target(%dma_start3A_832 : memref<32768xf32, #tpu.memory_space<vmem_shared>>) offsets(%arg10 : memref<32xi32, #tpu.memory_space<vmem>>) semaphore(%run_scoped3A : memref<!tpu.dma_semaphore, #tpu.memory_space<semaphore_mem>>) {add = true}
            %dma_wait3A_833 = arith.constant 0 : i32
            %dma_wait3A_834 = tpu.memref_slice %arg12[%dma_wait3A_833] : memref<32768xf32, #tpu.memory_space<vmem_shared>> -> memref<32768xf32, #tpu.memory_space<vmem_shared>>
            tpu.wait_indirect_dma semaphore(%run_scoped3A : memref<!tpu.dma_semaphore, #tpu.memory_space<semaphore_mem>>) src(%arg9 : memref<32xf32, #tpu.memory_space<vmem>>) dst(%dma_wait3A_834 : memref<32768xf32, #tpu.memory_space<vmem_shared>>)
            tpu.yield
          }) : () -> ()
        } else {
        }
        %broadcast_in_dim3A_391 = vector.broadcast %ne3A_387 : i1 to vector<16xi1>
        %select_n3A_392 = arith.select %broadcast_in_dim3A_391, %broadcast_in_dim3A_40, %select_n3A_376 : vector<16xi1>, vector<16xf32>
        %select_n3A_393 = arith.select %broadcast_in_dim3A_391, %broadcast_in_dim3A_40, %add3A_381 : vector<16xi1>, vector<16xf32>
        %jit3A_394 = arith.constant 0 : i32
        %select_n3A_395 = arith.select %ne3A_387, %jit3A_394, %add3A_383 : i32
        %add3A_396 = arith.constant 6 : i32
        %add3A_397 = arith.addi %add3A_92, %add3A_396 : i32
        %mul3A_398 = arith.constant 16 : i32
        %mul3A_399 = arith.muli %add3A_397, %mul3A_398 : i32
        %get3A_400 = arith.index_cast %mul3A_399 : i32 to index
        %get3A_401 = tpu.vector_load %arg8[%get3A_400] {strides = array<i32>} : memref<50176xi32, #tpu.memory_space<vmem>>, vector<16xi32>,
        %ne3A_402 = arith.constant 0 : i32
        %ne3A_403 = vector.broadcast %ne3A_402 : i32 to vector<16xi32>
        %ne3A_404 = arith.cmpi ne, %get3A_401, %ne3A_403 : vector<16xi32>
        %broadcast_in_dim3A_405 = arith.constant 6 : i32
        %broadcast_in_dim3A_406 = vector.broadcast %broadcast_in_dim3A_405 : i32 to vector<16xi32>
        %lt3A_407 = arith.constant 0 : i32
        %lt3A_408 = vector.broadcast %lt3A_407 : i32 to vector<16xi32>
        %lt3A_409 = arith.cmpi slt, %broadcast_in_dim3A_406, %lt3A_408 : vector<16xi32>
        %add3A_410 = arith.constant 16 : i32
        %add3A_411 = vector.broadcast %add3A_410 : i32 to vector<16xi32>
        %add3A_412 = arith.addi %broadcast_in_dim3A_406, %add3A_411 : vector<16xi32>
        %select_n3A_413 = arith.select %lt3A_409, %add3A_412, %broadcast_in_dim3A_406 : vector<16xi1>, vector<16xi32>
        %broadcast_in_dim3A_414 = vector.shape_cast %select_n3A_413 : vector<16xi32> to vector<16x1xi32>
        %gather3A_415 = vector.shape_cast %broadcast_in_dim3A_414 : vector<16x1xi32> to vector<16xi32>
        %gather3A_416 = tpu.dynamic_gather %get3A_96[%gather3A_415] in [0] : vector<16xf32>, vector<16xi32> -> vector<16xf32>
        %add3A_417 = arith.addf %select_n3A_392, %gather3A_416 : vector<16xf32>
        %select_n3A_418 = arith.select %ne3A_404, %add3A_417, %select_n3A_392 : vector<16xi1>, vector<16xf32>
        %eq3A_419 = arith.constant 6 : i32
        %eq3A_420 = vector.broadcast %eq3A_419 : i32 to vector<16xi32>
        %eq3A_421 = arith.cmpi eq, %iota3A, %eq3A_420 : vector<16xi32>
        %select_n3A_422 = arith.select %eq3A_421, %add3A_129, %broadcast_in_dim3A_40 : vector<16xi1>, vector<16xf32>
        %add3A_423 = arith.addf %select_n3A_393, %select_n3A_422 : vector<16xf32>
        %add3A_424 = arith.constant 1 : i32
        %add3A_425 = arith.addi %select_n3A_395, %add3A_424 : i32
        %select_n3A_426 = arith.select %ne3A_387, %squeeze3A_386, %select_n3A_384 : i32
        %slice3A_427 = vector.extract_strided_slice %get3A_94 {offsets = [7], sizes = [1], strides = [1]} : vector<16xi32> to vector<1xi32>
        %squeeze3A_428 = vector.extract %slice3A_427[0] : i32 from vector<1xi32>
        %ne3A_429 = arith.cmpi ne, %squeeze3A_428, %select_n3A_426 : i32
        %convert_element_type3A_430 = arith.extui %ne3A_429 : i1 to i32
        %cond3A_431 = arith.constant 0 : i32
        %cond3A_432 = arith.cmpi ne, %convert_element_type3A_430, %cond3A_431 : i32
        scf.if %cond3A_432 {
          %mul3A_805 = arith.constant 32 : i32
          %mul3A_806 = arith.muli %select_n3A_426, %mul3A_805 : i32
          %reduce_sum3A_807 = arith.constant true
          %reduce_sum3A_808 = vector.broadcast %reduce_sum3A_807 : i1 to vector<16xi1>
          %reduce_sum3A_809 = tpu.scan <sum>, %add3A_423 masked %reduce_sum3A_808 : vector<16xf32>, vector<16xi1> -> vector<16xf32>
          %reduce_sum3A_810 = vector.extract %reduce_sum3A_809[15] : f32 from vector<16xf32>
          %broadcast_in_dim3A_811 = vector.broadcast %reduce_sum3A_810 : f32 to vector<16xf32>
          %select_n3A_812 = arith.select %eq3A_35, %broadcast_in_dim3A_811, %broadcast_in_dim3A_40 : vector<16xi1>, vector<16xf32>
          %convert_element_type3A_813 = arith.sitofp %add3A_425 : i32 to f32
          %broadcast_in_dim3A_814 = vector.broadcast %convert_element_type3A_813 : f32 to vector<16xf32>
          %select_n3A_815 = arith.select %eq3A_38, %broadcast_in_dim3A_814, %broadcast_in_dim3A_40 : vector<16xi1>, vector<16xf32>
          %add3A_816 = arith.addf %select_n3A_812, %select_n3A_815 : vector<16xf32>
          %swap3A_817 = arith.constant 0 : index
          %swap3A_818 = tpu.vector_load %arg9[%swap3A_817] {strides = array<i32>} : memref<32xf32, #tpu.memory_space<vmem>>, vector<16xf32>,
          tpu.vector_store %arg9[%swap3A_817], %select_n3A_418 {strides = array<i32>} : memref<32xf32, #tpu.memory_space<vmem>>, vector<16xf32>,
          %swap3A_819 = arith.constant 16 : index
          %swap3A_820 = tpu.vector_load %arg9[%swap3A_819] {strides = array<i32>} : memref<32xf32, #tpu.memory_space<vmem>>, vector<16xf32>,
          tpu.vector_store %arg9[%swap3A_819], %add3A_816 {strides = array<i32>} : memref<32xf32, #tpu.memory_space<vmem>>, vector<16xf32>,
          %add3A_821 = vector.broadcast %mul3A_806 : i32 to vector<16xi32>
          %add3A_822 = arith.addi %add3A_821, %iota3A : vector<16xi32>
          %swap3A_823 = arith.constant 0 : index
          %swap3A_824 = tpu.vector_load %arg10[%swap3A_823] {strides = array<i32>} : memref<32xi32, #tpu.memory_space<vmem>>, vector<16xi32>,
          tpu.vector_store %arg10[%swap3A_823], %add3A_822 {strides = array<i32>} : memref<32xi32, #tpu.memory_space<vmem>>, vector<16xi32>,
          %add3A_825 = arith.constant 16 : i32
          %add3A_826 = arith.addi %mul3A_806, %add3A_825 : i32
          %add3A_827 = vector.broadcast %add3A_826 : i32 to vector<16xi32>
          %add3A_828 = arith.addi %add3A_827, %iota3A : vector<16xi32>
          %swap3A_829 = arith.constant 16 : index
          %swap3A_830 = tpu.vector_load %arg10[%swap3A_829] {strides = array<i32>} : memref<32xi32, #tpu.memory_space<vmem>>, vector<16xi32>,
          tpu.vector_store %arg10[%swap3A_829], %add3A_828 {strides = array<i32>} : memref<32xi32, #tpu.memory_space<vmem>>, vector<16xi32>,
          "tpu.region"() ({
            %run_scoped3A = tpu.sem_alloc : memref<!tpu.dma_semaphore, #tpu.memory_space<semaphore_mem>>
            %dma_start3A_831 = arith.constant 0 : i32
            %dma_start3A_832 = tpu.memref_slice %arg12[%dma_start3A_831] : memref<32768xf32, #tpu.memory_space<vmem_shared>> -> memref<32768xf32, #tpu.memory_space<vmem_shared>>
            tpu.enqueue_indirect_dma source(%arg9 : memref<32xf32, #tpu.memory_space<vmem>>) target(%dma_start3A_832 : memref<32768xf32, #tpu.memory_space<vmem_shared>>) offsets(%arg10 : memref<32xi32, #tpu.memory_space<vmem>>) semaphore(%run_scoped3A : memref<!tpu.dma_semaphore, #tpu.memory_space<semaphore_mem>>) {add = true}
            %dma_wait3A_833 = arith.constant 0 : i32
            %dma_wait3A_834 = tpu.memref_slice %arg12[%dma_wait3A_833] : memref<32768xf32, #tpu.memory_space<vmem_shared>> -> memref<32768xf32, #tpu.memory_space<vmem_shared>>
            tpu.wait_indirect_dma semaphore(%run_scoped3A : memref<!tpu.dma_semaphore, #tpu.memory_space<semaphore_mem>>) src(%arg9 : memref<32xf32, #tpu.memory_space<vmem>>) dst(%dma_wait3A_834 : memref<32768xf32, #tpu.memory_space<vmem_shared>>)
            tpu.yield
          }) : () -> ()
        } else {
        }
        %broadcast_in_dim3A_433 = vector.broadcast %ne3A_429 : i1 to vector<16xi1>
        %select_n3A_434 = arith.select %broadcast_in_dim3A_433, %broadcast_in_dim3A_40, %select_n3A_418 : vector<16xi1>, vector<16xf32>
        %select_n3A_435 = arith.select %broadcast_in_dim3A_433, %broadcast_in_dim3A_40, %add3A_423 : vector<16xi1>, vector<16xf32>
        %jit3A_436 = arith.constant 0 : i32
        %select_n3A_437 = arith.select %ne3A_429, %jit3A_436, %add3A_425 : i32
        %add3A_438 = arith.constant 7 : i32
        %add3A_439 = arith.addi %add3A_92, %add3A_438 : i32
        %mul3A_440 = arith.constant 16 : i32
        %mul3A_441 = arith.muli %add3A_439, %mul3A_440 : i32
        %get3A_442 = arith.index_cast %mul3A_441 : i32 to index
        %get3A_443 = tpu.vector_load %arg8[%get3A_442] {strides = array<i32>} : memref<50176xi32, #tpu.memory_space<vmem>>, vector<16xi32>,
        %ne3A_444 = arith.constant 0 : i32
        %ne3A_445 = vector.broadcast %ne3A_444 : i32 to vector<16xi32>
        %ne3A_446 = arith.cmpi ne, %get3A_443, %ne3A_445 : vector<16xi32>
        %broadcast_in_dim3A_447 = arith.constant 7 : i32
        %broadcast_in_dim3A_448 = vector.broadcast %broadcast_in_dim3A_447 : i32 to vector<16xi32>
        %lt3A_449 = arith.constant 0 : i32
        %lt3A_450 = vector.broadcast %lt3A_449 : i32 to vector<16xi32>
        %lt3A_451 = arith.cmpi slt, %broadcast_in_dim3A_448, %lt3A_450 : vector<16xi32>
        %add3A_452 = arith.constant 16 : i32
        %add3A_453 = vector.broadcast %add3A_452 : i32 to vector<16xi32>
        %add3A_454 = arith.addi %broadcast_in_dim3A_448, %add3A_453 : vector<16xi32>
        %select_n3A_455 = arith.select %lt3A_451, %add3A_454, %broadcast_in_dim3A_448 : vector<16xi1>, vector<16xi32>
        %broadcast_in_dim3A_456 = vector.shape_cast %select_n3A_455 : vector<16xi32> to vector<16x1xi32>
        %gather3A_457 = vector.shape_cast %broadcast_in_dim3A_456 : vector<16x1xi32> to vector<16xi32>
        %gather3A_458 = tpu.dynamic_gather %get3A_96[%gather3A_457] in [0] : vector<16xf32>, vector<16xi32> -> vector<16xf32>
        %add3A_459 = arith.addf %select_n3A_434, %gather3A_458 : vector<16xf32>
        %select_n3A_460 = arith.select %ne3A_446, %add3A_459, %select_n3A_434 : vector<16xi1>, vector<16xf32>
        %eq3A_461 = arith.constant 7 : i32
        %eq3A_462 = vector.broadcast %eq3A_461 : i32 to vector<16xi32>
        %eq3A_463 = arith.cmpi eq, %iota3A, %eq3A_462 : vector<16xi32>
        %select_n3A_464 = arith.select %eq3A_463, %add3A_129, %broadcast_in_dim3A_40 : vector<16xi1>, vector<16xf32>
        %add3A_465 = arith.addf %select_n3A_435, %select_n3A_464 : vector<16xf32>
        %add3A_466 = arith.constant 1 : i32
        %add3A_467 = arith.addi %select_n3A_437, %add3A_466 : i32
        %select_n3A_468 = arith.select %ne3A_429, %squeeze3A_428, %select_n3A_426 : i32
        %slice3A_469 = vector.extract_strided_slice %get3A_94 {offsets = [8], sizes = [1], strides = [1]} : vector<16xi32> to vector<1xi32>
        %squeeze3A_470 = vector.extract %slice3A_469[0] : i32 from vector<1xi32>
        %ne3A_471 = arith.cmpi ne, %squeeze3A_470, %select_n3A_468 : i32
        %convert_element_type3A_472 = arith.extui %ne3A_471 : i1 to i32
        %cond3A_473 = arith.constant 0 : i32
        %cond3A_474 = arith.cmpi ne, %convert_element_type3A_472, %cond3A_473 : i32
        scf.if %cond3A_474 {
          %mul3A_805 = arith.constant 32 : i32
          %mul3A_806 = arith.muli %select_n3A_468, %mul3A_805 : i32
          %reduce_sum3A_807 = arith.constant true
          %reduce_sum3A_808 = vector.broadcast %reduce_sum3A_807 : i1 to vector<16xi1>
          %reduce_sum3A_809 = tpu.scan <sum>, %add3A_465 masked %reduce_sum3A_808 : vector<16xf32>, vector<16xi1> -> vector<16xf32>
          %reduce_sum3A_810 = vector.extract %reduce_sum3A_809[15] : f32 from vector<16xf32>
          %broadcast_in_dim3A_811 = vector.broadcast %reduce_sum3A_810 : f32 to vector<16xf32>
          %select_n3A_812 = arith.select %eq3A_35, %broadcast_in_dim3A_811, %broadcast_in_dim3A_40 : vector<16xi1>, vector<16xf32>
          %convert_element_type3A_813 = arith.sitofp %add3A_467 : i32 to f32
          %broadcast_in_dim3A_814 = vector.broadcast %convert_element_type3A_813 : f32 to vector<16xf32>
          %select_n3A_815 = arith.select %eq3A_38, %broadcast_in_dim3A_814, %broadcast_in_dim3A_40 : vector<16xi1>, vector<16xf32>
          %add3A_816 = arith.addf %select_n3A_812, %select_n3A_815 : vector<16xf32>
          %swap3A_817 = arith.constant 0 : index
          %swap3A_818 = tpu.vector_load %arg9[%swap3A_817] {strides = array<i32>} : memref<32xf32, #tpu.memory_space<vmem>>, vector<16xf32>,
          tpu.vector_store %arg9[%swap3A_817], %select_n3A_460 {strides = array<i32>} : memref<32xf32, #tpu.memory_space<vmem>>, vector<16xf32>,
          %swap3A_819 = arith.constant 16 : index
          %swap3A_820 = tpu.vector_load %arg9[%swap3A_819] {strides = array<i32>} : memref<32xf32, #tpu.memory_space<vmem>>, vector<16xf32>,
          tpu.vector_store %arg9[%swap3A_819], %add3A_816 {strides = array<i32>} : memref<32xf32, #tpu.memory_space<vmem>>, vector<16xf32>,
          %add3A_821 = vector.broadcast %mul3A_806 : i32 to vector<16xi32>
          %add3A_822 = arith.addi %add3A_821, %iota3A : vector<16xi32>
          %swap3A_823 = arith.constant 0 : index
          %swap3A_824 = tpu.vector_load %arg10[%swap3A_823] {strides = array<i32>} : memref<32xi32, #tpu.memory_space<vmem>>, vector<16xi32>,
          tpu.vector_store %arg10[%swap3A_823], %add3A_822 {strides = array<i32>} : memref<32xi32, #tpu.memory_space<vmem>>, vector<16xi32>,
          %add3A_825 = arith.constant 16 : i32
          %add3A_826 = arith.addi %mul3A_806, %add3A_825 : i32
          %add3A_827 = vector.broadcast %add3A_826 : i32 to vector<16xi32>
          %add3A_828 = arith.addi %add3A_827, %iota3A : vector<16xi32>
          %swap3A_829 = arith.constant 16 : index
          %swap3A_830 = tpu.vector_load %arg10[%swap3A_829] {strides = array<i32>} : memref<32xi32, #tpu.memory_space<vmem>>, vector<16xi32>,
          tpu.vector_store %arg10[%swap3A_829], %add3A_828 {strides = array<i32>} : memref<32xi32, #tpu.memory_space<vmem>>, vector<16xi32>,
          "tpu.region"() ({
            %run_scoped3A = tpu.sem_alloc : memref<!tpu.dma_semaphore, #tpu.memory_space<semaphore_mem>>
            %dma_start3A_831 = arith.constant 0 : i32
            %dma_start3A_832 = tpu.memref_slice %arg12[%dma_start3A_831] : memref<32768xf32, #tpu.memory_space<vmem_shared>> -> memref<32768xf32, #tpu.memory_space<vmem_shared>>
            tpu.enqueue_indirect_dma source(%arg9 : memref<32xf32, #tpu.memory_space<vmem>>) target(%dma_start3A_832 : memref<32768xf32, #tpu.memory_space<vmem_shared>>) offsets(%arg10 : memref<32xi32, #tpu.memory_space<vmem>>) semaphore(%run_scoped3A : memref<!tpu.dma_semaphore, #tpu.memory_space<semaphore_mem>>) {add = true}
            %dma_wait3A_833 = arith.constant 0 : i32
            %dma_wait3A_834 = tpu.memref_slice %arg12[%dma_wait3A_833] : memref<32768xf32, #tpu.memory_space<vmem_shared>> -> memref<32768xf32, #tpu.memory_space<vmem_shared>>
            tpu.wait_indirect_dma semaphore(%run_scoped3A : memref<!tpu.dma_semaphore, #tpu.memory_space<semaphore_mem>>) src(%arg9 : memref<32xf32, #tpu.memory_space<vmem>>) dst(%dma_wait3A_834 : memref<32768xf32, #tpu.memory_space<vmem_shared>>)
            tpu.yield
          }) : () -> ()
        } else {
        }
        %broadcast_in_dim3A_475 = vector.broadcast %ne3A_471 : i1 to vector<16xi1>
        %select_n3A_476 = arith.select %broadcast_in_dim3A_475, %broadcast_in_dim3A_40, %select_n3A_460 : vector<16xi1>, vector<16xf32>
        %select_n3A_477 = arith.select %broadcast_in_dim3A_475, %broadcast_in_dim3A_40, %add3A_465 : vector<16xi1>, vector<16xf32>
        %jit3A_478 = arith.constant 0 : i32
        %select_n3A_479 = arith.select %ne3A_471, %jit3A_478, %add3A_467 : i32
        %add3A_480 = arith.constant 8 : i32
        %add3A_481 = arith.addi %add3A_92, %add3A_480 : i32
        %mul3A_482 = arith.constant 16 : i32
        %mul3A_483 = arith.muli %add3A_481, %mul3A_482 : i32
        %get3A_484 = arith.index_cast %mul3A_483 : i32 to index
        %get3A_485 = tpu.vector_load %arg8[%get3A_484] {strides = array<i32>} : memref<50176xi32, #tpu.memory_space<vmem>>, vector<16xi32>,
        %ne3A_486 = arith.constant 0 : i32
        %ne3A_487 = vector.broadcast %ne3A_486 : i32 to vector<16xi32>
        %ne3A_488 = arith.cmpi ne, %get3A_485, %ne3A_487 : vector<16xi32>
        %broadcast_in_dim3A_489 = arith.constant 8 : i32
        %broadcast_in_dim3A_490 = vector.broadcast %broadcast_in_dim3A_489 : i32 to vector<16xi32>
        %lt3A_491 = arith.constant 0 : i32
        %lt3A_492 = vector.broadcast %lt3A_491 : i32 to vector<16xi32>
        %lt3A_493 = arith.cmpi slt, %broadcast_in_dim3A_490, %lt3A_492 : vector<16xi32>
        %add3A_494 = arith.constant 16 : i32
        %add3A_495 = vector.broadcast %add3A_494 : i32 to vector<16xi32>
        %add3A_496 = arith.addi %broadcast_in_dim3A_490, %add3A_495 : vector<16xi32>
        %select_n3A_497 = arith.select %lt3A_493, %add3A_496, %broadcast_in_dim3A_490 : vector<16xi1>, vector<16xi32>
        %broadcast_in_dim3A_498 = vector.shape_cast %select_n3A_497 : vector<16xi32> to vector<16x1xi32>
        %gather3A_499 = vector.shape_cast %broadcast_in_dim3A_498 : vector<16x1xi32> to vector<16xi32>
        %gather3A_500 = tpu.dynamic_gather %get3A_96[%gather3A_499] in [0] : vector<16xf32>, vector<16xi32> -> vector<16xf32>
        %add3A_501 = arith.addf %select_n3A_476, %gather3A_500 : vector<16xf32>
        %select_n3A_502 = arith.select %ne3A_488, %add3A_501, %select_n3A_476 : vector<16xi1>, vector<16xf32>
        %eq3A_503 = arith.constant 8 : i32
        %eq3A_504 = vector.broadcast %eq3A_503 : i32 to vector<16xi32>
        %eq3A_505 = arith.cmpi eq, %iota3A, %eq3A_504 : vector<16xi32>
        %select_n3A_506 = arith.select %eq3A_505, %add3A_129, %broadcast_in_dim3A_40 : vector<16xi1>, vector<16xf32>
        %add3A_507 = arith.addf %select_n3A_477, %select_n3A_506 : vector<16xf32>
        %add3A_508 = arith.constant 1 : i32
        %add3A_509 = arith.addi %select_n3A_479, %add3A_508 : i32
        %select_n3A_510 = arith.select %ne3A_471, %squeeze3A_470, %select_n3A_468 : i32
        %slice3A_511 = vector.extract_strided_slice %get3A_94 {offsets = [9], sizes = [1], strides = [1]} : vector<16xi32> to vector<1xi32>
        %squeeze3A_512 = vector.extract %slice3A_511[0] : i32 from vector<1xi32>
        %ne3A_513 = arith.cmpi ne, %squeeze3A_512, %select_n3A_510 : i32
        %convert_element_type3A_514 = arith.extui %ne3A_513 : i1 to i32
        %cond3A_515 = arith.constant 0 : i32
        %cond3A_516 = arith.cmpi ne, %convert_element_type3A_514, %cond3A_515 : i32
        scf.if %cond3A_516 {
          %mul3A_805 = arith.constant 32 : i32
          %mul3A_806 = arith.muli %select_n3A_510, %mul3A_805 : i32
          %reduce_sum3A_807 = arith.constant true
          %reduce_sum3A_808 = vector.broadcast %reduce_sum3A_807 : i1 to vector<16xi1>
          %reduce_sum3A_809 = tpu.scan <sum>, %add3A_507 masked %reduce_sum3A_808 : vector<16xf32>, vector<16xi1> -> vector<16xf32>
          %reduce_sum3A_810 = vector.extract %reduce_sum3A_809[15] : f32 from vector<16xf32>
          %broadcast_in_dim3A_811 = vector.broadcast %reduce_sum3A_810 : f32 to vector<16xf32>
          %select_n3A_812 = arith.select %eq3A_35, %broadcast_in_dim3A_811, %broadcast_in_dim3A_40 : vector<16xi1>, vector<16xf32>
          %convert_element_type3A_813 = arith.sitofp %add3A_509 : i32 to f32
          %broadcast_in_dim3A_814 = vector.broadcast %convert_element_type3A_813 : f32 to vector<16xf32>
          %select_n3A_815 = arith.select %eq3A_38, %broadcast_in_dim3A_814, %broadcast_in_dim3A_40 : vector<16xi1>, vector<16xf32>
          %add3A_816 = arith.addf %select_n3A_812, %select_n3A_815 : vector<16xf32>
          %swap3A_817 = arith.constant 0 : index
          %swap3A_818 = tpu.vector_load %arg9[%swap3A_817] {strides = array<i32>} : memref<32xf32, #tpu.memory_space<vmem>>, vector<16xf32>,
          tpu.vector_store %arg9[%swap3A_817], %select_n3A_502 {strides = array<i32>} : memref<32xf32, #tpu.memory_space<vmem>>, vector<16xf32>,
          %swap3A_819 = arith.constant 16 : index
          %swap3A_820 = tpu.vector_load %arg9[%swap3A_819] {strides = array<i32>} : memref<32xf32, #tpu.memory_space<vmem>>, vector<16xf32>,
          tpu.vector_store %arg9[%swap3A_819], %add3A_816 {strides = array<i32>} : memref<32xf32, #tpu.memory_space<vmem>>, vector<16xf32>,
          %add3A_821 = vector.broadcast %mul3A_806 : i32 to vector<16xi32>
          %add3A_822 = arith.addi %add3A_821, %iota3A : vector<16xi32>
          %swap3A_823 = arith.constant 0 : index
          %swap3A_824 = tpu.vector_load %arg10[%swap3A_823] {strides = array<i32>} : memref<32xi32, #tpu.memory_space<vmem>>, vector<16xi32>,
          tpu.vector_store %arg10[%swap3A_823], %add3A_822 {strides = array<i32>} : memref<32xi32, #tpu.memory_space<vmem>>, vector<16xi32>,
          %add3A_825 = arith.constant 16 : i32
          %add3A_826 = arith.addi %mul3A_806, %add3A_825 : i32
          %add3A_827 = vector.broadcast %add3A_826 : i32 to vector<16xi32>
          %add3A_828 = arith.addi %add3A_827, %iota3A : vector<16xi32>
          %swap3A_829 = arith.constant 16 : index
          %swap3A_830 = tpu.vector_load %arg10[%swap3A_829] {strides = array<i32>} : memref<32xi32, #tpu.memory_space<vmem>>, vector<16xi32>,
          tpu.vector_store %arg10[%swap3A_829], %add3A_828 {strides = array<i32>} : memref<32xi32, #tpu.memory_space<vmem>>, vector<16xi32>,
          "tpu.region"() ({
            %run_scoped3A = tpu.sem_alloc : memref<!tpu.dma_semaphore, #tpu.memory_space<semaphore_mem>>
            %dma_start3A_831 = arith.constant 0 : i32
            %dma_start3A_832 = tpu.memref_slice %arg12[%dma_start3A_831] : memref<32768xf32, #tpu.memory_space<vmem_shared>> -> memref<32768xf32, #tpu.memory_space<vmem_shared>>
            tpu.enqueue_indirect_dma source(%arg9 : memref<32xf32, #tpu.memory_space<vmem>>) target(%dma_start3A_832 : memref<32768xf32, #tpu.memory_space<vmem_shared>>) offsets(%arg10 : memref<32xi32, #tpu.memory_space<vmem>>) semaphore(%run_scoped3A : memref<!tpu.dma_semaphore, #tpu.memory_space<semaphore_mem>>) {add = true}
            %dma_wait3A_833 = arith.constant 0 : i32
            %dma_wait3A_834 = tpu.memref_slice %arg12[%dma_wait3A_833] : memref<32768xf32, #tpu.memory_space<vmem_shared>> -> memref<32768xf32, #tpu.memory_space<vmem_shared>>
            tpu.wait_indirect_dma semaphore(%run_scoped3A : memref<!tpu.dma_semaphore, #tpu.memory_space<semaphore_mem>>) src(%arg9 : memref<32xf32, #tpu.memory_space<vmem>>) dst(%dma_wait3A_834 : memref<32768xf32, #tpu.memory_space<vmem_shared>>)
            tpu.yield
          }) : () -> ()
        } else {
        }
        %broadcast_in_dim3A_517 = vector.broadcast %ne3A_513 : i1 to vector<16xi1>
        %select_n3A_518 = arith.select %broadcast_in_dim3A_517, %broadcast_in_dim3A_40, %select_n3A_502 : vector<16xi1>, vector<16xf32>
        %select_n3A_519 = arith.select %broadcast_in_dim3A_517, %broadcast_in_dim3A_40, %add3A_507 : vector<16xi1>, vector<16xf32>
        %jit3A_520 = arith.constant 0 : i32
        %select_n3A_521 = arith.select %ne3A_513, %jit3A_520, %add3A_509 : i32
        %add3A_522 = arith.constant 9 : i32
        %add3A_523 = arith.addi %add3A_92, %add3A_522 : i32
        %mul3A_524 = arith.constant 16 : i32
        %mul3A_525 = arith.muli %add3A_523, %mul3A_524 : i32
        %get3A_526 = arith.index_cast %mul3A_525 : i32 to index
        %get3A_527 = tpu.vector_load %arg8[%get3A_526] {strides = array<i32>} : memref<50176xi32, #tpu.memory_space<vmem>>, vector<16xi32>,
        %ne3A_528 = arith.constant 0 : i32
        %ne3A_529 = vector.broadcast %ne3A_528 : i32 to vector<16xi32>
        %ne3A_530 = arith.cmpi ne, %get3A_527, %ne3A_529 : vector<16xi32>
        %broadcast_in_dim3A_531 = arith.constant 9 : i32
        %broadcast_in_dim3A_532 = vector.broadcast %broadcast_in_dim3A_531 : i32 to vector<16xi32>
        %lt3A_533 = arith.constant 0 : i32
        %lt3A_534 = vector.broadcast %lt3A_533 : i32 to vector<16xi32>
        %lt3A_535 = arith.cmpi slt, %broadcast_in_dim3A_532, %lt3A_534 : vector<16xi32>
        %add3A_536 = arith.constant 16 : i32
        %add3A_537 = vector.broadcast %add3A_536 : i32 to vector<16xi32>
        %add3A_538 = arith.addi %broadcast_in_dim3A_532, %add3A_537 : vector<16xi32>
        %select_n3A_539 = arith.select %lt3A_535, %add3A_538, %broadcast_in_dim3A_532 : vector<16xi1>, vector<16xi32>
        %broadcast_in_dim3A_540 = vector.shape_cast %select_n3A_539 : vector<16xi32> to vector<16x1xi32>
        %gather3A_541 = vector.shape_cast %broadcast_in_dim3A_540 : vector<16x1xi32> to vector<16xi32>
        %gather3A_542 = tpu.dynamic_gather %get3A_96[%gather3A_541] in [0] : vector<16xf32>, vector<16xi32> -> vector<16xf32>
        %add3A_543 = arith.addf %select_n3A_518, %gather3A_542 : vector<16xf32>
        %select_n3A_544 = arith.select %ne3A_530, %add3A_543, %select_n3A_518 : vector<16xi1>, vector<16xf32>
        %eq3A_545 = arith.constant 9 : i32
        %eq3A_546 = vector.broadcast %eq3A_545 : i32 to vector<16xi32>
        %eq3A_547 = arith.cmpi eq, %iota3A, %eq3A_546 : vector<16xi32>
        %select_n3A_548 = arith.select %eq3A_547, %add3A_129, %broadcast_in_dim3A_40 : vector<16xi1>, vector<16xf32>
        %add3A_549 = arith.addf %select_n3A_519, %select_n3A_548 : vector<16xf32>
        %add3A_550 = arith.constant 1 : i32
        %add3A_551 = arith.addi %select_n3A_521, %add3A_550 : i32
        %select_n3A_552 = arith.select %ne3A_513, %squeeze3A_512, %select_n3A_510 : i32
        %slice3A_553 = vector.extract_strided_slice %get3A_94 {offsets = [10], sizes = [1], strides = [1]} : vector<16xi32> to vector<1xi32>
        %squeeze3A_554 = vector.extract %slice3A_553[0] : i32 from vector<1xi32>
        %ne3A_555 = arith.cmpi ne, %squeeze3A_554, %select_n3A_552 : i32
        %convert_element_type3A_556 = arith.extui %ne3A_555 : i1 to i32
        %cond3A_557 = arith.constant 0 : i32
        %cond3A_558 = arith.cmpi ne, %convert_element_type3A_556, %cond3A_557 : i32
        scf.if %cond3A_558 {
          %mul3A_805 = arith.constant 32 : i32
          %mul3A_806 = arith.muli %select_n3A_552, %mul3A_805 : i32
          %reduce_sum3A_807 = arith.constant true
          %reduce_sum3A_808 = vector.broadcast %reduce_sum3A_807 : i1 to vector<16xi1>
          %reduce_sum3A_809 = tpu.scan <sum>, %add3A_549 masked %reduce_sum3A_808 : vector<16xf32>, vector<16xi1> -> vector<16xf32>
          %reduce_sum3A_810 = vector.extract %reduce_sum3A_809[15] : f32 from vector<16xf32>
          %broadcast_in_dim3A_811 = vector.broadcast %reduce_sum3A_810 : f32 to vector<16xf32>
          %select_n3A_812 = arith.select %eq3A_35, %broadcast_in_dim3A_811, %broadcast_in_dim3A_40 : vector<16xi1>, vector<16xf32>
          %convert_element_type3A_813 = arith.sitofp %add3A_551 : i32 to f32
          %broadcast_in_dim3A_814 = vector.broadcast %convert_element_type3A_813 : f32 to vector<16xf32>
          %select_n3A_815 = arith.select %eq3A_38, %broadcast_in_dim3A_814, %broadcast_in_dim3A_40 : vector<16xi1>, vector<16xf32>
          %add3A_816 = arith.addf %select_n3A_812, %select_n3A_815 : vector<16xf32>
          %swap3A_817 = arith.constant 0 : index
          %swap3A_818 = tpu.vector_load %arg9[%swap3A_817] {strides = array<i32>} : memref<32xf32, #tpu.memory_space<vmem>>, vector<16xf32>,
          tpu.vector_store %arg9[%swap3A_817], %select_n3A_544 {strides = array<i32>} : memref<32xf32, #tpu.memory_space<vmem>>, vector<16xf32>,
          %swap3A_819 = arith.constant 16 : index
          %swap3A_820 = tpu.vector_load %arg9[%swap3A_819] {strides = array<i32>} : memref<32xf32, #tpu.memory_space<vmem>>, vector<16xf32>,
          tpu.vector_store %arg9[%swap3A_819], %add3A_816 {strides = array<i32>} : memref<32xf32, #tpu.memory_space<vmem>>, vector<16xf32>,
          %add3A_821 = vector.broadcast %mul3A_806 : i32 to vector<16xi32>
          %add3A_822 = arith.addi %add3A_821, %iota3A : vector<16xi32>
          %swap3A_823 = arith.constant 0 : index
          %swap3A_824 = tpu.vector_load %arg10[%swap3A_823] {strides = array<i32>} : memref<32xi32, #tpu.memory_space<vmem>>, vector<16xi32>,
          tpu.vector_store %arg10[%swap3A_823], %add3A_822 {strides = array<i32>} : memref<32xi32, #tpu.memory_space<vmem>>, vector<16xi32>,
          %add3A_825 = arith.constant 16 : i32
          %add3A_826 = arith.addi %mul3A_806, %add3A_825 : i32
          %add3A_827 = vector.broadcast %add3A_826 : i32 to vector<16xi32>
          %add3A_828 = arith.addi %add3A_827, %iota3A : vector<16xi32>
          %swap3A_829 = arith.constant 16 : index
          %swap3A_830 = tpu.vector_load %arg10[%swap3A_829] {strides = array<i32>} : memref<32xi32, #tpu.memory_space<vmem>>, vector<16xi32>,
          tpu.vector_store %arg10[%swap3A_829], %add3A_828 {strides = array<i32>} : memref<32xi32, #tpu.memory_space<vmem>>, vector<16xi32>,
          "tpu.region"() ({
            %run_scoped3A = tpu.sem_alloc : memref<!tpu.dma_semaphore, #tpu.memory_space<semaphore_mem>>
            %dma_start3A_831 = arith.constant 0 : i32
            %dma_start3A_832 = tpu.memref_slice %arg12[%dma_start3A_831] : memref<32768xf32, #tpu.memory_space<vmem_shared>> -> memref<32768xf32, #tpu.memory_space<vmem_shared>>
            tpu.enqueue_indirect_dma source(%arg9 : memref<32xf32, #tpu.memory_space<vmem>>) target(%dma_start3A_832 : memref<32768xf32, #tpu.memory_space<vmem_shared>>) offsets(%arg10 : memref<32xi32, #tpu.memory_space<vmem>>) semaphore(%run_scoped3A : memref<!tpu.dma_semaphore, #tpu.memory_space<semaphore_mem>>) {add = true}
            %dma_wait3A_833 = arith.constant 0 : i32
            %dma_wait3A_834 = tpu.memref_slice %arg12[%dma_wait3A_833] : memref<32768xf32, #tpu.memory_space<vmem_shared>> -> memref<32768xf32, #tpu.memory_space<vmem_shared>>
            tpu.wait_indirect_dma semaphore(%run_scoped3A : memref<!tpu.dma_semaphore, #tpu.memory_space<semaphore_mem>>) src(%arg9 : memref<32xf32, #tpu.memory_space<vmem>>) dst(%dma_wait3A_834 : memref<32768xf32, #tpu.memory_space<vmem_shared>>)
            tpu.yield
          }) : () -> ()
        } else {
        }
        %broadcast_in_dim3A_559 = vector.broadcast %ne3A_555 : i1 to vector<16xi1>
        %select_n3A_560 = arith.select %broadcast_in_dim3A_559, %broadcast_in_dim3A_40, %select_n3A_544 : vector<16xi1>, vector<16xf32>
        %select_n3A_561 = arith.select %broadcast_in_dim3A_559, %broadcast_in_dim3A_40, %add3A_549 : vector<16xi1>, vector<16xf32>
        %jit3A_562 = arith.constant 0 : i32
        %select_n3A_563 = arith.select %ne3A_555, %jit3A_562, %add3A_551 : i32
        %add3A_564 = arith.constant 10 : i32
        %add3A_565 = arith.addi %add3A_92, %add3A_564 : i32
        %mul3A_566 = arith.constant 16 : i32
        %mul3A_567 = arith.muli %add3A_565, %mul3A_566 : i32
        %get3A_568 = arith.index_cast %mul3A_567 : i32 to index
        %get3A_569 = tpu.vector_load %arg8[%get3A_568] {strides = array<i32>} : memref<50176xi32, #tpu.memory_space<vmem>>, vector<16xi32>,
        %ne3A_570 = arith.constant 0 : i32
        %ne3A_571 = vector.broadcast %ne3A_570 : i32 to vector<16xi32>
        %ne3A_572 = arith.cmpi ne, %get3A_569, %ne3A_571 : vector<16xi32>
        %broadcast_in_dim3A_573 = arith.constant 10 : i32
        %broadcast_in_dim3A_574 = vector.broadcast %broadcast_in_dim3A_573 : i32 to vector<16xi32>
        %lt3A_575 = arith.constant 0 : i32
        %lt3A_576 = vector.broadcast %lt3A_575 : i32 to vector<16xi32>
        %lt3A_577 = arith.cmpi slt, %broadcast_in_dim3A_574, %lt3A_576 : vector<16xi32>
        %add3A_578 = arith.constant 16 : i32
        %add3A_579 = vector.broadcast %add3A_578 : i32 to vector<16xi32>
        %add3A_580 = arith.addi %broadcast_in_dim3A_574, %add3A_579 : vector<16xi32>
        %select_n3A_581 = arith.select %lt3A_577, %add3A_580, %broadcast_in_dim3A_574 : vector<16xi1>, vector<16xi32>
        %broadcast_in_dim3A_582 = vector.shape_cast %select_n3A_581 : vector<16xi32> to vector<16x1xi32>
        %gather3A_583 = vector.shape_cast %broadcast_in_dim3A_582 : vector<16x1xi32> to vector<16xi32>
        %gather3A_584 = tpu.dynamic_gather %get3A_96[%gather3A_583] in [0] : vector<16xf32>, vector<16xi32> -> vector<16xf32>
        %add3A_585 = arith.addf %select_n3A_560, %gather3A_584 : vector<16xf32>
        %select_n3A_586 = arith.select %ne3A_572, %add3A_585, %select_n3A_560 : vector<16xi1>, vector<16xf32>
        %eq3A_587 = arith.constant 10 : i32
        %eq3A_588 = vector.broadcast %eq3A_587 : i32 to vector<16xi32>
        %eq3A_589 = arith.cmpi eq, %iota3A, %eq3A_588 : vector<16xi32>
        %select_n3A_590 = arith.select %eq3A_589, %add3A_129, %broadcast_in_dim3A_40 : vector<16xi1>, vector<16xf32>
        %add3A_591 = arith.addf %select_n3A_561, %select_n3A_590 : vector<16xf32>
        %add3A_592 = arith.constant 1 : i32
        %add3A_593 = arith.addi %select_n3A_563, %add3A_592 : i32
        %select_n3A_594 = arith.select %ne3A_555, %squeeze3A_554, %select_n3A_552 : i32
        %slice3A_595 = vector.extract_strided_slice %get3A_94 {offsets = [11], sizes = [1], strides = [1]} : vector<16xi32> to vector<1xi32>
        %squeeze3A_596 = vector.extract %slice3A_595[0] : i32 from vector<1xi32>
        %ne3A_597 = arith.cmpi ne, %squeeze3A_596, %select_n3A_594 : i32
        %convert_element_type3A_598 = arith.extui %ne3A_597 : i1 to i32
        %cond3A_599 = arith.constant 0 : i32
        %cond3A_600 = arith.cmpi ne, %convert_element_type3A_598, %cond3A_599 : i32
        scf.if %cond3A_600 {
          %mul3A_805 = arith.constant 32 : i32
          %mul3A_806 = arith.muli %select_n3A_594, %mul3A_805 : i32
          %reduce_sum3A_807 = arith.constant true
          %reduce_sum3A_808 = vector.broadcast %reduce_sum3A_807 : i1 to vector<16xi1>
          %reduce_sum3A_809 = tpu.scan <sum>, %add3A_591 masked %reduce_sum3A_808 : vector<16xf32>, vector<16xi1> -> vector<16xf32>
          %reduce_sum3A_810 = vector.extract %reduce_sum3A_809[15] : f32 from vector<16xf32>
          %broadcast_in_dim3A_811 = vector.broadcast %reduce_sum3A_810 : f32 to vector<16xf32>
          %select_n3A_812 = arith.select %eq3A_35, %broadcast_in_dim3A_811, %broadcast_in_dim3A_40 : vector<16xi1>, vector<16xf32>
          %convert_element_type3A_813 = arith.sitofp %add3A_593 : i32 to f32
          %broadcast_in_dim3A_814 = vector.broadcast %convert_element_type3A_813 : f32 to vector<16xf32>
          %select_n3A_815 = arith.select %eq3A_38, %broadcast_in_dim3A_814, %broadcast_in_dim3A_40 : vector<16xi1>, vector<16xf32>
          %add3A_816 = arith.addf %select_n3A_812, %select_n3A_815 : vector<16xf32>
          %swap3A_817 = arith.constant 0 : index
          %swap3A_818 = tpu.vector_load %arg9[%swap3A_817] {strides = array<i32>} : memref<32xf32, #tpu.memory_space<vmem>>, vector<16xf32>,
          tpu.vector_store %arg9[%swap3A_817], %select_n3A_586 {strides = array<i32>} : memref<32xf32, #tpu.memory_space<vmem>>, vector<16xf32>,
          %swap3A_819 = arith.constant 16 : index
          %swap3A_820 = tpu.vector_load %arg9[%swap3A_819] {strides = array<i32>} : memref<32xf32, #tpu.memory_space<vmem>>, vector<16xf32>,
          tpu.vector_store %arg9[%swap3A_819], %add3A_816 {strides = array<i32>} : memref<32xf32, #tpu.memory_space<vmem>>, vector<16xf32>,
          %add3A_821 = vector.broadcast %mul3A_806 : i32 to vector<16xi32>
          %add3A_822 = arith.addi %add3A_821, %iota3A : vector<16xi32>
          %swap3A_823 = arith.constant 0 : index
          %swap3A_824 = tpu.vector_load %arg10[%swap3A_823] {strides = array<i32>} : memref<32xi32, #tpu.memory_space<vmem>>, vector<16xi32>,
          tpu.vector_store %arg10[%swap3A_823], %add3A_822 {strides = array<i32>} : memref<32xi32, #tpu.memory_space<vmem>>, vector<16xi32>,
          %add3A_825 = arith.constant 16 : i32
          %add3A_826 = arith.addi %mul3A_806, %add3A_825 : i32
          %add3A_827 = vector.broadcast %add3A_826 : i32 to vector<16xi32>
          %add3A_828 = arith.addi %add3A_827, %iota3A : vector<16xi32>
          %swap3A_829 = arith.constant 16 : index
          %swap3A_830 = tpu.vector_load %arg10[%swap3A_829] {strides = array<i32>} : memref<32xi32, #tpu.memory_space<vmem>>, vector<16xi32>,
          tpu.vector_store %arg10[%swap3A_829], %add3A_828 {strides = array<i32>} : memref<32xi32, #tpu.memory_space<vmem>>, vector<16xi32>,
          "tpu.region"() ({
            %run_scoped3A = tpu.sem_alloc : memref<!tpu.dma_semaphore, #tpu.memory_space<semaphore_mem>>
            %dma_start3A_831 = arith.constant 0 : i32
            %dma_start3A_832 = tpu.memref_slice %arg12[%dma_start3A_831] : memref<32768xf32, #tpu.memory_space<vmem_shared>> -> memref<32768xf32, #tpu.memory_space<vmem_shared>>
            tpu.enqueue_indirect_dma source(%arg9 : memref<32xf32, #tpu.memory_space<vmem>>) target(%dma_start3A_832 : memref<32768xf32, #tpu.memory_space<vmem_shared>>) offsets(%arg10 : memref<32xi32, #tpu.memory_space<vmem>>) semaphore(%run_scoped3A : memref<!tpu.dma_semaphore, #tpu.memory_space<semaphore_mem>>) {add = true}
            %dma_wait3A_833 = arith.constant 0 : i32
            %dma_wait3A_834 = tpu.memref_slice %arg12[%dma_wait3A_833] : memref<32768xf32, #tpu.memory_space<vmem_shared>> -> memref<32768xf32, #tpu.memory_space<vmem_shared>>
            tpu.wait_indirect_dma semaphore(%run_scoped3A : memref<!tpu.dma_semaphore, #tpu.memory_space<semaphore_mem>>) src(%arg9 : memref<32xf32, #tpu.memory_space<vmem>>) dst(%dma_wait3A_834 : memref<32768xf32, #tpu.memory_space<vmem_shared>>)
            tpu.yield
          }) : () -> ()
        } else {
        }
        %broadcast_in_dim3A_601 = vector.broadcast %ne3A_597 : i1 to vector<16xi1>
        %select_n3A_602 = arith.select %broadcast_in_dim3A_601, %broadcast_in_dim3A_40, %select_n3A_586 : vector<16xi1>, vector<16xf32>
        %select_n3A_603 = arith.select %broadcast_in_dim3A_601, %broadcast_in_dim3A_40, %add3A_591 : vector<16xi1>, vector<16xf32>
        %jit3A_604 = arith.constant 0 : i32
        %select_n3A_605 = arith.select %ne3A_597, %jit3A_604, %add3A_593 : i32
        %add3A_606 = arith.constant 11 : i32
        %add3A_607 = arith.addi %add3A_92, %add3A_606 : i32
        %mul3A_608 = arith.constant 16 : i32
        %mul3A_609 = arith.muli %add3A_607, %mul3A_608 : i32
        %get3A_610 = arith.index_cast %mul3A_609 : i32 to index
        %get3A_611 = tpu.vector_load %arg8[%get3A_610] {strides = array<i32>} : memref<50176xi32, #tpu.memory_space<vmem>>, vector<16xi32>,
        %ne3A_612 = arith.constant 0 : i32
        %ne3A_613 = vector.broadcast %ne3A_612 : i32 to vector<16xi32>
        %ne3A_614 = arith.cmpi ne, %get3A_611, %ne3A_613 : vector<16xi32>
        %broadcast_in_dim3A_615 = arith.constant 11 : i32
        %broadcast_in_dim3A_616 = vector.broadcast %broadcast_in_dim3A_615 : i32 to vector<16xi32>
        %lt3A_617 = arith.constant 0 : i32
        %lt3A_618 = vector.broadcast %lt3A_617 : i32 to vector<16xi32>
        %lt3A_619 = arith.cmpi slt, %broadcast_in_dim3A_616, %lt3A_618 : vector<16xi32>
        %add3A_620 = arith.constant 16 : i32
        %add3A_621 = vector.broadcast %add3A_620 : i32 to vector<16xi32>
        %add3A_622 = arith.addi %broadcast_in_dim3A_616, %add3A_621 : vector<16xi32>
        %select_n3A_623 = arith.select %lt3A_619, %add3A_622, %broadcast_in_dim3A_616 : vector<16xi1>, vector<16xi32>
        %broadcast_in_dim3A_624 = vector.shape_cast %select_n3A_623 : vector<16xi32> to vector<16x1xi32>
        %gather3A_625 = vector.shape_cast %broadcast_in_dim3A_624 : vector<16x1xi32> to vector<16xi32>
        %gather3A_626 = tpu.dynamic_gather %get3A_96[%gather3A_625] in [0] : vector<16xf32>, vector<16xi32> -> vector<16xf32>
        %add3A_627 = arith.addf %select_n3A_602, %gather3A_626 : vector<16xf32>
        %select_n3A_628 = arith.select %ne3A_614, %add3A_627, %select_n3A_602 : vector<16xi1>, vector<16xf32>
        %eq3A_629 = arith.constant 11 : i32
        %eq3A_630 = vector.broadcast %eq3A_629 : i32 to vector<16xi32>
        %eq3A_631 = arith.cmpi eq, %iota3A, %eq3A_630 : vector<16xi32>
        %select_n3A_632 = arith.select %eq3A_631, %add3A_129, %broadcast_in_dim3A_40 : vector<16xi1>, vector<16xf32>
        %add3A_633 = arith.addf %select_n3A_603, %select_n3A_632 : vector<16xf32>
        %add3A_634 = arith.constant 1 : i32
        %add3A_635 = arith.addi %select_n3A_605, %add3A_634 : i32
        %select_n3A_636 = arith.select %ne3A_597, %squeeze3A_596, %select_n3A_594 : i32
        %slice3A_637 = vector.extract_strided_slice %get3A_94 {offsets = [12], sizes = [1], strides = [1]} : vector<16xi32> to vector<1xi32>
        %squeeze3A_638 = vector.extract %slice3A_637[0] : i32 from vector<1xi32>
        %ne3A_639 = arith.cmpi ne, %squeeze3A_638, %select_n3A_636 : i32
        %convert_element_type3A_640 = arith.extui %ne3A_639 : i1 to i32
        %cond3A_641 = arith.constant 0 : i32
        %cond3A_642 = arith.cmpi ne, %convert_element_type3A_640, %cond3A_641 : i32
        scf.if %cond3A_642 {
          %mul3A_805 = arith.constant 32 : i32
          %mul3A_806 = arith.muli %select_n3A_636, %mul3A_805 : i32
          %reduce_sum3A_807 = arith.constant true
          %reduce_sum3A_808 = vector.broadcast %reduce_sum3A_807 : i1 to vector<16xi1>
          %reduce_sum3A_809 = tpu.scan <sum>, %add3A_633 masked %reduce_sum3A_808 : vector<16xf32>, vector<16xi1> -> vector<16xf32>
          %reduce_sum3A_810 = vector.extract %reduce_sum3A_809[15] : f32 from vector<16xf32>
          %broadcast_in_dim3A_811 = vector.broadcast %reduce_sum3A_810 : f32 to vector<16xf32>
          %select_n3A_812 = arith.select %eq3A_35, %broadcast_in_dim3A_811, %broadcast_in_dim3A_40 : vector<16xi1>, vector<16xf32>
          %convert_element_type3A_813 = arith.sitofp %add3A_635 : i32 to f32
          %broadcast_in_dim3A_814 = vector.broadcast %convert_element_type3A_813 : f32 to vector<16xf32>
          %select_n3A_815 = arith.select %eq3A_38, %broadcast_in_dim3A_814, %broadcast_in_dim3A_40 : vector<16xi1>, vector<16xf32>
          %add3A_816 = arith.addf %select_n3A_812, %select_n3A_815 : vector<16xf32>
          %swap3A_817 = arith.constant 0 : index
          %swap3A_818 = tpu.vector_load %arg9[%swap3A_817] {strides = array<i32>} : memref<32xf32, #tpu.memory_space<vmem>>, vector<16xf32>,
          tpu.vector_store %arg9[%swap3A_817], %select_n3A_628 {strides = array<i32>} : memref<32xf32, #tpu.memory_space<vmem>>, vector<16xf32>,
          %swap3A_819 = arith.constant 16 : index
          %swap3A_820 = tpu.vector_load %arg9[%swap3A_819] {strides = array<i32>} : memref<32xf32, #tpu.memory_space<vmem>>, vector<16xf32>,
          tpu.vector_store %arg9[%swap3A_819], %add3A_816 {strides = array<i32>} : memref<32xf32, #tpu.memory_space<vmem>>, vector<16xf32>,
          %add3A_821 = vector.broadcast %mul3A_806 : i32 to vector<16xi32>
          %add3A_822 = arith.addi %add3A_821, %iota3A : vector<16xi32>
          %swap3A_823 = arith.constant 0 : index
          %swap3A_824 = tpu.vector_load %arg10[%swap3A_823] {strides = array<i32>} : memref<32xi32, #tpu.memory_space<vmem>>, vector<16xi32>,
          tpu.vector_store %arg10[%swap3A_823], %add3A_822 {strides = array<i32>} : memref<32xi32, #tpu.memory_space<vmem>>, vector<16xi32>,
          %add3A_825 = arith.constant 16 : i32
          %add3A_826 = arith.addi %mul3A_806, %add3A_825 : i32
          %add3A_827 = vector.broadcast %add3A_826 : i32 to vector<16xi32>
          %add3A_828 = arith.addi %add3A_827, %iota3A : vector<16xi32>
          %swap3A_829 = arith.constant 16 : index
          %swap3A_830 = tpu.vector_load %arg10[%swap3A_829] {strides = array<i32>} : memref<32xi32, #tpu.memory_space<vmem>>, vector<16xi32>,
          tpu.vector_store %arg10[%swap3A_829], %add3A_828 {strides = array<i32>} : memref<32xi32, #tpu.memory_space<vmem>>, vector<16xi32>,
          "tpu.region"() ({
            %run_scoped3A = tpu.sem_alloc : memref<!tpu.dma_semaphore, #tpu.memory_space<semaphore_mem>>
            %dma_start3A_831 = arith.constant 0 : i32
            %dma_start3A_832 = tpu.memref_slice %arg12[%dma_start3A_831] : memref<32768xf32, #tpu.memory_space<vmem_shared>> -> memref<32768xf32, #tpu.memory_space<vmem_shared>>
            tpu.enqueue_indirect_dma source(%arg9 : memref<32xf32, #tpu.memory_space<vmem>>) target(%dma_start3A_832 : memref<32768xf32, #tpu.memory_space<vmem_shared>>) offsets(%arg10 : memref<32xi32, #tpu.memory_space<vmem>>) semaphore(%run_scoped3A : memref<!tpu.dma_semaphore, #tpu.memory_space<semaphore_mem>>) {add = true}
            %dma_wait3A_833 = arith.constant 0 : i32
            %dma_wait3A_834 = tpu.memref_slice %arg12[%dma_wait3A_833] : memref<32768xf32, #tpu.memory_space<vmem_shared>> -> memref<32768xf32, #tpu.memory_space<vmem_shared>>
            tpu.wait_indirect_dma semaphore(%run_scoped3A : memref<!tpu.dma_semaphore, #tpu.memory_space<semaphore_mem>>) src(%arg9 : memref<32xf32, #tpu.memory_space<vmem>>) dst(%dma_wait3A_834 : memref<32768xf32, #tpu.memory_space<vmem_shared>>)
            tpu.yield
          }) : () -> ()
        } else {
        }
        %broadcast_in_dim3A_643 = vector.broadcast %ne3A_639 : i1 to vector<16xi1>
        %select_n3A_644 = arith.select %broadcast_in_dim3A_643, %broadcast_in_dim3A_40, %select_n3A_628 : vector<16xi1>, vector<16xf32>
        %select_n3A_645 = arith.select %broadcast_in_dim3A_643, %broadcast_in_dim3A_40, %add3A_633 : vector<16xi1>, vector<16xf32>
        %jit3A_646 = arith.constant 0 : i32
        %select_n3A_647 = arith.select %ne3A_639, %jit3A_646, %add3A_635 : i32
        %add3A_648 = arith.constant 12 : i32
        %add3A_649 = arith.addi %add3A_92, %add3A_648 : i32
        %mul3A_650 = arith.constant 16 : i32
        %mul3A_651 = arith.muli %add3A_649, %mul3A_650 : i32
        %get3A_652 = arith.index_cast %mul3A_651 : i32 to index
        %get3A_653 = tpu.vector_load %arg8[%get3A_652] {strides = array<i32>} : memref<50176xi32, #tpu.memory_space<vmem>>, vector<16xi32>,
        %ne3A_654 = arith.constant 0 : i32
        %ne3A_655 = vector.broadcast %ne3A_654 : i32 to vector<16xi32>
        %ne3A_656 = arith.cmpi ne, %get3A_653, %ne3A_655 : vector<16xi32>
        %broadcast_in_dim3A_657 = arith.constant 12 : i32
        %broadcast_in_dim3A_658 = vector.broadcast %broadcast_in_dim3A_657 : i32 to vector<16xi32>
        %lt3A_659 = arith.constant 0 : i32
        %lt3A_660 = vector.broadcast %lt3A_659 : i32 to vector<16xi32>
        %lt3A_661 = arith.cmpi slt, %broadcast_in_dim3A_658, %lt3A_660 : vector<16xi32>
        %add3A_662 = arith.constant 16 : i32
        %add3A_663 = vector.broadcast %add3A_662 : i32 to vector<16xi32>
        %add3A_664 = arith.addi %broadcast_in_dim3A_658, %add3A_663 : vector<16xi32>
        %select_n3A_665 = arith.select %lt3A_661, %add3A_664, %broadcast_in_dim3A_658 : vector<16xi1>, vector<16xi32>
        %broadcast_in_dim3A_666 = vector.shape_cast %select_n3A_665 : vector<16xi32> to vector<16x1xi32>
        %gather3A_667 = vector.shape_cast %broadcast_in_dim3A_666 : vector<16x1xi32> to vector<16xi32>
        %gather3A_668 = tpu.dynamic_gather %get3A_96[%gather3A_667] in [0] : vector<16xf32>, vector<16xi32> -> vector<16xf32>
        %add3A_669 = arith.addf %select_n3A_644, %gather3A_668 : vector<16xf32>
        %select_n3A_670 = arith.select %ne3A_656, %add3A_669, %select_n3A_644 : vector<16xi1>, vector<16xf32>
        %eq3A_671 = arith.constant 12 : i32
        %eq3A_672 = vector.broadcast %eq3A_671 : i32 to vector<16xi32>
        %eq3A_673 = arith.cmpi eq, %iota3A, %eq3A_672 : vector<16xi32>
        %select_n3A_674 = arith.select %eq3A_673, %add3A_129, %broadcast_in_dim3A_40 : vector<16xi1>, vector<16xf32>
        %add3A_675 = arith.addf %select_n3A_645, %select_n3A_674 : vector<16xf32>
        %add3A_676 = arith.constant 1 : i32
        %add3A_677 = arith.addi %select_n3A_647, %add3A_676 : i32
        %select_n3A_678 = arith.select %ne3A_639, %squeeze3A_638, %select_n3A_636 : i32
        %slice3A_679 = vector.extract_strided_slice %get3A_94 {offsets = [13], sizes = [1], strides = [1]} : vector<16xi32> to vector<1xi32>
        %squeeze3A_680 = vector.extract %slice3A_679[0] : i32 from vector<1xi32>
        %ne3A_681 = arith.cmpi ne, %squeeze3A_680, %select_n3A_678 : i32
        %convert_element_type3A_682 = arith.extui %ne3A_681 : i1 to i32
        %cond3A_683 = arith.constant 0 : i32
        %cond3A_684 = arith.cmpi ne, %convert_element_type3A_682, %cond3A_683 : i32
        scf.if %cond3A_684 {
          %mul3A_805 = arith.constant 32 : i32
          %mul3A_806 = arith.muli %select_n3A_678, %mul3A_805 : i32
          %reduce_sum3A_807 = arith.constant true
          %reduce_sum3A_808 = vector.broadcast %reduce_sum3A_807 : i1 to vector<16xi1>
          %reduce_sum3A_809 = tpu.scan <sum>, %add3A_675 masked %reduce_sum3A_808 : vector<16xf32>, vector<16xi1> -> vector<16xf32>
          %reduce_sum3A_810 = vector.extract %reduce_sum3A_809[15] : f32 from vector<16xf32>
          %broadcast_in_dim3A_811 = vector.broadcast %reduce_sum3A_810 : f32 to vector<16xf32>
          %select_n3A_812 = arith.select %eq3A_35, %broadcast_in_dim3A_811, %broadcast_in_dim3A_40 : vector<16xi1>, vector<16xf32>
          %convert_element_type3A_813 = arith.sitofp %add3A_677 : i32 to f32
          %broadcast_in_dim3A_814 = vector.broadcast %convert_element_type3A_813 : f32 to vector<16xf32>
          %select_n3A_815 = arith.select %eq3A_38, %broadcast_in_dim3A_814, %broadcast_in_dim3A_40 : vector<16xi1>, vector<16xf32>
          %add3A_816 = arith.addf %select_n3A_812, %select_n3A_815 : vector<16xf32>
          %swap3A_817 = arith.constant 0 : index
          %swap3A_818 = tpu.vector_load %arg9[%swap3A_817] {strides = array<i32>} : memref<32xf32, #tpu.memory_space<vmem>>, vector<16xf32>,
          tpu.vector_store %arg9[%swap3A_817], %select_n3A_670 {strides = array<i32>} : memref<32xf32, #tpu.memory_space<vmem>>, vector<16xf32>,
          %swap3A_819 = arith.constant 16 : index
          %swap3A_820 = tpu.vector_load %arg9[%swap3A_819] {strides = array<i32>} : memref<32xf32, #tpu.memory_space<vmem>>, vector<16xf32>,
          tpu.vector_store %arg9[%swap3A_819], %add3A_816 {strides = array<i32>} : memref<32xf32, #tpu.memory_space<vmem>>, vector<16xf32>,
          %add3A_821 = vector.broadcast %mul3A_806 : i32 to vector<16xi32>
          %add3A_822 = arith.addi %add3A_821, %iota3A : vector<16xi32>
          %swap3A_823 = arith.constant 0 : index
          %swap3A_824 = tpu.vector_load %arg10[%swap3A_823] {strides = array<i32>} : memref<32xi32, #tpu.memory_space<vmem>>, vector<16xi32>,
          tpu.vector_store %arg10[%swap3A_823], %add3A_822 {strides = array<i32>} : memref<32xi32, #tpu.memory_space<vmem>>, vector<16xi32>,
          %add3A_825 = arith.constant 16 : i32
          %add3A_826 = arith.addi %mul3A_806, %add3A_825 : i32
          %add3A_827 = vector.broadcast %add3A_826 : i32 to vector<16xi32>
          %add3A_828 = arith.addi %add3A_827, %iota3A : vector<16xi32>
          %swap3A_829 = arith.constant 16 : index
          %swap3A_830 = tpu.vector_load %arg10[%swap3A_829] {strides = array<i32>} : memref<32xi32, #tpu.memory_space<vmem>>, vector<16xi32>,
          tpu.vector_store %arg10[%swap3A_829], %add3A_828 {strides = array<i32>} : memref<32xi32, #tpu.memory_space<vmem>>, vector<16xi32>,
          "tpu.region"() ({
            %run_scoped3A = tpu.sem_alloc : memref<!tpu.dma_semaphore, #tpu.memory_space<semaphore_mem>>
            %dma_start3A_831 = arith.constant 0 : i32
            %dma_start3A_832 = tpu.memref_slice %arg12[%dma_start3A_831] : memref<32768xf32, #tpu.memory_space<vmem_shared>> -> memref<32768xf32, #tpu.memory_space<vmem_shared>>
            tpu.enqueue_indirect_dma source(%arg9 : memref<32xf32, #tpu.memory_space<vmem>>) target(%dma_start3A_832 : memref<32768xf32, #tpu.memory_space<vmem_shared>>) offsets(%arg10 : memref<32xi32, #tpu.memory_space<vmem>>) semaphore(%run_scoped3A : memref<!tpu.dma_semaphore, #tpu.memory_space<semaphore_mem>>) {add = true}
            %dma_wait3A_833 = arith.constant 0 : i32
            %dma_wait3A_834 = tpu.memref_slice %arg12[%dma_wait3A_833] : memref<32768xf32, #tpu.memory_space<vmem_shared>> -> memref<32768xf32, #tpu.memory_space<vmem_shared>>
            tpu.wait_indirect_dma semaphore(%run_scoped3A : memref<!tpu.dma_semaphore, #tpu.memory_space<semaphore_mem>>) src(%arg9 : memref<32xf32, #tpu.memory_space<vmem>>) dst(%dma_wait3A_834 : memref<32768xf32, #tpu.memory_space<vmem_shared>>)
            tpu.yield
          }) : () -> ()
        } else {
        }
        %broadcast_in_dim3A_685 = vector.broadcast %ne3A_681 : i1 to vector<16xi1>
        %select_n3A_686 = arith.select %broadcast_in_dim3A_685, %broadcast_in_dim3A_40, %select_n3A_670 : vector<16xi1>, vector<16xf32>
        %select_n3A_687 = arith.select %broadcast_in_dim3A_685, %broadcast_in_dim3A_40, %add3A_675 : vector<16xi1>, vector<16xf32>
        %jit3A_688 = arith.constant 0 : i32
        %select_n3A_689 = arith.select %ne3A_681, %jit3A_688, %add3A_677 : i32
        %add3A_690 = arith.constant 13 : i32
        %add3A_691 = arith.addi %add3A_92, %add3A_690 : i32
        %mul3A_692 = arith.constant 16 : i32
        %mul3A_693 = arith.muli %add3A_691, %mul3A_692 : i32
        %get3A_694 = arith.index_cast %mul3A_693 : i32 to index
        %get3A_695 = tpu.vector_load %arg8[%get3A_694] {strides = array<i32>} : memref<50176xi32, #tpu.memory_space<vmem>>, vector<16xi32>,
        %ne3A_696 = arith.constant 0 : i32
        %ne3A_697 = vector.broadcast %ne3A_696 : i32 to vector<16xi32>
        %ne3A_698 = arith.cmpi ne, %get3A_695, %ne3A_697 : vector<16xi32>
        %broadcast_in_dim3A_699 = arith.constant 13 : i32
        %broadcast_in_dim3A_700 = vector.broadcast %broadcast_in_dim3A_699 : i32 to vector<16xi32>
        %lt3A_701 = arith.constant 0 : i32
        %lt3A_702 = vector.broadcast %lt3A_701 : i32 to vector<16xi32>
        %lt3A_703 = arith.cmpi slt, %broadcast_in_dim3A_700, %lt3A_702 : vector<16xi32>
        %add3A_704 = arith.constant 16 : i32
        %add3A_705 = vector.broadcast %add3A_704 : i32 to vector<16xi32>
        %add3A_706 = arith.addi %broadcast_in_dim3A_700, %add3A_705 : vector<16xi32>
        %select_n3A_707 = arith.select %lt3A_703, %add3A_706, %broadcast_in_dim3A_700 : vector<16xi1>, vector<16xi32>
        %broadcast_in_dim3A_708 = vector.shape_cast %select_n3A_707 : vector<16xi32> to vector<16x1xi32>
        %gather3A_709 = vector.shape_cast %broadcast_in_dim3A_708 : vector<16x1xi32> to vector<16xi32>
        %gather3A_710 = tpu.dynamic_gather %get3A_96[%gather3A_709] in [0] : vector<16xf32>, vector<16xi32> -> vector<16xf32>
        %add3A_711 = arith.addf %select_n3A_686, %gather3A_710 : vector<16xf32>
        %select_n3A_712 = arith.select %ne3A_698, %add3A_711, %select_n3A_686 : vector<16xi1>, vector<16xf32>
        %eq3A_713 = arith.constant 13 : i32
        %eq3A_714 = vector.broadcast %eq3A_713 : i32 to vector<16xi32>
        %eq3A_715 = arith.cmpi eq, %iota3A, %eq3A_714 : vector<16xi32>
        %select_n3A_716 = arith.select %eq3A_715, %add3A_129, %broadcast_in_dim3A_40 : vector<16xi1>, vector<16xf32>
        %add3A_717 = arith.addf %select_n3A_687, %select_n3A_716 : vector<16xf32>
        %add3A_718 = arith.constant 1 : i32
        %add3A_719 = arith.addi %select_n3A_689, %add3A_718 : i32
        %select_n3A_720 = arith.select %ne3A_681, %squeeze3A_680, %select_n3A_678 : i32
        %slice3A_721 = vector.extract_strided_slice %get3A_94 {offsets = [14], sizes = [1], strides = [1]} : vector<16xi32> to vector<1xi32>
        %squeeze3A_722 = vector.extract %slice3A_721[0] : i32 from vector<1xi32>
        %ne3A_723 = arith.cmpi ne, %squeeze3A_722, %select_n3A_720 : i32
        %convert_element_type3A_724 = arith.extui %ne3A_723 : i1 to i32
        %cond3A_725 = arith.constant 0 : i32
        %cond3A_726 = arith.cmpi ne, %convert_element_type3A_724, %cond3A_725 : i32
        scf.if %cond3A_726 {
          %mul3A_805 = arith.constant 32 : i32
          %mul3A_806 = arith.muli %select_n3A_720, %mul3A_805 : i32
          %reduce_sum3A_807 = arith.constant true
          %reduce_sum3A_808 = vector.broadcast %reduce_sum3A_807 : i1 to vector<16xi1>
          %reduce_sum3A_809 = tpu.scan <sum>, %add3A_717 masked %reduce_sum3A_808 : vector<16xf32>, vector<16xi1> -> vector<16xf32>
          %reduce_sum3A_810 = vector.extract %reduce_sum3A_809[15] : f32 from vector<16xf32>
          %broadcast_in_dim3A_811 = vector.broadcast %reduce_sum3A_810 : f32 to vector<16xf32>
          %select_n3A_812 = arith.select %eq3A_35, %broadcast_in_dim3A_811, %broadcast_in_dim3A_40 : vector<16xi1>, vector<16xf32>
          %convert_element_type3A_813 = arith.sitofp %add3A_719 : i32 to f32
          %broadcast_in_dim3A_814 = vector.broadcast %convert_element_type3A_813 : f32 to vector<16xf32>
          %select_n3A_815 = arith.select %eq3A_38, %broadcast_in_dim3A_814, %broadcast_in_dim3A_40 : vector<16xi1>, vector<16xf32>
          %add3A_816 = arith.addf %select_n3A_812, %select_n3A_815 : vector<16xf32>
          %swap3A_817 = arith.constant 0 : index
          %swap3A_818 = tpu.vector_load %arg9[%swap3A_817] {strides = array<i32>} : memref<32xf32, #tpu.memory_space<vmem>>, vector<16xf32>,
          tpu.vector_store %arg9[%swap3A_817], %select_n3A_712 {strides = array<i32>} : memref<32xf32, #tpu.memory_space<vmem>>, vector<16xf32>,
          %swap3A_819 = arith.constant 16 : index
          %swap3A_820 = tpu.vector_load %arg9[%swap3A_819] {strides = array<i32>} : memref<32xf32, #tpu.memory_space<vmem>>, vector<16xf32>,
          tpu.vector_store %arg9[%swap3A_819], %add3A_816 {strides = array<i32>} : memref<32xf32, #tpu.memory_space<vmem>>, vector<16xf32>,
          %add3A_821 = vector.broadcast %mul3A_806 : i32 to vector<16xi32>
          %add3A_822 = arith.addi %add3A_821, %iota3A : vector<16xi32>
          %swap3A_823 = arith.constant 0 : index
          %swap3A_824 = tpu.vector_load %arg10[%swap3A_823] {strides = array<i32>} : memref<32xi32, #tpu.memory_space<vmem>>, vector<16xi32>,
          tpu.vector_store %arg10[%swap3A_823], %add3A_822 {strides = array<i32>} : memref<32xi32, #tpu.memory_space<vmem>>, vector<16xi32>,
          %add3A_825 = arith.constant 16 : i32
          %add3A_826 = arith.addi %mul3A_806, %add3A_825 : i32
          %add3A_827 = vector.broadcast %add3A_826 : i32 to vector<16xi32>
          %add3A_828 = arith.addi %add3A_827, %iota3A : vector<16xi32>
          %swap3A_829 = arith.constant 16 : index
          %swap3A_830 = tpu.vector_load %arg10[%swap3A_829] {strides = array<i32>} : memref<32xi32, #tpu.memory_space<vmem>>, vector<16xi32>,
          tpu.vector_store %arg10[%swap3A_829], %add3A_828 {strides = array<i32>} : memref<32xi32, #tpu.memory_space<vmem>>, vector<16xi32>,
          "tpu.region"() ({
            %run_scoped3A = tpu.sem_alloc : memref<!tpu.dma_semaphore, #tpu.memory_space<semaphore_mem>>
            %dma_start3A_831 = arith.constant 0 : i32
            %dma_start3A_832 = tpu.memref_slice %arg12[%dma_start3A_831] : memref<32768xf32, #tpu.memory_space<vmem_shared>> -> memref<32768xf32, #tpu.memory_space<vmem_shared>>
            tpu.enqueue_indirect_dma source(%arg9 : memref<32xf32, #tpu.memory_space<vmem>>) target(%dma_start3A_832 : memref<32768xf32, #tpu.memory_space<vmem_shared>>) offsets(%arg10 : memref<32xi32, #tpu.memory_space<vmem>>) semaphore(%run_scoped3A : memref<!tpu.dma_semaphore, #tpu.memory_space<semaphore_mem>>) {add = true}
            %dma_wait3A_833 = arith.constant 0 : i32
            %dma_wait3A_834 = tpu.memref_slice %arg12[%dma_wait3A_833] : memref<32768xf32, #tpu.memory_space<vmem_shared>> -> memref<32768xf32, #tpu.memory_space<vmem_shared>>
            tpu.wait_indirect_dma semaphore(%run_scoped3A : memref<!tpu.dma_semaphore, #tpu.memory_space<semaphore_mem>>) src(%arg9 : memref<32xf32, #tpu.memory_space<vmem>>) dst(%dma_wait3A_834 : memref<32768xf32, #tpu.memory_space<vmem_shared>>)
            tpu.yield
          }) : () -> ()
        } else {
        }
        %broadcast_in_dim3A_727 = vector.broadcast %ne3A_723 : i1 to vector<16xi1>
        %select_n3A_728 = arith.select %broadcast_in_dim3A_727, %broadcast_in_dim3A_40, %select_n3A_712 : vector<16xi1>, vector<16xf32>
        %select_n3A_729 = arith.select %broadcast_in_dim3A_727, %broadcast_in_dim3A_40, %add3A_717 : vector<16xi1>, vector<16xf32>
        %jit3A_730 = arith.constant 0 : i32
        %select_n3A_731 = arith.select %ne3A_723, %jit3A_730, %add3A_719 : i32
        %add3A_732 = arith.constant 14 : i32
        %add3A_733 = arith.addi %add3A_92, %add3A_732 : i32
        %mul3A_734 = arith.constant 16 : i32
        %mul3A_735 = arith.muli %add3A_733, %mul3A_734 : i32
        %get3A_736 = arith.index_cast %mul3A_735 : i32 to index
        %get3A_737 = tpu.vector_load %arg8[%get3A_736] {strides = array<i32>} : memref<50176xi32, #tpu.memory_space<vmem>>, vector<16xi32>,
        %ne3A_738 = arith.constant 0 : i32
        %ne3A_739 = vector.broadcast %ne3A_738 : i32 to vector<16xi32>
        %ne3A_740 = arith.cmpi ne, %get3A_737, %ne3A_739 : vector<16xi32>
        %broadcast_in_dim3A_741 = arith.constant 14 : i32
        %broadcast_in_dim3A_742 = vector.broadcast %broadcast_in_dim3A_741 : i32 to vector<16xi32>
        %lt3A_743 = arith.constant 0 : i32
        %lt3A_744 = vector.broadcast %lt3A_743 : i32 to vector<16xi32>
        %lt3A_745 = arith.cmpi slt, %broadcast_in_dim3A_742, %lt3A_744 : vector<16xi32>
        %add3A_746 = arith.constant 16 : i32
        %add3A_747 = vector.broadcast %add3A_746 : i32 to vector<16xi32>
        %add3A_748 = arith.addi %broadcast_in_dim3A_742, %add3A_747 : vector<16xi32>
        %select_n3A_749 = arith.select %lt3A_745, %add3A_748, %broadcast_in_dim3A_742 : vector<16xi1>, vector<16xi32>
        %broadcast_in_dim3A_750 = vector.shape_cast %select_n3A_749 : vector<16xi32> to vector<16x1xi32>
        %gather3A_751 = vector.shape_cast %broadcast_in_dim3A_750 : vector<16x1xi32> to vector<16xi32>
        %gather3A_752 = tpu.dynamic_gather %get3A_96[%gather3A_751] in [0] : vector<16xf32>, vector<16xi32> -> vector<16xf32>
        %add3A_753 = arith.addf %select_n3A_728, %gather3A_752 : vector<16xf32>
        %select_n3A_754 = arith.select %ne3A_740, %add3A_753, %select_n3A_728 : vector<16xi1>, vector<16xf32>
        %eq3A_755 = arith.constant 14 : i32
        %eq3A_756 = vector.broadcast %eq3A_755 : i32 to vector<16xi32>
        %eq3A_757 = arith.cmpi eq, %iota3A, %eq3A_756 : vector<16xi32>
        %select_n3A_758 = arith.select %eq3A_757, %add3A_129, %broadcast_in_dim3A_40 : vector<16xi1>, vector<16xf32>
        %add3A_759 = arith.addf %select_n3A_729, %select_n3A_758 : vector<16xf32>
        %add3A_760 = arith.constant 1 : i32
        %add3A_761 = arith.addi %select_n3A_731, %add3A_760 : i32
        %select_n3A_762 = arith.select %ne3A_723, %squeeze3A_722, %select_n3A_720 : i32
        %slice3A_763 = vector.extract_strided_slice %get3A_94 {offsets = [15], sizes = [1], strides = [1]} : vector<16xi32> to vector<1xi32>
        %squeeze3A_764 = vector.extract %slice3A_763[0] : i32 from vector<1xi32>
        %ne3A_765 = arith.cmpi ne, %squeeze3A_764, %select_n3A_762 : i32
        %convert_element_type3A_766 = arith.extui %ne3A_765 : i1 to i32
        %cond3A_767 = arith.constant 0 : i32
        %cond3A_768 = arith.cmpi ne, %convert_element_type3A_766, %cond3A_767 : i32
        scf.if %cond3A_768 {
          %mul3A_805 = arith.constant 32 : i32
          %mul3A_806 = arith.muli %select_n3A_762, %mul3A_805 : i32
          %reduce_sum3A_807 = arith.constant true
          %reduce_sum3A_808 = vector.broadcast %reduce_sum3A_807 : i1 to vector<16xi1>
          %reduce_sum3A_809 = tpu.scan <sum>, %add3A_759 masked %reduce_sum3A_808 : vector<16xf32>, vector<16xi1> -> vector<16xf32>
          %reduce_sum3A_810 = vector.extract %reduce_sum3A_809[15] : f32 from vector<16xf32>
          %broadcast_in_dim3A_811 = vector.broadcast %reduce_sum3A_810 : f32 to vector<16xf32>
          %select_n3A_812 = arith.select %eq3A_35, %broadcast_in_dim3A_811, %broadcast_in_dim3A_40 : vector<16xi1>, vector<16xf32>
          %convert_element_type3A_813 = arith.sitofp %add3A_761 : i32 to f32
          %broadcast_in_dim3A_814 = vector.broadcast %convert_element_type3A_813 : f32 to vector<16xf32>
          %select_n3A_815 = arith.select %eq3A_38, %broadcast_in_dim3A_814, %broadcast_in_dim3A_40 : vector<16xi1>, vector<16xf32>
          %add3A_816 = arith.addf %select_n3A_812, %select_n3A_815 : vector<16xf32>
          %swap3A_817 = arith.constant 0 : index
          %swap3A_818 = tpu.vector_load %arg9[%swap3A_817] {strides = array<i32>} : memref<32xf32, #tpu.memory_space<vmem>>, vector<16xf32>,
          tpu.vector_store %arg9[%swap3A_817], %select_n3A_754 {strides = array<i32>} : memref<32xf32, #tpu.memory_space<vmem>>, vector<16xf32>,
          %swap3A_819 = arith.constant 16 : index
          %swap3A_820 = tpu.vector_load %arg9[%swap3A_819] {strides = array<i32>} : memref<32xf32, #tpu.memory_space<vmem>>, vector<16xf32>,
          tpu.vector_store %arg9[%swap3A_819], %add3A_816 {strides = array<i32>} : memref<32xf32, #tpu.memory_space<vmem>>, vector<16xf32>,
          %add3A_821 = vector.broadcast %mul3A_806 : i32 to vector<16xi32>
          %add3A_822 = arith.addi %add3A_821, %iota3A : vector<16xi32>
          %swap3A_823 = arith.constant 0 : index
          %swap3A_824 = tpu.vector_load %arg10[%swap3A_823] {strides = array<i32>} : memref<32xi32, #tpu.memory_space<vmem>>, vector<16xi32>,
          tpu.vector_store %arg10[%swap3A_823], %add3A_822 {strides = array<i32>} : memref<32xi32, #tpu.memory_space<vmem>>, vector<16xi32>,
          %add3A_825 = arith.constant 16 : i32
          %add3A_826 = arith.addi %mul3A_806, %add3A_825 : i32
          %add3A_827 = vector.broadcast %add3A_826 : i32 to vector<16xi32>
          %add3A_828 = arith.addi %add3A_827, %iota3A : vector<16xi32>
          %swap3A_829 = arith.constant 16 : index
          %swap3A_830 = tpu.vector_load %arg10[%swap3A_829] {strides = array<i32>} : memref<32xi32, #tpu.memory_space<vmem>>, vector<16xi32>,
          tpu.vector_store %arg10[%swap3A_829], %add3A_828 {strides = array<i32>} : memref<32xi32, #tpu.memory_space<vmem>>, vector<16xi32>,
          "tpu.region"() ({
            %run_scoped3A = tpu.sem_alloc : memref<!tpu.dma_semaphore, #tpu.memory_space<semaphore_mem>>
            %dma_start3A_831 = arith.constant 0 : i32
            %dma_start3A_832 = tpu.memref_slice %arg12[%dma_start3A_831] : memref<32768xf32, #tpu.memory_space<vmem_shared>> -> memref<32768xf32, #tpu.memory_space<vmem_shared>>
            tpu.enqueue_indirect_dma source(%arg9 : memref<32xf32, #tpu.memory_space<vmem>>) target(%dma_start3A_832 : memref<32768xf32, #tpu.memory_space<vmem_shared>>) offsets(%arg10 : memref<32xi32, #tpu.memory_space<vmem>>) semaphore(%run_scoped3A : memref<!tpu.dma_semaphore, #tpu.memory_space<semaphore_mem>>) {add = true}
            %dma_wait3A_833 = arith.constant 0 : i32
            %dma_wait3A_834 = tpu.memref_slice %arg12[%dma_wait3A_833] : memref<32768xf32, #tpu.memory_space<vmem_shared>> -> memref<32768xf32, #tpu.memory_space<vmem_shared>>
            tpu.wait_indirect_dma semaphore(%run_scoped3A : memref<!tpu.dma_semaphore, #tpu.memory_space<semaphore_mem>>) src(%arg9 : memref<32xf32, #tpu.memory_space<vmem>>) dst(%dma_wait3A_834 : memref<32768xf32, #tpu.memory_space<vmem_shared>>)
            tpu.yield
          }) : () -> ()
        } else {
        }
        %broadcast_in_dim3A_769 = vector.broadcast %ne3A_765 : i1 to vector<16xi1>
        %select_n3A_770 = arith.select %broadcast_in_dim3A_769, %broadcast_in_dim3A_40, %select_n3A_754 : vector<16xi1>, vector<16xf32>
        %select_n3A_771 = arith.select %broadcast_in_dim3A_769, %broadcast_in_dim3A_40, %add3A_759 : vector<16xi1>, vector<16xf32>
        %jit3A_772 = arith.constant 0 : i32
        %select_n3A_773 = arith.select %ne3A_765, %jit3A_772, %add3A_761 : i32
        %add3A_774 = arith.constant 15 : i32
        %add3A_775 = arith.addi %add3A_92, %add3A_774 : i32
        %mul3A_776 = arith.constant 16 : i32
        %mul3A_777 = arith.muli %add3A_775, %mul3A_776 : i32
        %get3A_778 = arith.index_cast %mul3A_777 : i32 to index
        %get3A_779 = tpu.vector_load %arg8[%get3A_778] {strides = array<i32>} : memref<50176xi32, #tpu.memory_space<vmem>>, vector<16xi32>,
        %ne3A_780 = arith.constant 0 : i32
        %ne3A_781 = vector.broadcast %ne3A_780 : i32 to vector<16xi32>
        %ne3A_782 = arith.cmpi ne, %get3A_779, %ne3A_781 : vector<16xi32>
        %broadcast_in_dim3A_783 = arith.constant 15 : i32
        %broadcast_in_dim3A_784 = vector.broadcast %broadcast_in_dim3A_783 : i32 to vector<16xi32>
        %lt3A_785 = arith.constant 0 : i32
        %lt3A_786 = vector.broadcast %lt3A_785 : i32 to vector<16xi32>
        %lt3A_787 = arith.cmpi slt, %broadcast_in_dim3A_784, %lt3A_786 : vector<16xi32>
        %add3A_788 = arith.constant 16 : i32
        %add3A_789 = vector.broadcast %add3A_788 : i32 to vector<16xi32>
        %add3A_790 = arith.addi %broadcast_in_dim3A_784, %add3A_789 : vector<16xi32>
        %select_n3A_791 = arith.select %lt3A_787, %add3A_790, %broadcast_in_dim3A_784 : vector<16xi1>, vector<16xi32>
        %broadcast_in_dim3A_792 = vector.shape_cast %select_n3A_791 : vector<16xi32> to vector<16x1xi32>
        %gather3A_793 = vector.shape_cast %broadcast_in_dim3A_792 : vector<16x1xi32> to vector<16xi32>
        %gather3A_794 = tpu.dynamic_gather %get3A_96[%gather3A_793] in [0] : vector<16xf32>, vector<16xi32> -> vector<16xf32>
        %add3A_795 = arith.addf %select_n3A_770, %gather3A_794 : vector<16xf32>
        %select_n3A_796 = arith.select %ne3A_782, %add3A_795, %select_n3A_770 : vector<16xi1>, vector<16xf32>
        %eq3A_797 = arith.constant 15 : i32
        %eq3A_798 = vector.broadcast %eq3A_797 : i32 to vector<16xi32>
        %eq3A_799 = arith.cmpi eq, %iota3A, %eq3A_798 : vector<16xi32>
        %select_n3A_800 = arith.select %eq3A_799, %add3A_129, %broadcast_in_dim3A_40 : vector<16xi1>, vector<16xf32>
        %add3A_801 = arith.addf %select_n3A_771, %select_n3A_800 : vector<16xf32>
        %add3A_802 = arith.constant 1 : i32
        %add3A_803 = arith.addi %select_n3A_773, %add3A_802 : i32
        %select_n3A_804 = arith.select %ne3A_765, %squeeze3A_764, %select_n3A_762 : i32
        scf.yield %select_n3A_804, %select_n3A_796, %add3A_801, %add3A_803 : i32, vector<16xf32>, vector<16xf32>, i32
      }
      scf.yield %cond3A_134#0, %cond3A_134#1, %cond3A_134#2, %cond3A_134#3 : i32, vector<16xf32>, vector<16xf32>, i32
    }
    %mul3A_53 = arith.constant 32 : i32
    %mul3A_54 = arith.muli %while3A_52#0, %mul3A_53 : i32
    %reduce_sum3A = arith.constant true
    %reduce_sum3A_55 = vector.broadcast %reduce_sum3A : i1 to vector<16xi1>
    %reduce_sum3A_56 = tpu.scan <sum>, %while3A_52#2 masked %reduce_sum3A_55 : vector<16xf32>, vector<16xi1> -> vector<16xf32>
    %reduce_sum3A_57 = vector.extract %reduce_sum3A_56[15] : f32 from vector<16xf32>
    %broadcast_in_dim3A_58 = vector.broadcast %reduce_sum3A_57 : f32 to vector<16xf32>
    %select_n3A_59 = arith.select %eq3A_35, %broadcast_in_dim3A_58, %broadcast_in_dim3A_40 : vector<16xi1>, vector<16xf32>
    %convert_element_type3A = arith.sitofp %while3A_52#3 : i32 to f32
    %broadcast_in_dim3A_60 = vector.broadcast %convert_element_type3A : f32 to vector<16xf32>
    %select_n3A_61 = arith.select %eq3A_38, %broadcast_in_dim3A_60, %broadcast_in_dim3A_40 : vector<16xi1>, vector<16xf32>
    %add3A_62 = arith.addf %select_n3A_59, %select_n3A_61 : vector<16xf32>
    %swap3A = arith.constant 0 : index
    %swap3A_63 = tpu.vector_load %arg9[%swap3A] {strides = array<i32>} : memref<32xf32, #tpu.memory_space<vmem>>, vector<16xf32>,
    tpu.vector_store %arg9[%swap3A], %while3A_52#1 {strides = array<i32>} : memref<32xf32, #tpu.memory_space<vmem>>, vector<16xf32>,
    %swap3A_64 = arith.constant 16 : index
    %swap3A_65 = tpu.vector_load %arg9[%swap3A_64] {strides = array<i32>} : memref<32xf32, #tpu.memory_space<vmem>>, vector<16xf32>,
    tpu.vector_store %arg9[%swap3A_64], %add3A_62 {strides = array<i32>} : memref<32xf32, #tpu.memory_space<vmem>>, vector<16xf32>,
    %add3A_66 = vector.broadcast %mul3A_54 : i32 to vector<16xi32>
    %add3A_67 = arith.addi %add3A_66, %iota3A : vector<16xi32>
    %swap3A_68 = arith.constant 0 : index
    %swap3A_69 = tpu.vector_load %arg10[%swap3A_68] {strides = array<i32>} : memref<32xi32, #tpu.memory_space<vmem>>, vector<16xi32>,
    tpu.vector_store %arg10[%swap3A_68], %add3A_67 {strides = array<i32>} : memref<32xi32, #tpu.memory_space<vmem>>, vector<16xi32>,
    %add3A_70 = arith.constant 16 : i32
    %add3A_71 = arith.addi %mul3A_54, %add3A_70 : i32
    %add3A_72 = vector.broadcast %add3A_71 : i32 to vector<16xi32>
    %add3A_73 = arith.addi %add3A_72, %iota3A : vector<16xi32>
    %swap3A_74 = arith.constant 16 : index
    %swap3A_75 = tpu.vector_load %arg10[%swap3A_74] {strides = array<i32>} : memref<32xi32, #tpu.memory_space<vmem>>, vector<16xi32>,
    tpu.vector_store %arg10[%swap3A_74], %add3A_73 {strides = array<i32>} : memref<32xi32, #tpu.memory_space<vmem>>, vector<16xi32>,
    "tpu.region"() ({
      %run_scoped3A = tpu.sem_alloc : memref<!tpu.dma_semaphore, #tpu.memory_space<semaphore_mem>>
      %dma_start3A_85 = arith.constant 0 : i32
      %dma_start3A_86 = tpu.memref_slice %arg12[%dma_start3A_85] : memref<32768xf32, #tpu.memory_space<vmem_shared>> -> memref<32768xf32, #tpu.memory_space<vmem_shared>>
      tpu.enqueue_indirect_dma source(%arg9 : memref<32xf32, #tpu.memory_space<vmem>>) target(%dma_start3A_86 : memref<32768xf32, #tpu.memory_space<vmem_shared>>) offsets(%arg10 : memref<32xi32, #tpu.memory_space<vmem>>) semaphore(%run_scoped3A : memref<!tpu.dma_semaphore, #tpu.memory_space<semaphore_mem>>) {add = true}
      %dma_wait3A_87 = arith.constant 0 : i32
      %dma_wait3A_88 = tpu.memref_slice %arg12[%dma_wait3A_87] : memref<32768xf32, #tpu.memory_space<vmem_shared>> -> memref<32768xf32, #tpu.memory_space<vmem_shared>>
      tpu.wait_indirect_dma semaphore(%run_scoped3A : memref<!tpu.dma_semaphore, #tpu.memory_space<semaphore_mem>>) src(%arg9 : memref<32xf32, #tpu.memory_space<vmem>>) dst(%dma_wait3A_88 : memref<32768xf32, #tpu.memory_space<vmem_shared>>)
      tpu.yield
    }) : () -> ()
    %eq3A_76 = arith.constant 31 : i32
    %eq3A_77 = arith.cmpi eq, %add3A, %eq3A_76 : i32
    %convert_element_type3A_78 = arith.extui %eq3A_77 : i1 to i32
    %cond3A = arith.constant 0 : i32
    %cond3A_79 = arith.cmpi ne, %convert_element_type3A_78, %cond3A : i32
    scf.if %cond3A_79 {
      %add3A_85 = arith.constant 1 : i32
      %add3A_86 = arith.addi %while3A_52#0, %add3A_85 : i32
      %convert_element_type3A_87 = arith.sitofp %add3A_86 : i32 to f32
      %broadcast_in_dim3A_88 = vector.broadcast %convert_element_type3A_87 : f32 to vector<16xf32>
      %select_n3A_89 = arith.select %eq3A_35, %broadcast_in_dim3A_88, %broadcast_in_dim3A_40 : vector<16xi1>, vector<16xf32>
      %swap3A_90 = arith.constant 0 : index
      %swap3A_91 = tpu.vector_load %arg9[%swap3A_90] {strides = array<i32>} : memref<32xf32, #tpu.memory_space<vmem>>, vector<16xf32>,
      tpu.vector_store %arg9[%swap3A_90], %select_n3A_89 {strides = array<i32>} : memref<32xf32, #tpu.memory_space<vmem>>, vector<16xf32>,
      %swap3A_92 = arith.constant 16 : index
      %swap3A_93 = tpu.vector_load %arg9[%swap3A_92] {strides = array<i32>} : memref<32xf32, #tpu.memory_space<vmem>>, vector<16xf32>,
      tpu.vector_store %arg9[%swap3A_92], %broadcast_in_dim3A_40 {strides = array<i32>} : memref<32xf32, #tpu.memory_space<vmem>>, vector<16xf32>,
      %add3A_94 = arith.constant 18 : i32
      %add3A_95 = vector.broadcast %add3A_94 : i32 to vector<16xi32>
      %add3A_96 = arith.addi %add3A_95, %iota3A : vector<16xi32>
      %swap3A_97 = arith.constant 0 : index
      %swap3A_98 = tpu.vector_load %arg10[%swap3A_97] {strides = array<i32>} : memref<32xi32, #tpu.memory_space<vmem>>, vector<16xi32>,
      tpu.vector_store %arg10[%swap3A_97], %add3A_96 {strides = array<i32>} : memref<32xi32, #tpu.memory_space<vmem>>, vector<16xi32>,
      %add3A_99 = arith.constant 34 : i32
      %add3A_100 = vector.broadcast %add3A_99 : i32 to vector<16xi32>
      %add3A_101 = arith.addi %add3A_100, %iota3A : vector<16xi32>
      %swap3A_102 = arith.constant 16 : index
      %swap3A_103 = tpu.vector_load %arg10[%swap3A_102] {strides = array<i32>} : memref<32xi32, #tpu.memory_space<vmem>>, vector<16xi32>,
      tpu.vector_store %arg10[%swap3A_102], %add3A_101 {strides = array<i32>} : memref<32xi32, #tpu.memory_space<vmem>>, vector<16xi32>,
      "tpu.region"() ({
        %run_scoped3A = tpu.sem_alloc : memref<!tpu.dma_semaphore, #tpu.memory_space<semaphore_mem>>
        %dma_start3A_104 = arith.constant 0 : i32
        %dma_start3A_105 = tpu.memref_slice %arg12[%dma_start3A_104] : memref<32768xf32, #tpu.memory_space<vmem_shared>> -> memref<32768xf32, #tpu.memory_space<vmem_shared>>
        tpu.enqueue_indirect_dma source(%arg9 : memref<32xf32, #tpu.memory_space<vmem>>) target(%dma_start3A_105 : memref<32768xf32, #tpu.memory_space<vmem_shared>>) offsets(%arg10 : memref<32xi32, #tpu.memory_space<vmem>>) semaphore(%run_scoped3A : memref<!tpu.dma_semaphore, #tpu.memory_space<semaphore_mem>>) {add = true}
        %dma_wait3A_106 = arith.constant 0 : i32
        %dma_wait3A_107 = tpu.memref_slice %arg12[%dma_wait3A_106] : memref<32768xf32, #tpu.memory_space<vmem_shared>> -> memref<32768xf32, #tpu.memory_space<vmem_shared>>
        tpu.wait_indirect_dma semaphore(%run_scoped3A : memref<!tpu.dma_semaphore, #tpu.memory_space<semaphore_mem>>) src(%arg9 : memref<32xf32, #tpu.memory_space<vmem>>) dst(%dma_wait3A_107 : memref<32768xf32, #tpu.memory_space<vmem_shared>>)
        tpu.yield
      }) : () -> ()
    } else {
    }
    %barrier3A_80 = arith.constant 0 : index
    tpu.barrier barrier_id(%barrier3A_80)
    %mul3A_81 = arith.constant 2048 : i32
    %mul3A_82 = arith.muli %arg1, %mul3A_81 : i32
    %mul3A_83 = arith.constant 2048 : i32
    %mul3A_84 = arith.muli %arg1, %mul3A_83 : i32
    "tpu.region"() ({
      %run_scoped3A = tpu.sem_alloc : memref<!tpu.dma_semaphore, #tpu.memory_space<semaphore_mem>>
      %dma_start3A_85 = tpu.memref_slice %arg5[%arg0, %mul3A_84] : memref<2x32768xf32, #tpu.memory_space<hbm>> -> memref<1x2048xf32, #tpu.memory_space<hbm>>
      %dma_start3A_86 = tpu.memref_squeeze %dma_start3A_85 : memref<1x2048xf32, #tpu.memory_space<hbm>> -> memref<2048xf32, #tpu.memory_space<hbm>>
      %dma_start3A_87 = tpu.memref_slice %arg12[%mul3A_82] : memref<32768xf32, #tpu.memory_space<vmem_shared>> -> memref<2048xf32, #tpu.memory_space<vmem_shared>>
      tpu.enqueue_dma source(%dma_start3A_87 : memref<2048xf32, #tpu.memory_space<vmem_shared>>) target(%dma_start3A_86 : memref<2048xf32, #tpu.memory_space<hbm>>) target_semaphore(%run_scoped3A : memref<!tpu.dma_semaphore, #tpu.memory_space<semaphore_mem>>)
      %dma_wait3A_88 = tpu.memref_slice %arg5[%arg0, %mul3A_84] : memref<2x32768xf32, #tpu.memory_space<hbm>> -> memref<1x2048xf32, #tpu.memory_space<hbm>>
      %dma_wait3A_89 = tpu.memref_squeeze %dma_wait3A_88 : memref<1x2048xf32, #tpu.memory_space<hbm>> -> memref<2048xf32, #tpu.memory_space<hbm>>
      %dma_wait3A_90 = tpu.memref_slice %arg12[%mul3A_82] : memref<32768xf32, #tpu.memory_space<vmem_shared>> -> memref<2048xf32, #tpu.memory_space<vmem_shared>>
      tpu.wait_dma2 semaphore(%run_scoped3A : memref<!tpu.dma_semaphore, #tpu.memory_space<semaphore_mem>>) src(%dma_wait3A_90 : memref<2048xf32, #tpu.memory_space<vmem_shared>>) dst(%dma_wait3A_89 : memref<2048xf32, #tpu.memory_space<hbm>>)
      tpu.yield
    }) : () -> ()
    return
  }
}

module attributes {stable_mosaic.version = 14 : i64} {
  func.func @_fin_kernel(%arg0: memref<2x1024x32xf32, #tpu.memory_space<vmem>>, %arg1: memref<1x1xf32, #tpu.memory_space<vmem>>) attributes {dimension_semantics = [], scalar_prefetch = 0 : i64, scratch_operands = 0 : i64, tpu.core_type = #tpu.core_type<tc>} {
    %get3A = arith.constant 0 : index
    %get3A_0 = arith.constant 0 : index
    %get3A_1 = arith.constant 0 : index
    %get3A_2 = vector.load %arg0[%get3A, %get3A_0, %get3A_1] : memref<2x1024x32xf32, #tpu.memory_space<vmem>>, vector<1x1024x32xf32>
    %get3A_3 = vector.shape_cast %get3A_2 : vector<1x1024x32xf32> to vector<1024x32xf32>
    %get3A_4 = arith.constant 1 : index
    %get3A_5 = arith.constant 0 : index
    %get3A_6 = arith.constant 0 : index
    %get3A_7 = vector.load %arg0[%get3A_4, %get3A_5, %get3A_6] : memref<2x1024x32xf32, #tpu.memory_space<vmem>>, vector<1x1024x32xf32>
    %get3A_8 = vector.shape_cast %get3A_7 : vector<1x1024x32xf32> to vector<1024x32xf32>
    %add3A = arith.addf %get3A_3, %get3A_8 : vector<1024x32xf32>
    %slice3A = vector.extract_strided_slice %add3A {offsets = [0, 0], sizes = [1024, 16], strides = [1, 1]} : vector<1024x32xf32> to vector<1024x16xf32>
    %reduce_max3A = arith.constant dense<0xFF800000> : vector<1024xf32>
    %reduce_max3A_9 = vector.multi_reduction <maximumf>, %slice3A, %reduce_max3A [1] : vector<1024x16xf32> to vector<1024xf32>
    %broadcast_in_dim3A = vector.shape_cast %reduce_max3A_9 : vector<1024xf32> to vector<1024x1xf32>
    %slice3A_10 = vector.extract_strided_slice %add3A {offsets = [0, 16], sizes = [1024, 1], strides = [1, 1]} : vector<1024x32xf32> to vector<1024x1xf32>
    %slice3A_11 = vector.extract_strided_slice %add3A {offsets = [0, 17], sizes = [1024, 1], strides = [1, 1]} : vector<1024x32xf32> to vector<1024x1xf32>
    %iota3A = tpu.iota {dimensions = array<i32: 0>} : vector<1024x1xi32>
    %slice3A_12 = vector.extract_strided_slice %add3A {offsets = [0, 18], sizes = [1, 1], strides = [1, 1]} : vector<1024x32xf32> to vector<1x1xf32>
    %reduce_sum3A = vector.shape_cast %slice3A_12 : vector<1x1xf32> to vector<1x1x1xf32>
    %reduce_sum3A_13 = arith.constant dense<0.000000e+00> : vector<1xf32>
    %reduce_sum3A_14 = vector.multi_reduction <add>, %reduce_sum3A, %reduce_sum3A_13 [1, 2] : vector<1x1x1xf32> to vector<1xf32>
    %reduce_sum3A_15 = vector.shape_cast %reduce_sum3A_14 : vector<1xf32> to vector<1x1x1xf32>
    %reduce_sum3A_16 = vector.extract %reduce_sum3A_15[0, 0, 0] : f32 from vector<1x1x1xf32>
    %convert_element_type3A = arith.fptosi %reduce_sum3A_16 : f32 to i32
    %gt3A = arith.constant 0.000000e+00 : f32
    %gt3A_17 = vector.broadcast %gt3A : f32 to vector<1024x1xf32>
    %gt3A_18 = arith.cmpf ogt, %slice3A_11, %gt3A_17 : vector<1024x1xf32>
    %lt3A = vector.broadcast %convert_element_type3A : i32 to vector<1024x1xi32>
    %lt3A_19 = arith.cmpi slt, %iota3A, %lt3A : vector<1024x1xi32>
    %and3A = arith.andi %gt3A_18, %lt3A_19 : vector<1024x1xi1>
    %sub3A = arith.subf %slice3A_10, %broadcast_in_dim3A : vector<1024x1xf32>
    %max3A = arith.constant 1.000000e+00 : f32
    %max3A_20 = vector.broadcast %max3A : f32 to vector<1024x1xf32>
    %max3A_21 = arith.maximumf %slice3A_11, %max3A_20 : vector<1024x1xf32>
    %div3A = arith.divf %sub3A, %max3A_21 : vector<1024x1xf32>
    %jit3A = arith.constant 0.000000e+00 : f32
    %broadcast_in_dim3A_22 = vector.broadcast %jit3A : f32 to vector<1024x1xf32>
    %select_n3A = arith.select %and3A, %div3A, %broadcast_in_dim3A_22 : vector<1024x1xi1>, vector<1024x1xf32>
    %reduce_sum3A_23 = vector.shape_cast %select_n3A : vector<1024x1xf32> to vector<1x1024x1xf32>
    %reduce_sum3A_24 = arith.constant dense<0.000000e+00> : vector<1xf32>
    %reduce_sum3A_25 = vector.multi_reduction <add>, %reduce_sum3A_23, %reduce_sum3A_24 [1, 2] : vector<1x1024x1xf32> to vector<1xf32>
    %reduce_sum3A_26 = vector.shape_cast %reduce_sum3A_25 : vector<1xf32> to vector<1x1x1xf32>
    %reduce_sum3A_27 = vector.extract %reduce_sum3A_26[0, 0, 0] : f32 from vector<1x1x1xf32>
    %div3A_28 = arith.divf %reduce_sum3A_27, %reduce_sum3A_16 : f32
    %broadcast_in_dim3A_29 = vector.broadcast %div3A_28 : f32 to vector<1x1xf32>
    %swap3A = arith.constant 0 : index
    %swap3A_30 = arith.constant 0 : index
    %swap3A_31 = vector.load %arg1[%swap3A, %swap3A_30] : memref<1x1xf32, #tpu.memory_space<vmem>>, vector<1x1xf32>
    tpu.vector_store %arg1[%swap3A, %swap3A_30], %broadcast_in_dim3A_29 {strides = array<i32>} : memref<1x1xf32, #tpu.memory_space<vmem>>, vector<1x1xf32>,
    return
  }
}

</mosaic_0001>

<sc_bundles>
// kernel: kernel.4.cloned.1.call-start
scs
__scs_entry_jumppad:
0x0: {  	(pc) =	sbr.rel $0x88, $3  }
0x1: {  	(tag) =	ssettag $0x0;
	lr =	simm.s32 $0x1  }
0x2: {  	[smem:$0x3F9E] =	sst lr;
	_ =	strace $0xD0000000  }
0x3: {  	_ = 	snop  }
0x4: {  	_ = 	snop  }
0x5: {  	_ = 	snop  }
0x6: {  	_ = 	snop  }
0x7: {  	_ = 	snop  }
__scs_overlays_trampoline_lowered:
0x8: {  	[smem:$0x3FAD] =	sst s0  }
0x9: {  	[smem:$0x3FAE] =	sst s1  }
0xa: {  	[smem:$0x3FAF] =	sst s2  }
0xb: {  	[smem:$0x3FB0] =	sst s3  }
0xc: {  	[smem:$0x3FB1] =	sst s4  }
0xd: {  	[smem:$0x3FB2] =	sst s5  }
0xe: {  	[smem:$0x3FB3] =	sst s6  }
0xf: {  	[smem:$0x3FB4] =	sst s7  }
0x10: {  	[smem:$0x3FB5] =	sst s8  }
0x11: {  	[smem:$0x3FB6] =	sst s9;
	s0 =	simm.s32 @!p0 $0x0  }
0x12: {  	s1 =	sld [smem:$0x3F9C];
	s0 =	simm.s32 @p0 $0x1  }
0x13: {  	[smem:$0x3FB7] =	sst s0;
	s0 =	simm.s32 @!p1 $0x0  }
0x14: {  	s2 =	sld [smem:$0x3F9B];
	s0 =	simm.s32 @p1 $0x1  }
0x15: {  	[smem:$0x3FB8] =	sst s0;
	s0 =	simm.s32 @!p2 $0x0  }
0x16: {  	s3 =	sld [smem:$0x3FDB];
	s0 =	simm.s32 @p2 $0x1  }
0x17: {  	s4 =	simm.s32 $0x1BF5;
	[smem:$0x3FBA] =	sst s0  }
0x18: {  	s0 =	sld [smem:$0x3F9D];
	_ =	swait.ge [sflag:s4], $0x0  }
0x19: {  	s7 =	sld [smem:$0x3F9E]  }
0x1a: {  	s8 =	sadd.s32 $0xFFFFE003, lr  }
0x1b: {  	s9 =	sadd.s32 $0xFFFFFEF7, lr;
	s5 =	simm.s32 $0xFFFFFFFF;
	p2 =	slt.u32 s8, $0xFFFFF086  }
0x1c: {  	p1 =	slt.u32 s9, $0xF7A;
	s5 =	simm.s32 @!p2 $0x0  }
0x1d: {  	s5 =	simm.s32 @p1 $0x1;
	p0 =	seq.s32 s7, s2  }
0x1e: {  	s7 =	smul.u32 @!p0 $0xF7A, s2;
	p2 =	seq.s32 @!p0 s5, $0x0  }
0x1f: {  	s9 =	smul.u32 $0xF7A, s1;
	s8 =	simm.s32 @!p0 $0x1BF5;
	p2 =	por !p2, p0  }
0x20: {  	[sflag:s8] =	ssyncset.s32 @!p0 $0xFFFFF086;
	s6 =	sadd.s32 @!p0 s3, s7;
	s7 =	simm.s32 @!p0 $0x108  }
0x21: {  	s3 =	sadd.s32 s3, s9;
	s6 =	sadd.s32 @!p0 $0x88, s6;
	s7 =	simm.s32 @p2 $0x1082  }
0x22: {  	[simem:s7], [sflag:s8] =	dma.local @!p0 [hbm:s6], $0xF7A  }
0x23: {  	s9 =	sor.u32 $0xD0000000, s2;
	s6 =	simm.s32 $0x108;
	_ =	swait.ge @!p0 [sflag:s8], $0x0  }
0x24: {  	s3 =	sadd.s32 $0x88, s3;
	s6 =	simm.s32 @!p1 $0x1082;
	[sflag:s4] =	ssyncset.s32 $0xFFFFF086  }
0x25: {  	[simem:s6], [sflag:s4] =	dma.local [hbm:s3], $0xF7A  }
0x26: {  	[smem:$0x3F9E] =	sst s1;
	(tag) =	ssettag s2;
	_ =	strace s9  }
0x27: {  	s1 =	sld [smem:$0x3FAE]  }
0x28: {  	s2 =	sld [smem:$0x3FAF]  }
0x29: {  	s4 =	sld [smem:$0x3FB1]  }
0x2a: {  	p0 =	seq.s32 s5, $0x0;
	s5 =	sld [smem:$0x3FB2]  }
0x2b: {  	s6 =	sld [smem:$0x3FB3]  }
0x2c: {  	s7 =	sld [smem:$0x3FB4]  }
0x2d: {  	s3 =	simm.s32 $0x108;
	s8 =	sld [smem:$0x3FB5]  }
0x2e: {  	s3 =	simm.s32 @!p0 $0x1082;
	s9 =	sld [smem:$0x3FB6]  }
0x2f: {  	lr =	sadd.s32 s0, s3;
	s0 =	sld [smem:$0x3FAD]  }
0x30: {  	s3 =	sld [smem:$0x3FB0]  }
0x31: {  	[smem:$0x3FB9] =	sst s10  }
0x32: {  	s10 =	sld [smem:$0x3FB7];
	_ =	sdelay $0x3  }
0x33: {  	p0 =	seq.s32 s10, $0x1;
	s10 =	sld [smem:$0x3FB9];
	_ =	sdelay $0x3  }
0x34: {  	[smem:$0x3FB9] =	sst s10  }
0x35: {  	s10 =	sld [smem:$0x3FB8];
	_ =	sdelay $0x3  }
0x36: {  	p1 =	seq.s32 s10, $0x1;
	s10 =	sld [smem:$0x3FB9];
	_ =	sdelay $0x3  }
0x37: {  	[smem:$0x3FB9] =	sst s10  }
0x38: {  	s10 =	sld [smem:$0x3FBA]  }
0x39: {  	_ = 	snop;
	(pc) =	sbr.ind lr, $3  }
0x3a: {  	_ = 	snop  }
0x3b: {  	_ = 	snop  }
0x3c: {  	p2 =	seq.s32 s10, $0x1;
	s10 =	sld [smem:$0x3FB9]  }
0x3d: {  	_ =	shalt  }
0x3e: {  	_ =	shalt  }
0x3f: {  	_ =	shalt  }
0x40: {  	_ =	shalt  }
0x41: {  	_ =	shalt  }
0x42: {  	_ =	shalt  }
0x43: {  	_ =	shalt  }
0x44: {  	_ =	shalt  }
0x45: {  	_ =	shalt  }
0x46: {  	_ =	shalt  }
0x47: {  	_ =	shalt  }
0x48: {  	_ =	shalt  }
0x49: {  	_ =	shalt  }
0x4a: {  	_ =	shalt  }
0x4b: {  	_ =	shalt  }
0x4c: {  	_ =	shalt  }
0x4d: {  	_ =	shalt  }
0x4e: {  	_ =	shalt  }
0x4f: {  	_ =	shalt  }
0x50: {  	_ =	shalt  }
0x51: {  	_ =	shalt  }
0x52: {  	_ =	shalt  }
0x53: {  	_ =	shalt  }
0x54: {  	_ =	shalt  }
0x55: {  	_ =	shalt  }
0x56: {  	_ =	shalt  }
0x57: {  	_ =	shalt  }
0x58: {  	_ =	shalt  }
0x59: {  	_ =	shalt  }
0x5a: {  	_ =	shalt  }
0x5b: {  	_ =	shalt  }
0x5c: {  	_ =	shalt  }
0x5d: {  	_ =	shalt  }
0x5e: {  	_ =	shalt  }
0x5f: {  	_ =	shalt  }
0x60: {  	_ =	shalt  }
0x61: {  	_ =	shalt  }
0x62: {  	_ =	shalt  }
0x63: {  	_ =	shalt  }
0x64: {  	_ =	shalt  }
0x65: {  	_ =	shalt  }
0x66: {  	_ =	shalt  }
0x67: {  	_ =	shalt  }
0x68: {  	_ =	shalt  }
0x69: {  	_ =	shalt  }
0x6a: {  	_ =	shalt  }
0x6b: {  	_ =	shalt  }
0x6c: {  	_ =	shalt  }
0x6d: {  	_ =	shalt  }
0x6e: {  	_ =	shalt  }
0x6f: {  	_ =	shalt  }
0x70: {  	_ =	shalt  }
0x71: {  	_ =	shalt  }
0x72: {  	_ =	shalt  }
0x73: {  	_ =	shalt  }
0x74: {  	_ =	shalt  }
0x75: {  	_ =	shalt  }
0x76: {  	_ =	shalt  }
0x77: {  	_ =	shalt  }
0x78: {  	_ =	shalt  }
0x79: {  	_ =	shalt  }
0x7a: {  	_ =	shalt  }
0x7b: {  	_ =	shalt  }
0x7c: {  	_ =	shalt  }
0x7d: {  	_ =	shalt  }
0x7e: {  	_ =	shalt  }
0x7f: {  	_ =	shalt  }
0x80: {  	_ =	shalt  }
0x81: {  	_ =	shalt  }
0x82: {  	_ =	shalt  }
0x83: {  	_ =	shalt  }
0x84: {  	_ =	shalt  }
0x85: {  	_ =	shalt  }
0x86: {  	_ =	shalt  }
0x87: {  	_ =	shalt  }
.Lfunc_end0:
.L_simem_size_0:
called_computation_lowered:
.L_overlay_start_0:
0x88: {  	s2 =	sld [smem:$0x3FD9]  }
0x89: {  	s3 =	sld [smem:$0x3FFE];
	_ =	sdelay $0x1  }
0x8a: {  	s1 =	srdreg.scid  }
0x8b: {  	s0 =	sand.u32 $0x1, s1  }
0x8c: {  	s17 =	sshll.u32 s0, $0xA;
	s2 =	sadd.s32 s3, s2  }
0x8d: {  	s2 =	sadd.s32 s2, s17  }
0x8e: {  	[smem:$0x3FC5] =	sst s2  }
0x8f: {  	_ = 	snop  }
0x90: {  	s2 =	sld [smem:$0x3FC7];
	(tm) =	ssettm $0x1  }
0x91: {  	s18 =	sld [smem:$0x3FFB];
	_ =	sdelay $0x3  }
0x92: {  	_ =	strace s18  }
0x93: {  	s3 =	sld [smem:$0x3FFC];
	_ =	sdelay $0x3  }
0x94: {  	_ =	strace s3  }
0x95: {  	s3 =	sld [smem:$0x3FFD];
	_ =	sdelay $0x3  }
0x96: {  	_ =	strace s3  }
0x97: {  	_ =	strace $0x8FFFFFFF  }
0x98: {  	s19 =	sld [smem:$0x3FDB];
	_ =	sdelay $0x1  }
0x99: {  	s4 =	simm.s32 $_scs_section_size  }
0x9a: {  	s5 =	simm.s32 $_size__tile_overlayer_lowered;
	s6 =	simm.s32 $_tile_overlayer_lowered  }
0x9b: {  	s22 =	simm.s32 $0x1BFF;
	s21 =	sshll.u32 s6, $0x1;
	s3 =	sadd.s32 s4, s19  }
0x9c: {  	s7 =	simm.s32 $0x0;
	s20 =	sshll.u32 s5, $0x1;
	s5 =	sadd.s32 s21, s3  }
0x9d: {  	[timem:s7], [sflag:s22] =	dma.local [hbm:s5], s20  }
0x9e: {  	_ =	swait.ge [sflag:s22], s20  }
0x9f: {  	s4 =	ssub.s32 $0x0, s20;
	[sflag:s22] =	ssyncset.done $0x0  }
0xa0: {  	[sflag:s22] =	ssyncadd.s32 s4;
	_ =	sdelay $0x1  }
0xa1: {  	s23 =	simm.s32 $0x1B8B  }
0xa2: {  	_ =	swait.ge [sflag:s23], $0x1  }
0xa3: {  	[sflag:s23] =	ssyncset.done $0x0  }
0xa4: {  	s25 =	simm.s32 $0x1B8E;
	s24 =	sld [smem:$0x3FFE];
	[sflag:s23] =	ssyncadd.s32 $0xFFFFFFFF  }
0xa5: {  	s26 =	simm.s32 $execute0_lowered;
	[smem:$0x3FD2] =	sst s25  }
0xa6: {  	s5 =	sshll.u32 s26, $0x1;
	_ =	strace $0x80000046;
	[dreg:$0x1] =	wrdreg $0xFFFFFFFF  }
0xa7: {  	s28 =	simm.s32 $_size_execute0_lowered;
	s3 =	sadd.s32 s3, s5;
	[dreg:$0x0] =	wrdreg $0x0  }
0xa8: {  	s5 =	sshll.u32 s28, $0x1;
	[dreg:$0x2] =	wrdreg s3  }
0xa9: {  	[dreg:$0x3] =	wrdreg s5  }
0xaa: {  	[dreg:$0x4] =	wrdreg $0xC0  }
0xab: {  	_ =	task [dreg:s7], $0x5FFFF  }
0xac: {  	[dreg:$0x1] =	wrdreg $0xFFFFFFFF  }
0xad: {  	[dreg:$0x0] =	wrdreg $0x60  }
0xae: {  	[dreg:$0x2] =	wrdreg s24  }
0xaf: {  	[dreg:$0x3] =	wrdreg s2  }
0xb0: {  	[dreg:$0x4] =	wrdreg $0xE6000  }
0xb1: {  	[dreg:$0x5] =	wrdreg $0x9  }
0xb2: {  	_ =	task.clear_ibuf [dreg:s7], $0x6FFFF;
	_ =	strace $0x90000046  }
0xb3: {  	s29 =	simm.s32 $0x9;
	_ =	strace $0x80000048  }
0xb4: {  	_ =	swait.ge [sflag:s29], $0x1  }
0xb5: {  	[sflag:s29] =	ssyncadd.s32 $0xFFFFFFFF  }
0xb6: {  	_ =	strace $0x90000048  }
0xb7: {  	_ =	sfence  }
0xb8: {  	s30 =	sld [smem:$0x0];
	_ =	sdelay $0x2  }
0xb9: {  	s31 =	sshll.u32 s1, $0xD;
	s1 =	sshrl.u32 s1, $0x2  }
0xba: {  	s3 =	sand.u32 $0x4000, s31;
	s1 =	sadd.s32 s1, s30  }
0xbb: {  	s0 =	sor.u32 s3, s0;
	s1 =	sshll.u32 s1, $0x11  }
0xbc: {  	s0 =	sor.u32 s1, s0  }
0xbd: {  	s0 =	sadd.s32 $0x8F2B, s0  }
0xbe: {  	[sflag:s0] =	ssyncadd.remote.s32 $0x1  }
0xbf: {  	_ =	sfence.sel $0xFFFF  }
0xc0: {  	[dreg:$0x0] =	wrdreg $0xFFFFFFFF;
	(pc) =	sbr.abs _section_cstart, $3  }
0xc1: {  	[dreg:$0x1] =	wrdreg $0xFFFFFFFF  }
0xc2: {  	_ =	task.clear_ibuf [dreg:s7], $0x2FFFF;
	_ =	strace $0x9FFFFFFF  }
0xc3: {  	(tm) =	ssettm $0x7FFFFFFF  }
tec
execute0_lowered:
.L_overlay_start_1:
0x0: {  	(tag) =	ssettag $0x1  }
0x1: {  	s5 =	rddreg [dreg:$0x0]  }
0x2: {  	s7 =	rddreg [dreg:$0x1]  }
0x3: {  	s0 =	srdreg.scid;
	s2 =	rddreg [dreg:$0x2];
	s18 =	simm.s32 $0x2  }
0x4: {  	s19 =	simm.s32 $0x1;
	s20 =	simm.s32 $0x20;
	s22 =	simm.s32 $0xDD00  }
0x5: {  	s23 =	simm.s32 $0x10;
	s1 =	sand.u32 $0x1, s0;
	s0 =	stileid.u32  }
0x6: {  	s4 =	sshll.u32 s1, $0x4;
	s14 =	ssub.s32 $0x2, s1;
	s1 =	smul.u32 $0xC30, s1  }
0x7: {  	s24 =	simm.s32 $0x0;
	s16 =	smul.u32 $0xC3, s0;
	s26 =	sshll.u32 s0, $0x9  }
0x8: {  	s28 =	sshll.u32 s0, $0xB;
	s10 =	sor.u32 s0, s4;
	s15 =	sadd.s32 s4, s5  }
0x9: {  	s25 =	sshrl.u32 s14, $0x1;
	s4 =	simm.s32 $0xC4;
	s3 =	smul.u32 $0xC3, s10  }
0xa: {  	s8 =	smin.u32 s10, $0xA;
	p0 =	slt.u32 s10, $0xA;
	s14 =	ssub.s32 s14, s25  }
0xb: {  	s4 =	simm.s32 @!p0 $0xC3;
	s1 =	sor.u32 s1, s8;
	p0 =	sne.s32 s10, $0x1F  }
0xc: {  	v0 =	vimm.f32 $0.0e+00;
	v1 =	vimm.s32 $0x0;
	s6 =	sadd.s32 s8, s3;
	s3 =	simm.s32 $0x0;
	s1 =	sadd.s32 s16, s1  }
0xd: {  	v2 =	vimm.s32 $0x1;
	v3 =	vimm.s32 $0x2;
	v4 =	vimm.s32 $0x3;
	s6 =	sshll.u32 s6, $0x4;
	[smem:$0x7FF] =	sst s3;
	s29 =	sshll.u32 s1, $0x4  }
0xe: {  	v5 =	vimm.s32 $0x4;
	v6 =	vimm.s32 $0x5;
	v7 =	vimm.s32 $0x6;
	s30 =	sshll.u32 s1, $0x6;
	s1 =	sshll.u32 s1, $0xA;
	s9 =	smin.u32 s6, $0x17A60  }
0xf: {  	v8 =	vimm.s32 $0x7;
	v9 =	vimm.s32 $0x8;
	v10 =	vimm.s32 $0x9;
	_ =	strace $0x80000047;
	s11 =	sshrl.u32 s9, $0x3;
	s13 =	sshll.u32 s9, $0x1  }
0x10: {  	v11 =	vimm.s32 $0xA;
	v12 =	vimm.s32 $0xB;
	v13 =	vimm.s32 $0xC;
	s12 =	sadd.s32 s11, s5;
	s13 =	sadd.s32 s13, s5;
	s5 =	ssub.s32 s6, s9  }
0x11: {  	v14 =	vimm.s32 $0xD;
	v15 =	vimm.s32 $0xE;
	v16 =	vimm.s32 $0xF;
	s7 =	sadd.s32 s7, s11;
	s6 =	sadd.s32 $0x200, s12;
	s12 =	smin.u32 s29, $0x17A60  }
.Ltmp0:
0x12: {  	vm0 =	vmmov $0x1;
	v17 =	vlaneseq.u32;
	vm5 =	vcmask $0xB10;
	s9 =	sadd.s32 s28, s2;
	s31 =	sshll.u32 s12, $0x6;
	(pc) =	sbr.rel .LBB2_1-.Ltmp0, $4  }
0x13: {  	vm6 =	vcmask $0xF14;
	vm7 =	vcmask $0x1318;
	vm8 =	vcmask $0x171C;
	s11 =	sadd.s32 s26, s15;
	s12 =	sshll.u32 s12, $0x2;
	s1 =	ssub.s32 s1, s31  }
0x14: {  	vm9 =	vcmask $0x1B20;
	vm10 =	vcmask $0x1F24;
	vm11 =	vcmask $0x2328;
	s8 =	sadd.s32 $0x186C00, s13;
	s12 =	ssub.s32 s30, s12;
	s1 =	sor.u32 $0x200, s1  }
0x15: {  	vm12 =	vcmask $0x272C;
	vm13 =	vcmask $0x2B30;
	vm14 =	vcmask $0x2F34;
	s10 =	sadd.s32 $0x3400, s11;
	s12 =	sshra.s32 s12, $0x2;
	s1 =	sshra.s32 s1, $0x2  }
0x16: {  	vm15 =	vcmask $0x3338;
	vm1 =	vcmask $0x373C;
	vm2 =	vmmov $0x7fff;
	s11 =	smax.u32 s14, $0x1;
	s13 =	sadd.s32 $0xC80, s12;
	s14 =	sadd.s32 $0x1900, s1  }
.LBB2_8:
0x17: {  	(xrf2) =	vadd.scan.msk.f32 $0xffff, v21;
	_ =	sdelay $0x9  }
0x18: {  	s1 =	scvt.s32.f32 s31;
	v18, _, _ =	vpop (xrf2)  }
0x19: {  	v18 =	vbroadcast v18, $0xF  }
0x1a: {  	vm3 =	vcmask $0x704;
	v19 =	vmov s1  }
0x1b: {  	v19 =	vnsel vm3, $0x0, v19;
	v18 =	vnsel vm0, $0x0, v18  }
0x1c: {  	v18 =	vadd.f32 v18, v19  }
0x1d: {  	s28 =	sshll.u32 s15, $0x5;
	[tilespmem:$0xDD00] =	vst v22  }
0x1e: {  	s1 =	sor.u32 $0x10, s28;
	[tilespmem:$0xDD10] =	vst v18;
	v18 =	vor.u32 s28, v17  }
0x1f: {  	[tilespmem:$0xDD80] =	vst v18;
	v18 =	vor.u32 s1, v17;
	s1 =	sadd.s32 @!p0 $0x1, s15  }
0x20: {  	s29 =	simm.s32 $0xDD80;
	[tilespmem:$0xDD90] =	vst v18;
	s1 =	scvt.s32.f32 @!p0 s1  }
0x21: {  	[spmem:s2] =	stream.indirect.scatter.add.f32 [tilespmem:s22], [sflag:$0x2], $0x1, s29, s20, $0xb8;
	[tilespmem:$0xEE00] =	vst v63  }
0x22: {  	_ =	swait.ge [sflag:s18], $0x20  }
0x23: {  	vm3 =	vcmask @!p0 $0x300;
	v18 =	vmov @!p0 s1;
	[sflag:s18] =	ssyncset.done $0x0  }
0x24: {  	v18 =	vnsel @!p0 vm3, $0x0, v18;
	[sflag:s18] =	ssyncadd.s32 $0xFFFFFFE0  }
0x25: {  	v19 =	vlaneseq.u32 @!p0;
	[tilespmem:$0xDD00] =	vst @!p0 v18;
	v18 =	vimm.f32 @!p0 $0.0e+00  }
0x26: {  	[tilespmem:$0xDD10] =	vst @!p0 v18;
	v18 =	vadd.s32 @!p0 $0x12, v19  }
0x27: {  	[tilespmem:$0xDD80] =	vst @!p0 v18;
	v18 =	vadd.s32 @!p0 $0x22, v19  }
0x28: {  	s16 =	simm.s32 @!p0 $0xDD00;
	s15 =	simm.s32 @!p0 $0xDD80;
	s1 =	simm.s32 @!p0 $0x20;
	[tilespmem:$0xDD90] =	vst @!p0 v18  }
0x29: {  	[spmem:s2] =	stream.indirect.scatter.add.f32 @!p0 [tilespmem:s16], [sflag:$0x2], $0x1, s15, s1, $0xb8;
	[tilespmem:$0xEE00] =	vst v63  }
0x2a: {  	s1 =	simm.s32 @!p0 $0x2  }
0x2b: {  	_ =	swait.ge @!p0 [sflag:s1], $0x20  }
0x2c: {  	s30 =	sshll.u32 s0, $0x6;
	s24 =	sadd.s32 $0x1, s24;
	[sflag:s1] =	ssyncset.done @!p0 $0x0  }
0x2d: {  	s31 =	sshrl.u32 s9, $0x3;
	p1 =	sne.s32 s24, s11;
	[sflag:s1] =	ssyncadd.s32 @!p0 $0xFFFFFFE0  }
.Ltmp1:
0x2e: {  	s1 =	sor.u32 $0x1C02, s30;
	[bflag:$0x0] =	sbarrier.arrive $0xFFFF;
	(pc) =	sbr.rel @!p1 .LBB2_9-.Ltmp1, $4  }
0x2f: {  	[hbm:s10@s20], [sflag:s1] =	dma.strided [spmem:s31@s23], $0x100, s19, $0x10   }
0x30: {  	_ =	swait.ge [sflag:s18], $0x100  }
0x31: {  	[sflag:s18] =	ssyncset.done $0x0  }
0x32: {  	[sflag:s18] =	ssyncadd.s32 $0xFFFFFF00  }
.LBB2_1:
0x33: {  	[tilespmem:s3], [sflag:$0x1] =	stream.linear.gather [hbm4b:s6+s3], $0xC40, $0x38;
	[tilespmem:$0xEE00] =	vst v63  }
0x34: {  	s1 =	simm.s32 $0xC80  }
0x35: {  	[tilespmem:s1], [sflag:$0x1] =	stream.linear.gather [hbm4b:s7+s3], $0xC40, $0x38;
	[tilespmem:$0xEE00] =	vst v63  }
0x36: {  	s31 =	simm.s32 $0x1900;
	s15 =	simm.s32 $0x0;
	s1 =	simm.s32 $0x40  }
0x37: {  	[tilespmem:s31], [sflag:$0x1] =	stream.linear.gather [hbm4b:s8+s3], $0xC400, $0x38;
	[tilespmem:$0xEE00] =	vst v63  }
.LBB2_2:
0x38: {  	p1 =	sne.s32 s1, $0x1FC0;
	[tilespmem:s15+$0xDE00] =	vst v0;
	s15 =	smov.u32 s1;
	s1 =	sadd.s32 $0x40, s1  }
.Ltmp2:
0x39: {  	(pc) =	sbr.rel @p1 .LBB2_2-.Ltmp2, $2  }
0x3a: {  	_ =	sdelay $0x2  }
0x3b: {  	s15 =	sshra.s32 s15, $0x2  }
0x3c: {  	[tilespmem:s15+$0xDE00] =	vst v0;
	s1 =	simm.s32 $0xDE00  }
0x3d: {  	[spmem:s9] =	stream.linear.scatter [tilespmem:s1], [sflag:$0x2], $0x800, $0x38;
	[tilespmem:$0xEE00] =	vst v63  }
0x3e: {  	_ =	swait.ge [sflag:s18], $0x800  }
0x3f: {  	[sflag:s18] =	ssyncset.done $0x0  }
0x40: {  	[sflag:s18] =	ssyncadd.s32 $0xFFFFF800  }
0x41: {  	_ =	swait.ge [sflag:s19], $0xC40  }
0x42: {  	[sflag:s19] =	ssyncset.done $0x0  }
0x43: {  	[sflag:s19] =	ssyncadd.s32 $0xFFFFF3C0  }
0x44: {  	_ =	swait.ge [sflag:s19], $0xC40  }
0x45: {  	[sflag:s19] =	ssyncset.done $0x0  }
0x46: {  	[sflag:s19] =	ssyncadd.s32 $0xFFFFF3C0  }
0x47: {  	_ =	swait.ge [sflag:s19], $0xC400  }
0x48: {  	[sflag:s19] =	ssyncset.done $0x0  }
0x49: {  	[sflag:s19] =	ssyncadd.s32 $0xFFFF3C00  }
0x4a: {  	[bflag:$0x0] =	sbarrier.arrive $0xFFFF  }
0x4b: {  	v18 =	vld [tilespmem:s5+$0xC80];
	_ =	sdelay $0x4  }
0x4c: {  	(v2sf) =	vpush v18, $0x0;
	_ =	sdelay $0xa  }
.Ltmp3:
0x4d: {  	_ = 	snop;
	(pc) =	sbr.rel .LBB2_4-.Ltmp3, $3  }
0x4e: {  	_ =	sdelay $0x1  }
0x4f: {  	s31 =	simm.s32 $0x0;
	s25 =	smov.u32 s14;
	s26 =	smov.u32 s13  }
0x50: {  	v21 =	vimm.f32 $0.0e+00;
	s28 =	smov.u32 s12;
	s29 =	smov.u32 s4;
	v22 =	vimm.f32 $0.0e+00;
	s30 =	spop (v2sf)  }
.LBB2_6:
0x51: {  	_ = 	snop  }
0x52: {  	(xrf2) =	vadd.scan.msk.f32 @!p1 $0xffff, v21;
	_ =	sdelay $0x9  }
0x53: {  	v23, _, _ =	vpop @!p1 (xrf2)  }
0x54: {  	v23 =	vbroadcast @!p1 v23, $0xF  }
0x55: {  	vm4 =	vmmov @!p1 $0x1;
	v24 =	vmov @!p1 s17  }
0x56: {  	v24 =	vnsel @!p1 vm3, $0x0, v24;
	v23 =	vnsel @!p1 vm4, $0x0, v23  }
0x57: {  	v23 =	vadd.f32 @!p1 v23, v24  }
0x58: {  	[tilespmem:$0xDD00] =	vst @!p1 v22;
	v24 =	vlaneseq.u32 @!p1  }
0x59: {  	[tilespmem:$0xDD10] =	vst @!p1 v23;
	v23 =	vor.u32 @!p1 s16, v24;
	s16 =	sor.u32 @!p1 $0x10, s16  }
0x5a: {  	[tilespmem:$0xDD80] =	vst @!p1 v23;
	v23 =	vor.u32 @!p1 s16, v24  }
0x5b: {  	s17 =	simm.s32 @!p1 $0xDD80;
	s21 =	simm.s32 @!p1 $0xDD00;
	s16 =	simm.s32 @!p1 $0x20;
	[tilespmem:$0xDD90] =	vst @!p1 v23  }
0x5c: {  	[spmem:s2] =	stream.indirect.scatter.add.f32 @!p1 [tilespmem:s21], [sflag:$0x2], $0x1, s17, s16, $0xb8;
	[tilespmem:$0xEE00] =	vst v63  }
0x5d: {  	s16 =	simm.s32 @!p1 $0x2  }
0x5e: {  	_ =	swait.ge @!p1 [sflag:s16], $0x20  }
0x5f: {  	(v2sf) =	vpush v20, $0x1;
	_ =	sdelay $0xc  }
0x60: {  	p3 =	sne.s32 s1, s30  }
0x61: {  	v21 =	vpsel p3, $0x0, v21;
	v23 =	vnsel vm0, $0x0, v19  }
0x62: {  	v21 =	vadd.f32 v23, v21;
	s30 =	spop (v2sf)  }
0x63: {  	p2 =	seq.s32 s30, s1  }
0x64: {  	(xrf2) =	vadd.scan.msk.f32 @!p2 $0xffff, v21;
	_ =	sdelay $0x5  }
0x65: {  	[sflag:s16] =	ssyncset.done @!p1 $0x0  }
0x66: {  	[sflag:s16] =	ssyncadd.s32 @!p1 $0xFFFFFFE0  }
0x67: {  	v23 =	vld [tilespmem:s25+$0xFFFFFF80]  }
0x68: {  	v51 =	vperm.xlane v18, v1;
	s16 =	sadd.s32 $0x1, s31  }
0x69: {  	v22 =	vpsel p3, $0x0, v22;
	s17 =	scvt.s32.f32 @!p2 s16;
	v25, _, _ =	vpop @!p2 (xrf2)  }
0x6a: {  	v24 =	vadd.f32 v51, v22;
	v25 =	vbroadcast @!p2 v25, $0xF  }
0x6b: {  	vm3 =	vmmov @!p2 $0x1;
	vm4 =	vcmask @!p2 $0x704;
	v26 =	vmov @!p2 s17  }
0x6c: {  	v25 =	vnsel @!p2 vm3, $0x0, v25;
	vm3 =	veq.s32 v23, $0x0;
	v23 =	vnsel @!p2 vm4, $0x0, v26  }
0x6d: {  	v22 =	vsel vm3, v22, v24;
	v23 =	vadd.f32 @!p2 v23, v25  }
0x6e: {  	s17 =	sshll.u32 @!p2 s1, $0x5;
	v24 =	vlaneseq.u32 @!p2;
	[tilespmem:$0xDD00] =	vst @!p2 v22  }
0x6f: {  	[tilespmem:$0xDD10] =	vst @!p2 v23;
	v23 =	vor.u32 @!p2 s17, v24;
	s17 =	sor.u32 @!p2 $0x10, s17  }
0x70: {  	[tilespmem:$0xDD80] =	vst @!p2 v23;
	v23 =	vor.u32 @!p2 s17, v24  }
0x71: {  	s21 =	simm.s32 @!p2 $0xDD80;
	s31 =	simm.s32 @!p2 $0xDD00;
	s17 =	simm.s32 @!p2 $0x20;
	[tilespmem:$0xDD90] =	vst @!p2 v23  }
0x72: {  	[spmem:s2] =	stream.indirect.scatter.add.f32 @!p2 [tilespmem:s31], [sflag:$0x2], $0x1, s21, s17, $0xb8;
	[tilespmem:$0xEE00] =	vst v63  }
0x73: {  	s17 =	simm.s32 @!p2 $0x2  }
0x74: {  	_ =	swait.ge @!p2 [sflag:s17], $0x20  }
0x75: {  	(v2sf) =	vpush v20, $0x2;
	_ =	sdelay $0xc  }
0x76: {  	p4 =	sne.s32 s30, s1;
	vm3 =	vcmask $0x308  }
0x77: {  	v21 =	vpsel p4, $0x0, v21;
	v23 =	vsel vm3, $0x0, v19  }
0x78: {  	v21 =	vadd.f32 v21, v23;
	s1 =	spop (v2sf)  }
0x79: {  	p1 =	seq.s32 s1, s30  }
0x7a: {  	(xrf2) =	vadd.scan.msk.f32 @!p1 $0xffff, v21;
	_ =	sdelay $0x5  }
0x7b: {  	[sflag:s17] =	ssyncset.done @!p2 $0x0  }
0x7c: {  	[sflag:s17] =	ssyncadd.s32 @!p2 $0xFFFFFFE0  }
0x7d: {  	s16 =	simm.s32 @!p2 $0x0;
	v23 =	vld [tilespmem:s25+$0xFFFFFF90]  }
0x7e: {  	v52 =	vperm.xlane v18, v2;
	s16 =	sadd.s32 $0x1, s16  }
0x7f: {  	v22 =	vpsel p4, $0x0, v22;
	s17 =	scvt.s32.f32 @!p1 s16;
	v25, _, _ =	vpop @!p1 (xrf2)  }
0x80: {  	v24 =	vadd.f32 v52, v22;
	v25 =	vbroadcast @!p1 v25, $0xF  }
0x81: {  	vm3 =	vmmov @!p1 $0x1;
	vm4 =	vcmask @!p1 $0x704;
	v26 =	vmov @!p1 s17  }
0x82: {  	v25 =	vnsel @!p1 vm3, $0x0, v25;
	vm3 =	veq.s32 v23, $0x0;
	v23 =	vnsel @!p1 vm4, $0x0, v26  }
0x83: {  	v22 =	vsel vm3, v22, v24;
	v23 =	vadd.f32 @!p1 v23, v25  }
0x84: {  	s17 =	sshll.u32 @!p1 s30, $0x5;
	v24 =	vlaneseq.u32 @!p1;
	[tilespmem:$0xDD00] =	vst @!p1 v22  }
0x85: {  	[tilespmem:$0xDD10] =	vst @!p1 v23;
	v23 =	vor.u32 @!p1 s17, v24;
	s17 =	sor.u32 @!p1 $0x10, s17  }
0x86: {  	[tilespmem:$0xDD80] =	vst @!p1 v23;
	v23 =	vor.u32 @!p1 s17, v24  }
0x87: {  	s21 =	simm.s32 @!p1 $0xDD80;
	s31 =	simm.s32 @!p1 $0xDD00;
	s17 =	simm.s32 @!p1 $0x20;
	[tilespmem:$0xDD90] =	vst @!p1 v23  }
0x88: {  	[spmem:s2] =	stream.indirect.scatter.add.f32 @!p1 [tilespmem:s31], [sflag:$0x2], $0x1, s21, s17, $0xb8;
	[tilespmem:$0xEE00] =	vst v63  }
0x89: {  	s17 =	simm.s32 @!p1 $0x2  }
0x8a: {  	_ =	swait.ge @!p1 [sflag:s17], $0x20  }
0x8b: {  	(v2sf) =	vpush v20, $0x3;
	_ =	sdelay $0xc  }
0x8c: {  	p5 =	sne.s32 s1, s30;
	vm3 =	vcmask $0x70C  }
0x8d: {  	v21 =	vpsel p5, $0x0, v21;
	v23 =	vsel vm3, $0x0, v19  }
0x8e: {  	v21 =	vadd.f32 v21, v23;
	s30 =	spop (v2sf)  }
0x8f: {  	p2 =	seq.s32 s30, s1  }
0x90: {  	(xrf2) =	vadd.scan.msk.f32 @!p2 $0xffff, v21;
	_ =	sdelay $0x5  }
0x91: {  	[sflag:s17] =	ssyncset.done @!p1 $0x0  }
0x92: {  	[sflag:s17] =	ssyncadd.s32 @!p1 $0xFFFFFFE0  }
0x93: {  	s16 =	simm.s32 @!p1 $0x0;
	v23 =	vld [tilespmem:s25+$0xFFFFFFA0]  }
0x94: {  	v53 =	vperm.xlane v18, v3;
	s16 =	sadd.s32 $0x1, s16  }
0x95: {  	v22 =	vpsel p5, $0x0, v22;
	s17 =	scvt.s32.f32 @!p2 s16;
	v25, _, _ =	vpop @!p2 (xrf2)  }
0x96: {  	v24 =	vadd.f32 v53, v22;
	v25 =	vbroadcast @!p2 v25, $0xF  }
0x97: {  	vm3 =	vmmov @!p2 $0x1;
	vm4 =	vcmask @!p2 $0x704;
	v26 =	vmov @!p2 s17  }
0x98: {  	v25 =	vnsel @!p2 vm3, $0x0, v25;
	vm3 =	veq.s32 v23, $0x0;
	v23 =	vnsel @!p2 vm4, $0x0, v26  }
0x99: {  	v22 =	vsel vm3, v22, v24;
	v23 =	vadd.f32 @!p2 v23, v25  }
0x9a: {  	s17 =	sshll.u32 @!p2 s1, $0x5;
	v24 =	vlaneseq.u32 @!p2;
	[tilespmem:$0xDD00] =	vst @!p2 v22  }
0x9b: {  	[tilespmem:$0xDD10] =	vst @!p2 v23;
	v23 =	vor.u32 @!p2 s17, v24;
	s17 =	sor.u32 @!p2 $0x10, s17  }
0x9c: {  	[tilespmem:$0xDD80] =	vst @!p2 v23;
	v23 =	vor.u32 @!p2 s17, v24  }
0x9d: {  	s21 =	simm.s32 @!p2 $0xDD80;
	s31 =	simm.s32 @!p2 $0xDD00;
	s17 =	simm.s32 @!p2 $0x20;
	[tilespmem:$0xDD90] =	vst @!p2 v23  }
0x9e: {  	[spmem:s2] =	stream.indirect.scatter.add.f32 @!p2 [tilespmem:s31], [sflag:$0x2], $0x1, s21, s17, $0xb8;
	[tilespmem:$0xEE00] =	vst v63  }
0x9f: {  	s17 =	simm.s32 @!p2 $0x2  }
0xa0: {  	_ =	swait.ge @!p2 [sflag:s17], $0x20  }
0xa1: {  	(v2sf) =	vpush v20, $0x4;
	_ =	sdelay $0xc  }
0xa2: {  	p6 =	sne.s32 s30, s1  }
0xa3: {  	v21 =	vpsel p6, $0x0, v21;
	v23 =	vsel vm5, $0x0, v19  }
0xa4: {  	v21 =	vadd.f32 v21, v23;
	s1 =	spop (v2sf)  }
0xa5: {  	p1 =	seq.s32 s1, s30  }
0xa6: {  	(xrf2) =	vadd.scan.msk.f32 @!p1 $0xffff, v21;
	_ =	sdelay $0x5  }
0xa7: {  	[sflag:s17] =	ssyncset.done @!p2 $0x0  }
0xa8: {  	[sflag:s17] =	ssyncadd.s32 @!p2 $0xFFFFFFE0  }
0xa9: {  	s16 =	simm.s32 @!p2 $0x0;
	v23 =	vld [tilespmem:s25+$0xFFFFFFB0]  }
0xaa: {  	v54 =	vperm.xlane v18, v4;
	s16 =	sadd.s32 $0x1, s16  }
0xab: {  	v22 =	vpsel p6, $0x0, v22;
	s17 =	scvt.s32.f32 @!p1 s16;
	v25, _, _ =	vpop @!p1 (xrf2)  }
0xac: {  	v24 =	vadd.f32 v54, v22;
	v25 =	vbroadcast @!p1 v25, $0xF  }
0xad: {  	vm3 =	vmmov @!p1 $0x1;
	vm4 =	vcmask @!p1 $0x704;
	v26 =	vmov @!p1 s17  }
0xae: {  	v25 =	vnsel @!p1 vm3, $0x0, v25;
	vm3 =	veq.s32 v23, $0x0;
	v23 =	vnsel @!p1 vm4, $0x0, v26  }
0xaf: {  	v22 =	vsel vm3, v22, v24;
	v23 =	vadd.f32 @!p1 v23, v25  }
0xb0: {  	s17 =	sshll.u32 @!p1 s30, $0x5;
	v24 =	vlaneseq.u32 @!p1;
	[tilespmem:$0xDD00] =	vst @!p1 v22  }
0xb1: {  	[tilespmem:$0xDD10] =	vst @!p1 v23;
	v23 =	vor.u32 @!p1 s17, v24;
	s17 =	sor.u32 @!p1 $0x10, s17  }
0xb2: {  	[tilespmem:$0xDD80] =	vst @!p1 v23;
	v23 =	vor.u32 @!p1 s17, v24  }
0xb3: {  	s21 =	simm.s32 @!p1 $0xDD80;
	s31 =	simm.s32 @!p1 $0xDD00;
	s17 =	simm.s32 @!p1 $0x20;
	[tilespmem:$0xDD90] =	vst @!p1 v23  }
0xb4: {  	[spmem:s2] =	stream.indirect.scatter.add.f32 @!p1 [tilespmem:s31], [sflag:$0x2], $0x1, s21, s17, $0xb8;
	[tilespmem:$0xEE00] =	vst v63  }
0xb5: {  	s17 =	simm.s32 @!p1 $0x2  }
0xb6: {  	_ =	swait.ge @!p1 [sflag:s17], $0x20  }
0xb7: {  	(v2sf) =	vpush v20, $0x5;
	_ =	sdelay $0xc  }
0xb8: {  	p4 =	sne.s32 s1, s30  }
0xb9: {  	v21 =	vpsel p4, $0x0, v21;
	v23 =	vsel vm6, $0x0, v19  }
0xba: {  	v21 =	vadd.f32 v21, v23;
	s30 =	spop (v2sf)  }
0xbb: {  	p2 =	seq.s32 s30, s1  }
0xbc: {  	(xrf2) =	vadd.scan.msk.f32 @!p2 $0xffff, v21;
	_ =	sdelay $0x5  }
0xbd: {  	[sflag:s17] =	ssyncset.done @!p1 $0x0  }
0xbe: {  	[sflag:s17] =	ssyncadd.s32 @!p1 $0xFFFFFFE0  }
0xbf: {  	s16 =	simm.s32 @!p1 $0x0;
	v23 =	vld [tilespmem:s25+$0xFFFFFFC0]  }
0xc0: {  	v55 =	vperm.xlane v18, v5;
	s16 =	sadd.s32 $0x1, s16  }
0xc1: {  	v22 =	vpsel p4, $0x0, v22;
	s17 =	scvt.s32.f32 @!p2 s16;
	v25, _, _ =	vpop @!p2 (xrf2)  }
0xc2: {  	v24 =	vadd.f32 v55, v22;
	v25 =	vbroadcast @!p2 v25, $0xF  }
0xc3: {  	vm3 =	vmmov @!p2 $0x1;
	vm4 =	vcmask @!p2 $0x704;
	v26 =	vmov @!p2 s17  }
0xc4: {  	v25 =	vnsel @!p2 vm3, $0x0, v25;
	vm3 =	veq.s32 v23, $0x0;
	v23 =	vnsel @!p2 vm4, $0x0, v26  }
0xc5: {  	v22 =	vsel vm3, v22, v24;
	v23 =	vadd.f32 @!p2 v23, v25  }
0xc6: {  	s17 =	sshll.u32 @!p2 s1, $0x5;
	v24 =	vlaneseq.u32 @!p2;
	[tilespmem:$0xDD00] =	vst @!p2 v22  }
0xc7: {  	[tilespmem:$0xDD10] =	vst @!p2 v23;
	v23 =	vor.u32 @!p2 s17, v24;
	s17 =	sor.u32 @!p2 $0x10, s17  }
0xc8: {  	[tilespmem:$0xDD80] =	vst @!p2 v23;
	v23 =	vor.u32 @!p2 s17, v24  }
0xc9: {  	s21 =	simm.s32 @!p2 $0xDD80;
	s31 =	simm.s32 @!p2 $0xDD00;
	s17 =	simm.s32 @!p2 $0x20;
	[tilespmem:$0xDD90] =	vst @!p2 v23  }
0xca: {  	[spmem:s2] =	stream.indirect.scatter.add.f32 @!p2 [tilespmem:s31], [sflag:$0x2], $0x1, s21, s17, $0xb8;
	[tilespmem:$0xEE00] =	vst v63  }
0xcb: {  	s17 =	simm.s32 @!p2 $0x2  }
0xcc: {  	_ =	swait.ge @!p2 [sflag:s17], $0x20  }
0xcd: {  	(v2sf) =	vpush v20, $0x6;
	_ =	sdelay $0xc  }
0xce: {  	p5 =	sne.s32 s30, s1  }
0xcf: {  	v21 =	vpsel p5, $0x0, v21;
	v23 =	vsel vm7, $0x0, v19  }
0xd0: {  	v21 =	vadd.f32 v21, v23;
	s1 =	spop (v2sf)  }
0xd1: {  	p1 =	seq.s32 s1, s30  }
0xd2: {  	(xrf2) =	vadd.scan.msk.f32 @!p1 $0xffff, v21;
	_ =	sdelay $0x5  }
0xd3: {  	[sflag:s17] =	ssyncset.done @!p2 $0x0  }
0xd4: {  	[sflag:s17] =	ssyncadd.s32 @!p2 $0xFFFFFFE0  }
0xd5: {  	s16 =	simm.s32 @!p2 $0x0;
	v23 =	vld [tilespmem:s25+$0xFFFFFFD0]  }
0xd6: {  	v56 =	vperm.xlane v18, v6;
	s16 =	sadd.s32 $0x1, s16  }
0xd7: {  	v22 =	vpsel p5, $0x0, v22;
	s17 =	scvt.s32.f32 @!p1 s16;
	v25, _, _ =	vpop @!p1 (xrf2)  }
0xd8: {  	v24 =	vadd.f32 v56, v22;
	v25 =	vbroadcast @!p1 v25, $0xF  }
0xd9: {  	vm3 =	vmmov @!p1 $0x1;
	vm4 =	vcmask @!p1 $0x704;
	v26 =	vmov @!p1 s17  }
0xda: {  	v25 =	vnsel @!p1 vm3, $0x0, v25;
	vm3 =	veq.s32 v23, $0x0;
	v23 =	vnsel @!p1 vm4, $0x0, v26  }
0xdb: {  	v22 =	vsel vm3, v22, v24;
	v23 =	vadd.f32 @!p1 v23, v25  }
0xdc: {  	s17 =	sshll.u32 @!p1 s30, $0x5;
	v24 =	vlaneseq.u32 @!p1;
	[tilespmem:$0xDD00] =	vst @!p1 v22  }
0xdd: {  	[tilespmem:$0xDD10] =	vst @!p1 v23;
	v23 =	vor.u32 @!p1 s17, v24;
	s17 =	sor.u32 @!p1 $0x10, s17  }
0xde: {  	[tilespmem:$0xDD80] =	vst @!p1 v23;
	v23 =	vor.u32 @!p1 s17, v24  }
0xdf: {  	s21 =	simm.s32 @!p1 $0xDD80;
	s31 =	simm.s32 @!p1 $0xDD00;
	s17 =	simm.s32 @!p1 $0x20;
	[tilespmem:$0xDD90] =	vst @!p1 v23  }
0xe0: {  	[spmem:s2] =	stream.indirect.scatter.add.f32 @!p1 [tilespmem:s31], [sflag:$0x2], $0x1, s21, s17, $0xb8;
	[tilespmem:$0xEE00] =	vst v63  }
0xe1: {  	s17 =	simm.s32 @!p1 $0x2  }
0xe2: {  	_ =	swait.ge @!p1 [sflag:s17], $0x20  }
0xe3: {  	(v2sf) =	vpush v20, $0x7;
	_ =	sdelay $0xc  }
0xe4: {  	p6 =	sne.s32 s1, s30  }
0xe5: {  	v21 =	vpsel p6, $0x0, v21;
	v23 =	vsel vm8, $0x0, v19  }
0xe6: {  	v21 =	vadd.f32 v21, v23;
	s30 =	spop (v2sf)  }
0xe7: {  	p2 =	seq.s32 s30, s1  }
0xe8: {  	(xrf2) =	vadd.scan.msk.f32 @!p2 $0xffff, v21;
	_ =	sdelay $0x5  }
0xe9: {  	[sflag:s17] =	ssyncset.done @!p1 $0x0  }
0xea: {  	[sflag:s17] =	ssyncadd.s32 @!p1 $0xFFFFFFE0  }
0xeb: {  	s16 =	simm.s32 @!p1 $0x0;
	v23 =	vld [tilespmem:s25+$0xFFFFFFE0]  }
0xec: {  	v57 =	vperm.xlane v18, v7;
	s16 =	sadd.s32 $0x1, s16  }
0xed: {  	v22 =	vpsel p6, $0x0, v22;
	s17 =	scvt.s32.f32 @!p2 s16;
	v25, _, _ =	vpop @!p2 (xrf2)  }
0xee: {  	v24 =	vadd.f32 v57, v22;
	v25 =	vbroadcast @!p2 v25, $0xF  }
0xef: {  	vm3 =	vmmov @!p2 $0x1;
	vm4 =	vcmask @!p2 $0x704;
	v26 =	vmov @!p2 s17  }
0xf0: {  	v25 =	vnsel @!p2 vm3, $0x0, v25;
	vm3 =	veq.s32 v23, $0x0;
	v23 =	vnsel @!p2 vm4, $0x0, v26  }
0xf1: {  	v22 =	vsel vm3, v22, v24;
	v23 =	vadd.f32 @!p2 v23, v25  }
0xf2: {  	s17 =	sshll.u32 @!p2 s1, $0x5;
	v24 =	vlaneseq.u32 @!p2;
	[tilespmem:$0xDD00] =	vst @!p2 v22  }
0xf3: {  	[tilespmem:$0xDD10] =	vst @!p2 v23;
	v23 =	vor.u32 @!p2 s17, v24;
	s17 =	sor.u32 @!p2 $0x10, s17  }
0xf4: {  	[tilespmem:$0xDD80] =	vst @!p2 v23;
	v23 =	vor.u32 @!p2 s17, v24  }
0xf5: {  	s21 =	simm.s32 @!p2 $0xDD80;
	s31 =	simm.s32 @!p2 $0xDD00;
	s17 =	simm.s32 @!p2 $0x20;
	[tilespmem:$0xDD90] =	vst @!p2 v23  }
0xf6: {  	[spmem:s2] =	stream.indirect.scatter.add.f32 @!p2 [tilespmem:s31], [sflag:$0x2], $0x1, s21, s17, $0xb8;
	[tilespmem:$0xEE00] =	vst v63  }
0xf7: {  	s17 =	simm.s32 @!p2 $0x2  }
0xf8: {  	_ =	swait.ge @!p2 [sflag:s17], $0x20  }
0xf9: {  	(v2sf) =	vpush v20, $0x8;
	_ =	sdelay $0xc  }
0xfa: {  	p4 =	sne.s32 s30, s1  }
0xfb: {  	v21 =	vpsel p4, $0x0, v21;
	v23 =	vsel vm9, $0x0, v19  }
0xfc: {  	v21 =	vadd.f32 v21, v23;
	s1 =	spop (v2sf)  }
0xfd: {  	p1 =	seq.s32 s1, s30  }
0xfe: {  	(xrf2) =	vadd.scan.msk.f32 @!p1 $0xffff, v21;
	_ =	sdelay $0x5  }
0xff: {  	[sflag:s17] =	ssyncset.done @!p2 $0x0  }
0x100: {  	[sflag:s17] =	ssyncadd.s32 @!p2 $0xFFFFFFE0  }
0x101: {  	s16 =	simm.s32 @!p2 $0x0;
	v23 =	vld [tilespmem:s25+$0xFFFFFFF0]  }
0x102: {  	v58 =	vperm.xlane v18, v8;
	s16 =	sadd.s32 $0x1, s16  }
0x103: {  	v22 =	vpsel p4, $0x0, v22;
	s17 =	scvt.s32.f32 @!p1 s16;
	v25, _, _ =	vpop @!p1 (xrf2)  }
0x104: {  	v24 =	vadd.f32 v58, v22;
	v25 =	vbroadcast @!p1 v25, $0xF  }
0x105: {  	vm3 =	vmmov @!p1 $0x1;
	vm4 =	vcmask @!p1 $0x704;
	v26 =	vmov @!p1 s17  }
0x106: {  	v25 =	vnsel @!p1 vm3, $0x0, v25;
	vm3 =	veq.s32 v23, $0x0;
	v23 =	vnsel @!p1 vm4, $0x0, v26  }
0x107: {  	v22 =	vsel vm3, v22, v24;
	v23 =	vadd.f32 @!p1 v23, v25  }
0x108: {  	s17 =	sshll.u32 @!p1 s30, $0x5;
	v24 =	vlaneseq.u32 @!p1;
	[tilespmem:$0xDD00] =	vst @!p1 v22  }
0x109: {  	[tilespmem:$0xDD10] =	vst @!p1 v23;
	v23 =	vor.u32 @!p1 s17, v24;
	s17 =	sor.u32 @!p1 $0x10, s17  }
0x10a: {  	[tilespmem:$0xDD80] =	vst @!p1 v23;
	v23 =	vor.u32 @!p1 s17, v24  }
0x10b: {  	s21 =	simm.s32 @!p1 $0xDD80;
	s31 =	simm.s32 @!p1 $0xDD00;
	s17 =	simm.s32 @!p1 $0x20;
	[tilespmem:$0xDD90] =	vst @!p1 v23  }
0x10c: {  	[spmem:s2] =	stream.indirect.scatter.add.f32 @!p1 [tilespmem:s31], [sflag:$0x2], $0x1, s21, s17, $0xb8;
	[tilespmem:$0xEE00] =	vst v63  }
0x10d: {  	s17 =	simm.s32 @!p1 $0x2  }
0x10e: {  	_ =	swait.ge @!p1 [sflag:s17], $0x20  }
0x10f: {  	(v2sf) =	vpush v20, $0x9;
	_ =	sdelay $0xc  }
0x110: {  	p5 =	sne.s32 s1, s30  }
0x111: {  	v21 =	vpsel p5, $0x0, v21;
	v23 =	vsel vm10, $0x0, v19  }
0x112: {  	v21 =	vadd.f32 v21, v23;
	s30 =	spop (v2sf)  }
0x113: {  	p2 =	seq.s32 s30, s1  }
0x114: {  	(xrf2) =	vadd.scan.msk.f32 @!p2 $0xffff, v21;
	_ =	sdelay $0x5  }
0x115: {  	[sflag:s17] =	ssyncset.done @!p1 $0x0  }
0x116: {  	[sflag:s17] =	ssyncadd.s32 @!p1 $0xFFFFFFE0  }
0x117: {  	s16 =	simm.s32 @!p1 $0x0;
	v23 =	vld [tilespmem:s25+$0x0]  }
0x118: {  	v59 =	vperm.xlane v18, v9;
	s16 =	sadd.s32 $0x1, s16  }
0x119: {  	v22 =	vpsel p5, $0x0, v22;
	s17 =	scvt.s32.f32 @!p2 s16;
	v25, _, _ =	vpop @!p2 (xrf2)  }
0x11a: {  	v24 =	vadd.f32 v59, v22;
	v25 =	vbroadcast @!p2 v25, $0xF  }
0x11b: {  	vm3 =	vmmov @!p2 $0x1;
	vm4 =	vcmask @!p2 $0x704;
	v26 =	vmov @!p2 s17  }
0x11c: {  	v25 =	vnsel @!p2 vm3, $0x0, v25;
	vm3 =	veq.s32 v23, $0x0;
	v23 =	vnsel @!p2 vm4, $0x0, v26  }
0x11d: {  	v22 =	vsel vm3, v22, v24;
	v23 =	vadd.f32 @!p2 v23, v25  }
0x11e: {  	s17 =	sshll.u32 @!p2 s1, $0x5;
	v24 =	vlaneseq.u32 @!p2;
	[tilespmem:$0xDD00] =	vst @!p2 v22  }
0x11f: {  	[tilespmem:$0xDD10] =	vst @!p2 v23;
	v23 =	vor.u32 @!p2 s17, v24;
	s17 =	sor.u32 @!p2 $0x10, s17  }
0x120: {  	[tilespmem:$0xDD80] =	vst @!p2 v23;
	v23 =	vor.u32 @!p2 s17, v24  }
0x121: {  	s21 =	simm.s32 @!p2 $0xDD80;
	s31 =	simm.s32 @!p2 $0xDD00;
	s17 =	simm.s32 @!p2 $0x20;
	[tilespmem:$0xDD90] =	vst @!p2 v23  }
0x122: {  	[spmem:s2] =	stream.indirect.scatter.add.f32 @!p2 [tilespmem:s31], [sflag:$0x2], $0x1, s21, s17, $0xb8;
	[tilespmem:$0xEE00] =	vst v63  }
0x123: {  	s17 =	simm.s32 @!p2 $0x2  }
0x124: {  	_ =	swait.ge @!p2 [sflag:s17], $0x20  }
0x125: {  	(v2sf) =	vpush v20, $0xA;
	_ =	sdelay $0xc  }
0x126: {  	p6 =	sne.s32 s30, s1  }
0x127: {  	v21 =	vpsel p6, $0x0, v21;
	v23 =	vsel vm11, $0x0, v19  }
0x128: {  	v21 =	vadd.f32 v21, v23;
	s1 =	spop (v2sf)  }
0x129: {  	p1 =	seq.s32 s1, s30  }
0x12a: {  	(xrf2) =	vadd.scan.msk.f32 @!p1 $0xffff, v21;
	_ =	sdelay $0x5  }
0x12b: {  	[sflag:s17] =	ssyncset.done @!p2 $0x0  }
0x12c: {  	[sflag:s17] =	ssyncadd.s32 @!p2 $0xFFFFFFE0  }
0x12d: {  	s16 =	simm.s32 @!p2 $0x0;
	v23 =	vld [tilespmem:s25+$0x10]  }
0x12e: {  	v60 =	vperm.xlane v18, v10;
	s16 =	sadd.s32 $0x1, s16  }
0x12f: {  	v22 =	vpsel p6, $0x0, v22;
	s17 =	scvt.s32.f32 @!p1 s16;
	v25, _, _ =	vpop @!p1 (xrf2)  }
0x130: {  	v24 =	vadd.f32 v60, v22;
	v25 =	vbroadcast @!p1 v25, $0xF  }
0x131: {  	vm3 =	vmmov @!p1 $0x1;
	vm4 =	vcmask @!p1 $0x704;
	v26 =	vmov @!p1 s17  }
0x132: {  	v25 =	vnsel @!p1 vm3, $0x0, v25;
	vm3 =	veq.s32 v23, $0x0;
	v23 =	vnsel @!p1 vm4, $0x0, v26  }
0x133: {  	v22 =	vsel vm3, v22, v24;
	v23 =	vadd.f32 @!p1 v23, v25  }
0x134: {  	s17 =	sshll.u32 @!p1 s30, $0x5;
	v24 =	vlaneseq.u32 @!p1;
	[tilespmem:$0xDD00] =	vst @!p1 v22  }
0x135: {  	[tilespmem:$0xDD10] =	vst @!p1 v23;
	v23 =	vor.u32 @!p1 s17, v24;
	s17 =	sor.u32 @!p1 $0x10, s17  }
0x136: {  	[tilespmem:$0xDD80] =	vst @!p1 v23;
	v23 =	vor.u32 @!p1 s17, v24  }
0x137: {  	s21 =	simm.s32 @!p1 $0xDD80;
	s31 =	simm.s32 @!p1 $0xDD00;
	s17 =	simm.s32 @!p1 $0x20;
	[tilespmem:$0xDD90] =	vst @!p1 v23  }
0x138: {  	[spmem:s2] =	stream.indirect.scatter.add.f32 @!p1 [tilespmem:s31], [sflag:$0x2], $0x1, s21, s17, $0xb8;
	[tilespmem:$0xEE00] =	vst v63  }
0x139: {  	s17 =	simm.s32 @!p1 $0x2  }
0x13a: {  	_ =	swait.ge @!p1 [sflag:s17], $0x20  }
0x13b: {  	(v2sf) =	vpush v20, $0xB;
	_ =	sdelay $0xc  }
0x13c: {  	p4 =	sne.s32 s1, s30  }
0x13d: {  	v21 =	vpsel p4, $0x0, v21;
	v23 =	vsel vm12, $0x0, v19  }
0x13e: {  	v21 =	vadd.f32 v21, v23;
	s30 =	spop (v2sf)  }
0x13f: {  	p2 =	seq.s32 s30, s1  }
0x140: {  	(xrf2) =	vadd.scan.msk.f32 @!p2 $0xffff, v21;
	_ =	sdelay $0x5  }
0x141: {  	[sflag:s17] =	ssyncset.done @!p1 $0x0  }
0x142: {  	[sflag:s17] =	ssyncadd.s32 @!p1 $0xFFFFFFE0  }
0x143: {  	s16 =	simm.s32 @!p1 $0x0;
	v23 =	vld [tilespmem:s25+$0x20]  }
0x144: {  	v61 =	vperm.xlane v18, v11;
	s16 =	sadd.s32 $0x1, s16  }
0x145: {  	v22 =	vpsel p4, $0x0, v22;
	s17 =	scvt.s32.f32 @!p2 s16;
	v25, _, _ =	vpop @!p2 (xrf2)  }
0x146: {  	v24 =	vadd.f32 v61, v22;
	v25 =	vbroadcast @!p2 v25, $0xF  }
0x147: {  	vm3 =	vmmov @!p2 $0x1;
	vm4 =	vcmask @!p2 $0x704;
	v26 =	vmov @!p2 s17  }
0x148: {  	v25 =	vnsel @!p2 vm3, $0x0, v25;
	vm3 =	veq.s32 v23, $0x0;
	v23 =	vnsel @!p2 vm4, $0x0, v26  }
0x149: {  	v22 =	vsel vm3, v22, v24;
	v23 =	vadd.f32 @!p2 v23, v25  }
0x14a: {  	s17 =	sshll.u32 @!p2 s1, $0x5;
	v24 =	vlaneseq.u32 @!p2;
	[tilespmem:$0xDD00] =	vst @!p2 v22  }
0x14b: {  	[tilespmem:$0xDD10] =	vst @!p2 v23;
	v23 =	vor.u32 @!p2 s17, v24;
	s17 =	sor.u32 @!p2 $0x10, s17  }
0x14c: {  	[tilespmem:$0xDD80] =	vst @!p2 v23;
	v23 =	vor.u32 @!p2 s17, v24  }
0x14d: {  	s21 =	simm.s32 @!p2 $0xDD80;
	s31 =	simm.s32 @!p2 $0xDD00;
	s17 =	simm.s32 @!p2 $0x20;
	[tilespmem:$0xDD90] =	vst @!p2 v23  }
0x14e: {  	[spmem:s2] =	stream.indirect.scatter.add.f32 @!p2 [tilespmem:s31], [sflag:$0x2], $0x1, s21, s17, $0xb8;
	[tilespmem:$0xEE00] =	vst v63  }
0x14f: {  	s17 =	simm.s32 @!p2 $0x2  }
0x150: {  	_ =	swait.ge @!p2 [sflag:s17], $0x20  }
0x151: {  	(v2sf) =	vpush v20, $0xC;
	_ =	sdelay $0xc  }
0x152: {  	p5 =	sne.s32 s30, s1  }
0x153: {  	v21 =	vpsel p5, $0x0, v21;
	v23 =	vsel vm13, $0x0, v19  }
0x154: {  	v21 =	vadd.f32 v21, v23;
	s1 =	spop (v2sf)  }
0x155: {  	p1 =	seq.s32 s1, s30  }
0x156: {  	(xrf2) =	vadd.scan.msk.f32 @!p1 $0xffff, v21;
	_ =	sdelay $0x5  }
0x157: {  	[sflag:s17] =	ssyncset.done @!p2 $0x0  }
0x158: {  	[sflag:s17] =	ssyncadd.s32 @!p2 $0xFFFFFFE0  }
0x159: {  	s16 =	simm.s32 @!p2 $0x0;
	v23 =	vld [tilespmem:s25+$0x30]  }
0x15a: {  	v62 =	vperm.xlane v18, v12;
	s16 =	sadd.s32 $0x1, s16  }
0x15b: {  	v22 =	vpsel p5, $0x0, v22;
	s17 =	scvt.s32.f32 @!p1 s16;
	v25, _, _ =	vpop @!p1 (xrf2)  }
0x15c: {  	v24 =	vadd.f32 v62, v22;
	v25 =	vbroadcast @!p1 v25, $0xF  }
0x15d: {  	vm3 =	vmmov @!p1 $0x1;
	vm4 =	vcmask @!p1 $0x704;
	v26 =	vmov @!p1 s17  }
0x15e: {  	v25 =	vnsel @!p1 vm3, $0x0, v25;
	vm3 =	veq.s32 v23, $0x0;
	v23 =	vnsel @!p1 vm4, $0x0, v26  }
0x15f: {  	v22 =	vsel vm3, v22, v24;
	v23 =	vadd.f32 @!p1 v23, v25  }
0x160: {  	s17 =	sshll.u32 @!p1 s30, $0x5;
	v24 =	vlaneseq.u32 @!p1;
	[tilespmem:$0xDD00] =	vst @!p1 v22  }
0x161: {  	[tilespmem:$0xDD10] =	vst @!p1 v23;
	v23 =	vor.u32 @!p1 s17, v24;
	s17 =	sor.u32 @!p1 $0x10, s17  }
0x162: {  	[tilespmem:$0xDD80] =	vst @!p1 v23;
	v23 =	vor.u32 @!p1 s17, v24  }
0x163: {  	s21 =	simm.s32 @!p1 $0xDD80;
	s31 =	simm.s32 @!p1 $0xDD00;
	s17 =	simm.s32 @!p1 $0x20;
	[tilespmem:$0xDD90] =	vst @!p1 v23  }
0x164: {  	[spmem:s2] =	stream.indirect.scatter.add.f32 @!p1 [tilespmem:s31], [sflag:$0x2], $0x1, s21, s17, $0xb8;
	[tilespmem:$0xEE00] =	vst v63  }
0x165: {  	s17 =	simm.s32 @!p1 $0x2  }
0x166: {  	_ =	swait.ge @!p1 [sflag:s17], $0x20  }
0x167: {  	(v2sf) =	vpush v20, $0xD;
	_ =	sdelay $0xc  }
0x168: {  	p6 =	sne.s32 s1, s30  }
0x169: {  	v21 =	vpsel p6, $0x0, v21;
	v23 =	vsel vm14, $0x0, v19  }
0x16a: {  	v21 =	vadd.f32 v21, v23;
	s30 =	spop (v2sf)  }
0x16b: {  	p2 =	seq.s32 s30, s1  }
0x16c: {  	(xrf2) =	vadd.scan.msk.f32 @!p2 $0xffff, v21;
	_ =	sdelay $0x5  }
0x16d: {  	[sflag:s17] =	ssyncset.done @!p1 $0x0  }
0x16e: {  	[sflag:s17] =	ssyncadd.s32 @!p1 $0xFFFFFFE0  }
0x16f: {  	s16 =	simm.s32 @!p1 $0x0;
	v23 =	vld [tilespmem:s25+$0x40]  }
0x170: {  	v63 =	vperm.xlane v18, v13;
	s16 =	sadd.s32 $0x1, s16  }
0x171: {  	v22 =	vpsel p6, $0x0, v22;
	s17 =	scvt.s32.f32 @!p2 s16;
	v25, _, _ =	vpop @!p2 (xrf2)  }
0x172: {  	v24 =	vadd.f32 v63, v22;
	v25 =	vbroadcast @!p2 v25, $0xF  }
0x173: {  	vm3 =	vmmov @!p2 $0x1;
	vm4 =	vcmask @!p2 $0x704;
	v26 =	vmov @!p2 s17  }
0x174: {  	v25 =	vnsel @!p2 vm3, $0x0, v25;
	vm3 =	veq.s32 v23, $0x0;
	v23 =	vnsel @!p2 vm4, $0x0, v26  }
0x175: {  	v22 =	vsel vm3, v22, v24;
	v23 =	vadd.f32 @!p2 v23, v25  }
0x176: {  	s17 =	sshll.u32 @!p2 s1, $0x5;
	v24 =	vlaneseq.u32 @!p2;
	[tilespmem:$0xDD00] =	vst @!p2 v22  }
0x177: {  	[tilespmem:$0xDD10] =	vst @!p2 v23;
	v23 =	vor.u32 @!p2 s17, v24;
	s17 =	sor.u32 @!p2 $0x10, s17  }
0x178: {  	[tilespmem:$0xDD80] =	vst @!p2 v23;
	v23 =	vor.u32 @!p2 s17, v24  }
0x179: {  	s21 =	simm.s32 @!p2 $0xDD80;
	s31 =	simm.s32 @!p2 $0xDD00;
	s17 =	simm.s32 @!p2 $0x20;
	[tilespmem:$0xDD90] =	vst @!p2 v23  }
0x17a: {  	[spmem:s2] =	stream.indirect.scatter.add.f32 @!p2 [tilespmem:s31], [sflag:$0x2], $0x1, s21, s17, $0xb8;
	[tilespmem:$0xEE00] =	vst v63  }
0x17b: {  	s17 =	simm.s32 @!p2 $0x2  }
0x17c: {  	_ =	swait.ge @!p2 [sflag:s17], $0x20  }
0x17d: {  	(v2sf) =	vpush v20, $0xE;
	_ =	sdelay $0xc  }
0x17e: {  	p4 =	sne.s32 s30, s1  }
0x17f: {  	v20 =	vpsel p4, $0x0, v21;
	v21 =	vsel vm15, $0x0, v19  }
0x180: {  	v20 =	vadd.f32 v20, v21;
	s1 =	spop (v2sf)  }
0x181: {  	p1 =	seq.s32 s1, s30  }
0x182: {  	(xrf2) =	vadd.scan.msk.f32 @!p1 $0xffff, v20;
	_ =	sdelay $0x5  }
0x183: {  	[sflag:s17] =	ssyncset.done @!p2 $0x0  }
0x184: {  	[sflag:s17] =	ssyncadd.s32 @!p2 $0xFFFFFFE0  }
0x185: {  	s16 =	simm.s32 @!p2 $0x0;
	v21 =	vld [tilespmem:s25+$0x50]  }
0x186: {  	s16 =	sadd.s32 $0x1, s16;
	v23 =	vperm.xlane v18, v14  }
0x187: {  	v22 =	vpsel p4, $0x0, v22;
	s17 =	scvt.s32.f32 @!p1 s16;
	v24, _, _ =	vpop @!p1 (xrf2)  }
0x188: {  	v23 =	vadd.f32 v23, v22;
	v24 =	vbroadcast @!p1 v24, $0xF  }
0x189: {  	vm3 =	vmmov @!p1 $0x1;
	vm4 =	vcmask @!p1 $0x704;
	v25 =	vmov @!p1 s17  }
0x18a: {  	v24 =	vnsel @!p1 vm3, $0x0, v24;
	vm3 =	veq.s32 v21, $0x0;
	v21 =	vnsel @!p1 vm4, $0x0, v25  }
0x18b: {  	v22 =	vsel vm3, v22, v23;
	v21 =	vadd.f32 @!p1 v21, v24  }
0x18c: {  	s17 =	sshll.u32 @!p1 s30, $0x5;
	v23 =	vlaneseq.u32 @!p1;
	[tilespmem:$0xDD00] =	vst @!p1 v22  }
0x18d: {  	[tilespmem:$0xDD10] =	vst @!p1 v21;
	v21 =	vor.u32 @!p1 s17, v23;
	s17 =	sor.u32 @!p1 $0x10, s17  }
0x18e: {  	p5 =	sne.s32 s1, s30;
	[tilespmem:$0xDD80] =	vst @!p1 v21;
	v21 =	vor.u32 @!p1 s17, v23  }
0x18f: {  	s21 =	simm.s32 @!p1 $0xDD80;
	s31 =	simm.s32 @!p1 $0xDD00;
	s17 =	simm.s32 @!p1 $0x20;
	[tilespmem:$0xDD90] =	vst @!p1 v21  }
0x190: {  	v20 =	vpsel p5, $0x0, v20;
	v21 =	vsel vm1, $0x0, v19;
	[spmem:s2] =	stream.indirect.scatter.add.f32 @!p1 [tilespmem:s31], [sflag:$0x2], $0x1, s21, s17, $0xb8;
	[tilespmem:$0xEE00] =	vst v63  }
0x191: {  	s17 =	simm.s32 @!p1 $0x2;
	v20 =	vadd.f32 v20, v21  }
0x192: {  	p2 =	seq.s32 s15, s1;
	_ =	swait.ge @!p1 [sflag:s17], $0x20  }
0x193: {  	(xrf2) =	vadd.scan.msk.f32 @!p2 $0xffff, v20;
	_ =	sdelay $0x5  }
0x194: {  	[sflag:s17] =	ssyncset.done @!p1 $0x0  }
0x195: {  	[sflag:s17] =	ssyncadd.s32 @!p1 $0xFFFFFFE0  }
0x196: {  	s16 =	simm.s32 @!p1 $0x0;
	v21 =	vld [tilespmem:s25+$0x60]  }
0x197: {  	s16 =	sadd.s32 $0x1, s16  }
0x198: {  	v23 =	vperm.xlane v18, v15;
	s17 =	scvt.s32.f32 @!p2 s16;
	v24, _, _ =	vpop @!p2 (xrf2)  }
0x199: {  	vm4 =	vcmask @!p2 $0x704;
	v22 =	vpsel p5, $0x0, v22;
	v24 =	vbroadcast @!p2 v24, $0xF  }
0x19a: {  	vm3 =	vmmov @!p2 $0x1;
	v23 =	vadd.f32 v23, v22;
	v25 =	vmov @!p2 s17  }
0x19b: {  	v25 =	vnsel @!p2 vm4, $0x0, v25;
	v24 =	vnsel @!p2 vm3, $0x0, v24;
	vm3 =	veq.s32 v21, $0x0  }
0x19c: {  	v21 =	vsel vm3, v22, v23;
	v22 =	vadd.f32 @!p2 v25, v24  }
0x19d: {  	s17 =	sshll.u32 @!p2 s1, $0x5;
	v23 =	vlaneseq.u32 @!p2;
	[tilespmem:$0xDD00] =	vst @!p2 v21  }
0x19e: {  	[tilespmem:$0xDD10] =	vst @!p2 v22;
	v22 =	vor.u32 @!p2 s17, v23;
	s17 =	sor.u32 @!p2 $0x10, s17  }
0x19f: {  	[tilespmem:$0xDD80] =	vst @!p2 v22;
	v22 =	vor.u32 @!p2 s17, v23  }
0x1a0: {  	s30 =	simm.s32 @!p2 $0xDD00;
	s21 =	simm.s32 @!p2 $0xDD80;
	s17 =	simm.s32 @!p2 $0x20;
	[tilespmem:$0xDD90] =	vst @!p2 v22  }
0x1a1: {  	[spmem:s2] =	stream.indirect.scatter.add.f32 @!p2 [tilespmem:s30], [sflag:$0x2], $0x1, s21, s17, $0xb8;
	[tilespmem:$0xEE00] =	vst v63  }
0x1a2: {  	s17 =	simm.s32 @!p2 $0x2  }
0x1a3: {  	_ =	swait.ge @!p2 [sflag:s17], $0x20  }
0x1a4: {  	[sflag:s17] =	ssyncset.done @!p2 $0x0  }
0x1a5: {  	[sflag:s17] =	ssyncadd.s32 @!p2 $0xFFFFFFE0  }
0x1a6: {  	v22 =	vld [tilespmem:s25+$0x70];
	_ =	sdelay $0x1  }
0x1a7: {  	p6 =	sne.s32 s15, s1;
	v18 =	vperm.xlane v18, v16  }
0x1a8: {  	v21 =	vpsel p6, $0x0, v21  }
0x1a9: {  	v18 =	vadd.f32 v18, v21  }
0x1aa: {  	v19 =	vsel vm2, $0x0, v19;
	v20 =	vpsel p6, $0x0, v20;
	vm3 =	veq.s32 v22, $0x0  }
0x1ab: {  	s16 =	simm.s32 @!p2 $0x0;
	v22 =	vsel vm3, v21, v18;
	v21 =	vadd.f32 v20, v19  }
0x1ac: {  	s31 =	sadd.s32 $0x1, s16  }
.LBB2_7:
0x1ad: {  	s29 =	sadd.s32 $0xFFFFFFFF, s29  }
0x1ae: {  	p1 =	sne.s32 s29, $0x0  }
.Ltmp4:
0x1af: {  	_ = 	snop;
	(pc) =	sbr.rel @!p1 .LBB2_8-.Ltmp4, $3  }
0x1b0: {  	_ =	sdelay $0x1  }
0x1b1: {  	s28 =	sadd.s32 $0x10, s28  }
0x1b2: {  	s26 =	sadd.s32 $0x10, s26;
	s25 =	sadd.s32 $0x100, s25;
	s30 =	smov.u32 s15  }
.LBB2_4:
0x1b3: {  	v18 =	vld [tilespmem:s28+$0x0];
	_ =	sdelay $0x4  }
0x1b4: {  	v19 =	vand.u32 $0x7FFFFFFF, v18  }
0x1b5: {  	v19 =	vsub.f32 $0.0e+00, v19;
	_ =	sdelay $0x1  }
0x1b6: {  	v19 =	vmul.f32 $1.442695020e+00, v19;
	_ =	sdelay $0x1  }
0x1b7: {  	(erf) = vpow2.f32 v19;
	_ =	sdelay $0x6  }
0x1b8: {  	v20 =	vld [tilespmem:s26+$0x0];
	_ =	sdelay $0x1  }
0x1b9: {  	v19 =	vpop (erf)  }
0x1ba: {  	v23 =	vmul.f32 $-1.720806020e-02, v19;
	_ =	sdelay $0x1  }
0x1bb: {  	(v2sf) =	vpush v20, $0x0;
	v23 =	vadd.f32 $8.172681180e-02, v23  }
0x1bc: {  	(v2sf) =	vpush v20, $0xF  }
0x1bd: {  	v23 =	vmul.f32 v23, v19;
	_ =	sdelay $0x1  }
0x1be: {  	v23 =	vadd.f32 $-1.887826770e-01, v23;
	_ =	sdelay $0x1  }
0x1bf: {  	v23 =	vmul.f32 v23, v19;
	_ =	sdelay $0x1  }
0x1c0: {  	v23 =	vadd.f32 $3.145905440e-01, v23;
	_ =	sdelay $0x1  }
0x1c1: {  	v23 =	vmul.f32 v23, v19;
	_ =	sdelay $0x1  }
0x1c2: {  	v23 =	vadd.f32 $-4.969779250e-01, v23;
	_ =	sdelay $0x1  }
0x1c3: {  	v23 =	vmul.f32 v23, v19  }
0x1c4: {  	s1 =	spop (v2sf)  }
0x1c5: {  	s15 =	spop (v2sf);
	v23 =	vadd.f32 $9.997924560e-01, v23  }
0x1c6: {  	p2 =	sne.s32 s1, s15  }
.Ltmp5:
0x1c7: {  	v19 =	vmul.f32 v23, v19;
	(pc) =	sbr.rel @p2 .LBB2_6-.Ltmp5, $4  }
0x1c8: {  	_ = 	snop  }
0x1c9: {  	v19 =	vadd.f32 $3.507552040e-06, v19  }
0x1ca: {  	p1 =	seq.s32 s1, s30;
	v23 =	vmax.f32 v18, $0.0e+00  }
0x1cb: {  	s17 =	scvt.s32.f32 @!p1 s31;
	s16 =	sshll.u32 @!p1 s30, $0x5;
	vm3 =	vcmask @!p1 $0x704;
	s31 =	simm.s32 @!p1 $0x0;
	v19 =	vadd.f32 v19, v23  }
0x1cc: {  	_ = 	snop  }
0x1cd: {  	(xrf2) =	vadd.scan.msk.f32 @!p1 $0xffff, v21;
	_ =	sdelay $0x9  }
0x1ce: {  	v20, _, _ =	vpop @!p1 (xrf2)  }
0x1cf: {  	v20 =	vbroadcast @!p1 v20, $0xF  }
0x1d0: {  	vm4 =	vmmov @!p1 $0x1;
	v23 =	vmov @!p1 s17  }
0x1d1: {  	v23 =	vnsel @!p1 vm3, $0x0, v23;
	v20 =	vnsel @!p1 vm4, $0x0, v20  }
0x1d2: {  	v20 =	vadd.f32 @!p1 v20, v23  }
0x1d3: {  	[tilespmem:$0xDD00] =	vst @!p1 v22;
	v23 =	vlaneseq.u32 @!p1  }
0x1d4: {  	[tilespmem:$0xDD10] =	vst @!p1 v20;
	v20 =	vor.u32 @!p1 s16, v23;
	s16 =	sor.u32 @!p1 $0x10, s16  }
0x1d5: {  	[tilespmem:$0xDD80] =	vst @!p1 v20;
	v20 =	vor.u32 @!p1 s16, v23  }
0x1d6: {  	s21 =	simm.s32 @!p1 $0xDD00;
	s17 =	simm.s32 @!p1 $0xDD80;
	s16 =	simm.s32 @!p1 $0x20;
	[tilespmem:$0xDD90] =	vst @!p1 v20  }
0x1d7: {  	[spmem:s2] =	stream.indirect.scatter.add.f32 @!p1 [tilespmem:s21], [sflag:$0x2], $0x1, s17, s16, $0xb8;
	[tilespmem:$0xEE00] =	vst v63  }
0x1d8: {  	s16 =	simm.s32 @!p1 $0x2  }
0x1d9: {  	_ =	swait.ge @!p1 [sflag:s16], $0x20  }
0x1da: {  	[sflag:s16] =	ssyncset.done @!p1 $0x0  }
0x1db: {  	[sflag:s16] =	ssyncadd.s32 @!p1 $0xFFFFFFE0  }
0x1dc: {  	v20 =	vld [tilespmem:s25+$0xFFFFFF80]  }
0x1dd: {  	v23 =	vld [tilespmem:s25+$0xFFFFFF90];
	_ =	sdelay $0x1  }
0x1de: {  	p6 =	sne.s32 s1, s30;
	v24 =	vperm.xlane v18, v1;
	v25 =	vperm.xlane v18, v2;
	v26 =	vld [tilespmem:s25+$0xFFFFFFA0]  }
0x1df: {  	v22 =	vpsel p6, $0x0, v22;
	v27 =	vld [tilespmem:s25+$0xFFFFFFB0]  }
0x1e0: {  	v43 =	vadd.f32 $0.0e+00, v25;
	vm3 =	veq.s32 v20, $0x0;
	v20 =	vadd.f32 v24, v22  }
0x1e1: {  	v44 =	vperm.xlane v18, v4;
	v28 =	vld [tilespmem:s25+$0xFFFFFFC0];
	vm4 =	veq.s32 v23, $0x0;
	v23 =	vperm.xlane v18, v3  }
0x1e2: {  	v45 =	vld [tilespmem:s25+$0xFFFFFFD0];
	v20 =	vsel vm3, v22, v20;
	v22 =	vsel vm4, $0x0, v43  }
0x1e3: {  	v46 =	vperm.xlane v18, v5;
	v23 =	vadd.f32 v23, v20;
	v25 =	vadd.f32 v44, v22  }
0x1e4: {  	v47 =	vperm.xlane v18, v6;
	v29 =	vld [tilespmem:s25+$0xFFFFFFE0];
	vm3 =	veq.s32 v26, $0x0;
	vm4 =	veq.s32 v27, $0x0  }
0x1e5: {  	v20 =	vsel vm3, v20, v23;
	v22 =	vsel vm4, v22, v25;
	v23 =	vld [tilespmem:s25+$0xFFFFFFF0]  }
0x1e6: {  	v50 =	vperm.xlane v18, v7;
	v48 =	vadd.f32 v46, v20;
	v49 =	vadd.f32 v47, v22  }
0x1e7: {  	v51 =	vperm.xlane v18, v8;
	v52 =	vld [tilespmem:s25+$0x0];
	vm3 =	veq.s32 v28, $0x0;
	vm4 =	veq.s32 v45, $0x0  }
0x1e8: {  	v53 =	vld [tilespmem:s25+$0x10];
	v20 =	vsel vm3, v20, v48;
	v22 =	vsel vm4, v22, v49  }
0x1e9: {  	v54 =	vperm.xlane v18, v10;
	v24 =	vadd.f32 v50, v20;
	v26 =	vadd.f32 v51, v22  }
0x1ea: {  	v55 =	vld [tilespmem:s25+$0x20];
	vm3 =	veq.s32 v29, $0x0;
	vm4 =	veq.s32 v23, $0x0;
	v23 =	vperm.xlane v18, v9  }
0x1eb: {  	v56 =	vld [tilespmem:s25+$0x30];
	v20 =	vsel vm3, v20, v24;
	v22 =	vsel vm4, v22, v26  }
0x1ec: {  	v57 =	vperm.xlane v18, v11;
	v23 =	vadd.f32 v23, v20;
	v26 =	vadd.f32 v54, v22  }
0x1ed: {  	v58 =	vperm.xlane v18, v12;
	v59 =	vld [tilespmem:s25+$0x40];
	vm3 =	veq.s32 v52, $0x0;
	vm4 =	veq.s32 v53, $0x0  }
0x1ee: {  	v20 =	vsel vm3, v20, v23;
	v22 =	vsel vm4, v22, v26;
	v23 =	vld [tilespmem:s25+$0x50]  }
0x1ef: {  	v60 =	vperm.xlane v18, v13;
	v25 =	vadd.f32 v57, v20;
	v26 =	vadd.f32 v58, v22  }
0x1f0: {  	v61 =	vperm.xlane v18, v14;
	v62 =	vld [tilespmem:s25+$0x60];
	vm3 =	veq.s32 v55, $0x0;
	vm4 =	veq.s32 v56, $0x0  }
0x1f1: {  	v63 =	vld [tilespmem:s25+$0x70];
	v20 =	vsel vm3, v20, v25;
	v22 =	vsel vm4, v22, v26  }
0x1f2: {  	vm3 =	veq.s32 v59, $0x0;
	v24 =	vadd.f32 v60, v20;
	v26 =	vadd.f32 v61, v22  }
0x1f3: {  	vm4 =	veq.s32 v23, $0x0;
	v23 =	vperm.xlane v18, v15;
	v18 =	vperm.xlane v18, v16  }
.Ltmp6:
0x1f4: {  	v20 =	vsel vm3, v20, v24;
	v22 =	vsel vm4, v22, v26;
	(pc) =	sbr.rel .LBB2_7-.Ltmp6, $4  }
0x1f5: {  	v23 =	vadd.f32 v23, v20;
	v18 =	vadd.f32 v18, v22  }
0x1f6: {  	v21 =	vpsel p6, $0x0, v21;
	vm3 =	veq.s32 v62, $0x0;
	vm4 =	veq.s32 v63, $0x0  }
0x1f7: {  	v21 =	vadd.f32 v19, v21;
	v20 =	vsel vm3, v20, v23;
	v18 =	vsel vm4, v22, v18  }
0x1f8: {  	s31 =	sadd.s32 $0x10, s31;
	v22 =	vadd.f32 v18, v20  }
.LBB2_9:
0x1f9: {  	_ =	sfence.sel $0x180000  }
0x1fa: {  	[bflag:$0x0] =	sbarrier.arrive $0xFFFF  }
0x1fb: {  	_ =	strace $0x90000047  }
0x1fc: {  	[bflag:$0x2] =	sbarrier.arrive $0xFFFF  }
0x1fd: {  	p0 =	sne.s32 s0, $0x0;
	s0 =	rddreg [dreg:$0x3]  }
0x1fe: {  	s0 =	sadd.s32 @!p0 $0x100000, s0  }
0x1ff: {  	[sflag:s0] =	ssyncadd.tile.s32 @!p0 $0x1;
	_ =	shalt  }
.Lfunc_end2:
_tile_overlayer_lowered:
.L_overlay_start_2:
0x200: {  	(tag) =	ssettag $0x2  }
0x201: {  	s0 =	rddreg [dreg:$0x0];
	s2 =	stileid.u32  }
0x202: {  	s1 =	rddreg [dreg:$0x1];
	p0 =	sne.s32 s2, $0x0  }
0x203: {  	s3 =	rddreg [dreg:$0x2];
	[bflag:$0x3] =	sbarrier.arrive $0xFFFF;
	s2 =	simm.s32 @!p0 $0x1C02  }
0x204: {  	[timem:s3], [sflag:s2] =	dma.local @!p0 [hbm:s0], s1  }
0x205: {  	s0 =	simm.s32 @!p0 $0x2  }
0x206: {  	_ =	swait.ge @!p0 [sflag:s0], s1  }
0x207: {  	s1 =	ssub.s32 @!p0 $0x0, s1;
	[sflag:s0] =	ssyncset.done @!p0 $0x0  }
0x208: {  	[sflag:s0] =	ssyncadd.s32 @!p0 s1  }
0x209: {  	[bflag:$0x3] =	sbarrier.arrive $0xFFFF  }
0x20a: {  	_ =	shalt  }

</sc_bundles>
